<compile_context>
chip_gen: v7x
topology: tpu7x:2x2x1
jax: 0.10.2.dev20260603
libtpu: 0.0.44.dev20260713+nightly
codegen_flags: <defaults>
</compile_context>

<pallas_src>
import functools

import jax
import jax.numpy as jnp
from jax import lax
from jax.experimental import pallas as pl
from jax.experimental.pallas import tpu as pltpu
from jax.experimental.pallas import tpu_sc as plsc

NEG_SLOPE = (1.0 / 8.0 + 1.0 / 3.0) / 2.0

N, E, D = 10000, 320000, 128
NC, NS = 2, 16
SUB = 128
K_REAL = E // SUB
K1 = 160
K2 = 80
G = 16
NG1 = K1 // G
NG2 = K2 // G
EPAD = NS * K1 * SUB
NPAD = 10240
RPT = NPAD // NS

_mesh = plsc.VectorSubcoreMesh(core_axis_name="c", subcore_axis_name="s")


def _zero_rows(rows_ref):
    def outer(r, _):
        def inner(c, _):
            rows_ref[r, pl.ds(c * 16, 16)] = jnp.zeros((16,), jnp.float32)
            return 0
        return lax.fori_loop(0, D // 16, inner, 0)
    lax.fori_loop(0, SUB, outer, 0)


def _zero_vec(vec_ref, n):
    def body(i, _):
        vec_ref[pl.ds(i * 16, 16)] = jnp.zeros((16,), jnp.float32)
        return 0
    lax.fori_loop(0, n // 16, body, 0)


def _fill_ones(vec_ref, n):
    def body(i, _):
        vec_ref[pl.ds(i * 16, 16)] = jnp.ones((16,), jnp.float32)
        return 0
    lax.fori_loop(0, n // 16, body, 0)


def _wipe_acc(zrows, acc, base):
    for r in range(RPT // SUB):
        pltpu.sync_copy(zrows, acc.at[pl.ds(base + r * SUB, SUB)])


def _sweep(ng, load_idx, issue_in, wait_in, do_acc):
    def group(g, _):
        load_idx(g)
        issue_in(g, jnp.int32(0), 0)

        for t in range(G // 2):
            jl = 2 * t
            wait_in(g, jl, 0)
            issue_in(g, jl + 1, 1)
            do_acc(jl, 0)
            wait_in(g, jl + 1, 1)
            if t < G // 2 - 1:
                issue_in(g, jl + 2, 0)
            do_acc(jl + 1, 1)
        return 0

    lax.fori_loop(0, ng, group, 0)


@functools.partial(
    pl.kernel,
    out_type=[
        jax.ShapeDtypeStruct((NPAD, D), jnp.float32),
        jax.ShapeDtypeStruct((NPAD,), jnp.float32),
        jax.ShapeDtypeStruct((NPAD, D), jnp.float32),
    ],
    mesh=_mesh,
    scratch_types=[
        pltpu.VMEM((G, SUB), jnp.int32),
        pltpu.VMEM((G, SUB), jnp.int32),
        pltpu.VMEM((SUB, D), jnp.float32),
        pltpu.VMEM((SUB, D), jnp.float32),
        pltpu.VMEM((SUB,), jnp.float32),
        pltpu.VMEM((RPT,), jnp.float32),
        pltpu.VMEM_SHARED((NPAD, D), jnp.float32),
        pltpu.VMEM_SHARED((NPAD,), jnp.float32),
        pltpu.SemaphoreType.DMA,
        pltpu.SemaphoreType.DMA,
    ],
)
def _sc_pass1(src_hbm, dst_hbm, ef_hbm, x_hbm, b_out, deg_out, a0_out,
              srcv, dstv, rows0, rows1, ones, zvec,
              acc, dacc, gsem0, gsem1):
    cid = lax.axis_index("c")
    sid = lax.axis_index("s")
    base = sid * RPT
    rows = (rows0, rows1)
    gsem = (gsem0, gsem1)

    _zero_rows(rows0)
    _wipe_acc(rows0, acc, base)

    @pl.when(cid == 0)
    def _():
        _fill_ones(ones, SUB)
        _zero_vec(zvec, RPT)
        pltpu.sync_copy(zvec, dacc.at[pl.ds(base, RPT)])

    plsc.subcore_barrier()

    @pl.when(cid == 0)
    def _():
        def load_idx(g):
            pltpu.sync_copy(dst_hbm.at[pl.ds(sid * K1 + g * G, G)], dstv)

        def issue_in(g, jl, b):
            kg = sid * K1 + g * G + jl
            kg = jnp.where(kg < K_REAL, kg, 0)
            pltpu.async_copy(ef_hbm.at[pl.ds(kg * SUB, SUB)], rows[b],
                             gsem[b])

        def wait_in(g, jl, b):
            kg = sid * K1 + g * G + jl
            kg = jnp.where(kg < K_REAL, kg, 0)
            pltpu.make_async_copy(ef_hbm.at[pl.ds(kg * SUB, SUB)], rows[b],
                                  gsem[b]).wait()

        def do_acc(jl, b):
            pltpu.sync_copy(rows[b], acc.at[dstv.at[jl]], add=True)
            pltpu.sync_copy(ones, dacc.at[dstv.at[jl]], add=True)

        _sweep(NG1, load_idx, issue_in, wait_in, do_acc)

    @pl.when(cid == 1)
    def _():
        def load_idx(g):
            pltpu.sync_copy(src_hbm.at[pl.ds(sid * K1 + g * G, G)], srcv)
            pltpu.sync_copy(dst_hbm.at[pl.ds(sid * K1 + g * G, G)], dstv)

        def issue_in(g, jl, b):
            pltpu.async_copy(x_hbm.at[srcv.at[jl]], rows[b], gsem[b])

        def wait_in(g, jl, b):
            pltpu.make_async_copy(x_hbm.at[srcv.at[jl]], rows[b],
                                  gsem[b]).wait()

        def do_acc(jl, b):
            pltpu.sync_copy(rows[b], acc.at[dstv.at[jl]], add=True)

        _sweep(NG1, load_idx, issue_in, wait_in, do_acc)

    plsc.subcore_barrier()

    @pl.when(cid == 0)
    def _():
        pltpu.sync_copy(acc.at[pl.ds(base, RPT)], b_out.at[pl.ds(base, RPT)])
        pltpu.sync_copy(dacc.at[pl.ds(base, RPT)], deg_out.at[pl.ds(base, RPT)])

    @pl.when(cid == 1)
    def _():
        pltpu.sync_copy(acc.at[pl.ds(base, RPT)], a0_out.at[pl.ds(base, RPT)])


@functools.partial(
    pl.kernel,
    out_type=[
        jax.ShapeDtypeStruct((NPAD, D), jnp.float32),
        jax.ShapeDtypeStruct((NPAD, D), jnp.float32),
    ],
    mesh=_mesh,
    scratch_types=[
        pltpu.VMEM((G, SUB), jnp.int32),
        pltpu.VMEM((G, SUB), jnp.int32),
        pltpu.VMEM((SUB, D), jnp.float32),
        pltpu.VMEM((SUB, D), jnp.float32),
        pltpu.VMEM_SHARED((NPAD, D), jnp.float32),
        pltpu.SemaphoreType.DMA,
        pltpu.SemaphoreType.DMA,
    ],
)
def _sc_pass2(src_hbm, dst_hbm, h_hbm, b_hbm, p0_out, p1_out,
              srcv, dstv, rows0, rows1, acc, gsem0, gsem1):
    cid = lax.axis_index("c")
    sid = lax.axis_index("s")
    wid = cid * NS + sid
    base = sid * RPT
    rows = (rows0, rows1)
    gsem = (gsem0, gsem1)

    @pl.when(cid == 0)
    def _():
        pltpu.sync_copy(b_hbm.at[pl.ds(base, RPT)], acc.at[pl.ds(base, RPT)])

    @pl.when(cid == 1)
    def _():
        _zero_rows(rows0)
        _wipe_acc(rows0, acc, base)

    plsc.subcore_barrier()

    def load_idx(g):
        pltpu.sync_copy(src_hbm.at[pl.ds(wid * K2 + g * G, G)], srcv)
        pltpu.sync_copy(dst_hbm.at[pl.ds(wid * K2 + g * G, G)], dstv)

    def issue_in(g, jl, b):
        pltpu.async_copy(h_hbm.at[srcv.at[jl]], rows[b], gsem[b])

    def wait_in(g, jl, b):
        pltpu.make_async_copy(h_hbm.at[srcv.at[jl]], rows[b],
                              gsem[b]).wait()

    def do_acc(jl, b):
        pltpu.sync_copy(rows[b], acc.at[dstv.at[jl]], add=True)

    _sweep(NG2, load_idx, issue_in, wait_in, do_acc)

    plsc.subcore_barrier()

    @pl.when(cid == 0)
    def _():
        pltpu.sync_copy(acc.at[pl.ds(base, RPT)], p0_out.at[pl.ds(base, RPT)])

    @pl.when(cid == 1)
    def _():
        pltpu.sync_copy(acc.at[pl.ds(base, RPT)], p1_out.at[pl.ds(base, RPT)])


def _tc_body(x_ref, p_ref, q_ref, inv_ref, iso_ref, w1_ref, w2_ref, w3_ref, o_ref):
    dn = (((1,), (1,)), ((), ()))
    s = (p_ref[...] + q_ref[...]) * inv_ref[...]
    neigh = lax.dot_general(s, w1_ref[...], dn, preferred_element_type=jnp.float32)
    x = x_ref[...]
    s2 = lax.dot_general(x, w2_ref[...], dn, preferred_element_type=jnp.float32)
    s3 = lax.dot_general(x, w3_ref[...], dn, preferred_element_type=jnp.float32)
    h = neigh + s2 + iso_ref[...] * (s3 - s2)
    o_ref[...] = jnp.where(h >= 0, h, h * NEG_SLOPE)


_TC_ROWS = 512


def _tc_layer(x, p, q, invb, isob, w1, w2, w3):
    row_spec = pl.BlockSpec((_TC_ROWS, D), lambda i: (i, 0))
    w_spec = pl.BlockSpec((D, D), lambda i: (0, 0))
    return pl.pallas_call(
        _tc_body,
        grid=(NPAD // _TC_ROWS,),
        in_specs=[row_spec, row_spec, row_spec, row_spec, row_spec,
                  w_spec, w_spec, w_spec],
        out_specs=row_spec,
        out_shape=jax.ShapeDtypeStruct((NPAD, D), jnp.float32),
    )(x, p, q, invb, isob, w1, w2, w3)


def kernel(node_feats, edge_feats, edge_index, W1_0, W2_0, W3_0, W1_1, W2_1, W3_1):
    src = edge_index[0]
    dst = edge_index[1]
    src2d = jnp.pad(src, (0, EPAD - E), constant_values=N).reshape(-1, SUB)
    dst2d = jnp.pad(dst, (0, EPAD - E), constant_values=N).reshape(-1, SUB)
    x_pad = jnp.pad(node_feats, ((0, NPAD - N), (0, 0)))

    b_agg, deg, a0 = _sc_pass1(src2d, dst2d, edge_feats, x_pad)

    inv = 1.0 / jnp.maximum(deg, 1.0)
    iso = (deg == 0.0).astype(jnp.float32)
    invb = jnp.broadcast_to(inv[:, None], (NPAD, D))
    isob = jnp.broadcast_to(iso[:, None], (NPAD, D))

    h1 = _tc_layer(x_pad, a0, b_agg, invb, isob, W1_0, W2_0, W3_0)
    p0, p1 = _sc_pass2(src2d, dst2d, h1, b_agg)
    h2 = _tc_layer(h1, p0, p1, invb, isob, W1_1, W2_1, W3_1)
    return h2[:N]

# --- scband reference (transcript-rebuilt; emitter-appended) ---
"""Pipeline reference for scband-omega-rel-graph-conv-57836029608134 (READ-ONLY COPY).

The authoritative reference and input builder live on the scoring server;
editing this copy changes nothing except your own understanding.
"""

import jax, jax.numpy as jnp
import numpy as np

NEG_SLOPE = (1.0 / 8.0 + 1.0 / 3.0) / 2.0  # RReLU eval-mode slope = (lower+upper)/2
N, E, D = 10000, 320000, 128


def setup_inputs(seed: int = 0) -> dict:
    key = jax.random.key(seed)
    ks = jax.random.split(key, 9)
    inp = {
        "node_feats": jax.random.normal(ks[0], (N, D), dtype=jnp.float32),
        "edge_feats": jax.random.normal(ks[1], (E, D), dtype=jnp.float32),
        "edge_index": jax.random.randint(ks[2], (2, E), 0, N, dtype=jnp.int32),
    }
    scale = 1.0 / np.sqrt(D)
    for i, name in enumerate(["W1_0", "W2_0", "W3_0", "W1_1", "W2_1", "W3_1"]):
        inp[name] = jax.random.uniform(ks[3 + i], (D, D), dtype=jnp.float32, minval=-scale, maxval=scale)
    return inp


def _layer(x, edge_feats, edge_index, W1, W2, W3):
    src = edge_index[0]
    dst = edge_index[1]
    n = x.shape[0]
    # message: linear1(src_h + edge_h)
    msg = (jnp.take(x, src, axis=0) + edge_feats) @ W1.T
    # mean aggregation over incoming edges (dgl.function.mean); nodes with no
    # in-edges receive 0 (segment_sum gives 0, and we clamp degree to >=1)
    seg = jax.ops.segment_sum(msg, dst, num_segments=n)
    deg = jax.ops.segment_sum(jnp.ones((dst.shape[0],), dtype=x.dtype), dst, num_segments=n)
    neigh = seg / jnp.maximum(deg, 1.0)[:, None]
    # self message: linear2(x), but isolated nodes (in_degree==0) use linear3(x)
    iso = (deg == 0)[:, None]
    self_msg = jnp.where(iso, x @ W3.T, x @ W2.T)
    h = neigh + self_msg
    # RReLU in eval mode == leaky relu with slope (1/8 + 1/3)/2
    return jnp.where(h >= 0, h, h * NEG_SLOPE)


def reference(node_feats, edge_feats, edge_index, W1_0, W2_0, W3_0, W1_1, W2_1, W3_1):
    h = _layer(node_feats, edge_feats, edge_index, W1_0, W2_0, W3_0)
    h = _layer(h, edge_feats, edge_index, W1_1, W2_1, W3_1)
    return h

if __name__ == "__main__":
    import jax
    _d = setup_inputs()
    print(jax.jit(kernel)(*tuple(_d.values())))

</pallas_src>

<mosaic_0001>
#map = affine_map<(d0, d1) -> (0, 0)>
#map1 = affine_map<(d0, d1) -> (0)>
module attributes {stable_mosaic.version = 14 : i64} {
  func.func @_sc_pass1(%arg0: i32, %arg1: i32, %arg2: memref<2560x128xi32, #tpu.memory_space<hbm>>, %arg3: memref<2560x128xi32, #tpu.memory_space<hbm>>, %arg4: memref<320000x128xf32, #tpu.memory_space<hbm>>, %arg5: memref<10240x128xf32, #tpu.memory_space<hbm>>, %arg6: memref<10240x128xf32, #tpu.memory_space<hbm>>, %arg7: memref<10240xf32, #tpu.memory_space<hbm>>, %arg8: memref<10240x128xf32, #tpu.memory_space<hbm>>, %arg9: memref<16x128xi32, #tpu.memory_space<vmem>>, %arg10: memref<16x128xi32, #tpu.memory_space<vmem>>, %arg11: memref<128x128xf32, #tpu.memory_space<vmem>>, %arg12: memref<128x128xf32, #tpu.memory_space<vmem>>, %arg13: memref<128xf32, #tpu.memory_space<vmem>>, %arg14: memref<640xf32, #tpu.memory_space<vmem>>, %arg15: memref<10240x128xf32, #tpu.memory_space<vmem_shared>>, %arg16: memref<10240xf32, #tpu.memory_space<vmem_shared>>, %arg17: memref<!tpu.dma_semaphore, #tpu.memory_space<semaphore_mem>>, %arg18: memref<!tpu.dma_semaphore, #tpu.memory_space<semaphore_mem>>) attributes {dimension_semantics = [#tpu.dimension_semantics<core_parallel>, #tpu.dimension_semantics<subcore_parallel>], iteration_bounds = array<i64: 2, 16>, scalar_prefetch = 0 : i64, scratch_operands = 10 : i64, tpu.core_type = #tpu.core_type<sc_vector_subcore>, window_params = [{transform_indices = #map}, {transform_indices = #map}, {transform_indices = #map}, {transform_indices = #map}, {transform_indices = #map}, {transform_indices = #map1}, {transform_indices = #map}]} {
    %mul3A = arith.constant 640 : i32
    %mul3A_0 = arith.muli %arg1, %mul3A : i32
    %scan3A = arith.constant 0 : i32
    %scan3A_1 = arith.constant 0 : i32
    %scan3A_2 = arith.constant 128 : i32
    %scan3A_3 = arith.addi %scan3A_1, %scan3A_2 : i32
    %scan3A_4 = arith.constant 1 : i32
    %scan3A_5 = scf.for %scan3A_39 = %scan3A_1 to %scan3A_3 step %scan3A_4 iter_args(%scan3A_40 = %scan3A) -> (i32)  : i32 {
      %scan3A_41 = arith.constant 0 : i32
      %scan3A_42 = arith.constant 0 : i32
      %scan3A_43 = arith.constant 8 : i32
      %scan3A_44 = arith.addi %scan3A_42, %scan3A_43 : i32
      %scan3A_45 = arith.constant 1 : i32
      %scan3A_46 = scf.for %scan3A_48 = %scan3A_42 to %scan3A_44 step %scan3A_45 iter_args(%scan3A_49 = %scan3A_41) -> (i32)  : i32 {
        %broadcast_in_dim3A = arith.constant 0.000000e+00 : f32
        %broadcast_in_dim3A_50 = vector.broadcast %broadcast_in_dim3A : f32 to vector<16xf32>
        %mul3A_51 = arith.constant 16 : i32
        %mul3A_52 = arith.muli %scan3A_48, %mul3A_51 : i32
        %swap3A = arith.index_cast %scan3A_39 : i32 to index
        %swap3A_53 = arith.index_cast %mul3A_52 : i32 to index
        %swap3A_54 = tpu.vector_load %arg11[%swap3A, %swap3A_53] {strides = array<i32>} : memref<128x128xf32, #tpu.memory_space<vmem>>, vector<1x16xf32>,
        %swap3A_55 = vector.shape_cast %swap3A_54 : vector<1x16xf32> to vector<16xf32>
        %swap3A_56 = vector.shape_cast %broadcast_in_dim3A_50 : vector<16xf32> to vector<1x16xf32>
        tpu.vector_store %arg11[%swap3A, %swap3A_53], %swap3A_56 {strides = array<i32>} : memref<128x128xf32, #tpu.memory_space<vmem>>, vector<1x16xf32>,
        %scan3A_57 = arith.constant 0 : i32
        scf.yield %scan3A_57 : i32
      }
      %scan3A_47 = arith.constant 8 : i32
      scf.yield %scan3A_46 : i32
    }
    %scan3A_6 = arith.constant 128 : i32
    %add3A = arith.constant 0 : i32
    %add3A_7 = arith.addi %mul3A_0, %add3A : i32
    "tpu.region"() ({
      %run_scoped3A = tpu.sem_alloc : memref<!tpu.dma_semaphore, #tpu.memory_space<semaphore_mem>>
      %dma_start3A = arith.constant 0 : i32
      %dma_start3A_39 = tpu.memref_slice %arg15[%add3A_7, %dma_start3A] : memref<10240x128xf32, #tpu.memory_space<vmem_shared>> -> memref<128x128xf32, #tpu.memory_space<vmem_shared>>
      %dma_start3A_40 = arith.constant 0 : i32
      %dma_start3A_41 = tpu.memref_slice %arg15[%add3A_7, %dma_start3A_40] : memref<10240x128xf32, #tpu.memory_space<vmem_shared>> -> memref<128x128xf32, #tpu.memory_space<vmem_shared>>
      tpu.enqueue_dma source(%arg11 : memref<128x128xf32, #tpu.memory_space<vmem>>) target(%dma_start3A_41 : memref<128x128xf32, #tpu.memory_space<vmem_shared>>) target_semaphore(%run_scoped3A : memref<!tpu.dma_semaphore, #tpu.memory_space<semaphore_mem>>)
      %dma_wait3A = arith.constant 0 : i32
      %dma_wait3A_42 = tpu.memref_slice %arg15[%add3A_7, %dma_wait3A] : memref<10240x128xf32, #tpu.memory_space<vmem_shared>> -> memref<128x128xf32, #tpu.memory_space<vmem_shared>>
      %dma_wait3A_43 = arith.constant 0 : i32
      %dma_wait3A_44 = tpu.memref_slice %arg15[%add3A_7, %dma_wait3A_43] : memref<10240x128xf32, #tpu.memory_space<vmem_shared>> -> memref<128x128xf32, #tpu.memory_space<vmem_shared>>
      tpu.wait_dma2 semaphore(%run_scoped3A : memref<!tpu.dma_semaphore, #tpu.memory_space<semaphore_mem>>) src(%arg11 : memref<128x128xf32, #tpu.memory_space<vmem>>) dst(%dma_wait3A_44 : memref<128x128xf32, #tpu.memory_space<vmem_shared>>)
      tpu.yield
    }) : () -> ()
    %add3A_8 = arith.constant 128 : i32
    %add3A_9 = arith.addi %mul3A_0, %add3A_8 : i32
    "tpu.region"() ({
      %run_scoped3A = tpu.sem_alloc : memref<!tpu.dma_semaphore, #tpu.memory_space<semaphore_mem>>
      %dma_start3A = arith.constant 0 : i32
      %dma_start3A_39 = tpu.memref_slice %arg15[%add3A_9, %dma_start3A] : memref<10240x128xf32, #tpu.memory_space<vmem_shared>> -> memref<128x128xf32, #tpu.memory_space<vmem_shared>>
      %dma_start3A_40 = arith.constant 0 : i32
      %dma_start3A_41 = tpu.memref_slice %arg15[%add3A_9, %dma_start3A_40] : memref<10240x128xf32, #tpu.memory_space<vmem_shared>> -> memref<128x128xf32, #tpu.memory_space<vmem_shared>>
      tpu.enqueue_dma source(%arg11 : memref<128x128xf32, #tpu.memory_space<vmem>>) target(%dma_start3A_41 : memref<128x128xf32, #tpu.memory_space<vmem_shared>>) target_semaphore(%run_scoped3A : memref<!tpu.dma_semaphore, #tpu.memory_space<semaphore_mem>>)
      %dma_wait3A = arith.constant 0 : i32
      %dma_wait3A_42 = tpu.memref_slice %arg15[%add3A_9, %dma_wait3A] : memref<10240x128xf32, #tpu.memory_space<vmem_shared>> -> memref<128x128xf32, #tpu.memory_space<vmem_shared>>
      %dma_wait3A_43 = arith.constant 0 : i32
      %dma_wait3A_44 = tpu.memref_slice %arg15[%add3A_9, %dma_wait3A_43] : memref<10240x128xf32, #tpu.memory_space<vmem_shared>> -> memref<128x128xf32, #tpu.memory_space<vmem_shared>>
      tpu.wait_dma2 semaphore(%run_scoped3A : memref<!tpu.dma_semaphore, #tpu.memory_space<semaphore_mem>>) src(%arg11 : memref<128x128xf32, #tpu.memory_space<vmem>>) dst(%dma_wait3A_44 : memref<128x128xf32, #tpu.memory_space<vmem_shared>>)
      tpu.yield
    }) : () -> ()
    %add3A_10 = arith.constant 256 : i32
    %add3A_11 = arith.addi %mul3A_0, %add3A_10 : i32
    "tpu.region"() ({
      %run_scoped3A = tpu.sem_alloc : memref<!tpu.dma_semaphore, #tpu.memory_space<semaphore_mem>>
      %dma_start3A = arith.constant 0 : i32
      %dma_start3A_39 = tpu.memref_slice %arg15[%add3A_11, %dma_start3A] : memref<10240x128xf32, #tpu.memory_space<vmem_shared>> -> memref<128x128xf32, #tpu.memory_space<vmem_shared>>
      %dma_start3A_40 = arith.constant 0 : i32
      %dma_start3A_41 = tpu.memref_slice %arg15[%add3A_11, %dma_start3A_40] : memref<10240x128xf32, #tpu.memory_space<vmem_shared>> -> memref<128x128xf32, #tpu.memory_space<vmem_shared>>
      tpu.enqueue_dma source(%arg11 : memref<128x128xf32, #tpu.memory_space<vmem>>) target(%dma_start3A_41 : memref<128x128xf32, #tpu.memory_space<vmem_shared>>) target_semaphore(%run_scoped3A : memref<!tpu.dma_semaphore, #tpu.memory_space<semaphore_mem>>)
      %dma_wait3A = arith.constant 0 : i32
      %dma_wait3A_42 = tpu.memref_slice %arg15[%add3A_11, %dma_wait3A] : memref<10240x128xf32, #tpu.memory_space<vmem_shared>> -> memref<128x128xf32, #tpu.memory_space<vmem_shared>>
      %dma_wait3A_43 = arith.constant 0 : i32
      %dma_wait3A_44 = tpu.memref_slice %arg15[%add3A_11, %dma_wait3A_43] : memref<10240x128xf32, #tpu.memory_space<vmem_shared>> -> memref<128x128xf32, #tpu.memory_space<vmem_shared>>
      tpu.wait_dma2 semaphore(%run_scoped3A : memref<!tpu.dma_semaphore, #tpu.memory_space<semaphore_mem>>) src(%arg11 : memref<128x128xf32, #tpu.memory_space<vmem>>) dst(%dma_wait3A_44 : memref<128x128xf32, #tpu.memory_space<vmem_shared>>)
      tpu.yield
    }) : () -> ()
    %add3A_12 = arith.constant 384 : i32
    %add3A_13 = arith.addi %mul3A_0, %add3A_12 : i32
    "tpu.region"() ({
      %run_scoped3A = tpu.sem_alloc : memref<!tpu.dma_semaphore, #tpu.memory_space<semaphore_mem>>
      %dma_start3A = arith.constant 0 : i32
      %dma_start3A_39 = tpu.memref_slice %arg15[%add3A_13, %dma_start3A] : memref<10240x128xf32, #tpu.memory_space<vmem_shared>> -> memref<128x128xf32, #tpu.memory_space<vmem_shared>>
      %dma_start3A_40 = arith.constant 0 : i32
      %dma_start3A_41 = tpu.memref_slice %arg15[%add3A_13, %dma_start3A_40] : memref<10240x128xf32, #tpu.memory_space<vmem_shared>> -> memref<128x128xf32, #tpu.memory_space<vmem_shared>>
      tpu.enqueue_dma source(%arg11 : memref<128x128xf32, #tpu.memory_space<vmem>>) target(%dma_start3A_41 : memref<128x128xf32, #tpu.memory_space<vmem_shared>>) target_semaphore(%run_scoped3A : memref<!tpu.dma_semaphore, #tpu.memory_space<semaphore_mem>>)
      %dma_wait3A = arith.constant 0 : i32
      %dma_wait3A_42 = tpu.memref_slice %arg15[%add3A_13, %dma_wait3A] : memref<10240x128xf32, #tpu.memory_space<vmem_shared>> -> memref<128x128xf32, #tpu.memory_space<vmem_shared>>
      %dma_wait3A_43 = arith.constant 0 : i32
      %dma_wait3A_44 = tpu.memref_slice %arg15[%add3A_13, %dma_wait3A_43] : memref<10240x128xf32, #tpu.memory_space<vmem_shared>> -> memref<128x128xf32, #tpu.memory_space<vmem_shared>>
      tpu.wait_dma2 semaphore(%run_scoped3A : memref<!tpu.dma_semaphore, #tpu.memory_space<semaphore_mem>>) src(%arg11 : memref<128x128xf32, #tpu.memory_space<vmem>>) dst(%dma_wait3A_44 : memref<128x128xf32, #tpu.memory_space<vmem_shared>>)
      tpu.yield
    }) : () -> ()
    %add3A_14 = arith.constant 512 : i32
    %add3A_15 = arith.addi %mul3A_0, %add3A_14 : i32
    "tpu.region"() ({
      %run_scoped3A = tpu.sem_alloc : memref<!tpu.dma_semaphore, #tpu.memory_space<semaphore_mem>>
      %dma_start3A = arith.constant 0 : i32
      %dma_start3A_39 = tpu.memref_slice %arg15[%add3A_15, %dma_start3A] : memref<10240x128xf32, #tpu.memory_space<vmem_shared>> -> memref<128x128xf32, #tpu.memory_space<vmem_shared>>
      %dma_start3A_40 = arith.constant 0 : i32
      %dma_start3A_41 = tpu.memref_slice %arg15[%add3A_15, %dma_start3A_40] : memref<10240x128xf32, #tpu.memory_space<vmem_shared>> -> memref<128x128xf32, #tpu.memory_space<vmem_shared>>
      tpu.enqueue_dma source(%arg11 : memref<128x128xf32, #tpu.memory_space<vmem>>) target(%dma_start3A_41 : memref<128x128xf32, #tpu.memory_space<vmem_shared>>) target_semaphore(%run_scoped3A : memref<!tpu.dma_semaphore, #tpu.memory_space<semaphore_mem>>)
      %dma_wait3A = arith.constant 0 : i32
      %dma_wait3A_42 = tpu.memref_slice %arg15[%add3A_15, %dma_wait3A] : memref<10240x128xf32, #tpu.memory_space<vmem_shared>> -> memref<128x128xf32, #tpu.memory_space<vmem_shared>>
      %dma_wait3A_43 = arith.constant 0 : i32
      %dma_wait3A_44 = tpu.memref_slice %arg15[%add3A_15, %dma_wait3A_43] : memref<10240x128xf32, #tpu.memory_space<vmem_shared>> -> memref<128x128xf32, #tpu.memory_space<vmem_shared>>
      tpu.wait_dma2 semaphore(%run_scoped3A : memref<!tpu.dma_semaphore, #tpu.memory_space<semaphore_mem>>) src(%arg11 : memref<128x128xf32, #tpu.memory_space<vmem>>) dst(%dma_wait3A_44 : memref<128x128xf32, #tpu.memory_space<vmem_shared>>)
      tpu.yield
    }) : () -> ()
    %eq3A = arith.constant 0 : i32
    %eq3A_16 = arith.cmpi eq, %arg0, %eq3A : i32
    %convert_element_type3A = arith.extui %eq3A_16 : i1 to i32
    %cond3A = arith.constant 0 : i32
    %cond3A_17 = arith.cmpi ne, %convert_element_type3A, %cond3A : i32
    scf.if %cond3A_17 {
      %scan3A_39 = arith.constant 0 : i32
      %scan3A_40 = arith.constant 0 : i32
      %scan3A_41 = arith.constant 8 : i32
      %scan3A_42 = arith.addi %scan3A_40, %scan3A_41 : i32
      %scan3A_43 = arith.constant 1 : i32
      %scan3A_44 = scf.for %scan3A_53 = %scan3A_40 to %scan3A_42 step %scan3A_43 iter_args(%scan3A_54 = %scan3A_39) -> (i32)  : i32 {
        %broadcast_in_dim3A = arith.constant 1.000000e+00 : f32
        %broadcast_in_dim3A_55 = vector.broadcast %broadcast_in_dim3A : f32 to vector<16xf32>
        %mul3A_56 = arith.constant 16 : i32
        %mul3A_57 = arith.muli %scan3A_53, %mul3A_56 : i32
        %swap3A = arith.index_cast %mul3A_57 : i32 to index
        %swap3A_58 = tpu.vector_load %arg13[%swap3A] {strides = array<i32>} : memref<128xf32, #tpu.memory_space<vmem>>, vector<16xf32>,
        %swap3A_59 = vector.shape_cast %swap3A_58 : vector<16xf32> to vector<16xf32>
        %swap3A_60 = vector.shape_cast %broadcast_in_dim3A_55 : vector<16xf32> to vector<16xf32>
        tpu.vector_store %arg13[%swap3A], %swap3A_60 {strides = array<i32>} : memref<128xf32, #tpu.memory_space<vmem>>, vector<16xf32>,
        %scan3A_61 = arith.constant 0 : i32
        scf.yield %scan3A_61 : i32
      }
      %scan3A_45 = arith.constant 8 : i32
      %scan3A_46 = arith.constant 0 : i32
      %scan3A_47 = arith.constant 0 : i32
      %scan3A_48 = arith.constant 40 : i32
      %scan3A_49 = arith.addi %scan3A_47, %scan3A_48 : i32
      %scan3A_50 = arith.constant 1 : i32
      %scan3A_51 = scf.for %scan3A_53 = %scan3A_47 to %scan3A_49 step %scan3A_50 iter_args(%scan3A_54 = %scan3A_46) -> (i32)  : i32 {
        %broadcast_in_dim3A = arith.constant 0.000000e+00 : f32
        %broadcast_in_dim3A_55 = vector.broadcast %broadcast_in_dim3A : f32 to vector<16xf32>
        %mul3A_56 = arith.constant 16 : i32
        %mul3A_57 = arith.muli %scan3A_53, %mul3A_56 : i32
        %swap3A = arith.index_cast %mul3A_57 : i32 to index
        %swap3A_58 = tpu.vector_load %arg14[%swap3A] {strides = array<i32>} : memref<640xf32, #tpu.memory_space<vmem>>, vector<16xf32>,
        %swap3A_59 = vector.shape_cast %swap3A_58 : vector<16xf32> to vector<16xf32>
        %swap3A_60 = vector.shape_cast %broadcast_in_dim3A_55 : vector<16xf32> to vector<16xf32>
        tpu.vector_store %arg14[%swap3A], %swap3A_60 {strides = array<i32>} : memref<640xf32, #tpu.memory_space<vmem>>, vector<16xf32>,
        %scan3A_61 = arith.constant 0 : i32
        scf.yield %scan3A_61 : i32
      }
      %scan3A_52 = arith.constant 40 : i32
      "tpu.region"() ({
        %run_scoped3A = tpu.sem_alloc : memref<!tpu.dma_semaphore, #tpu.memory_space<semaphore_mem>>
        %dma_start3A = tpu.memref_slice %arg16[%mul3A_0] : memref<10240xf32, #tpu.memory_space<vmem_shared>> -> memref<640xf32, #tpu.memory_space<vmem_shared>>
        %dma_start3A_53 = tpu.memref_slice %arg16[%mul3A_0] : memref<10240xf32, #tpu.memory_space<vmem_shared>> -> memref<640xf32, #tpu.memory_space<vmem_shared>>
        tpu.enqueue_dma source(%arg14 : memref<640xf32, #tpu.memory_space<vmem>>) target(%dma_start3A_53 : memref<640xf32, #tpu.memory_space<vmem_shared>>) target_semaphore(%run_scoped3A : memref<!tpu.dma_semaphore, #tpu.memory_space<semaphore_mem>>)
        %dma_wait3A = tpu.memref_slice %arg16[%mul3A_0] : memref<10240xf32, #tpu.memory_space<vmem_shared>> -> memref<640xf32, #tpu.memory_space<vmem_shared>>
        %dma_wait3A_54 = tpu.memref_slice %arg16[%mul3A_0] : memref<10240xf32, #tpu.memory_space<vmem_shared>> -> memref<640xf32, #tpu.memory_space<vmem_shared>>
        tpu.wait_dma2 semaphore(%run_scoped3A : memref<!tpu.dma_semaphore, #tpu.memory_space<semaphore_mem>>) src(%arg14 : memref<640xf32, #tpu.memory_space<vmem>>) dst(%dma_wait3A_54 : memref<640xf32, #tpu.memory_space<vmem_shared>>)
        tpu.yield
      }) : () -> ()
    } else {
    }
    %barrier3A = arith.constant 0 : index
    tpu.barrier barrier_id(%barrier3A)
    %eq3A_18 = arith.constant 0 : i32
    %eq3A_19 = arith.cmpi eq, %arg0, %eq3A_18 : i32
    %convert_element_type3A_20 = arith.extui %eq3A_19 : i1 to i32
    %cond3A_21 = arith.constant 0 : i32
    %cond3A_22 = arith.cmpi ne, %convert_element_type3A_20, %cond3A_21 : i32
    scf.if %cond3A_22 {
      %scan3A_39 = arith.constant 0 : i32
      %scan3A_40 = arith.constant 0 : i32
      %scan3A_41 = arith.constant 10 : i32
      %scan3A_42 = arith.addi %scan3A_40, %scan3A_41 : i32
      %scan3A_43 = arith.constant 1 : i32
      %scan3A_44 = scf.for %scan3A_46 = %scan3A_40 to %scan3A_42 step %scan3A_43 iter_args(%scan3A_47 = %scan3A_39) -> (i32)  : i32 {
        %mul3A_48 = arith.constant 160 : i32
        %mul3A_49 = arith.muli %arg1, %mul3A_48 : i32
        %mul3A_50 = arith.constant 16 : i32
        %mul3A_51 = arith.muli %scan3A_46, %mul3A_50 : i32
        %add3A_52 = arith.addi %mul3A_49, %mul3A_51 : i32
        "tpu.region"() ({
          %run_scoped3A_624 = tpu.sem_alloc : memref<!tpu.dma_semaphore, #tpu.memory_space<semaphore_mem>>
          %dma_start3A_625 = arith.constant 0 : i32
          %dma_start3A_626 = tpu.memref_slice %arg3[%add3A_52, %dma_start3A_625] : memref<2560x128xi32, #tpu.memory_space<hbm>> -> memref<16x128xi32, #tpu.memory_space<hbm>>
          %dma_start3A_627 = arith.constant 0 : i32
          %dma_start3A_628 = tpu.memref_slice %arg3[%add3A_52, %dma_start3A_627] : memref<2560x128xi32, #tpu.memory_space<hbm>> -> memref<16x128xi32, #tpu.memory_space<hbm>>
          tpu.enqueue_dma source(%dma_start3A_628 : memref<16x128xi32, #tpu.memory_space<hbm>>) target(%arg10 : memref<16x128xi32, #tpu.memory_space<vmem>>) target_semaphore(%run_scoped3A_624 : memref<!tpu.dma_semaphore, #tpu.memory_space<semaphore_mem>>)
          %dma_wait3A_629 = arith.constant 0 : i32
          %dma_wait3A_630 = tpu.memref_slice %arg3[%add3A_52, %dma_wait3A_629] : memref<2560x128xi32, #tpu.memory_space<hbm>> -> memref<16x128xi32, #tpu.memory_space<hbm>>
          %dma_wait3A_631 = arith.constant 0 : i32
          %dma_wait3A_632 = tpu.memref_slice %arg3[%add3A_52, %dma_wait3A_631] : memref<2560x128xi32, #tpu.memory_space<hbm>> -> memref<16x128xi32, #tpu.memory_space<hbm>>
          tpu.wait_dma2 semaphore(%run_scoped3A_624 : memref<!tpu.dma_semaphore, #tpu.memory_space<semaphore_mem>>) src(%dma_wait3A_632 : memref<16x128xi32, #tpu.memory_space<hbm>>) dst(%arg10 : memref<16x128xi32, #tpu.memory_space<vmem>>)
          tpu.yield
        }) : () -> ()
        %mul3A_53 = arith.constant 160 : i32
        %mul3A_54 = arith.muli %arg1, %mul3A_53 : i32
        %mul3A_55 = arith.constant 16 : i32
        %mul3A_56 = arith.muli %scan3A_46, %mul3A_55 : i32
        %add3A_57 = arith.addi %mul3A_54, %mul3A_56 : i32
        %add3A_58 = arith.constant 0 : i32
        %add3A_59 = arith.addi %add3A_57, %add3A_58 : i32
        %lt3A = arith.constant 2500 : i32
        %lt3A_60 = arith.cmpi slt, %add3A_59, %lt3A : i32
        %jit3A = arith.constant 0 : i32
        %select_n3A = arith.select %lt3A_60, %add3A_59, %jit3A : i32
        %mul3A_61 = arith.constant 128 : i32
        %mul3A_62 = arith.muli %select_n3A, %mul3A_61 : i32
        %dma_start3A = arith.constant 0 : i32
        %dma_start3A_63 = tpu.memref_slice %arg4[%mul3A_62, %dma_start3A] : memref<320000x128xf32, #tpu.memory_space<hbm>> -> memref<128x128xf32, #tpu.memory_space<hbm>>
        %dma_start3A_64 = arith.constant 0 : i32
        %dma_start3A_65 = tpu.memref_slice %arg4[%mul3A_62, %dma_start3A_64] : memref<320000x128xf32, #tpu.memory_space<hbm>> -> memref<128x128xf32, #tpu.memory_space<hbm>>
        tpu.enqueue_dma source(%dma_start3A_65 : memref<128x128xf32, #tpu.memory_space<hbm>>) target(%arg11 : memref<128x128xf32, #tpu.memory_space<vmem>>) target_semaphore(%arg17 : memref<!tpu.dma_semaphore, #tpu.memory_space<semaphore_mem>>)
        %mul3A_66 = arith.constant 160 : i32
        %mul3A_67 = arith.muli %arg1, %mul3A_66 : i32
        %mul3A_68 = arith.constant 16 : i32
        %mul3A_69 = arith.muli %scan3A_46, %mul3A_68 : i32
        %add3A_70 = arith.addi %mul3A_67, %mul3A_69 : i32
        %add3A_71 = arith.constant 0 : i32
        %add3A_72 = arith.addi %add3A_70, %add3A_71 : i32
        %lt3A_73 = arith.constant 2500 : i32
        %lt3A_74 = arith.cmpi slt, %add3A_72, %lt3A_73 : i32
        %jit3A_75 = arith.constant 0 : i32
        %select_n3A_76 = arith.select %lt3A_74, %add3A_72, %jit3A_75 : i32
        %mul3A_77 = arith.constant 128 : i32
        %mul3A_78 = arith.muli %select_n3A_76, %mul3A_77 : i32
        %dma_wait3A = arith.constant 0 : i32
        %dma_wait3A_79 = tpu.memref_slice %arg4[%mul3A_78, %dma_wait3A] : memref<320000x128xf32, #tpu.memory_space<hbm>> -> memref<128x128xf32, #tpu.memory_space<hbm>>
        %dma_wait3A_80 = arith.constant 0 : i32
        %dma_wait3A_81 = tpu.memref_slice %arg4[%mul3A_78, %dma_wait3A_80] : memref<320000x128xf32, #tpu.memory_space<hbm>> -> memref<128x128xf32, #tpu.memory_space<hbm>>
        tpu.wait_dma2 semaphore(%arg17 : memref<!tpu.dma_semaphore, #tpu.memory_space<semaphore_mem>>) src(%dma_wait3A_81 : memref<128x128xf32, #tpu.memory_space<hbm>>) dst(%arg11 : memref<128x128xf32, #tpu.memory_space<vmem>>)
        %mul3A_82 = arith.constant 160 : i32
        %mul3A_83 = arith.muli %arg1, %mul3A_82 : i32
        %mul3A_84 = arith.constant 16 : i32
        %mul3A_85 = arith.muli %scan3A_46, %mul3A_84 : i32
        %add3A_86 = arith.addi %mul3A_83, %mul3A_85 : i32
        %add3A_87 = arith.constant 1 : i32
        %add3A_88 = arith.addi %add3A_86, %add3A_87 : i32
        %lt3A_89 = arith.constant 2500 : i32
        %lt3A_90 = arith.cmpi slt, %add3A_88, %lt3A_89 : i32
        %jit3A_91 = arith.constant 0 : i32
        %select_n3A_92 = arith.select %lt3A_90, %add3A_88, %jit3A_91 : i32
        %mul3A_93 = arith.constant 128 : i32
        %mul3A_94 = arith.muli %select_n3A_92, %mul3A_93 : i32
        %dma_start3A_95 = arith.constant 0 : i32
        %dma_start3A_96 = tpu.memref_slice %arg4[%mul3A_94, %dma_start3A_95] : memref<320000x128xf32, #tpu.memory_space<hbm>> -> memref<128x128xf32, #tpu.memory_space<hbm>>
        %dma_start3A_97 = arith.constant 0 : i32
        %dma_start3A_98 = tpu.memref_slice %arg4[%mul3A_94, %dma_start3A_97] : memref<320000x128xf32, #tpu.memory_space<hbm>> -> memref<128x128xf32, #tpu.memory_space<hbm>>
        tpu.enqueue_dma source(%dma_start3A_98 : memref<128x128xf32, #tpu.memory_space<hbm>>) target(%arg12 : memref<128x128xf32, #tpu.memory_space<vmem>>) target_semaphore(%arg18 : memref<!tpu.dma_semaphore, #tpu.memory_space<semaphore_mem>>)
        %run_scoped3A = arith.constant 0 : i32
        "tpu.region"() ({
          %run_scoped3A_624 = tpu.sem_alloc : memref<!tpu.dma_semaphore, #tpu.memory_space<semaphore_mem>>
          %dma_start3A_625 = arith.constant 0 : i32
          %dma_start3A_626 = tpu.memref_slice %arg10[%run_scoped3A, %dma_start3A_625] : memref<16x128xi32, #tpu.memory_space<vmem>> -> memref<1x128xi32, #tpu.memory_space<vmem>>
          %dma_start3A_627 = tpu.memref_squeeze %dma_start3A_626 : memref<1x128xi32, #tpu.memory_space<vmem>> -> memref<128xi32, #tpu.memory_space<vmem>>
          %dma_start3A_628 = arith.constant 0 : i32
          %dma_start3A_629 = arith.constant 0 : i32
          %dma_start3A_630 = tpu.memref_slice %arg15[%dma_start3A_628, %dma_start3A_629] : memref<10240x128xf32, #tpu.memory_space<vmem_shared>> -> memref<10240x128xf32, #tpu.memory_space<vmem_shared>>
          tpu.enqueue_indirect_dma source(%arg11 : memref<128x128xf32, #tpu.memory_space<vmem>>) target(%dma_start3A_630 : memref<10240x128xf32, #tpu.memory_space<vmem_shared>>) offsets(%dma_start3A_627 : memref<128xi32, #tpu.memory_space<vmem>>) semaphore(%run_scoped3A_624 : memref<!tpu.dma_semaphore, #tpu.memory_space<semaphore_mem>>) {add = true}
          %dma_wait3A_631 = arith.constant 0 : i32
          %dma_wait3A_632 = tpu.memref_slice %arg10[%run_scoped3A, %dma_wait3A_631] : memref<16x128xi32, #tpu.memory_space<vmem>> -> memref<1x128xi32, #tpu.memory_space<vmem>>
          %dma_wait3A_633 = tpu.memref_squeeze %dma_wait3A_632 : memref<1x128xi32, #tpu.memory_space<vmem>> -> memref<128xi32, #tpu.memory_space<vmem>>
          %dma_wait3A_634 = arith.constant 0 : i32
          %dma_wait3A_635 = arith.constant 0 : i32
          %dma_wait3A_636 = tpu.memref_slice %arg15[%dma_wait3A_634, %dma_wait3A_635] : memref<10240x128xf32, #tpu.memory_space<vmem_shared>> -> memref<10240x128xf32, #tpu.memory_space<vmem_shared>>
          tpu.wait_indirect_dma semaphore(%run_scoped3A_624 : memref<!tpu.dma_semaphore, #tpu.memory_space<semaphore_mem>>) src(%arg11 : memref<128x128xf32, #tpu.memory_space<vmem>>) dst(%dma_wait3A_636 : memref<10240x128xf32, #tpu.memory_space<vmem_shared>>)
          tpu.yield
        }) : () -> ()
        %run_scoped3A_99 = arith.constant 0 : i32
        "tpu.region"() ({
          %run_scoped3A_624 = tpu.sem_alloc : memref<!tpu.dma_semaphore, #tpu.memory_space<semaphore_mem>>
          %dma_start3A_625 = arith.constant 0 : i32
          %dma_start3A_626 = tpu.memref_slice %arg10[%run_scoped3A_99, %dma_start3A_625] : memref<16x128xi32, #tpu.memory_space<vmem>> -> memref<1x128xi32, #tpu.memory_space<vmem>>
          %dma_start3A_627 = tpu.memref_squeeze %dma_start3A_626 : memref<1x128xi32, #tpu.memory_space<vmem>> -> memref<128xi32, #tpu.memory_space<vmem>>
          %dma_start3A_628 = arith.constant 0 : i32
          %dma_start3A_629 = tpu.memref_slice %arg16[%dma_start3A_628] : memref<10240xf32, #tpu.memory_space<vmem_shared>> -> memref<10240xf32, #tpu.memory_space<vmem_shared>>
          tpu.enqueue_indirect_dma source(%arg13 : memref<128xf32, #tpu.memory_space<vmem>>) target(%dma_start3A_629 : memref<10240xf32, #tpu.memory_space<vmem_shared>>) offsets(%dma_start3A_627 : memref<128xi32, #tpu.memory_space<vmem>>) semaphore(%run_scoped3A_624 : memref<!tpu.dma_semaphore, #tpu.memory_space<semaphore_mem>>) {add = true}
          %dma_wait3A_630 = arith.constant 0 : i32
          %dma_wait3A_631 = tpu.memref_slice %arg10[%run_scoped3A_99, %dma_wait3A_630] : memref<16x128xi32, #tpu.memory_space<vmem>> -> memref<1x128xi32, #tpu.memory_space<vmem>>
          %dma_wait3A_632 = tpu.memref_squeeze %dma_wait3A_631 : memref<1x128xi32, #tpu.memory_space<vmem>> -> memref<128xi32, #tpu.memory_space<vmem>>
          %dma_wait3A_633 = arith.constant 0 : i32
          %dma_wait3A_634 = tpu.memref_slice %arg16[%dma_wait3A_633] : memref<10240xf32, #tpu.memory_space<vmem_shared>> -> memref<10240xf32, #tpu.memory_space<vmem_shared>>
          tpu.wait_indirect_dma semaphore(%run_scoped3A_624 : memref<!tpu.dma_semaphore, #tpu.memory_space<semaphore_mem>>) src(%arg13 : memref<128xf32, #tpu.memory_space<vmem>>) dst(%dma_wait3A_634 : memref<10240xf32, #tpu.memory_space<vmem_shared>>)
          tpu.yield
        }) : () -> ()
        %mul3A_100 = arith.constant 160 : i32
        %mul3A_101 = arith.muli %arg1, %mul3A_100 : i32
        %mul3A_102 = arith.constant 16 : i32
        %mul3A_103 = arith.muli %scan3A_46, %mul3A_102 : i32
        %add3A_104 = arith.addi %mul3A_101, %mul3A_103 : i32
        %add3A_105 = arith.constant 1 : i32
        %add3A_106 = arith.addi %add3A_104, %add3A_105 : i32
        %lt3A_107 = arith.constant 2500 : i32
        %lt3A_108 = arith.cmpi slt, %add3A_106, %lt3A_107 : i32
        %jit3A_109 = arith.constant 0 : i32
        %select_n3A_110 = arith.select %lt3A_108, %add3A_106, %jit3A_109 : i32
        %mul3A_111 = arith.constant 128 : i32
        %mul3A_112 = arith.muli %select_n3A_110, %mul3A_111 : i32
        %dma_wait3A_113 = arith.constant 0 : i32
        %dma_wait3A_114 = tpu.memref_slice %arg4[%mul3A_112, %dma_wait3A_113] : memref<320000x128xf32, #tpu.memory_space<hbm>> -> memref<128x128xf32, #tpu.memory_space<hbm>>
        %dma_wait3A_115 = arith.constant 0 : i32
        %dma_wait3A_116 = tpu.memref_slice %arg4[%mul3A_112, %dma_wait3A_115] : memref<320000x128xf32, #tpu.memory_space<hbm>> -> memref<128x128xf32, #tpu.memory_space<hbm>>
        tpu.wait_dma2 semaphore(%arg18 : memref<!tpu.dma_semaphore, #tpu.memory_space<semaphore_mem>>) src(%dma_wait3A_116 : memref<128x128xf32, #tpu.memory_space<hbm>>) dst(%arg12 : memref<128x128xf32, #tpu.memory_space<vmem>>)
        %mul3A_117 = arith.constant 160 : i32
        %mul3A_118 = arith.muli %arg1, %mul3A_117 : i32
        %mul3A_119 = arith.constant 16 : i32
        %mul3A_120 = arith.muli %scan3A_46, %mul3A_119 : i32
        %add3A_121 = arith.addi %mul3A_118, %mul3A_120 : i32
        %add3A_122 = arith.constant 2 : i32
        %add3A_123 = arith.addi %add3A_121, %add3A_122 : i32
        %lt3A_124 = arith.constant 2500 : i32
        %lt3A_125 = arith.cmpi slt, %add3A_123, %lt3A_124 : i32
        %jit3A_126 = arith.constant 0 : i32
        %select_n3A_127 = arith.select %lt3A_125, %add3A_123, %jit3A_126 : i32
        %mul3A_128 = arith.constant 128 : i32
        %mul3A_129 = arith.muli %select_n3A_127, %mul3A_128 : i32
        %dma_start3A_130 = arith.constant 0 : i32
        %dma_start3A_131 = tpu.memref_slice %arg4[%mul3A_129, %dma_start3A_130] : memref<320000x128xf32, #tpu.memory_space<hbm>> -> memref<128x128xf32, #tpu.memory_space<hbm>>
        %dma_start3A_132 = arith.constant 0 : i32
        %dma_start3A_133 = tpu.memref_slice %arg4[%mul3A_129, %dma_start3A_132] : memref<320000x128xf32, #tpu.memory_space<hbm>> -> memref<128x128xf32, #tpu.memory_space<hbm>>
        tpu.enqueue_dma source(%dma_start3A_133 : memref<128x128xf32, #tpu.memory_space<hbm>>) target(%arg11 : memref<128x128xf32, #tpu.memory_space<vmem>>) target_semaphore(%arg17 : memref<!tpu.dma_semaphore, #tpu.memory_space<semaphore_mem>>)
        %run_scoped3A_134 = arith.constant 1 : i32
        "tpu.region"() ({
          %run_scoped3A_624 = tpu.sem_alloc : memref<!tpu.dma_semaphore, #tpu.memory_space<semaphore_mem>>
          %dma_start3A_625 = arith.constant 0 : i32
          %dma_start3A_626 = tpu.memref_slice %arg10[%run_scoped3A_134, %dma_start3A_625] : memref<16x128xi32, #tpu.memory_space<vmem>> -> memref<1x128xi32, #tpu.memory_space<vmem>>
          %dma_start3A_627 = tpu.memref_squeeze %dma_start3A_626 : memref<1x128xi32, #tpu.memory_space<vmem>> -> memref<128xi32, #tpu.memory_space<vmem>>
          %dma_start3A_628 = arith.constant 0 : i32
          %dma_start3A_629 = arith.constant 0 : i32
          %dma_start3A_630 = tpu.memref_slice %arg15[%dma_start3A_628, %dma_start3A_629] : memref<10240x128xf32, #tpu.memory_space<vmem_shared>> -> memref<10240x128xf32, #tpu.memory_space<vmem_shared>>
          tpu.enqueue_indirect_dma source(%arg12 : memref<128x128xf32, #tpu.memory_space<vmem>>) target(%dma_start3A_630 : memref<10240x128xf32, #tpu.memory_space<vmem_shared>>) offsets(%dma_start3A_627 : memref<128xi32, #tpu.memory_space<vmem>>) semaphore(%run_scoped3A_624 : memref<!tpu.dma_semaphore, #tpu.memory_space<semaphore_mem>>) {add = true}
          %dma_wait3A_631 = arith.constant 0 : i32
          %dma_wait3A_632 = tpu.memref_slice %arg10[%run_scoped3A_134, %dma_wait3A_631] : memref<16x128xi32, #tpu.memory_space<vmem>> -> memref<1x128xi32, #tpu.memory_space<vmem>>
          %dma_wait3A_633 = tpu.memref_squeeze %dma_wait3A_632 : memref<1x128xi32, #tpu.memory_space<vmem>> -> memref<128xi32, #tpu.memory_space<vmem>>
          %dma_wait3A_634 = arith.constant 0 : i32
          %dma_wait3A_635 = arith.constant 0 : i32
          %dma_wait3A_636 = tpu.memref_slice %arg15[%dma_wait3A_634, %dma_wait3A_635] : memref<10240x128xf32, #tpu.memory_space<vmem_shared>> -> memref<10240x128xf32, #tpu.memory_space<vmem_shared>>
          tpu.wait_indirect_dma semaphore(%run_scoped3A_624 : memref<!tpu.dma_semaphore, #tpu.memory_space<semaphore_mem>>) src(%arg12 : memref<128x128xf32, #tpu.memory_space<vmem>>) dst(%dma_wait3A_636 : memref<10240x128xf32, #tpu.memory_space<vmem_shared>>)
          tpu.yield
        }) : () -> ()
        %run_scoped3A_135 = arith.constant 1 : i32
        "tpu.region"() ({
          %run_scoped3A_624 = tpu.sem_alloc : memref<!tpu.dma_semaphore, #tpu.memory_space<semaphore_mem>>
          %dma_start3A_625 = arith.constant 0 : i32
          %dma_start3A_626 = tpu.memref_slice %arg10[%run_scoped3A_135, %dma_start3A_625] : memref<16x128xi32, #tpu.memory_space<vmem>> -> memref<1x128xi32, #tpu.memory_space<vmem>>
          %dma_start3A_627 = tpu.memref_squeeze %dma_start3A_626 : memref<1x128xi32, #tpu.memory_space<vmem>> -> memref<128xi32, #tpu.memory_space<vmem>>
          %dma_start3A_628 = arith.constant 0 : i32
          %dma_start3A_629 = tpu.memref_slice %arg16[%dma_start3A_628] : memref<10240xf32, #tpu.memory_space<vmem_shared>> -> memref<10240xf32, #tpu.memory_space<vmem_shared>>
          tpu.enqueue_indirect_dma source(%arg13 : memref<128xf32, #tpu.memory_space<vmem>>) target(%dma_start3A_629 : memref<10240xf32, #tpu.memory_space<vmem_shared>>) offsets(%dma_start3A_627 : memref<128xi32, #tpu.memory_space<vmem>>) semaphore(%run_scoped3A_624 : memref<!tpu.dma_semaphore, #tpu.memory_space<semaphore_mem>>) {add = true}
          %dma_wait3A_630 = arith.constant 0 : i32
          %dma_wait3A_631 = tpu.memref_slice %arg10[%run_scoped3A_135, %dma_wait3A_630] : memref<16x128xi32, #tpu.memory_space<vmem>> -> memref<1x128xi32, #tpu.memory_space<vmem>>
          %dma_wait3A_632 = tpu.memref_squeeze %dma_wait3A_631 : memref<1x128xi32, #tpu.memory_space<vmem>> -> memref<128xi32, #tpu.memory_space<vmem>>
          %dma_wait3A_633 = arith.constant 0 : i32
          %dma_wait3A_634 = tpu.memref_slice %arg16[%dma_wait3A_633] : memref<10240xf32, #tpu.memory_space<vmem_shared>> -> memref<10240xf32, #tpu.memory_space<vmem_shared>>
          tpu.wait_indirect_dma semaphore(%run_scoped3A_624 : memref<!tpu.dma_semaphore, #tpu.memory_space<semaphore_mem>>) src(%arg13 : memref<128xf32, #tpu.memory_space<vmem>>) dst(%dma_wait3A_634 : memref<10240xf32, #tpu.memory_space<vmem_shared>>)
          tpu.yield
        }) : () -> ()
        %mul3A_136 = arith.constant 160 : i32
        %mul3A_137 = arith.muli %arg1, %mul3A_136 : i32
        %mul3A_138 = arith.constant 16 : i32
        %mul3A_139 = arith.muli %scan3A_46, %mul3A_138 : i32
        %add3A_140 = arith.addi %mul3A_137, %mul3A_139 : i32
        %add3A_141 = arith.constant 2 : i32
        %add3A_142 = arith.addi %add3A_140, %add3A_141 : i32
        %lt3A_143 = arith.constant 2500 : i32
        %lt3A_144 = arith.cmpi slt, %add3A_142, %lt3A_143 : i32
        %jit3A_145 = arith.constant 0 : i32
        %select_n3A_146 = arith.select %lt3A_144, %add3A_142, %jit3A_145 : i32
        %mul3A_147 = arith.constant 128 : i32
        %mul3A_148 = arith.muli %select_n3A_146, %mul3A_147 : i32
        %dma_wait3A_149 = arith.constant 0 : i32
        %dma_wait3A_150 = tpu.memref_slice %arg4[%mul3A_148, %dma_wait3A_149] : memref<320000x128xf32, #tpu.memory_space<hbm>> -> memref<128x128xf32, #tpu.memory_space<hbm>>
        %dma_wait3A_151 = arith.constant 0 : i32
        %dma_wait3A_152 = tpu.memref_slice %arg4[%mul3A_148, %dma_wait3A_151] : memref<320000x128xf32, #tpu.memory_space<hbm>> -> memref<128x128xf32, #tpu.memory_space<hbm>>
        tpu.wait_dma2 semaphore(%arg17 : memref<!tpu.dma_semaphore, #tpu.memory_space<semaphore_mem>>) src(%dma_wait3A_152 : memref<128x128xf32, #tpu.memory_space<hbm>>) dst(%arg11 : memref<128x128xf32, #tpu.memory_space<vmem>>)
        %mul3A_153 = arith.constant 160 : i32
        %mul3A_154 = arith.muli %arg1, %mul3A_153 : i32
        %mul3A_155 = arith.constant 16 : i32
        %mul3A_156 = arith.muli %scan3A_46, %mul3A_155 : i32
        %add3A_157 = arith.addi %mul3A_154, %mul3A_156 : i32
        %add3A_158 = arith.constant 3 : i32
        %add3A_159 = arith.addi %add3A_157, %add3A_158 : i32
        %lt3A_160 = arith.constant 2500 : i32
        %lt3A_161 = arith.cmpi slt, %add3A_159, %lt3A_160 : i32
        %jit3A_162 = arith.constant 0 : i32
        %select_n3A_163 = arith.select %lt3A_161, %add3A_159, %jit3A_162 : i32
        %mul3A_164 = arith.constant 128 : i32
        %mul3A_165 = arith.muli %select_n3A_163, %mul3A_164 : i32
        %dma_start3A_166 = arith.constant 0 : i32
        %dma_start3A_167 = tpu.memref_slice %arg4[%mul3A_165, %dma_start3A_166] : memref<320000x128xf32, #tpu.memory_space<hbm>> -> memref<128x128xf32, #tpu.memory_space<hbm>>
        %dma_start3A_168 = arith.constant 0 : i32
        %dma_start3A_169 = tpu.memref_slice %arg4[%mul3A_165, %dma_start3A_168] : memref<320000x128xf32, #tpu.memory_space<hbm>> -> memref<128x128xf32, #tpu.memory_space<hbm>>
        tpu.enqueue_dma source(%dma_start3A_169 : memref<128x128xf32, #tpu.memory_space<hbm>>) target(%arg12 : memref<128x128xf32, #tpu.memory_space<vmem>>) target_semaphore(%arg18 : memref<!tpu.dma_semaphore, #tpu.memory_space<semaphore_mem>>)
        %run_scoped3A_170 = arith.constant 2 : i32
        "tpu.region"() ({
          %run_scoped3A_624 = tpu.sem_alloc : memref<!tpu.dma_semaphore, #tpu.memory_space<semaphore_mem>>
          %dma_start3A_625 = arith.constant 0 : i32
          %dma_start3A_626 = tpu.memref_slice %arg10[%run_scoped3A_170, %dma_start3A_625] : memref<16x128xi32, #tpu.memory_space<vmem>> -> memref<1x128xi32, #tpu.memory_space<vmem>>
          %dma_start3A_627 = tpu.memref_squeeze %dma_start3A_626 : memref<1x128xi32, #tpu.memory_space<vmem>> -> memref<128xi32, #tpu.memory_space<vmem>>
          %dma_start3A_628 = arith.constant 0 : i32
          %dma_start3A_629 = arith.constant 0 : i32
          %dma_start3A_630 = tpu.memref_slice %arg15[%dma_start3A_628, %dma_start3A_629] : memref<10240x128xf32, #tpu.memory_space<vmem_shared>> -> memref<10240x128xf32, #tpu.memory_space<vmem_shared>>
          tpu.enqueue_indirect_dma source(%arg11 : memref<128x128xf32, #tpu.memory_space<vmem>>) target(%dma_start3A_630 : memref<10240x128xf32, #tpu.memory_space<vmem_shared>>) offsets(%dma_start3A_627 : memref<128xi32, #tpu.memory_space<vmem>>) semaphore(%run_scoped3A_624 : memref<!tpu.dma_semaphore, #tpu.memory_space<semaphore_mem>>) {add = true}
          %dma_wait3A_631 = arith.constant 0 : i32
          %dma_wait3A_632 = tpu.memref_slice %arg10[%run_scoped3A_170, %dma_wait3A_631] : memref<16x128xi32, #tpu.memory_space<vmem>> -> memref<1x128xi32, #tpu.memory_space<vmem>>
          %dma_wait3A_633 = tpu.memref_squeeze %dma_wait3A_632 : memref<1x128xi32, #tpu.memory_space<vmem>> -> memref<128xi32, #tpu.memory_space<vmem>>
          %dma_wait3A_634 = arith.constant 0 : i32
          %dma_wait3A_635 = arith.constant 0 : i32
          %dma_wait3A_636 = tpu.memref_slice %arg15[%dma_wait3A_634, %dma_wait3A_635] : memref<10240x128xf32, #tpu.memory_space<vmem_shared>> -> memref<10240x128xf32, #tpu.memory_space<vmem_shared>>
          tpu.wait_indirect_dma semaphore(%run_scoped3A_624 : memref<!tpu.dma_semaphore, #tpu.memory_space<semaphore_mem>>) src(%arg11 : memref<128x128xf32, #tpu.memory_space<vmem>>) dst(%dma_wait3A_636 : memref<10240x128xf32, #tpu.memory_space<vmem_shared>>)
          tpu.yield
        }) : () -> ()
        %run_scoped3A_171 = arith.constant 2 : i32
        "tpu.region"() ({
          %run_scoped3A_624 = tpu.sem_alloc : memref<!tpu.dma_semaphore, #tpu.memory_space<semaphore_mem>>
          %dma_start3A_625 = arith.constant 0 : i32
          %dma_start3A_626 = tpu.memref_slice %arg10[%run_scoped3A_171, %dma_start3A_625] : memref<16x128xi32, #tpu.memory_space<vmem>> -> memref<1x128xi32, #tpu.memory_space<vmem>>
          %dma_start3A_627 = tpu.memref_squeeze %dma_start3A_626 : memref<1x128xi32, #tpu.memory_space<vmem>> -> memref<128xi32, #tpu.memory_space<vmem>>
          %dma_start3A_628 = arith.constant 0 : i32
          %dma_start3A_629 = tpu.memref_slice %arg16[%dma_start3A_628] : memref<10240xf32, #tpu.memory_space<vmem_shared>> -> memref<10240xf32, #tpu.memory_space<vmem_shared>>
          tpu.enqueue_indirect_dma source(%arg13 : memref<128xf32, #tpu.memory_space<vmem>>) target(%dma_start3A_629 : memref<10240xf32, #tpu.memory_space<vmem_shared>>) offsets(%dma_start3A_627 : memref<128xi32, #tpu.memory_space<vmem>>) semaphore(%run_scoped3A_624 : memref<!tpu.dma_semaphore, #tpu.memory_space<semaphore_mem>>) {add = true}
          %dma_wait3A_630 = arith.constant 0 : i32
          %dma_wait3A_631 = tpu.memref_slice %arg10[%run_scoped3A_171, %dma_wait3A_630] : memref<16x128xi32, #tpu.memory_space<vmem>> -> memref<1x128xi32, #tpu.memory_space<vmem>>
          %dma_wait3A_632 = tpu.memref_squeeze %dma_wait3A_631 : memref<1x128xi32, #tpu.memory_space<vmem>> -> memref<128xi32, #tpu.memory_space<vmem>>
          %dma_wait3A_633 = arith.constant 0 : i32
          %dma_wait3A_634 = tpu.memref_slice %arg16[%dma_wait3A_633] : memref<10240xf32, #tpu.memory_space<vmem_shared>> -> memref<10240xf32, #tpu.memory_space<vmem_shared>>
          tpu.wait_indirect_dma semaphore(%run_scoped3A_624 : memref<!tpu.dma_semaphore, #tpu.memory_space<semaphore_mem>>) src(%arg13 : memref<128xf32, #tpu.memory_space<vmem>>) dst(%dma_wait3A_634 : memref<10240xf32, #tpu.memory_space<vmem_shared>>)
          tpu.yield
        }) : () -> ()
        %mul3A_172 = arith.constant 160 : i32
        %mul3A_173 = arith.muli %arg1, %mul3A_172 : i32
        %mul3A_174 = arith.constant 16 : i32
        %mul3A_175 = arith.muli %scan3A_46, %mul3A_174 : i32
        %add3A_176 = arith.addi %mul3A_173, %mul3A_175 : i32
        %add3A_177 = arith.constant 3 : i32
        %add3A_178 = arith.addi %add3A_176, %add3A_177 : i32
        %lt3A_179 = arith.constant 2500 : i32
        %lt3A_180 = arith.cmpi slt, %add3A_178, %lt3A_179 : i32
        %jit3A_181 = arith.constant 0 : i32
        %select_n3A_182 = arith.select %lt3A_180, %add3A_178, %jit3A_181 : i32
        %mul3A_183 = arith.constant 128 : i32
        %mul3A_184 = arith.muli %select_n3A_182, %mul3A_183 : i32
        %dma_wait3A_185 = arith.constant 0 : i32
        %dma_wait3A_186 = tpu.memref_slice %arg4[%mul3A_184, %dma_wait3A_185] : memref<320000x128xf32, #tpu.memory_space<hbm>> -> memref<128x128xf32, #tpu.memory_space<hbm>>
        %dma_wait3A_187 = arith.constant 0 : i32
        %dma_wait3A_188 = tpu.memref_slice %arg4[%mul3A_184, %dma_wait3A_187] : memref<320000x128xf32, #tpu.memory_space<hbm>> -> memref<128x128xf32, #tpu.memory_space<hbm>>
        tpu.wait_dma2 semaphore(%arg18 : memref<!tpu.dma_semaphore, #tpu.memory_space<semaphore_mem>>) src(%dma_wait3A_188 : memref<128x128xf32, #tpu.memory_space<hbm>>) dst(%arg12 : memref<128x128xf32, #tpu.memory_space<vmem>>)
        %mul3A_189 = arith.constant 160 : i32
        %mul3A_190 = arith.muli %arg1, %mul3A_189 : i32
        %mul3A_191 = arith.constant 16 : i32
        %mul3A_192 = arith.muli %scan3A_46, %mul3A_191 : i32
        %add3A_193 = arith.addi %mul3A_190, %mul3A_192 : i32
        %add3A_194 = arith.constant 4 : i32
        %add3A_195 = arith.addi %add3A_193, %add3A_194 : i32
        %lt3A_196 = arith.constant 2500 : i32
        %lt3A_197 = arith.cmpi slt, %add3A_195, %lt3A_196 : i32
        %jit3A_198 = arith.constant 0 : i32
        %select_n3A_199 = arith.select %lt3A_197, %add3A_195, %jit3A_198 : i32
        %mul3A_200 = arith.constant 128 : i32
        %mul3A_201 = arith.muli %select_n3A_199, %mul3A_200 : i32
        %dma_start3A_202 = arith.constant 0 : i32
        %dma_start3A_203 = tpu.memref_slice %arg4[%mul3A_201, %dma_start3A_202] : memref<320000x128xf32, #tpu.memory_space<hbm>> -> memref<128x128xf32, #tpu.memory_space<hbm>>
        %dma_start3A_204 = arith.constant 0 : i32
        %dma_start3A_205 = tpu.memref_slice %arg4[%mul3A_201, %dma_start3A_204] : memref<320000x128xf32, #tpu.memory_space<hbm>> -> memref<128x128xf32, #tpu.memory_space<hbm>>
        tpu.enqueue_dma source(%dma_start3A_205 : memref<128x128xf32, #tpu.memory_space<hbm>>) target(%arg11 : memref<128x128xf32, #tpu.memory_space<vmem>>) target_semaphore(%arg17 : memref<!tpu.dma_semaphore, #tpu.memory_space<semaphore_mem>>)
        %run_scoped3A_206 = arith.constant 3 : i32
        "tpu.region"() ({
          %run_scoped3A_624 = tpu.sem_alloc : memref<!tpu.dma_semaphore, #tpu.memory_space<semaphore_mem>>
          %dma_start3A_625 = arith.constant 0 : i32
          %dma_start3A_626 = tpu.memref_slice %arg10[%run_scoped3A_206, %dma_start3A_625] : memref<16x128xi32, #tpu.memory_space<vmem>> -> memref<1x128xi32, #tpu.memory_space<vmem>>
          %dma_start3A_627 = tpu.memref_squeeze %dma_start3A_626 : memref<1x128xi32, #tpu.memory_space<vmem>> -> memref<128xi32, #tpu.memory_space<vmem>>
          %dma_start3A_628 = arith.constant 0 : i32
          %dma_start3A_629 = arith.constant 0 : i32
          %dma_start3A_630 = tpu.memref_slice %arg15[%dma_start3A_628, %dma_start3A_629] : memref<10240x128xf32, #tpu.memory_space<vmem_shared>> -> memref<10240x128xf32, #tpu.memory_space<vmem_shared>>
          tpu.enqueue_indirect_dma source(%arg12 : memref<128x128xf32, #tpu.memory_space<vmem>>) target(%dma_start3A_630 : memref<10240x128xf32, #tpu.memory_space<vmem_shared>>) offsets(%dma_start3A_627 : memref<128xi32, #tpu.memory_space<vmem>>) semaphore(%run_scoped3A_624 : memref<!tpu.dma_semaphore, #tpu.memory_space<semaphore_mem>>) {add = true}
          %dma_wait3A_631 = arith.constant 0 : i32
          %dma_wait3A_632 = tpu.memref_slice %arg10[%run_scoped3A_206, %dma_wait3A_631] : memref<16x128xi32, #tpu.memory_space<vmem>> -> memref<1x128xi32, #tpu.memory_space<vmem>>
          %dma_wait3A_633 = tpu.memref_squeeze %dma_wait3A_632 : memref<1x128xi32, #tpu.memory_space<vmem>> -> memref<128xi32, #tpu.memory_space<vmem>>
          %dma_wait3A_634 = arith.constant 0 : i32
          %dma_wait3A_635 = arith.constant 0 : i32
          %dma_wait3A_636 = tpu.memref_slice %arg15[%dma_wait3A_634, %dma_wait3A_635] : memref<10240x128xf32, #tpu.memory_space<vmem_shared>> -> memref<10240x128xf32, #tpu.memory_space<vmem_shared>>
          tpu.wait_indirect_dma semaphore(%run_scoped3A_624 : memref<!tpu.dma_semaphore, #tpu.memory_space<semaphore_mem>>) src(%arg12 : memref<128x128xf32, #tpu.memory_space<vmem>>) dst(%dma_wait3A_636 : memref<10240x128xf32, #tpu.memory_space<vmem_shared>>)
          tpu.yield
        }) : () -> ()
        %run_scoped3A_207 = arith.constant 3 : i32
        "tpu.region"() ({
          %run_scoped3A_624 = tpu.sem_alloc : memref<!tpu.dma_semaphore, #tpu.memory_space<semaphore_mem>>
          %dma_start3A_625 = arith.constant 0 : i32
          %dma_start3A_626 = tpu.memref_slice %arg10[%run_scoped3A_207, %dma_start3A_625] : memref<16x128xi32, #tpu.memory_space<vmem>> -> memref<1x128xi32, #tpu.memory_space<vmem>>
          %dma_start3A_627 = tpu.memref_squeeze %dma_start3A_626 : memref<1x128xi32, #tpu.memory_space<vmem>> -> memref<128xi32, #tpu.memory_space<vmem>>
          %dma_start3A_628 = arith.constant 0 : i32
          %dma_start3A_629 = tpu.memref_slice %arg16[%dma_start3A_628] : memref<10240xf32, #tpu.memory_space<vmem_shared>> -> memref<10240xf32, #tpu.memory_space<vmem_shared>>
          tpu.enqueue_indirect_dma source(%arg13 : memref<128xf32, #tpu.memory_space<vmem>>) target(%dma_start3A_629 : memref<10240xf32, #tpu.memory_space<vmem_shared>>) offsets(%dma_start3A_627 : memref<128xi32, #tpu.memory_space<vmem>>) semaphore(%run_scoped3A_624 : memref<!tpu.dma_semaphore, #tpu.memory_space<semaphore_mem>>) {add = true}
          %dma_wait3A_630 = arith.constant 0 : i32
          %dma_wait3A_631 = tpu.memref_slice %arg10[%run_scoped3A_207, %dma_wait3A_630] : memref<16x128xi32, #tpu.memory_space<vmem>> -> memref<1x128xi32, #tpu.memory_space<vmem>>
          %dma_wait3A_632 = tpu.memref_squeeze %dma_wait3A_631 : memref<1x128xi32, #tpu.memory_space<vmem>> -> memref<128xi32, #tpu.memory_space<vmem>>
          %dma_wait3A_633 = arith.constant 0 : i32
          %dma_wait3A_634 = tpu.memref_slice %arg16[%dma_wait3A_633] : memref<10240xf32, #tpu.memory_space<vmem_shared>> -> memref<10240xf32, #tpu.memory_space<vmem_shared>>
          tpu.wait_indirect_dma semaphore(%run_scoped3A_624 : memref<!tpu.dma_semaphore, #tpu.memory_space<semaphore_mem>>) src(%arg13 : memref<128xf32, #tpu.memory_space<vmem>>) dst(%dma_wait3A_634 : memref<10240xf32, #tpu.memory_space<vmem_shared>>)
          tpu.yield
        }) : () -> ()
        %mul3A_208 = arith.constant 160 : i32
        %mul3A_209 = arith.muli %arg1, %mul3A_208 : i32
        %mul3A_210 = arith.constant 16 : i32
        %mul3A_211 = arith.muli %scan3A_46, %mul3A_210 : i32
        %add3A_212 = arith.addi %mul3A_209, %mul3A_211 : i32
        %add3A_213 = arith.constant 4 : i32
        %add3A_214 = arith.addi %add3A_212, %add3A_213 : i32
        %lt3A_215 = arith.constant 2500 : i32
        %lt3A_216 = arith.cmpi slt, %add3A_214, %lt3A_215 : i32
        %jit3A_217 = arith.constant 0 : i32
        %select_n3A_218 = arith.select %lt3A_216, %add3A_214, %jit3A_217 : i32
        %mul3A_219 = arith.constant 128 : i32
        %mul3A_220 = arith.muli %select_n3A_218, %mul3A_219 : i32
        %dma_wait3A_221 = arith.constant 0 : i32
        %dma_wait3A_222 = tpu.memref_slice %arg4[%mul3A_220, %dma_wait3A_221] : memref<320000x128xf32, #tpu.memory_space<hbm>> -> memref<128x128xf32, #tpu.memory_space<hbm>>
        %dma_wait3A_223 = arith.constant 0 : i32
        %dma_wait3A_224 = tpu.memref_slice %arg4[%mul3A_220, %dma_wait3A_223] : memref<320000x128xf32, #tpu.memory_space<hbm>> -> memref<128x128xf32, #tpu.memory_space<hbm>>
        tpu.wait_dma2 semaphore(%arg17 : memref<!tpu.dma_semaphore, #tpu.memory_space<semaphore_mem>>) src(%dma_wait3A_224 : memref<128x128xf32, #tpu.memory_space<hbm>>) dst(%arg11 : memref<128x128xf32, #tpu.memory_space<vmem>>)
        %mul3A_225 = arith.constant 160 : i32
        %mul3A_226 = arith.muli %arg1, %mul3A_225 : i32
        %mul3A_227 = arith.constant 16 : i32
        %mul3A_228 = arith.muli %scan3A_46, %mul3A_227 : i32
        %add3A_229 = arith.addi %mul3A_226, %mul3A_228 : i32
        %add3A_230 = arith.constant 5 : i32
        %add3A_231 = arith.addi %add3A_229, %add3A_230 : i32
        %lt3A_232 = arith.constant 2500 : i32
        %lt3A_233 = arith.cmpi slt, %add3A_231, %lt3A_232 : i32
        %jit3A_234 = arith.constant 0 : i32
        %select_n3A_235 = arith.select %lt3A_233, %add3A_231, %jit3A_234 : i32
        %mul3A_236 = arith.constant 128 : i32
        %mul3A_237 = arith.muli %select_n3A_235, %mul3A_236 : i32
        %dma_start3A_238 = arith.constant 0 : i32
        %dma_start3A_239 = tpu.memref_slice %arg4[%mul3A_237, %dma_start3A_238] : memref<320000x128xf32, #tpu.memory_space<hbm>> -> memref<128x128xf32, #tpu.memory_space<hbm>>
        %dma_start3A_240 = arith.constant 0 : i32
        %dma_start3A_241 = tpu.memref_slice %arg4[%mul3A_237, %dma_start3A_240] : memref<320000x128xf32, #tpu.memory_space<hbm>> -> memref<128x128xf32, #tpu.memory_space<hbm>>
        tpu.enqueue_dma source(%dma_start3A_241 : memref<128x128xf32, #tpu.memory_space<hbm>>) target(%arg12 : memref<128x128xf32, #tpu.memory_space<vmem>>) target_semaphore(%arg18 : memref<!tpu.dma_semaphore, #tpu.memory_space<semaphore_mem>>)
        %run_scoped3A_242 = arith.constant 4 : i32
        "tpu.region"() ({
          %run_scoped3A_624 = tpu.sem_alloc : memref<!tpu.dma_semaphore, #tpu.memory_space<semaphore_mem>>
          %dma_start3A_625 = arith.constant 0 : i32
          %dma_start3A_626 = tpu.memref_slice %arg10[%run_scoped3A_242, %dma_start3A_625] : memref<16x128xi32, #tpu.memory_space<vmem>> -> memref<1x128xi32, #tpu.memory_space<vmem>>
          %dma_start3A_627 = tpu.memref_squeeze %dma_start3A_626 : memref<1x128xi32, #tpu.memory_space<vmem>> -> memref<128xi32, #tpu.memory_space<vmem>>
          %dma_start3A_628 = arith.constant 0 : i32
          %dma_start3A_629 = arith.constant 0 : i32
          %dma_start3A_630 = tpu.memref_slice %arg15[%dma_start3A_628, %dma_start3A_629] : memref<10240x128xf32, #tpu.memory_space<vmem_shared>> -> memref<10240x128xf32, #tpu.memory_space<vmem_shared>>
          tpu.enqueue_indirect_dma source(%arg11 : memref<128x128xf32, #tpu.memory_space<vmem>>) target(%dma_start3A_630 : memref<10240x128xf32, #tpu.memory_space<vmem_shared>>) offsets(%dma_start3A_627 : memref<128xi32, #tpu.memory_space<vmem>>) semaphore(%run_scoped3A_624 : memref<!tpu.dma_semaphore, #tpu.memory_space<semaphore_mem>>) {add = true}
          %dma_wait3A_631 = arith.constant 0 : i32
          %dma_wait3A_632 = tpu.memref_slice %arg10[%run_scoped3A_242, %dma_wait3A_631] : memref<16x128xi32, #tpu.memory_space<vmem>> -> memref<1x128xi32, #tpu.memory_space<vmem>>
          %dma_wait3A_633 = tpu.memref_squeeze %dma_wait3A_632 : memref<1x128xi32, #tpu.memory_space<vmem>> -> memref<128xi32, #tpu.memory_space<vmem>>
          %dma_wait3A_634 = arith.constant 0 : i32
          %dma_wait3A_635 = arith.constant 0 : i32
          %dma_wait3A_636 = tpu.memref_slice %arg15[%dma_wait3A_634, %dma_wait3A_635] : memref<10240x128xf32, #tpu.memory_space<vmem_shared>> -> memref<10240x128xf32, #tpu.memory_space<vmem_shared>>
          tpu.wait_indirect_dma semaphore(%run_scoped3A_624 : memref<!tpu.dma_semaphore, #tpu.memory_space<semaphore_mem>>) src(%arg11 : memref<128x128xf32, #tpu.memory_space<vmem>>) dst(%dma_wait3A_636 : memref<10240x128xf32, #tpu.memory_space<vmem_shared>>)
          tpu.yield
        }) : () -> ()
        %run_scoped3A_243 = arith.constant 4 : i32
        "tpu.region"() ({
          %run_scoped3A_624 = tpu.sem_alloc : memref<!tpu.dma_semaphore, #tpu.memory_space<semaphore_mem>>
          %dma_start3A_625 = arith.constant 0 : i32
          %dma_start3A_626 = tpu.memref_slice %arg10[%run_scoped3A_243, %dma_start3A_625] : memref<16x128xi32, #tpu.memory_space<vmem>> -> memref<1x128xi32, #tpu.memory_space<vmem>>
          %dma_start3A_627 = tpu.memref_squeeze %dma_start3A_626 : memref<1x128xi32, #tpu.memory_space<vmem>> -> memref<128xi32, #tpu.memory_space<vmem>>
          %dma_start3A_628 = arith.constant 0 : i32
          %dma_start3A_629 = tpu.memref_slice %arg16[%dma_start3A_628] : memref<10240xf32, #tpu.memory_space<vmem_shared>> -> memref<10240xf32, #tpu.memory_space<vmem_shared>>
          tpu.enqueue_indirect_dma source(%arg13 : memref<128xf32, #tpu.memory_space<vmem>>) target(%dma_start3A_629 : memref<10240xf32, #tpu.memory_space<vmem_shared>>) offsets(%dma_start3A_627 : memref<128xi32, #tpu.memory_space<vmem>>) semaphore(%run_scoped3A_624 : memref<!tpu.dma_semaphore, #tpu.memory_space<semaphore_mem>>) {add = true}
          %dma_wait3A_630 = arith.constant 0 : i32
          %dma_wait3A_631 = tpu.memref_slice %arg10[%run_scoped3A_243, %dma_wait3A_630] : memref<16x128xi32, #tpu.memory_space<vmem>> -> memref<1x128xi32, #tpu.memory_space<vmem>>
          %dma_wait3A_632 = tpu.memref_squeeze %dma_wait3A_631 : memref<1x128xi32, #tpu.memory_space<vmem>> -> memref<128xi32, #tpu.memory_space<vmem>>
          %dma_wait3A_633 = arith.constant 0 : i32
          %dma_wait3A_634 = tpu.memref_slice %arg16[%dma_wait3A_633] : memref<10240xf32, #tpu.memory_space<vmem_shared>> -> memref<10240xf32, #tpu.memory_space<vmem_shared>>
          tpu.wait_indirect_dma semaphore(%run_scoped3A_624 : memref<!tpu.dma_semaphore, #tpu.memory_space<semaphore_mem>>) src(%arg13 : memref<128xf32, #tpu.memory_space<vmem>>) dst(%dma_wait3A_634 : memref<10240xf32, #tpu.memory_space<vmem_shared>>)
          tpu.yield
        }) : () -> ()
        %mul3A_244 = arith.constant 160 : i32
        %mul3A_245 = arith.muli %arg1, %mul3A_244 : i32
        %mul3A_246 = arith.constant 16 : i32
        %mul3A_247 = arith.muli %scan3A_46, %mul3A_246 : i32
        %add3A_248 = arith.addi %mul3A_245, %mul3A_247 : i32
        %add3A_249 = arith.constant 5 : i32
        %add3A_250 = arith.addi %add3A_248, %add3A_249 : i32
        %lt3A_251 = arith.constant 2500 : i32
        %lt3A_252 = arith.cmpi slt, %add3A_250, %lt3A_251 : i32
        %jit3A_253 = arith.constant 0 : i32
        %select_n3A_254 = arith.select %lt3A_252, %add3A_250, %jit3A_253 : i32
        %mul3A_255 = arith.constant 128 : i32
        %mul3A_256 = arith.muli %select_n3A_254, %mul3A_255 : i32
        %dma_wait3A_257 = arith.constant 0 : i32
        %dma_wait3A_258 = tpu.memref_slice %arg4[%mul3A_256, %dma_wait3A_257] : memref<320000x128xf32, #tpu.memory_space<hbm>> -> memref<128x128xf32, #tpu.memory_space<hbm>>
        %dma_wait3A_259 = arith.constant 0 : i32
        %dma_wait3A_260 = tpu.memref_slice %arg4[%mul3A_256, %dma_wait3A_259] : memref<320000x128xf32, #tpu.memory_space<hbm>> -> memref<128x128xf32, #tpu.memory_space<hbm>>
        tpu.wait_dma2 semaphore(%arg18 : memref<!tpu.dma_semaphore, #tpu.memory_space<semaphore_mem>>) src(%dma_wait3A_260 : memref<128x128xf32, #tpu.memory_space<hbm>>) dst(%arg12 : memref<128x128xf32, #tpu.memory_space<vmem>>)
        %mul3A_261 = arith.constant 160 : i32
        %mul3A_262 = arith.muli %arg1, %mul3A_261 : i32
        %mul3A_263 = arith.constant 16 : i32
        %mul3A_264 = arith.muli %scan3A_46, %mul3A_263 : i32
        %add3A_265 = arith.addi %mul3A_262, %mul3A_264 : i32
        %add3A_266 = arith.constant 6 : i32
        %add3A_267 = arith.addi %add3A_265, %add3A_266 : i32
        %lt3A_268 = arith.constant 2500 : i32
        %lt3A_269 = arith.cmpi slt, %add3A_267, %lt3A_268 : i32
        %jit3A_270 = arith.constant 0 : i32
        %select_n3A_271 = arith.select %lt3A_269, %add3A_267, %jit3A_270 : i32
        %mul3A_272 = arith.constant 128 : i32
        %mul3A_273 = arith.muli %select_n3A_271, %mul3A_272 : i32
        %dma_start3A_274 = arith.constant 0 : i32
        %dma_start3A_275 = tpu.memref_slice %arg4[%mul3A_273, %dma_start3A_274] : memref<320000x128xf32, #tpu.memory_space<hbm>> -> memref<128x128xf32, #tpu.memory_space<hbm>>
        %dma_start3A_276 = arith.constant 0 : i32
        %dma_start3A_277 = tpu.memref_slice %arg4[%mul3A_273, %dma_start3A_276] : memref<320000x128xf32, #tpu.memory_space<hbm>> -> memref<128x128xf32, #tpu.memory_space<hbm>>
        tpu.enqueue_dma source(%dma_start3A_277 : memref<128x128xf32, #tpu.memory_space<hbm>>) target(%arg11 : memref<128x128xf32, #tpu.memory_space<vmem>>) target_semaphore(%arg17 : memref<!tpu.dma_semaphore, #tpu.memory_space<semaphore_mem>>)
        %run_scoped3A_278 = arith.constant 5 : i32
        "tpu.region"() ({
          %run_scoped3A_624 = tpu.sem_alloc : memref<!tpu.dma_semaphore, #tpu.memory_space<semaphore_mem>>
          %dma_start3A_625 = arith.constant 0 : i32
          %dma_start3A_626 = tpu.memref_slice %arg10[%run_scoped3A_278, %dma_start3A_625] : memref<16x128xi32, #tpu.memory_space<vmem>> -> memref<1x128xi32, #tpu.memory_space<vmem>>
          %dma_start3A_627 = tpu.memref_squeeze %dma_start3A_626 : memref<1x128xi32, #tpu.memory_space<vmem>> -> memref<128xi32, #tpu.memory_space<vmem>>
          %dma_start3A_628 = arith.constant 0 : i32
          %dma_start3A_629 = arith.constant 0 : i32
          %dma_start3A_630 = tpu.memref_slice %arg15[%dma_start3A_628, %dma_start3A_629] : memref<10240x128xf32, #tpu.memory_space<vmem_shared>> -> memref<10240x128xf32, #tpu.memory_space<vmem_shared>>
          tpu.enqueue_indirect_dma source(%arg12 : memref<128x128xf32, #tpu.memory_space<vmem>>) target(%dma_start3A_630 : memref<10240x128xf32, #tpu.memory_space<vmem_shared>>) offsets(%dma_start3A_627 : memref<128xi32, #tpu.memory_space<vmem>>) semaphore(%run_scoped3A_624 : memref<!tpu.dma_semaphore, #tpu.memory_space<semaphore_mem>>) {add = true}
          %dma_wait3A_631 = arith.constant 0 : i32
          %dma_wait3A_632 = tpu.memref_slice %arg10[%run_scoped3A_278, %dma_wait3A_631] : memref<16x128xi32, #tpu.memory_space<vmem>> -> memref<1x128xi32, #tpu.memory_space<vmem>>
          %dma_wait3A_633 = tpu.memref_squeeze %dma_wait3A_632 : memref<1x128xi32, #tpu.memory_space<vmem>> -> memref<128xi32, #tpu.memory_space<vmem>>
          %dma_wait3A_634 = arith.constant 0 : i32
          %dma_wait3A_635 = arith.constant 0 : i32
          %dma_wait3A_636 = tpu.memref_slice %arg15[%dma_wait3A_634, %dma_wait3A_635] : memref<10240x128xf32, #tpu.memory_space<vmem_shared>> -> memref<10240x128xf32, #tpu.memory_space<vmem_shared>>
          tpu.wait_indirect_dma semaphore(%run_scoped3A_624 : memref<!tpu.dma_semaphore, #tpu.memory_space<semaphore_mem>>) src(%arg12 : memref<128x128xf32, #tpu.memory_space<vmem>>) dst(%dma_wait3A_636 : memref<10240x128xf32, #tpu.memory_space<vmem_shared>>)
          tpu.yield
        }) : () -> ()
        %run_scoped3A_279 = arith.constant 5 : i32
        "tpu.region"() ({
          %run_scoped3A_624 = tpu.sem_alloc : memref<!tpu.dma_semaphore, #tpu.memory_space<semaphore_mem>>
          %dma_start3A_625 = arith.constant 0 : i32
          %dma_start3A_626 = tpu.memref_slice %arg10[%run_scoped3A_279, %dma_start3A_625] : memref<16x128xi32, #tpu.memory_space<vmem>> -> memref<1x128xi32, #tpu.memory_space<vmem>>
          %dma_start3A_627 = tpu.memref_squeeze %dma_start3A_626 : memref<1x128xi32, #tpu.memory_space<vmem>> -> memref<128xi32, #tpu.memory_space<vmem>>
          %dma_start3A_628 = arith.constant 0 : i32
          %dma_start3A_629 = tpu.memref_slice %arg16[%dma_start3A_628] : memref<10240xf32, #tpu.memory_space<vmem_shared>> -> memref<10240xf32, #tpu.memory_space<vmem_shared>>
          tpu.enqueue_indirect_dma source(%arg13 : memref<128xf32, #tpu.memory_space<vmem>>) target(%dma_start3A_629 : memref<10240xf32, #tpu.memory_space<vmem_shared>>) offsets(%dma_start3A_627 : memref<128xi32, #tpu.memory_space<vmem>>) semaphore(%run_scoped3A_624 : memref<!tpu.dma_semaphore, #tpu.memory_space<semaphore_mem>>) {add = true}
          %dma_wait3A_630 = arith.constant 0 : i32
          %dma_wait3A_631 = tpu.memref_slice %arg10[%run_scoped3A_279, %dma_wait3A_630] : memref<16x128xi32, #tpu.memory_space<vmem>> -> memref<1x128xi32, #tpu.memory_space<vmem>>
          %dma_wait3A_632 = tpu.memref_squeeze %dma_wait3A_631 : memref<1x128xi32, #tpu.memory_space<vmem>> -> memref<128xi32, #tpu.memory_space<vmem>>
          %dma_wait3A_633 = arith.constant 0 : i32
          %dma_wait3A_634 = tpu.memref_slice %arg16[%dma_wait3A_633] : memref<10240xf32, #tpu.memory_space<vmem_shared>> -> memref<10240xf32, #tpu.memory_space<vmem_shared>>
          tpu.wait_indirect_dma semaphore(%run_scoped3A_624 : memref<!tpu.dma_semaphore, #tpu.memory_space<semaphore_mem>>) src(%arg13 : memref<128xf32, #tpu.memory_space<vmem>>) dst(%dma_wait3A_634 : memref<10240xf32, #tpu.memory_space<vmem_shared>>)
          tpu.yield
        }) : () -> ()
        %mul3A_280 = arith.constant 160 : i32
        %mul3A_281 = arith.muli %arg1, %mul3A_280 : i32
        %mul3A_282 = arith.constant 16 : i32
        %mul3A_283 = arith.muli %scan3A_46, %mul3A_282 : i32
        %add3A_284 = arith.addi %mul3A_281, %mul3A_283 : i32
        %add3A_285 = arith.constant 6 : i32
        %add3A_286 = arith.addi %add3A_284, %add3A_285 : i32
        %lt3A_287 = arith.constant 2500 : i32
        %lt3A_288 = arith.cmpi slt, %add3A_286, %lt3A_287 : i32
        %jit3A_289 = arith.constant 0 : i32
        %select_n3A_290 = arith.select %lt3A_288, %add3A_286, %jit3A_289 : i32
        %mul3A_291 = arith.constant 128 : i32
        %mul3A_292 = arith.muli %select_n3A_290, %mul3A_291 : i32
        %dma_wait3A_293 = arith.constant 0 : i32
        %dma_wait3A_294 = tpu.memref_slice %arg4[%mul3A_292, %dma_wait3A_293] : memref<320000x128xf32, #tpu.memory_space<hbm>> -> memref<128x128xf32, #tpu.memory_space<hbm>>
        %dma_wait3A_295 = arith.constant 0 : i32
        %dma_wait3A_296 = tpu.memref_slice %arg4[%mul3A_292, %dma_wait3A_295] : memref<320000x128xf32, #tpu.memory_space<hbm>> -> memref<128x128xf32, #tpu.memory_space<hbm>>
        tpu.wait_dma2 semaphore(%arg17 : memref<!tpu.dma_semaphore, #tpu.memory_space<semaphore_mem>>) src(%dma_wait3A_296 : memref<128x128xf32, #tpu.memory_space<hbm>>) dst(%arg11 : memref<128x128xf32, #tpu.memory_space<vmem>>)
        %mul3A_297 = arith.constant 160 : i32
        %mul3A_298 = arith.muli %arg1, %mul3A_297 : i32
        %mul3A_299 = arith.constant 16 : i32
        %mul3A_300 = arith.muli %scan3A_46, %mul3A_299 : i32
        %add3A_301 = arith.addi %mul3A_298, %mul3A_300 : i32
        %add3A_302 = arith.constant 7 : i32
        %add3A_303 = arith.addi %add3A_301, %add3A_302 : i32
        %lt3A_304 = arith.constant 2500 : i32
        %lt3A_305 = arith.cmpi slt, %add3A_303, %lt3A_304 : i32
        %jit3A_306 = arith.constant 0 : i32
        %select_n3A_307 = arith.select %lt3A_305, %add3A_303, %jit3A_306 : i32
        %mul3A_308 = arith.constant 128 : i32
        %mul3A_309 = arith.muli %select_n3A_307, %mul3A_308 : i32
        %dma_start3A_310 = arith.constant 0 : i32
        %dma_start3A_311 = tpu.memref_slice %arg4[%mul3A_309, %dma_start3A_310] : memref<320000x128xf32, #tpu.memory_space<hbm>> -> memref<128x128xf32, #tpu.memory_space<hbm>>
        %dma_start3A_312 = arith.constant 0 : i32
        %dma_start3A_313 = tpu.memref_slice %arg4[%mul3A_309, %dma_start3A_312] : memref<320000x128xf32, #tpu.memory_space<hbm>> -> memref<128x128xf32, #tpu.memory_space<hbm>>
        tpu.enqueue_dma source(%dma_start3A_313 : memref<128x128xf32, #tpu.memory_space<hbm>>) target(%arg12 : memref<128x128xf32, #tpu.memory_space<vmem>>) target_semaphore(%arg18 : memref<!tpu.dma_semaphore, #tpu.memory_space<semaphore_mem>>)
        %run_scoped3A_314 = arith.constant 6 : i32
        "tpu.region"() ({
          %run_scoped3A_624 = tpu.sem_alloc : memref<!tpu.dma_semaphore, #tpu.memory_space<semaphore_mem>>
          %dma_start3A_625 = arith.constant 0 : i32
          %dma_start3A_626 = tpu.memref_slice %arg10[%run_scoped3A_314, %dma_start3A_625] : memref<16x128xi32, #tpu.memory_space<vmem>> -> memref<1x128xi32, #tpu.memory_space<vmem>>
          %dma_start3A_627 = tpu.memref_squeeze %dma_start3A_626 : memref<1x128xi32, #tpu.memory_space<vmem>> -> memref<128xi32, #tpu.memory_space<vmem>>
          %dma_start3A_628 = arith.constant 0 : i32
          %dma_start3A_629 = arith.constant 0 : i32
          %dma_start3A_630 = tpu.memref_slice %arg15[%dma_start3A_628, %dma_start3A_629] : memref<10240x128xf32, #tpu.memory_space<vmem_shared>> -> memref<10240x128xf32, #tpu.memory_space<vmem_shared>>
          tpu.enqueue_indirect_dma source(%arg11 : memref<128x128xf32, #tpu.memory_space<vmem>>) target(%dma_start3A_630 : memref<10240x128xf32, #tpu.memory_space<vmem_shared>>) offsets(%dma_start3A_627 : memref<128xi32, #tpu.memory_space<vmem>>) semaphore(%run_scoped3A_624 : memref<!tpu.dma_semaphore, #tpu.memory_space<semaphore_mem>>) {add = true}
          %dma_wait3A_631 = arith.constant 0 : i32
          %dma_wait3A_632 = tpu.memref_slice %arg10[%run_scoped3A_314, %dma_wait3A_631] : memref<16x128xi32, #tpu.memory_space<vmem>> -> memref<1x128xi32, #tpu.memory_space<vmem>>
          %dma_wait3A_633 = tpu.memref_squeeze %dma_wait3A_632 : memref<1x128xi32, #tpu.memory_space<vmem>> -> memref<128xi32, #tpu.memory_space<vmem>>
          %dma_wait3A_634 = arith.constant 0 : i32
          %dma_wait3A_635 = arith.constant 0 : i32
          %dma_wait3A_636 = tpu.memref_slice %arg15[%dma_wait3A_634, %dma_wait3A_635] : memref<10240x128xf32, #tpu.memory_space<vmem_shared>> -> memref<10240x128xf32, #tpu.memory_space<vmem_shared>>
          tpu.wait_indirect_dma semaphore(%run_scoped3A_624 : memref<!tpu.dma_semaphore, #tpu.memory_space<semaphore_mem>>) src(%arg11 : memref<128x128xf32, #tpu.memory_space<vmem>>) dst(%dma_wait3A_636 : memref<10240x128xf32, #tpu.memory_space<vmem_shared>>)
          tpu.yield
        }) : () -> ()
        %run_scoped3A_315 = arith.constant 6 : i32
        "tpu.region"() ({
          %run_scoped3A_624 = tpu.sem_alloc : memref<!tpu.dma_semaphore, #tpu.memory_space<semaphore_mem>>
          %dma_start3A_625 = arith.constant 0 : i32
          %dma_start3A_626 = tpu.memref_slice %arg10[%run_scoped3A_315, %dma_start3A_625] : memref<16x128xi32, #tpu.memory_space<vmem>> -> memref<1x128xi32, #tpu.memory_space<vmem>>
          %dma_start3A_627 = tpu.memref_squeeze %dma_start3A_626 : memref<1x128xi32, #tpu.memory_space<vmem>> -> memref<128xi32, #tpu.memory_space<vmem>>
          %dma_start3A_628 = arith.constant 0 : i32
          %dma_start3A_629 = tpu.memref_slice %arg16[%dma_start3A_628] : memref<10240xf32, #tpu.memory_space<vmem_shared>> -> memref<10240xf32, #tpu.memory_space<vmem_shared>>
          tpu.enqueue_indirect_dma source(%arg13 : memref<128xf32, #tpu.memory_space<vmem>>) target(%dma_start3A_629 : memref<10240xf32, #tpu.memory_space<vmem_shared>>) offsets(%dma_start3A_627 : memref<128xi32, #tpu.memory_space<vmem>>) semaphore(%run_scoped3A_624 : memref<!tpu.dma_semaphore, #tpu.memory_space<semaphore_mem>>) {add = true}
          %dma_wait3A_630 = arith.constant 0 : i32
          %dma_wait3A_631 = tpu.memref_slice %arg10[%run_scoped3A_315, %dma_wait3A_630] : memref<16x128xi32, #tpu.memory_space<vmem>> -> memref<1x128xi32, #tpu.memory_space<vmem>>
          %dma_wait3A_632 = tpu.memref_squeeze %dma_wait3A_631 : memref<1x128xi32, #tpu.memory_space<vmem>> -> memref<128xi32, #tpu.memory_space<vmem>>
          %dma_wait3A_633 = arith.constant 0 : i32
          %dma_wait3A_634 = tpu.memref_slice %arg16[%dma_wait3A_633] : memref<10240xf32, #tpu.memory_space<vmem_shared>> -> memref<10240xf32, #tpu.memory_space<vmem_shared>>
          tpu.wait_indirect_dma semaphore(%run_scoped3A_624 : memref<!tpu.dma_semaphore, #tpu.memory_space<semaphore_mem>>) src(%arg13 : memref<128xf32, #tpu.memory_space<vmem>>) dst(%dma_wait3A_634 : memref<10240xf32, #tpu.memory_space<vmem_shared>>)
          tpu.yield
        }) : () -> ()
        %mul3A_316 = arith.constant 160 : i32
        %mul3A_317 = arith.muli %arg1, %mul3A_316 : i32
        %mul3A_318 = arith.constant 16 : i32
        %mul3A_319 = arith.muli %scan3A_46, %mul3A_318 : i32
        %add3A_320 = arith.addi %mul3A_317, %mul3A_319 : i32
        %add3A_321 = arith.constant 7 : i32
        %add3A_322 = arith.addi %add3A_320, %add3A_321 : i32
        %lt3A_323 = arith.constant 2500 : i32
        %lt3A_324 = arith.cmpi slt, %add3A_322, %lt3A_323 : i32
        %jit3A_325 = arith.constant 0 : i32
        %select_n3A_326 = arith.select %lt3A_324, %add3A_322, %jit3A_325 : i32
        %mul3A_327 = arith.constant 128 : i32
        %mul3A_328 = arith.muli %select_n3A_326, %mul3A_327 : i32
        %dma_wait3A_329 = arith.constant 0 : i32
        %dma_wait3A_330 = tpu.memref_slice %arg4[%mul3A_328, %dma_wait3A_329] : memref<320000x128xf32, #tpu.memory_space<hbm>> -> memref<128x128xf32, #tpu.memory_space<hbm>>
        %dma_wait3A_331 = arith.constant 0 : i32
        %dma_wait3A_332 = tpu.memref_slice %arg4[%mul3A_328, %dma_wait3A_331] : memref<320000x128xf32, #tpu.memory_space<hbm>> -> memref<128x128xf32, #tpu.memory_space<hbm>>
        tpu.wait_dma2 semaphore(%arg18 : memref<!tpu.dma_semaphore, #tpu.memory_space<semaphore_mem>>) src(%dma_wait3A_332 : memref<128x128xf32, #tpu.memory_space<hbm>>) dst(%arg12 : memref<128x128xf32, #tpu.memory_space<vmem>>)
        %mul3A_333 = arith.constant 160 : i32
        %mul3A_334 = arith.muli %arg1, %mul3A_333 : i32
        %mul3A_335 = arith.constant 16 : i32
        %mul3A_336 = arith.muli %scan3A_46, %mul3A_335 : i32
        %add3A_337 = arith.addi %mul3A_334, %mul3A_336 : i32
        %add3A_338 = arith.constant 8 : i32
        %add3A_339 = arith.addi %add3A_337, %add3A_338 : i32
        %lt3A_340 = arith.constant 2500 : i32
        %lt3A_341 = arith.cmpi slt, %add3A_339, %lt3A_340 : i32
        %jit3A_342 = arith.constant 0 : i32
        %select_n3A_343 = arith.select %lt3A_341, %add3A_339, %jit3A_342 : i32
        %mul3A_344 = arith.constant 128 : i32
        %mul3A_345 = arith.muli %select_n3A_343, %mul3A_344 : i32
        %dma_start3A_346 = arith.constant 0 : i32
        %dma_start3A_347 = tpu.memref_slice %arg4[%mul3A_345, %dma_start3A_346] : memref<320000x128xf32, #tpu.memory_space<hbm>> -> memref<128x128xf32, #tpu.memory_space<hbm>>
        %dma_start3A_348 = arith.constant 0 : i32
        %dma_start3A_349 = tpu.memref_slice %arg4[%mul3A_345, %dma_start3A_348] : memref<320000x128xf32, #tpu.memory_space<hbm>> -> memref<128x128xf32, #tpu.memory_space<hbm>>
        tpu.enqueue_dma source(%dma_start3A_349 : memref<128x128xf32, #tpu.memory_space<hbm>>) target(%arg11 : memref<128x128xf32, #tpu.memory_space<vmem>>) target_semaphore(%arg17 : memref<!tpu.dma_semaphore, #tpu.memory_space<semaphore_mem>>)
        %run_scoped3A_350 = arith.constant 7 : i32
        "tpu.region"() ({
          %run_scoped3A_624 = tpu.sem_alloc : memref<!tpu.dma_semaphore, #tpu.memory_space<semaphore_mem>>
          %dma_start3A_625 = arith.constant 0 : i32
          %dma_start3A_626 = tpu.memref_slice %arg10[%run_scoped3A_350, %dma_start3A_625] : memref<16x128xi32, #tpu.memory_space<vmem>> -> memref<1x128xi32, #tpu.memory_space<vmem>>
          %dma_start3A_627 = tpu.memref_squeeze %dma_start3A_626 : memref<1x128xi32, #tpu.memory_space<vmem>> -> memref<128xi32, #tpu.memory_space<vmem>>
          %dma_start3A_628 = arith.constant 0 : i32
          %dma_start3A_629 = arith.constant 0 : i32
          %dma_start3A_630 = tpu.memref_slice %arg15[%dma_start3A_628, %dma_start3A_629] : memref<10240x128xf32, #tpu.memory_space<vmem_shared>> -> memref<10240x128xf32, #tpu.memory_space<vmem_shared>>
          tpu.enqueue_indirect_dma source(%arg12 : memref<128x128xf32, #tpu.memory_space<vmem>>) target(%dma_start3A_630 : memref<10240x128xf32, #tpu.memory_space<vmem_shared>>) offsets(%dma_start3A_627 : memref<128xi32, #tpu.memory_space<vmem>>) semaphore(%run_scoped3A_624 : memref<!tpu.dma_semaphore, #tpu.memory_space<semaphore_mem>>) {add = true}
          %dma_wait3A_631 = arith.constant 0 : i32
          %dma_wait3A_632 = tpu.memref_slice %arg10[%run_scoped3A_350, %dma_wait3A_631] : memref<16x128xi32, #tpu.memory_space<vmem>> -> memref<1x128xi32, #tpu.memory_space<vmem>>
          %dma_wait3A_633 = tpu.memref_squeeze %dma_wait3A_632 : memref<1x128xi32, #tpu.memory_space<vmem>> -> memref<128xi32, #tpu.memory_space<vmem>>
          %dma_wait3A_634 = arith.constant 0 : i32
          %dma_wait3A_635 = arith.constant 0 : i32
          %dma_wait3A_636 = tpu.memref_slice %arg15[%dma_wait3A_634, %dma_wait3A_635] : memref<10240x128xf32, #tpu.memory_space<vmem_shared>> -> memref<10240x128xf32, #tpu.memory_space<vmem_shared>>
          tpu.wait_indirect_dma semaphore(%run_scoped3A_624 : memref<!tpu.dma_semaphore, #tpu.memory_space<semaphore_mem>>) src(%arg12 : memref<128x128xf32, #tpu.memory_space<vmem>>) dst(%dma_wait3A_636 : memref<10240x128xf32, #tpu.memory_space<vmem_shared>>)
          tpu.yield
        }) : () -> ()
        %run_scoped3A_351 = arith.constant 7 : i32
        "tpu.region"() ({
          %run_scoped3A_624 = tpu.sem_alloc : memref<!tpu.dma_semaphore, #tpu.memory_space<semaphore_mem>>
          %dma_start3A_625 = arith.constant 0 : i32
          %dma_start3A_626 = tpu.memref_slice %arg10[%run_scoped3A_351, %dma_start3A_625] : memref<16x128xi32, #tpu.memory_space<vmem>> -> memref<1x128xi32, #tpu.memory_space<vmem>>
          %dma_start3A_627 = tpu.memref_squeeze %dma_start3A_626 : memref<1x128xi32, #tpu.memory_space<vmem>> -> memref<128xi32, #tpu.memory_space<vmem>>
          %dma_start3A_628 = arith.constant 0 : i32
          %dma_start3A_629 = tpu.memref_slice %arg16[%dma_start3A_628] : memref<10240xf32, #tpu.memory_space<vmem_shared>> -> memref<10240xf32, #tpu.memory_space<vmem_shared>>
          tpu.enqueue_indirect_dma source(%arg13 : memref<128xf32, #tpu.memory_space<vmem>>) target(%dma_start3A_629 : memref<10240xf32, #tpu.memory_space<vmem_shared>>) offsets(%dma_start3A_627 : memref<128xi32, #tpu.memory_space<vmem>>) semaphore(%run_scoped3A_624 : memref<!tpu.dma_semaphore, #tpu.memory_space<semaphore_mem>>) {add = true}
          %dma_wait3A_630 = arith.constant 0 : i32
          %dma_wait3A_631 = tpu.memref_slice %arg10[%run_scoped3A_351, %dma_wait3A_630] : memref<16x128xi32, #tpu.memory_space<vmem>> -> memref<1x128xi32, #tpu.memory_space<vmem>>
          %dma_wait3A_632 = tpu.memref_squeeze %dma_wait3A_631 : memref<1x128xi32, #tpu.memory_space<vmem>> -> memref<128xi32, #tpu.memory_space<vmem>>
          %dma_wait3A_633 = arith.constant 0 : i32
          %dma_wait3A_634 = tpu.memref_slice %arg16[%dma_wait3A_633] : memref<10240xf32, #tpu.memory_space<vmem_shared>> -> memref<10240xf32, #tpu.memory_space<vmem_shared>>
          tpu.wait_indirect_dma semaphore(%run_scoped3A_624 : memref<!tpu.dma_semaphore, #tpu.memory_space<semaphore_mem>>) src(%arg13 : memref<128xf32, #tpu.memory_space<vmem>>) dst(%dma_wait3A_634 : memref<10240xf32, #tpu.memory_space<vmem_shared>>)
          tpu.yield
        }) : () -> ()
        %mul3A_352 = arith.constant 160 : i32
        %mul3A_353 = arith.muli %arg1, %mul3A_352 : i32
        %mul3A_354 = arith.constant 16 : i32
        %mul3A_355 = arith.muli %scan3A_46, %mul3A_354 : i32
        %add3A_356 = arith.addi %mul3A_353, %mul3A_355 : i32
        %add3A_357 = arith.constant 8 : i32
        %add3A_358 = arith.addi %add3A_356, %add3A_357 : i32
        %lt3A_359 = arith.constant 2500 : i32
        %lt3A_360 = arith.cmpi slt, %add3A_358, %lt3A_359 : i32
        %jit3A_361 = arith.constant 0 : i32
        %select_n3A_362 = arith.select %lt3A_360, %add3A_358, %jit3A_361 : i32
        %mul3A_363 = arith.constant 128 : i32
        %mul3A_364 = arith.muli %select_n3A_362, %mul3A_363 : i32
        %dma_wait3A_365 = arith.constant 0 : i32
        %dma_wait3A_366 = tpu.memref_slice %arg4[%mul3A_364, %dma_wait3A_365] : memref<320000x128xf32, #tpu.memory_space<hbm>> -> memref<128x128xf32, #tpu.memory_space<hbm>>
        %dma_wait3A_367 = arith.constant 0 : i32
        %dma_wait3A_368 = tpu.memref_slice %arg4[%mul3A_364, %dma_wait3A_367] : memref<320000x128xf32, #tpu.memory_space<hbm>> -> memref<128x128xf32, #tpu.memory_space<hbm>>
        tpu.wait_dma2 semaphore(%arg17 : memref<!tpu.dma_semaphore, #tpu.memory_space<semaphore_mem>>) src(%dma_wait3A_368 : memref<128x128xf32, #tpu.memory_space<hbm>>) dst(%arg11 : memref<128x128xf32, #tpu.memory_space<vmem>>)
        %mul3A_369 = arith.constant 160 : i32
        %mul3A_370 = arith.muli %arg1, %mul3A_369 : i32
        %mul3A_371 = arith.constant 16 : i32
        %mul3A_372 = arith.muli %scan3A_46, %mul3A_371 : i32
        %add3A_373 = arith.addi %mul3A_370, %mul3A_372 : i32
        %add3A_374 = arith.constant 9 : i32
        %add3A_375 = arith.addi %add3A_373, %add3A_374 : i32
        %lt3A_376 = arith.constant 2500 : i32
        %lt3A_377 = arith.cmpi slt, %add3A_375, %lt3A_376 : i32
        %jit3A_378 = arith.constant 0 : i32
        %select_n3A_379 = arith.select %lt3A_377, %add3A_375, %jit3A_378 : i32
        %mul3A_380 = arith.constant 128 : i32
        %mul3A_381 = arith.muli %select_n3A_379, %mul3A_380 : i32
        %dma_start3A_382 = arith.constant 0 : i32
        %dma_start3A_383 = tpu.memref_slice %arg4[%mul3A_381, %dma_start3A_382] : memref<320000x128xf32, #tpu.memory_space<hbm>> -> memref<128x128xf32, #tpu.memory_space<hbm>>
        %dma_start3A_384 = arith.constant 0 : i32
        %dma_start3A_385 = tpu.memref_slice %arg4[%mul3A_381, %dma_start3A_384] : memref<320000x128xf32, #tpu.memory_space<hbm>> -> memref<128x128xf32, #tpu.memory_space<hbm>>
        tpu.enqueue_dma source(%dma_start3A_385 : memref<128x128xf32, #tpu.memory_space<hbm>>) target(%arg12 : memref<128x128xf32, #tpu.memory_space<vmem>>) target_semaphore(%arg18 : memref<!tpu.dma_semaphore, #tpu.memory_space<semaphore_mem>>)
        %run_scoped3A_386 = arith.constant 8 : i32
        "tpu.region"() ({
          %run_scoped3A_624 = tpu.sem_alloc : memref<!tpu.dma_semaphore, #tpu.memory_space<semaphore_mem>>
          %dma_start3A_625 = arith.constant 0 : i32
          %dma_start3A_626 = tpu.memref_slice %arg10[%run_scoped3A_386, %dma_start3A_625] : memref<16x128xi32, #tpu.memory_space<vmem>> -> memref<1x128xi32, #tpu.memory_space<vmem>>
          %dma_start3A_627 = tpu.memref_squeeze %dma_start3A_626 : memref<1x128xi32, #tpu.memory_space<vmem>> -> memref<128xi32, #tpu.memory_space<vmem>>
          %dma_start3A_628 = arith.constant 0 : i32
          %dma_start3A_629 = arith.constant 0 : i32
          %dma_start3A_630 = tpu.memref_slice %arg15[%dma_start3A_628, %dma_start3A_629] : memref<10240x128xf32, #tpu.memory_space<vmem_shared>> -> memref<10240x128xf32, #tpu.memory_space<vmem_shared>>
          tpu.enqueue_indirect_dma source(%arg11 : memref<128x128xf32, #tpu.memory_space<vmem>>) target(%dma_start3A_630 : memref<10240x128xf32, #tpu.memory_space<vmem_shared>>) offsets(%dma_start3A_627 : memref<128xi32, #tpu.memory_space<vmem>>) semaphore(%run_scoped3A_624 : memref<!tpu.dma_semaphore, #tpu.memory_space<semaphore_mem>>) {add = true}
          %dma_wait3A_631 = arith.constant 0 : i32
          %dma_wait3A_632 = tpu.memref_slice %arg10[%run_scoped3A_386, %dma_wait3A_631] : memref<16x128xi32, #tpu.memory_space<vmem>> -> memref<1x128xi32, #tpu.memory_space<vmem>>
          %dma_wait3A_633 = tpu.memref_squeeze %dma_wait3A_632 : memref<1x128xi32, #tpu.memory_space<vmem>> -> memref<128xi32, #tpu.memory_space<vmem>>
          %dma_wait3A_634 = arith.constant 0 : i32
          %dma_wait3A_635 = arith.constant 0 : i32
          %dma_wait3A_636 = tpu.memref_slice %arg15[%dma_wait3A_634, %dma_wait3A_635] : memref<10240x128xf32, #tpu.memory_space<vmem_shared>> -> memref<10240x128xf32, #tpu.memory_space<vmem_shared>>
          tpu.wait_indirect_dma semaphore(%run_scoped3A_624 : memref<!tpu.dma_semaphore, #tpu.memory_space<semaphore_mem>>) src(%arg11 : memref<128x128xf32, #tpu.memory_space<vmem>>) dst(%dma_wait3A_636 : memref<10240x128xf32, #tpu.memory_space<vmem_shared>>)
          tpu.yield
        }) : () -> ()
        %run_scoped3A_387 = arith.constant 8 : i32
        "tpu.region"() ({
          %run_scoped3A_624 = tpu.sem_alloc : memref<!tpu.dma_semaphore, #tpu.memory_space<semaphore_mem>>
          %dma_start3A_625 = arith.constant 0 : i32
          %dma_start3A_626 = tpu.memref_slice %arg10[%run_scoped3A_387, %dma_start3A_625] : memref<16x128xi32, #tpu.memory_space<vmem>> -> memref<1x128xi32, #tpu.memory_space<vmem>>
          %dma_start3A_627 = tpu.memref_squeeze %dma_start3A_626 : memref<1x128xi32, #tpu.memory_space<vmem>> -> memref<128xi32, #tpu.memory_space<vmem>>
          %dma_start3A_628 = arith.constant 0 : i32
          %dma_start3A_629 = tpu.memref_slice %arg16[%dma_start3A_628] : memref<10240xf32, #tpu.memory_space<vmem_shared>> -> memref<10240xf32, #tpu.memory_space<vmem_shared>>
          tpu.enqueue_indirect_dma source(%arg13 : memref<128xf32, #tpu.memory_space<vmem>>) target(%dma_start3A_629 : memref<10240xf32, #tpu.memory_space<vmem_shared>>) offsets(%dma_start3A_627 : memref<128xi32, #tpu.memory_space<vmem>>) semaphore(%run_scoped3A_624 : memref<!tpu.dma_semaphore, #tpu.memory_space<semaphore_mem>>) {add = true}
          %dma_wait3A_630 = arith.constant 0 : i32
          %dma_wait3A_631 = tpu.memref_slice %arg10[%run_scoped3A_387, %dma_wait3A_630] : memref<16x128xi32, #tpu.memory_space<vmem>> -> memref<1x128xi32, #tpu.memory_space<vmem>>
          %dma_wait3A_632 = tpu.memref_squeeze %dma_wait3A_631 : memref<1x128xi32, #tpu.memory_space<vmem>> -> memref<128xi32, #tpu.memory_space<vmem>>
          %dma_wait3A_633 = arith.constant 0 : i32
          %dma_wait3A_634 = tpu.memref_slice %arg16[%dma_wait3A_633] : memref<10240xf32, #tpu.memory_space<vmem_shared>> -> memref<10240xf32, #tpu.memory_space<vmem_shared>>
          tpu.wait_indirect_dma semaphore(%run_scoped3A_624 : memref<!tpu.dma_semaphore, #tpu.memory_space<semaphore_mem>>) src(%arg13 : memref<128xf32, #tpu.memory_space<vmem>>) dst(%dma_wait3A_634 : memref<10240xf32, #tpu.memory_space<vmem_shared>>)
          tpu.yield
        }) : () -> ()
        %mul3A_388 = arith.constant 160 : i32
        %mul3A_389 = arith.muli %arg1, %mul3A_388 : i32
        %mul3A_390 = arith.constant 16 : i32
        %mul3A_391 = arith.muli %scan3A_46, %mul3A_390 : i32
        %add3A_392 = arith.addi %mul3A_389, %mul3A_391 : i32
        %add3A_393 = arith.constant 9 : i32
        %add3A_394 = arith.addi %add3A_392, %add3A_393 : i32
        %lt3A_395 = arith.constant 2500 : i32
        %lt3A_396 = arith.cmpi slt, %add3A_394, %lt3A_395 : i32
        %jit3A_397 = arith.constant 0 : i32
        %select_n3A_398 = arith.select %lt3A_396, %add3A_394, %jit3A_397 : i32
        %mul3A_399 = arith.constant 128 : i32
        %mul3A_400 = arith.muli %select_n3A_398, %mul3A_399 : i32
        %dma_wait3A_401 = arith.constant 0 : i32
        %dma_wait3A_402 = tpu.memref_slice %arg4[%mul3A_400, %dma_wait3A_401] : memref<320000x128xf32, #tpu.memory_space<hbm>> -> memref<128x128xf32, #tpu.memory_space<hbm>>
        %dma_wait3A_403 = arith.constant 0 : i32
        %dma_wait3A_404 = tpu.memref_slice %arg4[%mul3A_400, %dma_wait3A_403] : memref<320000x128xf32, #tpu.memory_space<hbm>> -> memref<128x128xf32, #tpu.memory_space<hbm>>
        tpu.wait_dma2 semaphore(%arg18 : memref<!tpu.dma_semaphore, #tpu.memory_space<semaphore_mem>>) src(%dma_wait3A_404 : memref<128x128xf32, #tpu.memory_space<hbm>>) dst(%arg12 : memref<128x128xf32, #tpu.memory_space<vmem>>)
        %mul3A_405 = arith.constant 160 : i32
        %mul3A_406 = arith.muli %arg1, %mul3A_405 : i32
        %mul3A_407 = arith.constant 16 : i32
        %mul3A_408 = arith.muli %scan3A_46, %mul3A_407 : i32
        %add3A_409 = arith.addi %mul3A_406, %mul3A_408 : i32
        %add3A_410 = arith.constant 10 : i32
        %add3A_411 = arith.addi %add3A_409, %add3A_410 : i32
        %lt3A_412 = arith.constant 2500 : i32
        %lt3A_413 = arith.cmpi slt, %add3A_411, %lt3A_412 : i32
        %jit3A_414 = arith.constant 0 : i32
        %select_n3A_415 = arith.select %lt3A_413, %add3A_411, %jit3A_414 : i32
        %mul3A_416 = arith.constant 128 : i32
        %mul3A_417 = arith.muli %select_n3A_415, %mul3A_416 : i32
        %dma_start3A_418 = arith.constant 0 : i32
        %dma_start3A_419 = tpu.memref_slice %arg4[%mul3A_417, %dma_start3A_418] : memref<320000x128xf32, #tpu.memory_space<hbm>> -> memref<128x128xf32, #tpu.memory_space<hbm>>
        %dma_start3A_420 = arith.constant 0 : i32
        %dma_start3A_421 = tpu.memref_slice %arg4[%mul3A_417, %dma_start3A_420] : memref<320000x128xf32, #tpu.memory_space<hbm>> -> memref<128x128xf32, #tpu.memory_space<hbm>>
        tpu.enqueue_dma source(%dma_start3A_421 : memref<128x128xf32, #tpu.memory_space<hbm>>) target(%arg11 : memref<128x128xf32, #tpu.memory_space<vmem>>) target_semaphore(%arg17 : memref<!tpu.dma_semaphore, #tpu.memory_space<semaphore_mem>>)
        %run_scoped3A_422 = arith.constant 9 : i32
        "tpu.region"() ({
          %run_scoped3A_624 = tpu.sem_alloc : memref<!tpu.dma_semaphore, #tpu.memory_space<semaphore_mem>>
          %dma_start3A_625 = arith.constant 0 : i32
          %dma_start3A_626 = tpu.memref_slice %arg10[%run_scoped3A_422, %dma_start3A_625] : memref<16x128xi32, #tpu.memory_space<vmem>> -> memref<1x128xi32, #tpu.memory_space<vmem>>
          %dma_start3A_627 = tpu.memref_squeeze %dma_start3A_626 : memref<1x128xi32, #tpu.memory_space<vmem>> -> memref<128xi32, #tpu.memory_space<vmem>>
          %dma_start3A_628 = arith.constant 0 : i32
          %dma_start3A_629 = arith.constant 0 : i32
          %dma_start3A_630 = tpu.memref_slice %arg15[%dma_start3A_628, %dma_start3A_629] : memref<10240x128xf32, #tpu.memory_space<vmem_shared>> -> memref<10240x128xf32, #tpu.memory_space<vmem_shared>>
          tpu.enqueue_indirect_dma source(%arg12 : memref<128x128xf32, #tpu.memory_space<vmem>>) target(%dma_start3A_630 : memref<10240x128xf32, #tpu.memory_space<vmem_shared>>) offsets(%dma_start3A_627 : memref<128xi32, #tpu.memory_space<vmem>>) semaphore(%run_scoped3A_624 : memref<!tpu.dma_semaphore, #tpu.memory_space<semaphore_mem>>) {add = true}
          %dma_wait3A_631 = arith.constant 0 : i32
          %dma_wait3A_632 = tpu.memref_slice %arg10[%run_scoped3A_422, %dma_wait3A_631] : memref<16x128xi32, #tpu.memory_space<vmem>> -> memref<1x128xi32, #tpu.memory_space<vmem>>
          %dma_wait3A_633 = tpu.memref_squeeze %dma_wait3A_632 : memref<1x128xi32, #tpu.memory_space<vmem>> -> memref<128xi32, #tpu.memory_space<vmem>>
          %dma_wait3A_634 = arith.constant 0 : i32
          %dma_wait3A_635 = arith.constant 0 : i32
          %dma_wait3A_636 = tpu.memref_slice %arg15[%dma_wait3A_634, %dma_wait3A_635] : memref<10240x128xf32, #tpu.memory_space<vmem_shared>> -> memref<10240x128xf32, #tpu.memory_space<vmem_shared>>
          tpu.wait_indirect_dma semaphore(%run_scoped3A_624 : memref<!tpu.dma_semaphore, #tpu.memory_space<semaphore_mem>>) src(%arg12 : memref<128x128xf32, #tpu.memory_space<vmem>>) dst(%dma_wait3A_636 : memref<10240x128xf32, #tpu.memory_space<vmem_shared>>)
          tpu.yield
        }) : () -> ()
        %run_scoped3A_423 = arith.constant 9 : i32
        "tpu.region"() ({
          %run_scoped3A_624 = tpu.sem_alloc : memref<!tpu.dma_semaphore, #tpu.memory_space<semaphore_mem>>
          %dma_start3A_625 = arith.constant 0 : i32
          %dma_start3A_626 = tpu.memref_slice %arg10[%run_scoped3A_423, %dma_start3A_625] : memref<16x128xi32, #tpu.memory_space<vmem>> -> memref<1x128xi32, #tpu.memory_space<vmem>>
          %dma_start3A_627 = tpu.memref_squeeze %dma_start3A_626 : memref<1x128xi32, #tpu.memory_space<vmem>> -> memref<128xi32, #tpu.memory_space<vmem>>
          %dma_start3A_628 = arith.constant 0 : i32
          %dma_start3A_629 = tpu.memref_slice %arg16[%dma_start3A_628] : memref<10240xf32, #tpu.memory_space<vmem_shared>> -> memref<10240xf32, #tpu.memory_space<vmem_shared>>
          tpu.enqueue_indirect_dma source(%arg13 : memref<128xf32, #tpu.memory_space<vmem>>) target(%dma_start3A_629 : memref<10240xf32, #tpu.memory_space<vmem_shared>>) offsets(%dma_start3A_627 : memref<128xi32, #tpu.memory_space<vmem>>) semaphore(%run_scoped3A_624 : memref<!tpu.dma_semaphore, #tpu.memory_space<semaphore_mem>>) {add = true}
          %dma_wait3A_630 = arith.constant 0 : i32
          %dma_wait3A_631 = tpu.memref_slice %arg10[%run_scoped3A_423, %dma_wait3A_630] : memref<16x128xi32, #tpu.memory_space<vmem>> -> memref<1x128xi32, #tpu.memory_space<vmem>>
          %dma_wait3A_632 = tpu.memref_squeeze %dma_wait3A_631 : memref<1x128xi32, #tpu.memory_space<vmem>> -> memref<128xi32, #tpu.memory_space<vmem>>
          %dma_wait3A_633 = arith.constant 0 : i32
          %dma_wait3A_634 = tpu.memref_slice %arg16[%dma_wait3A_633] : memref<10240xf32, #tpu.memory_space<vmem_shared>> -> memref<10240xf32, #tpu.memory_space<vmem_shared>>
          tpu.wait_indirect_dma semaphore(%run_scoped3A_624 : memref<!tpu.dma_semaphore, #tpu.memory_space<semaphore_mem>>) src(%arg13 : memref<128xf32, #tpu.memory_space<vmem>>) dst(%dma_wait3A_634 : memref<10240xf32, #tpu.memory_space<vmem_shared>>)
          tpu.yield
        }) : () -> ()
        %mul3A_424 = arith.constant 160 : i32
        %mul3A_425 = arith.muli %arg1, %mul3A_424 : i32
        %mul3A_426 = arith.constant 16 : i32
        %mul3A_427 = arith.muli %scan3A_46, %mul3A_426 : i32
        %add3A_428 = arith.addi %mul3A_425, %mul3A_427 : i32
        %add3A_429 = arith.constant 10 : i32
        %add3A_430 = arith.addi %add3A_428, %add3A_429 : i32
        %lt3A_431 = arith.constant 2500 : i32
        %lt3A_432 = arith.cmpi slt, %add3A_430, %lt3A_431 : i32
        %jit3A_433 = arith.constant 0 : i32
        %select_n3A_434 = arith.select %lt3A_432, %add3A_430, %jit3A_433 : i32
        %mul3A_435 = arith.constant 128 : i32
        %mul3A_436 = arith.muli %select_n3A_434, %mul3A_435 : i32
        %dma_wait3A_437 = arith.constant 0 : i32
        %dma_wait3A_438 = tpu.memref_slice %arg4[%mul3A_436, %dma_wait3A_437] : memref<320000x128xf32, #tpu.memory_space<hbm>> -> memref<128x128xf32, #tpu.memory_space<hbm>>
        %dma_wait3A_439 = arith.constant 0 : i32
        %dma_wait3A_440 = tpu.memref_slice %arg4[%mul3A_436, %dma_wait3A_439] : memref<320000x128xf32, #tpu.memory_space<hbm>> -> memref<128x128xf32, #tpu.memory_space<hbm>>
        tpu.wait_dma2 semaphore(%arg17 : memref<!tpu.dma_semaphore, #tpu.memory_space<semaphore_mem>>) src(%dma_wait3A_440 : memref<128x128xf32, #tpu.memory_space<hbm>>) dst(%arg11 : memref<128x128xf32, #tpu.memory_space<vmem>>)
        %mul3A_441 = arith.constant 160 : i32
        %mul3A_442 = arith.muli %arg1, %mul3A_441 : i32
        %mul3A_443 = arith.constant 16 : i32
        %mul3A_444 = arith.muli %scan3A_46, %mul3A_443 : i32
        %add3A_445 = arith.addi %mul3A_442, %mul3A_444 : i32
        %add3A_446 = arith.constant 11 : i32
        %add3A_447 = arith.addi %add3A_445, %add3A_446 : i32
        %lt3A_448 = arith.constant 2500 : i32
        %lt3A_449 = arith.cmpi slt, %add3A_447, %lt3A_448 : i32
        %jit3A_450 = arith.constant 0 : i32
        %select_n3A_451 = arith.select %lt3A_449, %add3A_447, %jit3A_450 : i32
        %mul3A_452 = arith.constant 128 : i32
        %mul3A_453 = arith.muli %select_n3A_451, %mul3A_452 : i32
        %dma_start3A_454 = arith.constant 0 : i32
        %dma_start3A_455 = tpu.memref_slice %arg4[%mul3A_453, %dma_start3A_454] : memref<320000x128xf32, #tpu.memory_space<hbm>> -> memref<128x128xf32, #tpu.memory_space<hbm>>
        %dma_start3A_456 = arith.constant 0 : i32
        %dma_start3A_457 = tpu.memref_slice %arg4[%mul3A_453, %dma_start3A_456] : memref<320000x128xf32, #tpu.memory_space<hbm>> -> memref<128x128xf32, #tpu.memory_space<hbm>>
        tpu.enqueue_dma source(%dma_start3A_457 : memref<128x128xf32, #tpu.memory_space<hbm>>) target(%arg12 : memref<128x128xf32, #tpu.memory_space<vmem>>) target_semaphore(%arg18 : memref<!tpu.dma_semaphore, #tpu.memory_space<semaphore_mem>>)
        %run_scoped3A_458 = arith.constant 10 : i32
        "tpu.region"() ({
          %run_scoped3A_624 = tpu.sem_alloc : memref<!tpu.dma_semaphore, #tpu.memory_space<semaphore_mem>>
          %dma_start3A_625 = arith.constant 0 : i32
          %dma_start3A_626 = tpu.memref_slice %arg10[%run_scoped3A_458, %dma_start3A_625] : memref<16x128xi32, #tpu.memory_space<vmem>> -> memref<1x128xi32, #tpu.memory_space<vmem>>
          %dma_start3A_627 = tpu.memref_squeeze %dma_start3A_626 : memref<1x128xi32, #tpu.memory_space<vmem>> -> memref<128xi32, #tpu.memory_space<vmem>>
          %dma_start3A_628 = arith.constant 0 : i32
          %dma_start3A_629 = arith.constant 0 : i32
          %dma_start3A_630 = tpu.memref_slice %arg15[%dma_start3A_628, %dma_start3A_629] : memref<10240x128xf32, #tpu.memory_space<vmem_shared>> -> memref<10240x128xf32, #tpu.memory_space<vmem_shared>>
          tpu.enqueue_indirect_dma source(%arg11 : memref<128x128xf32, #tpu.memory_space<vmem>>) target(%dma_start3A_630 : memref<10240x128xf32, #tpu.memory_space<vmem_shared>>) offsets(%dma_start3A_627 : memref<128xi32, #tpu.memory_space<vmem>>) semaphore(%run_scoped3A_624 : memref<!tpu.dma_semaphore, #tpu.memory_space<semaphore_mem>>) {add = true}
          %dma_wait3A_631 = arith.constant 0 : i32
          %dma_wait3A_632 = tpu.memref_slice %arg10[%run_scoped3A_458, %dma_wait3A_631] : memref<16x128xi32, #tpu.memory_space<vmem>> -> memref<1x128xi32, #tpu.memory_space<vmem>>
          %dma_wait3A_633 = tpu.memref_squeeze %dma_wait3A_632 : memref<1x128xi32, #tpu.memory_space<vmem>> -> memref<128xi32, #tpu.memory_space<vmem>>
          %dma_wait3A_634 = arith.constant 0 : i32
          %dma_wait3A_635 = arith.constant 0 : i32
          %dma_wait3A_636 = tpu.memref_slice %arg15[%dma_wait3A_634, %dma_wait3A_635] : memref<10240x128xf32, #tpu.memory_space<vmem_shared>> -> memref<10240x128xf32, #tpu.memory_space<vmem_shared>>
          tpu.wait_indirect_dma semaphore(%run_scoped3A_624 : memref<!tpu.dma_semaphore, #tpu.memory_space<semaphore_mem>>) src(%arg11 : memref<128x128xf32, #tpu.memory_space<vmem>>) dst(%dma_wait3A_636 : memref<10240x128xf32, #tpu.memory_space<vmem_shared>>)
          tpu.yield
        }) : () -> ()
        %run_scoped3A_459 = arith.constant 10 : i32
        "tpu.region"() ({
          %run_scoped3A_624 = tpu.sem_alloc : memref<!tpu.dma_semaphore, #tpu.memory_space<semaphore_mem>>
          %dma_start3A_625 = arith.constant 0 : i32
          %dma_start3A_626 = tpu.memref_slice %arg10[%run_scoped3A_459, %dma_start3A_625] : memref<16x128xi32, #tpu.memory_space<vmem>> -> memref<1x128xi32, #tpu.memory_space<vmem>>
          %dma_start3A_627 = tpu.memref_squeeze %dma_start3A_626 : memref<1x128xi32, #tpu.memory_space<vmem>> -> memref<128xi32, #tpu.memory_space<vmem>>
          %dma_start3A_628 = arith.constant 0 : i32
          %dma_start3A_629 = tpu.memref_slice %arg16[%dma_start3A_628] : memref<10240xf32, #tpu.memory_space<vmem_shared>> -> memref<10240xf32, #tpu.memory_space<vmem_shared>>
          tpu.enqueue_indirect_dma source(%arg13 : memref<128xf32, #tpu.memory_space<vmem>>) target(%dma_start3A_629 : memref<10240xf32, #tpu.memory_space<vmem_shared>>) offsets(%dma_start3A_627 : memref<128xi32, #tpu.memory_space<vmem>>) semaphore(%run_scoped3A_624 : memref<!tpu.dma_semaphore, #tpu.memory_space<semaphore_mem>>) {add = true}
          %dma_wait3A_630 = arith.constant 0 : i32
          %dma_wait3A_631 = tpu.memref_slice %arg10[%run_scoped3A_459, %dma_wait3A_630] : memref<16x128xi32, #tpu.memory_space<vmem>> -> memref<1x128xi32, #tpu.memory_space<vmem>>
          %dma_wait3A_632 = tpu.memref_squeeze %dma_wait3A_631 : memref<1x128xi32, #tpu.memory_space<vmem>> -> memref<128xi32, #tpu.memory_space<vmem>>
          %dma_wait3A_633 = arith.constant 0 : i32
          %dma_wait3A_634 = tpu.memref_slice %arg16[%dma_wait3A_633] : memref<10240xf32, #tpu.memory_space<vmem_shared>> -> memref<10240xf32, #tpu.memory_space<vmem_shared>>
          tpu.wait_indirect_dma semaphore(%run_scoped3A_624 : memref<!tpu.dma_semaphore, #tpu.memory_space<semaphore_mem>>) src(%arg13 : memref<128xf32, #tpu.memory_space<vmem>>) dst(%dma_wait3A_634 : memref<10240xf32, #tpu.memory_space<vmem_shared>>)
          tpu.yield
        }) : () -> ()
        %mul3A_460 = arith.constant 160 : i32
        %mul3A_461 = arith.muli %arg1, %mul3A_460 : i32
        %mul3A_462 = arith.constant 16 : i32
        %mul3A_463 = arith.muli %scan3A_46, %mul3A_462 : i32
        %add3A_464 = arith.addi %mul3A_461, %mul3A_463 : i32
        %add3A_465 = arith.constant 11 : i32
        %add3A_466 = arith.addi %add3A_464, %add3A_465 : i32
        %lt3A_467 = arith.constant 2500 : i32
        %lt3A_468 = arith.cmpi slt, %add3A_466, %lt3A_467 : i32
        %jit3A_469 = arith.constant 0 : i32
        %select_n3A_470 = arith.select %lt3A_468, %add3A_466, %jit3A_469 : i32
        %mul3A_471 = arith.constant 128 : i32
        %mul3A_472 = arith.muli %select_n3A_470, %mul3A_471 : i32
        %dma_wait3A_473 = arith.constant 0 : i32
        %dma_wait3A_474 = tpu.memref_slice %arg4[%mul3A_472, %dma_wait3A_473] : memref<320000x128xf32, #tpu.memory_space<hbm>> -> memref<128x128xf32, #tpu.memory_space<hbm>>
        %dma_wait3A_475 = arith.constant 0 : i32
        %dma_wait3A_476 = tpu.memref_slice %arg4[%mul3A_472, %dma_wait3A_475] : memref<320000x128xf32, #tpu.memory_space<hbm>> -> memref<128x128xf32, #tpu.memory_space<hbm>>
        tpu.wait_dma2 semaphore(%arg18 : memref<!tpu.dma_semaphore, #tpu.memory_space<semaphore_mem>>) src(%dma_wait3A_476 : memref<128x128xf32, #tpu.memory_space<hbm>>) dst(%arg12 : memref<128x128xf32, #tpu.memory_space<vmem>>)
        %mul3A_477 = arith.constant 160 : i32
        %mul3A_478 = arith.muli %arg1, %mul3A_477 : i32
        %mul3A_479 = arith.constant 16 : i32
        %mul3A_480 = arith.muli %scan3A_46, %mul3A_479 : i32
        %add3A_481 = arith.addi %mul3A_478, %mul3A_480 : i32
        %add3A_482 = arith.constant 12 : i32
        %add3A_483 = arith.addi %add3A_481, %add3A_482 : i32
        %lt3A_484 = arith.constant 2500 : i32
        %lt3A_485 = arith.cmpi slt, %add3A_483, %lt3A_484 : i32
        %jit3A_486 = arith.constant 0 : i32
        %select_n3A_487 = arith.select %lt3A_485, %add3A_483, %jit3A_486 : i32
        %mul3A_488 = arith.constant 128 : i32
        %mul3A_489 = arith.muli %select_n3A_487, %mul3A_488 : i32
        %dma_start3A_490 = arith.constant 0 : i32
        %dma_start3A_491 = tpu.memref_slice %arg4[%mul3A_489, %dma_start3A_490] : memref<320000x128xf32, #tpu.memory_space<hbm>> -> memref<128x128xf32, #tpu.memory_space<hbm>>
        %dma_start3A_492 = arith.constant 0 : i32
        %dma_start3A_493 = tpu.memref_slice %arg4[%mul3A_489, %dma_start3A_492] : memref<320000x128xf32, #tpu.memory_space<hbm>> -> memref<128x128xf32, #tpu.memory_space<hbm>>
        tpu.enqueue_dma source(%dma_start3A_493 : memref<128x128xf32, #tpu.memory_space<hbm>>) target(%arg11 : memref<128x128xf32, #tpu.memory_space<vmem>>) target_semaphore(%arg17 : memref<!tpu.dma_semaphore, #tpu.memory_space<semaphore_mem>>)
        %run_scoped3A_494 = arith.constant 11 : i32
        "tpu.region"() ({
          %run_scoped3A_624 = tpu.sem_alloc : memref<!tpu.dma_semaphore, #tpu.memory_space<semaphore_mem>>
          %dma_start3A_625 = arith.constant 0 : i32
          %dma_start3A_626 = tpu.memref_slice %arg10[%run_scoped3A_494, %dma_start3A_625] : memref<16x128xi32, #tpu.memory_space<vmem>> -> memref<1x128xi32, #tpu.memory_space<vmem>>
          %dma_start3A_627 = tpu.memref_squeeze %dma_start3A_626 : memref<1x128xi32, #tpu.memory_space<vmem>> -> memref<128xi32, #tpu.memory_space<vmem>>
          %dma_start3A_628 = arith.constant 0 : i32
          %dma_start3A_629 = arith.constant 0 : i32
          %dma_start3A_630 = tpu.memref_slice %arg15[%dma_start3A_628, %dma_start3A_629] : memref<10240x128xf32, #tpu.memory_space<vmem_shared>> -> memref<10240x128xf32, #tpu.memory_space<vmem_shared>>
          tpu.enqueue_indirect_dma source(%arg12 : memref<128x128xf32, #tpu.memory_space<vmem>>) target(%dma_start3A_630 : memref<10240x128xf32, #tpu.memory_space<vmem_shared>>) offsets(%dma_start3A_627 : memref<128xi32, #tpu.memory_space<vmem>>) semaphore(%run_scoped3A_624 : memref<!tpu.dma_semaphore, #tpu.memory_space<semaphore_mem>>) {add = true}
          %dma_wait3A_631 = arith.constant 0 : i32
          %dma_wait3A_632 = tpu.memref_slice %arg10[%run_scoped3A_494, %dma_wait3A_631] : memref<16x128xi32, #tpu.memory_space<vmem>> -> memref<1x128xi32, #tpu.memory_space<vmem>>
          %dma_wait3A_633 = tpu.memref_squeeze %dma_wait3A_632 : memref<1x128xi32, #tpu.memory_space<vmem>> -> memref<128xi32, #tpu.memory_space<vmem>>
          %dma_wait3A_634 = arith.constant 0 : i32
          %dma_wait3A_635 = arith.constant 0 : i32
          %dma_wait3A_636 = tpu.memref_slice %arg15[%dma_wait3A_634, %dma_wait3A_635] : memref<10240x128xf32, #tpu.memory_space<vmem_shared>> -> memref<10240x128xf32, #tpu.memory_space<vmem_shared>>
          tpu.wait_indirect_dma semaphore(%run_scoped3A_624 : memref<!tpu.dma_semaphore, #tpu.memory_space<semaphore_mem>>) src(%arg12 : memref<128x128xf32, #tpu.memory_space<vmem>>) dst(%dma_wait3A_636 : memref<10240x128xf32, #tpu.memory_space<vmem_shared>>)
          tpu.yield
        }) : () -> ()
        %run_scoped3A_495 = arith.constant 11 : i32
        "tpu.region"() ({
          %run_scoped3A_624 = tpu.sem_alloc : memref<!tpu.dma_semaphore, #tpu.memory_space<semaphore_mem>>
          %dma_start3A_625 = arith.constant 0 : i32
          %dma_start3A_626 = tpu.memref_slice %arg10[%run_scoped3A_495, %dma_start3A_625] : memref<16x128xi32, #tpu.memory_space<vmem>> -> memref<1x128xi32, #tpu.memory_space<vmem>>
          %dma_start3A_627 = tpu.memref_squeeze %dma_start3A_626 : memref<1x128xi32, #tpu.memory_space<vmem>> -> memref<128xi32, #tpu.memory_space<vmem>>
          %dma_start3A_628 = arith.constant 0 : i32
          %dma_start3A_629 = tpu.memref_slice %arg16[%dma_start3A_628] : memref<10240xf32, #tpu.memory_space<vmem_shared>> -> memref<10240xf32, #tpu.memory_space<vmem_shared>>
          tpu.enqueue_indirect_dma source(%arg13 : memref<128xf32, #tpu.memory_space<vmem>>) target(%dma_start3A_629 : memref<10240xf32, #tpu.memory_space<vmem_shared>>) offsets(%dma_start3A_627 : memref<128xi32, #tpu.memory_space<vmem>>) semaphore(%run_scoped3A_624 : memref<!tpu.dma_semaphore, #tpu.memory_space<semaphore_mem>>) {add = true}
          %dma_wait3A_630 = arith.constant 0 : i32
          %dma_wait3A_631 = tpu.memref_slice %arg10[%run_scoped3A_495, %dma_wait3A_630] : memref<16x128xi32, #tpu.memory_space<vmem>> -> memref<1x128xi32, #tpu.memory_space<vmem>>
          %dma_wait3A_632 = tpu.memref_squeeze %dma_wait3A_631 : memref<1x128xi32, #tpu.memory_space<vmem>> -> memref<128xi32, #tpu.memory_space<vmem>>
          %dma_wait3A_633 = arith.constant 0 : i32
          %dma_wait3A_634 = tpu.memref_slice %arg16[%dma_wait3A_633] : memref<10240xf32, #tpu.memory_space<vmem_shared>> -> memref<10240xf32, #tpu.memory_space<vmem_shared>>
          tpu.wait_indirect_dma semaphore(%run_scoped3A_624 : memref<!tpu.dma_semaphore, #tpu.memory_space<semaphore_mem>>) src(%arg13 : memref<128xf32, #tpu.memory_space<vmem>>) dst(%dma_wait3A_634 : memref<10240xf32, #tpu.memory_space<vmem_shared>>)
          tpu.yield
        }) : () -> ()
        %mul3A_496 = arith.constant 160 : i32
        %mul3A_497 = arith.muli %arg1, %mul3A_496 : i32
        %mul3A_498 = arith.constant 16 : i32
        %mul3A_499 = arith.muli %scan3A_46, %mul3A_498 : i32
        %add3A_500 = arith.addi %mul3A_497, %mul3A_499 : i32
        %add3A_501 = arith.constant 12 : i32
        %add3A_502 = arith.addi %add3A_500, %add3A_501 : i32
        %lt3A_503 = arith.constant 2500 : i32
        %lt3A_504 = arith.cmpi slt, %add3A_502, %lt3A_503 : i32
        %jit3A_505 = arith.constant 0 : i32
        %select_n3A_506 = arith.select %lt3A_504, %add3A_502, %jit3A_505 : i32
        %mul3A_507 = arith.constant 128 : i32
        %mul3A_508 = arith.muli %select_n3A_506, %mul3A_507 : i32
        %dma_wait3A_509 = arith.constant 0 : i32
        %dma_wait3A_510 = tpu.memref_slice %arg4[%mul3A_508, %dma_wait3A_509] : memref<320000x128xf32, #tpu.memory_space<hbm>> -> memref<128x128xf32, #tpu.memory_space<hbm>>
        %dma_wait3A_511 = arith.constant 0 : i32
        %dma_wait3A_512 = tpu.memref_slice %arg4[%mul3A_508, %dma_wait3A_511] : memref<320000x128xf32, #tpu.memory_space<hbm>> -> memref<128x128xf32, #tpu.memory_space<hbm>>
        tpu.wait_dma2 semaphore(%arg17 : memref<!tpu.dma_semaphore, #tpu.memory_space<semaphore_mem>>) src(%dma_wait3A_512 : memref<128x128xf32, #tpu.memory_space<hbm>>) dst(%arg11 : memref<128x128xf32, #tpu.memory_space<vmem>>)
        %mul3A_513 = arith.constant 160 : i32
        %mul3A_514 = arith.muli %arg1, %mul3A_513 : i32
        %mul3A_515 = arith.constant 16 : i32
        %mul3A_516 = arith.muli %scan3A_46, %mul3A_515 : i32
        %add3A_517 = arith.addi %mul3A_514, %mul3A_516 : i32
        %add3A_518 = arith.constant 13 : i32
        %add3A_519 = arith.addi %add3A_517, %add3A_518 : i32
        %lt3A_520 = arith.constant 2500 : i32
        %lt3A_521 = arith.cmpi slt, %add3A_519, %lt3A_520 : i32
        %jit3A_522 = arith.constant 0 : i32
        %select_n3A_523 = arith.select %lt3A_521, %add3A_519, %jit3A_522 : i32
        %mul3A_524 = arith.constant 128 : i32
        %mul3A_525 = arith.muli %select_n3A_523, %mul3A_524 : i32
        %dma_start3A_526 = arith.constant 0 : i32
        %dma_start3A_527 = tpu.memref_slice %arg4[%mul3A_525, %dma_start3A_526] : memref<320000x128xf32, #tpu.memory_space<hbm>> -> memref<128x128xf32, #tpu.memory_space<hbm>>
        %dma_start3A_528 = arith.constant 0 : i32
        %dma_start3A_529 = tpu.memref_slice %arg4[%mul3A_525, %dma_start3A_528] : memref<320000x128xf32, #tpu.memory_space<hbm>> -> memref<128x128xf32, #tpu.memory_space<hbm>>
        tpu.enqueue_dma source(%dma_start3A_529 : memref<128x128xf32, #tpu.memory_space<hbm>>) target(%arg12 : memref<128x128xf32, #tpu.memory_space<vmem>>) target_semaphore(%arg18 : memref<!tpu.dma_semaphore, #tpu.memory_space<semaphore_mem>>)
        %run_scoped3A_530 = arith.constant 12 : i32
        "tpu.region"() ({
          %run_scoped3A_624 = tpu.sem_alloc : memref<!tpu.dma_semaphore, #tpu.memory_space<semaphore_mem>>
          %dma_start3A_625 = arith.constant 0 : i32
          %dma_start3A_626 = tpu.memref_slice %arg10[%run_scoped3A_530, %dma_start3A_625] : memref<16x128xi32, #tpu.memory_space<vmem>> -> memref<1x128xi32, #tpu.memory_space<vmem>>
          %dma_start3A_627 = tpu.memref_squeeze %dma_start3A_626 : memref<1x128xi32, #tpu.memory_space<vmem>> -> memref<128xi32, #tpu.memory_space<vmem>>
          %dma_start3A_628 = arith.constant 0 : i32
          %dma_start3A_629 = arith.constant 0 : i32
          %dma_start3A_630 = tpu.memref_slice %arg15[%dma_start3A_628, %dma_start3A_629] : memref<10240x128xf32, #tpu.memory_space<vmem_shared>> -> memref<10240x128xf32, #tpu.memory_space<vmem_shared>>
          tpu.enqueue_indirect_dma source(%arg11 : memref<128x128xf32, #tpu.memory_space<vmem>>) target(%dma_start3A_630 : memref<10240x128xf32, #tpu.memory_space<vmem_shared>>) offsets(%dma_start3A_627 : memref<128xi32, #tpu.memory_space<vmem>>) semaphore(%run_scoped3A_624 : memref<!tpu.dma_semaphore, #tpu.memory_space<semaphore_mem>>) {add = true}
          %dma_wait3A_631 = arith.constant 0 : i32
          %dma_wait3A_632 = tpu.memref_slice %arg10[%run_scoped3A_530, %dma_wait3A_631] : memref<16x128xi32, #tpu.memory_space<vmem>> -> memref<1x128xi32, #tpu.memory_space<vmem>>
          %dma_wait3A_633 = tpu.memref_squeeze %dma_wait3A_632 : memref<1x128xi32, #tpu.memory_space<vmem>> -> memref<128xi32, #tpu.memory_space<vmem>>
          %dma_wait3A_634 = arith.constant 0 : i32
          %dma_wait3A_635 = arith.constant 0 : i32
          %dma_wait3A_636 = tpu.memref_slice %arg15[%dma_wait3A_634, %dma_wait3A_635] : memref<10240x128xf32, #tpu.memory_space<vmem_shared>> -> memref<10240x128xf32, #tpu.memory_space<vmem_shared>>
          tpu.wait_indirect_dma semaphore(%run_scoped3A_624 : memref<!tpu.dma_semaphore, #tpu.memory_space<semaphore_mem>>) src(%arg11 : memref<128x128xf32, #tpu.memory_space<vmem>>) dst(%dma_wait3A_636 : memref<10240x128xf32, #tpu.memory_space<vmem_shared>>)
          tpu.yield
        }) : () -> ()
        %run_scoped3A_531 = arith.constant 12 : i32
        "tpu.region"() ({
          %run_scoped3A_624 = tpu.sem_alloc : memref<!tpu.dma_semaphore, #tpu.memory_space<semaphore_mem>>
          %dma_start3A_625 = arith.constant 0 : i32
          %dma_start3A_626 = tpu.memref_slice %arg10[%run_scoped3A_531, %dma_start3A_625] : memref<16x128xi32, #tpu.memory_space<vmem>> -> memref<1x128xi32, #tpu.memory_space<vmem>>
          %dma_start3A_627 = tpu.memref_squeeze %dma_start3A_626 : memref<1x128xi32, #tpu.memory_space<vmem>> -> memref<128xi32, #tpu.memory_space<vmem>>
          %dma_start3A_628 = arith.constant 0 : i32
          %dma_start3A_629 = tpu.memref_slice %arg16[%dma_start3A_628] : memref<10240xf32, #tpu.memory_space<vmem_shared>> -> memref<10240xf32, #tpu.memory_space<vmem_shared>>
          tpu.enqueue_indirect_dma source(%arg13 : memref<128xf32, #tpu.memory_space<vmem>>) target(%dma_start3A_629 : memref<10240xf32, #tpu.memory_space<vmem_shared>>) offsets(%dma_start3A_627 : memref<128xi32, #tpu.memory_space<vmem>>) semaphore(%run_scoped3A_624 : memref<!tpu.dma_semaphore, #tpu.memory_space<semaphore_mem>>) {add = true}
          %dma_wait3A_630 = arith.constant 0 : i32
          %dma_wait3A_631 = tpu.memref_slice %arg10[%run_scoped3A_531, %dma_wait3A_630] : memref<16x128xi32, #tpu.memory_space<vmem>> -> memref<1x128xi32, #tpu.memory_space<vmem>>
          %dma_wait3A_632 = tpu.memref_squeeze %dma_wait3A_631 : memref<1x128xi32, #tpu.memory_space<vmem>> -> memref<128xi32, #tpu.memory_space<vmem>>
          %dma_wait3A_633 = arith.constant 0 : i32
          %dma_wait3A_634 = tpu.memref_slice %arg16[%dma_wait3A_633] : memref<10240xf32, #tpu.memory_space<vmem_shared>> -> memref<10240xf32, #tpu.memory_space<vmem_shared>>
          tpu.wait_indirect_dma semaphore(%run_scoped3A_624 : memref<!tpu.dma_semaphore, #tpu.memory_space<semaphore_mem>>) src(%arg13 : memref<128xf32, #tpu.memory_space<vmem>>) dst(%dma_wait3A_634 : memref<10240xf32, #tpu.memory_space<vmem_shared>>)
          tpu.yield
        }) : () -> ()
        %mul3A_532 = arith.constant 160 : i32
        %mul3A_533 = arith.muli %arg1, %mul3A_532 : i32
        %mul3A_534 = arith.constant 16 : i32
        %mul3A_535 = arith.muli %scan3A_46, %mul3A_534 : i32
        %add3A_536 = arith.addi %mul3A_533, %mul3A_535 : i32
        %add3A_537 = arith.constant 13 : i32
        %add3A_538 = arith.addi %add3A_536, %add3A_537 : i32
        %lt3A_539 = arith.constant 2500 : i32
        %lt3A_540 = arith.cmpi slt, %add3A_538, %lt3A_539 : i32
        %jit3A_541 = arith.constant 0 : i32
        %select_n3A_542 = arith.select %lt3A_540, %add3A_538, %jit3A_541 : i32
        %mul3A_543 = arith.constant 128 : i32
        %mul3A_544 = arith.muli %select_n3A_542, %mul3A_543 : i32
        %dma_wait3A_545 = arith.constant 0 : i32
        %dma_wait3A_546 = tpu.memref_slice %arg4[%mul3A_544, %dma_wait3A_545] : memref<320000x128xf32, #tpu.memory_space<hbm>> -> memref<128x128xf32, #tpu.memory_space<hbm>>
        %dma_wait3A_547 = arith.constant 0 : i32
        %dma_wait3A_548 = tpu.memref_slice %arg4[%mul3A_544, %dma_wait3A_547] : memref<320000x128xf32, #tpu.memory_space<hbm>> -> memref<128x128xf32, #tpu.memory_space<hbm>>
        tpu.wait_dma2 semaphore(%arg18 : memref<!tpu.dma_semaphore, #tpu.memory_space<semaphore_mem>>) src(%dma_wait3A_548 : memref<128x128xf32, #tpu.memory_space<hbm>>) dst(%arg12 : memref<128x128xf32, #tpu.memory_space<vmem>>)
        %mul3A_549 = arith.constant 160 : i32
        %mul3A_550 = arith.muli %arg1, %mul3A_549 : i32
        %mul3A_551 = arith.constant 16 : i32
        %mul3A_552 = arith.muli %scan3A_46, %mul3A_551 : i32
        %add3A_553 = arith.addi %mul3A_550, %mul3A_552 : i32
        %add3A_554 = arith.constant 14 : i32
        %add3A_555 = arith.addi %add3A_553, %add3A_554 : i32
        %lt3A_556 = arith.constant 2500 : i32
        %lt3A_557 = arith.cmpi slt, %add3A_555, %lt3A_556 : i32
        %jit3A_558 = arith.constant 0 : i32
        %select_n3A_559 = arith.select %lt3A_557, %add3A_555, %jit3A_558 : i32
        %mul3A_560 = arith.constant 128 : i32
        %mul3A_561 = arith.muli %select_n3A_559, %mul3A_560 : i32
        %dma_start3A_562 = arith.constant 0 : i32
        %dma_start3A_563 = tpu.memref_slice %arg4[%mul3A_561, %dma_start3A_562] : memref<320000x128xf32, #tpu.memory_space<hbm>> -> memref<128x128xf32, #tpu.memory_space<hbm>>
        %dma_start3A_564 = arith.constant 0 : i32
        %dma_start3A_565 = tpu.memref_slice %arg4[%mul3A_561, %dma_start3A_564] : memref<320000x128xf32, #tpu.memory_space<hbm>> -> memref<128x128xf32, #tpu.memory_space<hbm>>
        tpu.enqueue_dma source(%dma_start3A_565 : memref<128x128xf32, #tpu.memory_space<hbm>>) target(%arg11 : memref<128x128xf32, #tpu.memory_space<vmem>>) target_semaphore(%arg17 : memref<!tpu.dma_semaphore, #tpu.memory_space<semaphore_mem>>)
        %run_scoped3A_566 = arith.constant 13 : i32
        "tpu.region"() ({
          %run_scoped3A_624 = tpu.sem_alloc : memref<!tpu.dma_semaphore, #tpu.memory_space<semaphore_mem>>
          %dma_start3A_625 = arith.constant 0 : i32
          %dma_start3A_626 = tpu.memref_slice %arg10[%run_scoped3A_566, %dma_start3A_625] : memref<16x128xi32, #tpu.memory_space<vmem>> -> memref<1x128xi32, #tpu.memory_space<vmem>>
          %dma_start3A_627 = tpu.memref_squeeze %dma_start3A_626 : memref<1x128xi32, #tpu.memory_space<vmem>> -> memref<128xi32, #tpu.memory_space<vmem>>
          %dma_start3A_628 = arith.constant 0 : i32
          %dma_start3A_629 = arith.constant 0 : i32
          %dma_start3A_630 = tpu.memref_slice %arg15[%dma_start3A_628, %dma_start3A_629] : memref<10240x128xf32, #tpu.memory_space<vmem_shared>> -> memref<10240x128xf32, #tpu.memory_space<vmem_shared>>
          tpu.enqueue_indirect_dma source(%arg12 : memref<128x128xf32, #tpu.memory_space<vmem>>) target(%dma_start3A_630 : memref<10240x128xf32, #tpu.memory_space<vmem_shared>>) offsets(%dma_start3A_627 : memref<128xi32, #tpu.memory_space<vmem>>) semaphore(%run_scoped3A_624 : memref<!tpu.dma_semaphore, #tpu.memory_space<semaphore_mem>>) {add = true}
          %dma_wait3A_631 = arith.constant 0 : i32
          %dma_wait3A_632 = tpu.memref_slice %arg10[%run_scoped3A_566, %dma_wait3A_631] : memref<16x128xi32, #tpu.memory_space<vmem>> -> memref<1x128xi32, #tpu.memory_space<vmem>>
          %dma_wait3A_633 = tpu.memref_squeeze %dma_wait3A_632 : memref<1x128xi32, #tpu.memory_space<vmem>> -> memref<128xi32, #tpu.memory_space<vmem>>
          %dma_wait3A_634 = arith.constant 0 : i32
          %dma_wait3A_635 = arith.constant 0 : i32
          %dma_wait3A_636 = tpu.memref_slice %arg15[%dma_wait3A_634, %dma_wait3A_635] : memref<10240x128xf32, #tpu.memory_space<vmem_shared>> -> memref<10240x128xf32, #tpu.memory_space<vmem_shared>>
          tpu.wait_indirect_dma semaphore(%run_scoped3A_624 : memref<!tpu.dma_semaphore, #tpu.memory_space<semaphore_mem>>) src(%arg12 : memref<128x128xf32, #tpu.memory_space<vmem>>) dst(%dma_wait3A_636 : memref<10240x128xf32, #tpu.memory_space<vmem_shared>>)
          tpu.yield
        }) : () -> ()
        %run_scoped3A_567 = arith.constant 13 : i32
        "tpu.region"() ({
          %run_scoped3A_624 = tpu.sem_alloc : memref<!tpu.dma_semaphore, #tpu.memory_space<semaphore_mem>>
          %dma_start3A_625 = arith.constant 0 : i32
          %dma_start3A_626 = tpu.memref_slice %arg10[%run_scoped3A_567, %dma_start3A_625] : memref<16x128xi32, #tpu.memory_space<vmem>> -> memref<1x128xi32, #tpu.memory_space<vmem>>
          %dma_start3A_627 = tpu.memref_squeeze %dma_start3A_626 : memref<1x128xi32, #tpu.memory_space<vmem>> -> memref<128xi32, #tpu.memory_space<vmem>>
          %dma_start3A_628 = arith.constant 0 : i32
          %dma_start3A_629 = tpu.memref_slice %arg16[%dma_start3A_628] : memref<10240xf32, #tpu.memory_space<vmem_shared>> -> memref<10240xf32, #tpu.memory_space<vmem_shared>>
          tpu.enqueue_indirect_dma source(%arg13 : memref<128xf32, #tpu.memory_space<vmem>>) target(%dma_start3A_629 : memref<10240xf32, #tpu.memory_space<vmem_shared>>) offsets(%dma_start3A_627 : memref<128xi32, #tpu.memory_space<vmem>>) semaphore(%run_scoped3A_624 : memref<!tpu.dma_semaphore, #tpu.memory_space<semaphore_mem>>) {add = true}
          %dma_wait3A_630 = arith.constant 0 : i32
          %dma_wait3A_631 = tpu.memref_slice %arg10[%run_scoped3A_567, %dma_wait3A_630] : memref<16x128xi32, #tpu.memory_space<vmem>> -> memref<1x128xi32, #tpu.memory_space<vmem>>
          %dma_wait3A_632 = tpu.memref_squeeze %dma_wait3A_631 : memref<1x128xi32, #tpu.memory_space<vmem>> -> memref<128xi32, #tpu.memory_space<vmem>>
          %dma_wait3A_633 = arith.constant 0 : i32
          %dma_wait3A_634 = tpu.memref_slice %arg16[%dma_wait3A_633] : memref<10240xf32, #tpu.memory_space<vmem_shared>> -> memref<10240xf32, #tpu.memory_space<vmem_shared>>
          tpu.wait_indirect_dma semaphore(%run_scoped3A_624 : memref<!tpu.dma_semaphore, #tpu.memory_space<semaphore_mem>>) src(%arg13 : memref<128xf32, #tpu.memory_space<vmem>>) dst(%dma_wait3A_634 : memref<10240xf32, #tpu.memory_space<vmem_shared>>)
          tpu.yield
        }) : () -> ()
        %mul3A_568 = arith.constant 160 : i32
        %mul3A_569 = arith.muli %arg1, %mul3A_568 : i32
        %mul3A_570 = arith.constant 16 : i32
        %mul3A_571 = arith.muli %scan3A_46, %mul3A_570 : i32
        %add3A_572 = arith.addi %mul3A_569, %mul3A_571 : i32
        %add3A_573 = arith.constant 14 : i32
        %add3A_574 = arith.addi %add3A_572, %add3A_573 : i32
        %lt3A_575 = arith.constant 2500 : i32
        %lt3A_576 = arith.cmpi slt, %add3A_574, %lt3A_575 : i32
        %jit3A_577 = arith.constant 0 : i32
        %select_n3A_578 = arith.select %lt3A_576, %add3A_574, %jit3A_577 : i32
        %mul3A_579 = arith.constant 128 : i32
        %mul3A_580 = arith.muli %select_n3A_578, %mul3A_579 : i32
        %dma_wait3A_581 = arith.constant 0 : i32
        %dma_wait3A_582 = tpu.memref_slice %arg4[%mul3A_580, %dma_wait3A_581] : memref<320000x128xf32, #tpu.memory_space<hbm>> -> memref<128x128xf32, #tpu.memory_space<hbm>>
        %dma_wait3A_583 = arith.constant 0 : i32
        %dma_wait3A_584 = tpu.memref_slice %arg4[%mul3A_580, %dma_wait3A_583] : memref<320000x128xf32, #tpu.memory_space<hbm>> -> memref<128x128xf32, #tpu.memory_space<hbm>>
        tpu.wait_dma2 semaphore(%arg17 : memref<!tpu.dma_semaphore, #tpu.memory_space<semaphore_mem>>) src(%dma_wait3A_584 : memref<128x128xf32, #tpu.memory_space<hbm>>) dst(%arg11 : memref<128x128xf32, #tpu.memory_space<vmem>>)
        %mul3A_585 = arith.constant 160 : i32
        %mul3A_586 = arith.muli %arg1, %mul3A_585 : i32
        %mul3A_587 = arith.constant 16 : i32
        %mul3A_588 = arith.muli %scan3A_46, %mul3A_587 : i32
        %add3A_589 = arith.addi %mul3A_586, %mul3A_588 : i32
        %add3A_590 = arith.constant 15 : i32
        %add3A_591 = arith.addi %add3A_589, %add3A_590 : i32
        %lt3A_592 = arith.constant 2500 : i32
        %lt3A_593 = arith.cmpi slt, %add3A_591, %lt3A_592 : i32
        %jit3A_594 = arith.constant 0 : i32
        %select_n3A_595 = arith.select %lt3A_593, %add3A_591, %jit3A_594 : i32
        %mul3A_596 = arith.constant 128 : i32
        %mul3A_597 = arith.muli %select_n3A_595, %mul3A_596 : i32
        %dma_start3A_598 = arith.constant 0 : i32
        %dma_start3A_599 = tpu.memref_slice %arg4[%mul3A_597, %dma_start3A_598] : memref<320000x128xf32, #tpu.memory_space<hbm>> -> memref<128x128xf32, #tpu.memory_space<hbm>>
        %dma_start3A_600 = arith.constant 0 : i32
        %dma_start3A_601 = tpu.memref_slice %arg4[%mul3A_597, %dma_start3A_600] : memref<320000x128xf32, #tpu.memory_space<hbm>> -> memref<128x128xf32, #tpu.memory_space<hbm>>
        tpu.enqueue_dma source(%dma_start3A_601 : memref<128x128xf32, #tpu.memory_space<hbm>>) target(%arg12 : memref<128x128xf32, #tpu.memory_space<vmem>>) target_semaphore(%arg18 : memref<!tpu.dma_semaphore, #tpu.memory_space<semaphore_mem>>)
        %run_scoped3A_602 = arith.constant 14 : i32
        "tpu.region"() ({
          %run_scoped3A_624 = tpu.sem_alloc : memref<!tpu.dma_semaphore, #tpu.memory_space<semaphore_mem>>
          %dma_start3A_625 = arith.constant 0 : i32
          %dma_start3A_626 = tpu.memref_slice %arg10[%run_scoped3A_602, %dma_start3A_625] : memref<16x128xi32, #tpu.memory_space<vmem>> -> memref<1x128xi32, #tpu.memory_space<vmem>>
          %dma_start3A_627 = tpu.memref_squeeze %dma_start3A_626 : memref<1x128xi32, #tpu.memory_space<vmem>> -> memref<128xi32, #tpu.memory_space<vmem>>
          %dma_start3A_628 = arith.constant 0 : i32
          %dma_start3A_629 = arith.constant 0 : i32
          %dma_start3A_630 = tpu.memref_slice %arg15[%dma_start3A_628, %dma_start3A_629] : memref<10240x128xf32, #tpu.memory_space<vmem_shared>> -> memref<10240x128xf32, #tpu.memory_space<vmem_shared>>
          tpu.enqueue_indirect_dma source(%arg11 : memref<128x128xf32, #tpu.memory_space<vmem>>) target(%dma_start3A_630 : memref<10240x128xf32, #tpu.memory_space<vmem_shared>>) offsets(%dma_start3A_627 : memref<128xi32, #tpu.memory_space<vmem>>) semaphore(%run_scoped3A_624 : memref<!tpu.dma_semaphore, #tpu.memory_space<semaphore_mem>>) {add = true}
          %dma_wait3A_631 = arith.constant 0 : i32
          %dma_wait3A_632 = tpu.memref_slice %arg10[%run_scoped3A_602, %dma_wait3A_631] : memref<16x128xi32, #tpu.memory_space<vmem>> -> memref<1x128xi32, #tpu.memory_space<vmem>>
          %dma_wait3A_633 = tpu.memref_squeeze %dma_wait3A_632 : memref<1x128xi32, #tpu.memory_space<vmem>> -> memref<128xi32, #tpu.memory_space<vmem>>
          %dma_wait3A_634 = arith.constant 0 : i32
          %dma_wait3A_635 = arith.constant 0 : i32
          %dma_wait3A_636 = tpu.memref_slice %arg15[%dma_wait3A_634, %dma_wait3A_635] : memref<10240x128xf32, #tpu.memory_space<vmem_shared>> -> memref<10240x128xf32, #tpu.memory_space<vmem_shared>>
          tpu.wait_indirect_dma semaphore(%run_scoped3A_624 : memref<!tpu.dma_semaphore, #tpu.memory_space<semaphore_mem>>) src(%arg11 : memref<128x128xf32, #tpu.memory_space<vmem>>) dst(%dma_wait3A_636 : memref<10240x128xf32, #tpu.memory_space<vmem_shared>>)
          tpu.yield
        }) : () -> ()
        %run_scoped3A_603 = arith.constant 14 : i32
        "tpu.region"() ({
          %run_scoped3A_624 = tpu.sem_alloc : memref<!tpu.dma_semaphore, #tpu.memory_space<semaphore_mem>>
          %dma_start3A_625 = arith.constant 0 : i32
          %dma_start3A_626 = tpu.memref_slice %arg10[%run_scoped3A_603, %dma_start3A_625] : memref<16x128xi32, #tpu.memory_space<vmem>> -> memref<1x128xi32, #tpu.memory_space<vmem>>
          %dma_start3A_627 = tpu.memref_squeeze %dma_start3A_626 : memref<1x128xi32, #tpu.memory_space<vmem>> -> memref<128xi32, #tpu.memory_space<vmem>>
          %dma_start3A_628 = arith.constant 0 : i32
          %dma_start3A_629 = tpu.memref_slice %arg16[%dma_start3A_628] : memref<10240xf32, #tpu.memory_space<vmem_shared>> -> memref<10240xf32, #tpu.memory_space<vmem_shared>>
          tpu.enqueue_indirect_dma source(%arg13 : memref<128xf32, #tpu.memory_space<vmem>>) target(%dma_start3A_629 : memref<10240xf32, #tpu.memory_space<vmem_shared>>) offsets(%dma_start3A_627 : memref<128xi32, #tpu.memory_space<vmem>>) semaphore(%run_scoped3A_624 : memref<!tpu.dma_semaphore, #tpu.memory_space<semaphore_mem>>) {add = true}
          %dma_wait3A_630 = arith.constant 0 : i32
          %dma_wait3A_631 = tpu.memref_slice %arg10[%run_scoped3A_603, %dma_wait3A_630] : memref<16x128xi32, #tpu.memory_space<vmem>> -> memref<1x128xi32, #tpu.memory_space<vmem>>
          %dma_wait3A_632 = tpu.memref_squeeze %dma_wait3A_631 : memref<1x128xi32, #tpu.memory_space<vmem>> -> memref<128xi32, #tpu.memory_space<vmem>>
          %dma_wait3A_633 = arith.constant 0 : i32
          %dma_wait3A_634 = tpu.memref_slice %arg16[%dma_wait3A_633] : memref<10240xf32, #tpu.memory_space<vmem_shared>> -> memref<10240xf32, #tpu.memory_space<vmem_shared>>
          tpu.wait_indirect_dma semaphore(%run_scoped3A_624 : memref<!tpu.dma_semaphore, #tpu.memory_space<semaphore_mem>>) src(%arg13 : memref<128xf32, #tpu.memory_space<vmem>>) dst(%dma_wait3A_634 : memref<10240xf32, #tpu.memory_space<vmem_shared>>)
          tpu.yield
        }) : () -> ()
        %mul3A_604 = arith.constant 160 : i32
        %mul3A_605 = arith.muli %arg1, %mul3A_604 : i32
        %mul3A_606 = arith.constant 16 : i32
        %mul3A_607 = arith.muli %scan3A_46, %mul3A_606 : i32
        %add3A_608 = arith.addi %mul3A_605, %mul3A_607 : i32
        %add3A_609 = arith.constant 15 : i32
        %add3A_610 = arith.addi %add3A_608, %add3A_609 : i32
        %lt3A_611 = arith.constant 2500 : i32
        %lt3A_612 = arith.cmpi slt, %add3A_610, %lt3A_611 : i32
        %jit3A_613 = arith.constant 0 : i32
        %select_n3A_614 = arith.select %lt3A_612, %add3A_610, %jit3A_613 : i32
        %mul3A_615 = arith.constant 128 : i32
        %mul3A_616 = arith.muli %select_n3A_614, %mul3A_615 : i32
        %dma_wait3A_617 = arith.constant 0 : i32
        %dma_wait3A_618 = tpu.memref_slice %arg4[%mul3A_616, %dma_wait3A_617] : memref<320000x128xf32, #tpu.memory_space<hbm>> -> memref<128x128xf32, #tpu.memory_space<hbm>>
        %dma_wait3A_619 = arith.constant 0 : i32
        %dma_wait3A_620 = tpu.memref_slice %arg4[%mul3A_616, %dma_wait3A_619] : memref<320000x128xf32, #tpu.memory_space<hbm>> -> memref<128x128xf32, #tpu.memory_space<hbm>>
        tpu.wait_dma2 semaphore(%arg18 : memref<!tpu.dma_semaphore, #tpu.memory_space<semaphore_mem>>) src(%dma_wait3A_620 : memref<128x128xf32, #tpu.memory_space<hbm>>) dst(%arg12 : memref<128x128xf32, #tpu.memory_space<vmem>>)
        %run_scoped3A_621 = arith.constant 15 : i32
        "tpu.region"() ({
          %run_scoped3A_624 = tpu.sem_alloc : memref<!tpu.dma_semaphore, #tpu.memory_space<semaphore_mem>>
          %dma_start3A_625 = arith.constant 0 : i32
          %dma_start3A_626 = tpu.memref_slice %arg10[%run_scoped3A_621, %dma_start3A_625] : memref<16x128xi32, #tpu.memory_space<vmem>> -> memref<1x128xi32, #tpu.memory_space<vmem>>
          %dma_start3A_627 = tpu.memref_squeeze %dma_start3A_626 : memref<1x128xi32, #tpu.memory_space<vmem>> -> memref<128xi32, #tpu.memory_space<vmem>>
          %dma_start3A_628 = arith.constant 0 : i32
          %dma_start3A_629 = arith.constant 0 : i32
          %dma_start3A_630 = tpu.memref_slice %arg15[%dma_start3A_628, %dma_start3A_629] : memref<10240x128xf32, #tpu.memory_space<vmem_shared>> -> memref<10240x128xf32, #tpu.memory_space<vmem_shared>>
          tpu.enqueue_indirect_dma source(%arg12 : memref<128x128xf32, #tpu.memory_space<vmem>>) target(%dma_start3A_630 : memref<10240x128xf32, #tpu.memory_space<vmem_shared>>) offsets(%dma_start3A_627 : memref<128xi32, #tpu.memory_space<vmem>>) semaphore(%run_scoped3A_624 : memref<!tpu.dma_semaphore, #tpu.memory_space<semaphore_mem>>) {add = true}
          %dma_wait3A_631 = arith.constant 0 : i32
          %dma_wait3A_632 = tpu.memref_slice %arg10[%run_scoped3A_621, %dma_wait3A_631] : memref<16x128xi32, #tpu.memory_space<vmem>> -> memref<1x128xi32, #tpu.memory_space<vmem>>
          %dma_wait3A_633 = tpu.memref_squeeze %dma_wait3A_632 : memref<1x128xi32, #tpu.memory_space<vmem>> -> memref<128xi32, #tpu.memory_space<vmem>>
          %dma_wait3A_634 = arith.constant 0 : i32
          %dma_wait3A_635 = arith.constant 0 : i32
          %dma_wait3A_636 = tpu.memref_slice %arg15[%dma_wait3A_634, %dma_wait3A_635] : memref<10240x128xf32, #tpu.memory_space<vmem_shared>> -> memref<10240x128xf32, #tpu.memory_space<vmem_shared>>
          tpu.wait_indirect_dma semaphore(%run_scoped3A_624 : memref<!tpu.dma_semaphore, #tpu.memory_space<semaphore_mem>>) src(%arg12 : memref<128x128xf32, #tpu.memory_space<vmem>>) dst(%dma_wait3A_636 : memref<10240x128xf32, #tpu.memory_space<vmem_shared>>)
          tpu.yield
        }) : () -> ()
        %run_scoped3A_622 = arith.constant 15 : i32
        "tpu.region"() ({
          %run_scoped3A_624 = tpu.sem_alloc : memref<!tpu.dma_semaphore, #tpu.memory_space<semaphore_mem>>
          %dma_start3A_625 = arith.constant 0 : i32
          %dma_start3A_626 = tpu.memref_slice %arg10[%run_scoped3A_622, %dma_start3A_625] : memref<16x128xi32, #tpu.memory_space<vmem>> -> memref<1x128xi32, #tpu.memory_space<vmem>>
          %dma_start3A_627 = tpu.memref_squeeze %dma_start3A_626 : memref<1x128xi32, #tpu.memory_space<vmem>> -> memref<128xi32, #tpu.memory_space<vmem>>
          %dma_start3A_628 = arith.constant 0 : i32
          %dma_start3A_629 = tpu.memref_slice %arg16[%dma_start3A_628] : memref<10240xf32, #tpu.memory_space<vmem_shared>> -> memref<10240xf32, #tpu.memory_space<vmem_shared>>
          tpu.enqueue_indirect_dma source(%arg13 : memref<128xf32, #tpu.memory_space<vmem>>) target(%dma_start3A_629 : memref<10240xf32, #tpu.memory_space<vmem_shared>>) offsets(%dma_start3A_627 : memref<128xi32, #tpu.memory_space<vmem>>) semaphore(%run_scoped3A_624 : memref<!tpu.dma_semaphore, #tpu.memory_space<semaphore_mem>>) {add = true}
          %dma_wait3A_630 = arith.constant 0 : i32
          %dma_wait3A_631 = tpu.memref_slice %arg10[%run_scoped3A_622, %dma_wait3A_630] : memref<16x128xi32, #tpu.memory_space<vmem>> -> memref<1x128xi32, #tpu.memory_space<vmem>>
          %dma_wait3A_632 = tpu.memref_squeeze %dma_wait3A_631 : memref<1x128xi32, #tpu.memory_space<vmem>> -> memref<128xi32, #tpu.memory_space<vmem>>
          %dma_wait3A_633 = arith.constant 0 : i32
          %dma_wait3A_634 = tpu.memref_slice %arg16[%dma_wait3A_633] : memref<10240xf32, #tpu.memory_space<vmem_shared>> -> memref<10240xf32, #tpu.memory_space<vmem_shared>>
          tpu.wait_indirect_dma semaphore(%run_scoped3A_624 : memref<!tpu.dma_semaphore, #tpu.memory_space<semaphore_mem>>) src(%arg13 : memref<128xf32, #tpu.memory_space<vmem>>) dst(%dma_wait3A_634 : memref<10240xf32, #tpu.memory_space<vmem_shared>>)
          tpu.yield
        }) : () -> ()
        %scan3A_623 = arith.constant 0 : i32
        scf.yield %scan3A_623 : i32
      }
      %scan3A_45 = arith.constant 10 : i32
    } else {
    }
    %eq3A_23 = arith.constant 1 : i32
    %eq3A_24 = arith.cmpi eq, %arg0, %eq3A_23 : i32
    %convert_element_type3A_25 = arith.extui %eq3A_24 : i1 to i32
    %cond3A_26 = arith.constant 0 : i32
    %cond3A_27 = arith.cmpi ne, %convert_element_type3A_25, %cond3A_26 : i32
    scf.if %cond3A_27 {
      %scan3A_39 = arith.constant 0 : i32
      %scan3A_40 = arith.constant 0 : i32
      %scan3A_41 = arith.constant 10 : i32
      %scan3A_42 = arith.addi %scan3A_40, %scan3A_41 : i32
      %scan3A_43 = arith.constant 1 : i32
      %scan3A_44 = scf.for %scan3A_46 = %scan3A_40 to %scan3A_42 step %scan3A_43 iter_args(%scan3A_47 = %scan3A_39) -> (i32)  : i32 {
        %mul3A_48 = arith.constant 160 : i32
        %mul3A_49 = arith.muli %arg1, %mul3A_48 : i32
        %mul3A_50 = arith.constant 16 : i32
        %mul3A_51 = arith.muli %scan3A_46, %mul3A_50 : i32
        %add3A_52 = arith.addi %mul3A_49, %mul3A_51 : i32
        "tpu.region"() ({
          %run_scoped3A_296 = tpu.sem_alloc : memref<!tpu.dma_semaphore, #tpu.memory_space<semaphore_mem>>
          %dma_start3A_297 = arith.constant 0 : i32
          %dma_start3A_298 = tpu.memref_slice %arg2[%add3A_52, %dma_start3A_297] : memref<2560x128xi32, #tpu.memory_space<hbm>> -> memref<16x128xi32, #tpu.memory_space<hbm>>
          %dma_start3A_299 = arith.constant 0 : i32
          %dma_start3A_300 = tpu.memref_slice %arg2[%add3A_52, %dma_start3A_299] : memref<2560x128xi32, #tpu.memory_space<hbm>> -> memref<16x128xi32, #tpu.memory_space<hbm>>
          tpu.enqueue_dma source(%dma_start3A_300 : memref<16x128xi32, #tpu.memory_space<hbm>>) target(%arg9 : memref<16x128xi32, #tpu.memory_space<vmem>>) target_semaphore(%run_scoped3A_296 : memref<!tpu.dma_semaphore, #tpu.memory_space<semaphore_mem>>)
          %dma_wait3A_301 = arith.constant 0 : i32
          %dma_wait3A_302 = tpu.memref_slice %arg2[%add3A_52, %dma_wait3A_301] : memref<2560x128xi32, #tpu.memory_space<hbm>> -> memref<16x128xi32, #tpu.memory_space<hbm>>
          %dma_wait3A_303 = arith.constant 0 : i32
          %dma_wait3A_304 = tpu.memref_slice %arg2[%add3A_52, %dma_wait3A_303] : memref<2560x128xi32, #tpu.memory_space<hbm>> -> memref<16x128xi32, #tpu.memory_space<hbm>>
          tpu.wait_dma2 semaphore(%run_scoped3A_296 : memref<!tpu.dma_semaphore, #tpu.memory_space<semaphore_mem>>) src(%dma_wait3A_304 : memref<16x128xi32, #tpu.memory_space<hbm>>) dst(%arg9 : memref<16x128xi32, #tpu.memory_space<vmem>>)
          tpu.yield
        }) : () -> ()
        %mul3A_53 = arith.constant 160 : i32
        %mul3A_54 = arith.muli %arg1, %mul3A_53 : i32
        %mul3A_55 = arith.constant 16 : i32
        %mul3A_56 = arith.muli %scan3A_46, %mul3A_55 : i32
        %add3A_57 = arith.addi %mul3A_54, %mul3A_56 : i32
        "tpu.region"() ({
          %run_scoped3A_296 = tpu.sem_alloc : memref<!tpu.dma_semaphore, #tpu.memory_space<semaphore_mem>>
          %dma_start3A_297 = arith.constant 0 : i32
          %dma_start3A_298 = tpu.memref_slice %arg3[%add3A_57, %dma_start3A_297] : memref<2560x128xi32, #tpu.memory_space<hbm>> -> memref<16x128xi32, #tpu.memory_space<hbm>>
          %dma_start3A_299 = arith.constant 0 : i32
          %dma_start3A_300 = tpu.memref_slice %arg3[%add3A_57, %dma_start3A_299] : memref<2560x128xi32, #tpu.memory_space<hbm>> -> memref<16x128xi32, #tpu.memory_space<hbm>>
          tpu.enqueue_dma source(%dma_start3A_300 : memref<16x128xi32, #tpu.memory_space<hbm>>) target(%arg10 : memref<16x128xi32, #tpu.memory_space<vmem>>) target_semaphore(%run_scoped3A_296 : memref<!tpu.dma_semaphore, #tpu.memory_space<semaphore_mem>>)
          %dma_wait3A_301 = arith.constant 0 : i32
          %dma_wait3A_302 = tpu.memref_slice %arg3[%add3A_57, %dma_wait3A_301] : memref<2560x128xi32, #tpu.memory_space<hbm>> -> memref<16x128xi32, #tpu.memory_space<hbm>>
          %dma_wait3A_303 = arith.constant 0 : i32
          %dma_wait3A_304 = tpu.memref_slice %arg3[%add3A_57, %dma_wait3A_303] : memref<2560x128xi32, #tpu.memory_space<hbm>> -> memref<16x128xi32, #tpu.memory_space<hbm>>
          tpu.wait_dma2 semaphore(%run_scoped3A_296 : memref<!tpu.dma_semaphore, #tpu.memory_space<semaphore_mem>>) src(%dma_wait3A_304 : memref<16x128xi32, #tpu.memory_space<hbm>>) dst(%arg10 : memref<16x128xi32, #tpu.memory_space<vmem>>)
          tpu.yield
        }) : () -> ()
        %dma_start3A = arith.constant 0 : i32
        %dma_start3A_58 = arith.constant 0 : i32
        %dma_start3A_59 = tpu.memref_slice %arg9[%dma_start3A, %dma_start3A_58] : memref<16x128xi32, #tpu.memory_space<vmem>> -> memref<1x128xi32, #tpu.memory_space<vmem>>
        %dma_start3A_60 = tpu.memref_squeeze %dma_start3A_59 : memref<1x128xi32, #tpu.memory_space<vmem>> -> memref<128xi32, #tpu.memory_space<vmem>>
        %dma_start3A_61 = arith.constant 0 : i32
        %dma_start3A_62 = arith.constant 0 : i32
        %dma_start3A_63 = tpu.memref_slice %arg5[%dma_start3A_61, %dma_start3A_62] : memref<10240x128xf32, #tpu.memory_space<hbm>> -> memref<10240x128xf32, #tpu.memory_space<hbm>>
        tpu.enqueue_indirect_dma source(%dma_start3A_63 : memref<10240x128xf32, #tpu.memory_space<hbm>>) target(%arg11 : memref<128x128xf32, #tpu.memory_space<vmem>>) offsets(%dma_start3A_60 : memref<128xi32, #tpu.memory_space<vmem>>) semaphore(%arg17 : memref<!tpu.dma_semaphore, #tpu.memory_space<semaphore_mem>>)
        %dma_wait3A = arith.constant 0 : i32
        %dma_wait3A_64 = arith.constant 0 : i32
        %dma_wait3A_65 = tpu.memref_slice %arg9[%dma_wait3A, %dma_wait3A_64] : memref<16x128xi32, #tpu.memory_space<vmem>> -> memref<1x128xi32, #tpu.memory_space<vmem>>
        %dma_wait3A_66 = tpu.memref_squeeze %dma_wait3A_65 : memref<1x128xi32, #tpu.memory_space<vmem>> -> memref<128xi32, #tpu.memory_space<vmem>>
        %dma_wait3A_67 = arith.constant 0 : i32
        %dma_wait3A_68 = arith.constant 0 : i32
        %dma_wait3A_69 = tpu.memref_slice %arg5[%dma_wait3A_67, %dma_wait3A_68] : memref<10240x128xf32, #tpu.memory_space<hbm>> -> memref<10240x128xf32, #tpu.memory_space<hbm>>
        tpu.wait_indirect_dma semaphore(%arg17 : memref<!tpu.dma_semaphore, #tpu.memory_space<semaphore_mem>>) src(%dma_wait3A_69 : memref<10240x128xf32, #tpu.memory_space<hbm>>) dst(%arg11 : memref<128x128xf32, #tpu.memory_space<vmem>>)
        %dma_start3A_70 = arith.constant 1 : i32
        %dma_start3A_71 = arith.constant 0 : i32
        %dma_start3A_72 = tpu.memref_slice %arg9[%dma_start3A_70, %dma_start3A_71] : memref<16x128xi32, #tpu.memory_space<vmem>> -> memref<1x128xi32, #tpu.memory_space<vmem>>
        %dma_start3A_73 = tpu.memref_squeeze %dma_start3A_72 : memref<1x128xi32, #tpu.memory_space<vmem>> -> memref<128xi32, #tpu.memory_space<vmem>>
        %dma_start3A_74 = arith.constant 0 : i32
        %dma_start3A_75 = arith.constant 0 : i32
        %dma_start3A_76 = tpu.memref_slice %arg5[%dma_start3A_74, %dma_start3A_75] : memref<10240x128xf32, #tpu.memory_space<hbm>> -> memref<10240x128xf32, #tpu.memory_space<hbm>>
        tpu.enqueue_indirect_dma source(%dma_start3A_76 : memref<10240x128xf32, #tpu.memory_space<hbm>>) target(%arg12 : memref<128x128xf32, #tpu.memory_space<vmem>>) offsets(%dma_start3A_73 : memref<128xi32, #tpu.memory_space<vmem>>) semaphore(%arg18 : memref<!tpu.dma_semaphore, #tpu.memory_space<semaphore_mem>>)
        %run_scoped3A = arith.constant 0 : i32
        "tpu.region"() ({
          %run_scoped3A_296 = tpu.sem_alloc : memref<!tpu.dma_semaphore, #tpu.memory_space<semaphore_mem>>
          %dma_start3A_297 = arith.constant 0 : i32
          %dma_start3A_298 = tpu.memref_slice %arg10[%run_scoped3A, %dma_start3A_297] : memref<16x128xi32, #tpu.memory_space<vmem>> -> memref<1x128xi32, #tpu.memory_space<vmem>>
          %dma_start3A_299 = tpu.memref_squeeze %dma_start3A_298 : memref<1x128xi32, #tpu.memory_space<vmem>> -> memref<128xi32, #tpu.memory_space<vmem>>
          %dma_start3A_300 = arith.constant 0 : i32
          %dma_start3A_301 = arith.constant 0 : i32
          %dma_start3A_302 = tpu.memref_slice %arg15[%dma_start3A_300, %dma_start3A_301] : memref<10240x128xf32, #tpu.memory_space<vmem_shared>> -> memref<10240x128xf32, #tpu.memory_space<vmem_shared>>
          tpu.enqueue_indirect_dma source(%arg11 : memref<128x128xf32, #tpu.memory_space<vmem>>) target(%dma_start3A_302 : memref<10240x128xf32, #tpu.memory_space<vmem_shared>>) offsets(%dma_start3A_299 : memref<128xi32, #tpu.memory_space<vmem>>) semaphore(%run_scoped3A_296 : memref<!tpu.dma_semaphore, #tpu.memory_space<semaphore_mem>>) {add = true}
          %dma_wait3A_303 = arith.constant 0 : i32
          %dma_wait3A_304 = tpu.memref_slice %arg10[%run_scoped3A, %dma_wait3A_303] : memref<16x128xi32, #tpu.memory_space<vmem>> -> memref<1x128xi32, #tpu.memory_space<vmem>>
          %dma_wait3A_305 = tpu.memref_squeeze %dma_wait3A_304 : memref<1x128xi32, #tpu.memory_space<vmem>> -> memref<128xi32, #tpu.memory_space<vmem>>
          %dma_wait3A_306 = arith.constant 0 : i32
          %dma_wait3A_307 = arith.constant 0 : i32
          %dma_wait3A_308 = tpu.memref_slice %arg15[%dma_wait3A_306, %dma_wait3A_307] : memref<10240x128xf32, #tpu.memory_space<vmem_shared>> -> memref<10240x128xf32, #tpu.memory_space<vmem_shared>>
          tpu.wait_indirect_dma semaphore(%run_scoped3A_296 : memref<!tpu.dma_semaphore, #tpu.memory_space<semaphore_mem>>) src(%arg11 : memref<128x128xf32, #tpu.memory_space<vmem>>) dst(%dma_wait3A_308 : memref<10240x128xf32, #tpu.memory_space<vmem_shared>>)
          tpu.yield
        }) : () -> ()
        %dma_wait3A_77 = arith.constant 1 : i32
        %dma_wait3A_78 = arith.constant 0 : i32
        %dma_wait3A_79 = tpu.memref_slice %arg9[%dma_wait3A_77, %dma_wait3A_78] : memref<16x128xi32, #tpu.memory_space<vmem>> -> memref<1x128xi32, #tpu.memory_space<vmem>>
        %dma_wait3A_80 = tpu.memref_squeeze %dma_wait3A_79 : memref<1x128xi32, #tpu.memory_space<vmem>> -> memref<128xi32, #tpu.memory_space<vmem>>
        %dma_wait3A_81 = arith.constant 0 : i32
        %dma_wait3A_82 = arith.constant 0 : i32
        %dma_wait3A_83 = tpu.memref_slice %arg5[%dma_wait3A_81, %dma_wait3A_82] : memref<10240x128xf32, #tpu.memory_space<hbm>> -> memref<10240x128xf32, #tpu.memory_space<hbm>>
        tpu.wait_indirect_dma semaphore(%arg18 : memref<!tpu.dma_semaphore, #tpu.memory_space<semaphore_mem>>) src(%dma_wait3A_83 : memref<10240x128xf32, #tpu.memory_space<hbm>>) dst(%arg12 : memref<128x128xf32, #tpu.memory_space<vmem>>)
        %dma_start3A_84 = arith.constant 2 : i32
        %dma_start3A_85 = arith.constant 0 : i32
        %dma_start3A_86 = tpu.memref_slice %arg9[%dma_start3A_84, %dma_start3A_85] : memref<16x128xi32, #tpu.memory_space<vmem>> -> memref<1x128xi32, #tpu.memory_space<vmem>>
        %dma_start3A_87 = tpu.memref_squeeze %dma_start3A_86 : memref<1x128xi32, #tpu.memory_space<vmem>> -> memref<128xi32, #tpu.memory_space<vmem>>
        %dma_start3A_88 = arith.constant 0 : i32
        %dma_start3A_89 = arith.constant 0 : i32
        %dma_start3A_90 = tpu.memref_slice %arg5[%dma_start3A_88, %dma_start3A_89] : memref<10240x128xf32, #tpu.memory_space<hbm>> -> memref<10240x128xf32, #tpu.memory_space<hbm>>
        tpu.enqueue_indirect_dma source(%dma_start3A_90 : memref<10240x128xf32, #tpu.memory_space<hbm>>) target(%arg11 : memref<128x128xf32, #tpu.memory_space<vmem>>) offsets(%dma_start3A_87 : memref<128xi32, #tpu.memory_space<vmem>>) semaphore(%arg17 : memref<!tpu.dma_semaphore, #tpu.memory_space<semaphore_mem>>)
        %run_scoped3A_91 = arith.constant 1 : i32
        "tpu.region"() ({
          %run_scoped3A_296 = tpu.sem_alloc : memref<!tpu.dma_semaphore, #tpu.memory_space<semaphore_mem>>
          %dma_start3A_297 = arith.constant 0 : i32
          %dma_start3A_298 = tpu.memref_slice %arg10[%run_scoped3A_91, %dma_start3A_297] : memref<16x128xi32, #tpu.memory_space<vmem>> -> memref<1x128xi32, #tpu.memory_space<vmem>>
          %dma_start3A_299 = tpu.memref_squeeze %dma_start3A_298 : memref<1x128xi32, #tpu.memory_space<vmem>> -> memref<128xi32, #tpu.memory_space<vmem>>
          %dma_start3A_300 = arith.constant 0 : i32
          %dma_start3A_301 = arith.constant 0 : i32
          %dma_start3A_302 = tpu.memref_slice %arg15[%dma_start3A_300, %dma_start3A_301] : memref<10240x128xf32, #tpu.memory_space<vmem_shared>> -> memref<10240x128xf32, #tpu.memory_space<vmem_shared>>
          tpu.enqueue_indirect_dma source(%arg12 : memref<128x128xf32, #tpu.memory_space<vmem>>) target(%dma_start3A_302 : memref<10240x128xf32, #tpu.memory_space<vmem_shared>>) offsets(%dma_start3A_299 : memref<128xi32, #tpu.memory_space<vmem>>) semaphore(%run_scoped3A_296 : memref<!tpu.dma_semaphore, #tpu.memory_space<semaphore_mem>>) {add = true}
          %dma_wait3A_303 = arith.constant 0 : i32
          %dma_wait3A_304 = tpu.memref_slice %arg10[%run_scoped3A_91, %dma_wait3A_303] : memref<16x128xi32, #tpu.memory_space<vmem>> -> memref<1x128xi32, #tpu.memory_space<vmem>>
          %dma_wait3A_305 = tpu.memref_squeeze %dma_wait3A_304 : memref<1x128xi32, #tpu.memory_space<vmem>> -> memref<128xi32, #tpu.memory_space<vmem>>
          %dma_wait3A_306 = arith.constant 0 : i32
          %dma_wait3A_307 = arith.constant 0 : i32
          %dma_wait3A_308 = tpu.memref_slice %arg15[%dma_wait3A_306, %dma_wait3A_307] : memref<10240x128xf32, #tpu.memory_space<vmem_shared>> -> memref<10240x128xf32, #tpu.memory_space<vmem_shared>>
          tpu.wait_indirect_dma semaphore(%run_scoped3A_296 : memref<!tpu.dma_semaphore, #tpu.memory_space<semaphore_mem>>) src(%arg12 : memref<128x128xf32, #tpu.memory_space<vmem>>) dst(%dma_wait3A_308 : memref<10240x128xf32, #tpu.memory_space<vmem_shared>>)
          tpu.yield
        }) : () -> ()
        %dma_wait3A_92 = arith.constant 2 : i32
        %dma_wait3A_93 = arith.constant 0 : i32
        %dma_wait3A_94 = tpu.memref_slice %arg9[%dma_wait3A_92, %dma_wait3A_93] : memref<16x128xi32, #tpu.memory_space<vmem>> -> memref<1x128xi32, #tpu.memory_space<vmem>>
        %dma_wait3A_95 = tpu.memref_squeeze %dma_wait3A_94 : memref<1x128xi32, #tpu.memory_space<vmem>> -> memref<128xi32, #tpu.memory_space<vmem>>
        %dma_wait3A_96 = arith.constant 0 : i32
        %dma_wait3A_97 = arith.constant 0 : i32
        %dma_wait3A_98 = tpu.memref_slice %arg5[%dma_wait3A_96, %dma_wait3A_97] : memref<10240x128xf32, #tpu.memory_space<hbm>> -> memref<10240x128xf32, #tpu.memory_space<hbm>>
        tpu.wait_indirect_dma semaphore(%arg17 : memref<!tpu.dma_semaphore, #tpu.memory_space<semaphore_mem>>) src(%dma_wait3A_98 : memref<10240x128xf32, #tpu.memory_space<hbm>>) dst(%arg11 : memref<128x128xf32, #tpu.memory_space<vmem>>)
        %dma_start3A_99 = arith.constant 3 : i32
        %dma_start3A_100 = arith.constant 0 : i32
        %dma_start3A_101 = tpu.memref_slice %arg9[%dma_start3A_99, %dma_start3A_100] : memref<16x128xi32, #tpu.memory_space<vmem>> -> memref<1x128xi32, #tpu.memory_space<vmem>>
        %dma_start3A_102 = tpu.memref_squeeze %dma_start3A_101 : memref<1x128xi32, #tpu.memory_space<vmem>> -> memref<128xi32, #tpu.memory_space<vmem>>
        %dma_start3A_103 = arith.constant 0 : i32
        %dma_start3A_104 = arith.constant 0 : i32
        %dma_start3A_105 = tpu.memref_slice %arg5[%dma_start3A_103, %dma_start3A_104] : memref<10240x128xf32, #tpu.memory_space<hbm>> -> memref<10240x128xf32, #tpu.memory_space<hbm>>
        tpu.enqueue_indirect_dma source(%dma_start3A_105 : memref<10240x128xf32, #tpu.memory_space<hbm>>) target(%arg12 : memref<128x128xf32, #tpu.memory_space<vmem>>) offsets(%dma_start3A_102 : memref<128xi32, #tpu.memory_space<vmem>>) semaphore(%arg18 : memref<!tpu.dma_semaphore, #tpu.memory_space<semaphore_mem>>)
        %run_scoped3A_106 = arith.constant 2 : i32
        "tpu.region"() ({
          %run_scoped3A_296 = tpu.sem_alloc : memref<!tpu.dma_semaphore, #tpu.memory_space<semaphore_mem>>
          %dma_start3A_297 = arith.constant 0 : i32
          %dma_start3A_298 = tpu.memref_slice %arg10[%run_scoped3A_106, %dma_start3A_297] : memref<16x128xi32, #tpu.memory_space<vmem>> -> memref<1x128xi32, #tpu.memory_space<vmem>>
          %dma_start3A_299 = tpu.memref_squeeze %dma_start3A_298 : memref<1x128xi32, #tpu.memory_space<vmem>> -> memref<128xi32, #tpu.memory_space<vmem>>
          %dma_start3A_300 = arith.constant 0 : i32
          %dma_start3A_301 = arith.constant 0 : i32
          %dma_start3A_302 = tpu.memref_slice %arg15[%dma_start3A_300, %dma_start3A_301] : memref<10240x128xf32, #tpu.memory_space<vmem_shared>> -> memref<10240x128xf32, #tpu.memory_space<vmem_shared>>
          tpu.enqueue_indirect_dma source(%arg11 : memref<128x128xf32, #tpu.memory_space<vmem>>) target(%dma_start3A_302 : memref<10240x128xf32, #tpu.memory_space<vmem_shared>>) offsets(%dma_start3A_299 : memref<128xi32, #tpu.memory_space<vmem>>) semaphore(%run_scoped3A_296 : memref<!tpu.dma_semaphore, #tpu.memory_space<semaphore_mem>>) {add = true}
          %dma_wait3A_303 = arith.constant 0 : i32
          %dma_wait3A_304 = tpu.memref_slice %arg10[%run_scoped3A_106, %dma_wait3A_303] : memref<16x128xi32, #tpu.memory_space<vmem>> -> memref<1x128xi32, #tpu.memory_space<vmem>>
          %dma_wait3A_305 = tpu.memref_squeeze %dma_wait3A_304 : memref<1x128xi32, #tpu.memory_space<vmem>> -> memref<128xi32, #tpu.memory_space<vmem>>
          %dma_wait3A_306 = arith.constant 0 : i32
          %dma_wait3A_307 = arith.constant 0 : i32
          %dma_wait3A_308 = tpu.memref_slice %arg15[%dma_wait3A_306, %dma_wait3A_307] : memref<10240x128xf32, #tpu.memory_space<vmem_shared>> -> memref<10240x128xf32, #tpu.memory_space<vmem_shared>>
          tpu.wait_indirect_dma semaphore(%run_scoped3A_296 : memref<!tpu.dma_semaphore, #tpu.memory_space<semaphore_mem>>) src(%arg11 : memref<128x128xf32, #tpu.memory_space<vmem>>) dst(%dma_wait3A_308 : memref<10240x128xf32, #tpu.memory_space<vmem_shared>>)
          tpu.yield
        }) : () -> ()
        %dma_wait3A_107 = arith.constant 3 : i32
        %dma_wait3A_108 = arith.constant 0 : i32
        %dma_wait3A_109 = tpu.memref_slice %arg9[%dma_wait3A_107, %dma_wait3A_108] : memref<16x128xi32, #tpu.memory_space<vmem>> -> memref<1x128xi32, #tpu.memory_space<vmem>>
        %dma_wait3A_110 = tpu.memref_squeeze %dma_wait3A_109 : memref<1x128xi32, #tpu.memory_space<vmem>> -> memref<128xi32, #tpu.memory_space<vmem>>
        %dma_wait3A_111 = arith.constant 0 : i32
        %dma_wait3A_112 = arith.constant 0 : i32
        %dma_wait3A_113 = tpu.memref_slice %arg5[%dma_wait3A_111, %dma_wait3A_112] : memref<10240x128xf32, #tpu.memory_space<hbm>> -> memref<10240x128xf32, #tpu.memory_space<hbm>>
        tpu.wait_indirect_dma semaphore(%arg18 : memref<!tpu.dma_semaphore, #tpu.memory_space<semaphore_mem>>) src(%dma_wait3A_113 : memref<10240x128xf32, #tpu.memory_space<hbm>>) dst(%arg12 : memref<128x128xf32, #tpu.memory_space<vmem>>)
        %dma_start3A_114 = arith.constant 4 : i32
        %dma_start3A_115 = arith.constant 0 : i32
        %dma_start3A_116 = tpu.memref_slice %arg9[%dma_start3A_114, %dma_start3A_115] : memref<16x128xi32, #tpu.memory_space<vmem>> -> memref<1x128xi32, #tpu.memory_space<vmem>>
        %dma_start3A_117 = tpu.memref_squeeze %dma_start3A_116 : memref<1x128xi32, #tpu.memory_space<vmem>> -> memref<128xi32, #tpu.memory_space<vmem>>
        %dma_start3A_118 = arith.constant 0 : i32
        %dma_start3A_119 = arith.constant 0 : i32
        %dma_start3A_120 = tpu.memref_slice %arg5[%dma_start3A_118, %dma_start3A_119] : memref<10240x128xf32, #tpu.memory_space<hbm>> -> memref<10240x128xf32, #tpu.memory_space<hbm>>
        tpu.enqueue_indirect_dma source(%dma_start3A_120 : memref<10240x128xf32, #tpu.memory_space<hbm>>) target(%arg11 : memref<128x128xf32, #tpu.memory_space<vmem>>) offsets(%dma_start3A_117 : memref<128xi32, #tpu.memory_space<vmem>>) semaphore(%arg17 : memref<!tpu.dma_semaphore, #tpu.memory_space<semaphore_mem>>)
        %run_scoped3A_121 = arith.constant 3 : i32
        "tpu.region"() ({
          %run_scoped3A_296 = tpu.sem_alloc : memref<!tpu.dma_semaphore, #tpu.memory_space<semaphore_mem>>
          %dma_start3A_297 = arith.constant 0 : i32
          %dma_start3A_298 = tpu.memref_slice %arg10[%run_scoped3A_121, %dma_start3A_297] : memref<16x128xi32, #tpu.memory_space<vmem>> -> memref<1x128xi32, #tpu.memory_space<vmem>>
          %dma_start3A_299 = tpu.memref_squeeze %dma_start3A_298 : memref<1x128xi32, #tpu.memory_space<vmem>> -> memref<128xi32, #tpu.memory_space<vmem>>
          %dma_start3A_300 = arith.constant 0 : i32
          %dma_start3A_301 = arith.constant 0 : i32
          %dma_start3A_302 = tpu.memref_slice %arg15[%dma_start3A_300, %dma_start3A_301] : memref<10240x128xf32, #tpu.memory_space<vmem_shared>> -> memref<10240x128xf32, #tpu.memory_space<vmem_shared>>
          tpu.enqueue_indirect_dma source(%arg12 : memref<128x128xf32, #tpu.memory_space<vmem>>) target(%dma_start3A_302 : memref<10240x128xf32, #tpu.memory_space<vmem_shared>>) offsets(%dma_start3A_299 : memref<128xi32, #tpu.memory_space<vmem>>) semaphore(%run_scoped3A_296 : memref<!tpu.dma_semaphore, #tpu.memory_space<semaphore_mem>>) {add = true}
          %dma_wait3A_303 = arith.constant 0 : i32
          %dma_wait3A_304 = tpu.memref_slice %arg10[%run_scoped3A_121, %dma_wait3A_303] : memref<16x128xi32, #tpu.memory_space<vmem>> -> memref<1x128xi32, #tpu.memory_space<vmem>>
          %dma_wait3A_305 = tpu.memref_squeeze %dma_wait3A_304 : memref<1x128xi32, #tpu.memory_space<vmem>> -> memref<128xi32, #tpu.memory_space<vmem>>
          %dma_wait3A_306 = arith.constant 0 : i32
          %dma_wait3A_307 = arith.constant 0 : i32
          %dma_wait3A_308 = tpu.memref_slice %arg15[%dma_wait3A_306, %dma_wait3A_307] : memref<10240x128xf32, #tpu.memory_space<vmem_shared>> -> memref<10240x128xf32, #tpu.memory_space<vmem_shared>>
          tpu.wait_indirect_dma semaphore(%run_scoped3A_296 : memref<!tpu.dma_semaphore, #tpu.memory_space<semaphore_mem>>) src(%arg12 : memref<128x128xf32, #tpu.memory_space<vmem>>) dst(%dma_wait3A_308 : memref<10240x128xf32, #tpu.memory_space<vmem_shared>>)
          tpu.yield
        }) : () -> ()
        %dma_wait3A_122 = arith.constant 4 : i32
        %dma_wait3A_123 = arith.constant 0 : i32
        %dma_wait3A_124 = tpu.memref_slice %arg9[%dma_wait3A_122, %dma_wait3A_123] : memref<16x128xi32, #tpu.memory_space<vmem>> -> memref<1x128xi32, #tpu.memory_space<vmem>>
        %dma_wait3A_125 = tpu.memref_squeeze %dma_wait3A_124 : memref<1x128xi32, #tpu.memory_space<vmem>> -> memref<128xi32, #tpu.memory_space<vmem>>
        %dma_wait3A_126 = arith.constant 0 : i32
        %dma_wait3A_127 = arith.constant 0 : i32
        %dma_wait3A_128 = tpu.memref_slice %arg5[%dma_wait3A_126, %dma_wait3A_127] : memref<10240x128xf32, #tpu.memory_space<hbm>> -> memref<10240x128xf32, #tpu.memory_space<hbm>>
        tpu.wait_indirect_dma semaphore(%arg17 : memref<!tpu.dma_semaphore, #tpu.memory_space<semaphore_mem>>) src(%dma_wait3A_128 : memref<10240x128xf32, #tpu.memory_space<hbm>>) dst(%arg11 : memref<128x128xf32, #tpu.memory_space<vmem>>)
        %dma_start3A_129 = arith.constant 5 : i32
        %dma_start3A_130 = arith.constant 0 : i32
        %dma_start3A_131 = tpu.memref_slice %arg9[%dma_start3A_129, %dma_start3A_130] : memref<16x128xi32, #tpu.memory_space<vmem>> -> memref<1x128xi32, #tpu.memory_space<vmem>>
        %dma_start3A_132 = tpu.memref_squeeze %dma_start3A_131 : memref<1x128xi32, #tpu.memory_space<vmem>> -> memref<128xi32, #tpu.memory_space<vmem>>
        %dma_start3A_133 = arith.constant 0 : i32
        %dma_start3A_134 = arith.constant 0 : i32
        %dma_start3A_135 = tpu.memref_slice %arg5[%dma_start3A_133, %dma_start3A_134] : memref<10240x128xf32, #tpu.memory_space<hbm>> -> memref<10240x128xf32, #tpu.memory_space<hbm>>
        tpu.enqueue_indirect_dma source(%dma_start3A_135 : memref<10240x128xf32, #tpu.memory_space<hbm>>) target(%arg12 : memref<128x128xf32, #tpu.memory_space<vmem>>) offsets(%dma_start3A_132 : memref<128xi32, #tpu.memory_space<vmem>>) semaphore(%arg18 : memref<!tpu.dma_semaphore, #tpu.memory_space<semaphore_mem>>)
        %run_scoped3A_136 = arith.constant 4 : i32
        "tpu.region"() ({
          %run_scoped3A_296 = tpu.sem_alloc : memref<!tpu.dma_semaphore, #tpu.memory_space<semaphore_mem>>
          %dma_start3A_297 = arith.constant 0 : i32
          %dma_start3A_298 = tpu.memref_slice %arg10[%run_scoped3A_136, %dma_start3A_297] : memref<16x128xi32, #tpu.memory_space<vmem>> -> memref<1x128xi32, #tpu.memory_space<vmem>>
          %dma_start3A_299 = tpu.memref_squeeze %dma_start3A_298 : memref<1x128xi32, #tpu.memory_space<vmem>> -> memref<128xi32, #tpu.memory_space<vmem>>
          %dma_start3A_300 = arith.constant 0 : i32
          %dma_start3A_301 = arith.constant 0 : i32
          %dma_start3A_302 = tpu.memref_slice %arg15[%dma_start3A_300, %dma_start3A_301] : memref<10240x128xf32, #tpu.memory_space<vmem_shared>> -> memref<10240x128xf32, #tpu.memory_space<vmem_shared>>
          tpu.enqueue_indirect_dma source(%arg11 : memref<128x128xf32, #tpu.memory_space<vmem>>) target(%dma_start3A_302 : memref<10240x128xf32, #tpu.memory_space<vmem_shared>>) offsets(%dma_start3A_299 : memref<128xi32, #tpu.memory_space<vmem>>) semaphore(%run_scoped3A_296 : memref<!tpu.dma_semaphore, #tpu.memory_space<semaphore_mem>>) {add = true}
          %dma_wait3A_303 = arith.constant 0 : i32
          %dma_wait3A_304 = tpu.memref_slice %arg10[%run_scoped3A_136, %dma_wait3A_303] : memref<16x128xi32, #tpu.memory_space<vmem>> -> memref<1x128xi32, #tpu.memory_space<vmem>>
          %dma_wait3A_305 = tpu.memref_squeeze %dma_wait3A_304 : memref<1x128xi32, #tpu.memory_space<vmem>> -> memref<128xi32, #tpu.memory_space<vmem>>
          %dma_wait3A_306 = arith.constant 0 : i32
          %dma_wait3A_307 = arith.constant 0 : i32
          %dma_wait3A_308 = tpu.memref_slice %arg15[%dma_wait3A_306, %dma_wait3A_307] : memref<10240x128xf32, #tpu.memory_space<vmem_shared>> -> memref<10240x128xf32, #tpu.memory_space<vmem_shared>>
          tpu.wait_indirect_dma semaphore(%run_scoped3A_296 : memref<!tpu.dma_semaphore, #tpu.memory_space<semaphore_mem>>) src(%arg11 : memref<128x128xf32, #tpu.memory_space<vmem>>) dst(%dma_wait3A_308 : memref<10240x128xf32, #tpu.memory_space<vmem_shared>>)
          tpu.yield
        }) : () -> ()
        %dma_wait3A_137 = arith.constant 5 : i32
        %dma_wait3A_138 = arith.constant 0 : i32
        %dma_wait3A_139 = tpu.memref_slice %arg9[%dma_wait3A_137, %dma_wait3A_138] : memref<16x128xi32, #tpu.memory_space<vmem>> -> memref<1x128xi32, #tpu.memory_space<vmem>>
        %dma_wait3A_140 = tpu.memref_squeeze %dma_wait3A_139 : memref<1x128xi32, #tpu.memory_space<vmem>> -> memref<128xi32, #tpu.memory_space<vmem>>
        %dma_wait3A_141 = arith.constant 0 : i32
        %dma_wait3A_142 = arith.constant 0 : i32
        %dma_wait3A_143 = tpu.memref_slice %arg5[%dma_wait3A_141, %dma_wait3A_142] : memref<10240x128xf32, #tpu.memory_space<hbm>> -> memref<10240x128xf32, #tpu.memory_space<hbm>>
        tpu.wait_indirect_dma semaphore(%arg18 : memref<!tpu.dma_semaphore, #tpu.memory_space<semaphore_mem>>) src(%dma_wait3A_143 : memref<10240x128xf32, #tpu.memory_space<hbm>>) dst(%arg12 : memref<128x128xf32, #tpu.memory_space<vmem>>)
        %dma_start3A_144 = arith.constant 6 : i32
        %dma_start3A_145 = arith.constant 0 : i32
        %dma_start3A_146 = tpu.memref_slice %arg9[%dma_start3A_144, %dma_start3A_145] : memref<16x128xi32, #tpu.memory_space<vmem>> -> memref<1x128xi32, #tpu.memory_space<vmem>>
        %dma_start3A_147 = tpu.memref_squeeze %dma_start3A_146 : memref<1x128xi32, #tpu.memory_space<vmem>> -> memref<128xi32, #tpu.memory_space<vmem>>
        %dma_start3A_148 = arith.constant 0 : i32
        %dma_start3A_149 = arith.constant 0 : i32
        %dma_start3A_150 = tpu.memref_slice %arg5[%dma_start3A_148, %dma_start3A_149] : memref<10240x128xf32, #tpu.memory_space<hbm>> -> memref<10240x128xf32, #tpu.memory_space<hbm>>
        tpu.enqueue_indirect_dma source(%dma_start3A_150 : memref<10240x128xf32, #tpu.memory_space<hbm>>) target(%arg11 : memref<128x128xf32, #tpu.memory_space<vmem>>) offsets(%dma_start3A_147 : memref<128xi32, #tpu.memory_space<vmem>>) semaphore(%arg17 : memref<!tpu.dma_semaphore, #tpu.memory_space<semaphore_mem>>)
        %run_scoped3A_151 = arith.constant 5 : i32
        "tpu.region"() ({
          %run_scoped3A_296 = tpu.sem_alloc : memref<!tpu.dma_semaphore, #tpu.memory_space<semaphore_mem>>
          %dma_start3A_297 = arith.constant 0 : i32
          %dma_start3A_298 = tpu.memref_slice %arg10[%run_scoped3A_151, %dma_start3A_297] : memref<16x128xi32, #tpu.memory_space<vmem>> -> memref<1x128xi32, #tpu.memory_space<vmem>>
          %dma_start3A_299 = tpu.memref_squeeze %dma_start3A_298 : memref<1x128xi32, #tpu.memory_space<vmem>> -> memref<128xi32, #tpu.memory_space<vmem>>
          %dma_start3A_300 = arith.constant 0 : i32
          %dma_start3A_301 = arith.constant 0 : i32
          %dma_start3A_302 = tpu.memref_slice %arg15[%dma_start3A_300, %dma_start3A_301] : memref<10240x128xf32, #tpu.memory_space<vmem_shared>> -> memref<10240x128xf32, #tpu.memory_space<vmem_shared>>
          tpu.enqueue_indirect_dma source(%arg12 : memref<128x128xf32, #tpu.memory_space<vmem>>) target(%dma_start3A_302 : memref<10240x128xf32, #tpu.memory_space<vmem_shared>>) offsets(%dma_start3A_299 : memref<128xi32, #tpu.memory_space<vmem>>) semaphore(%run_scoped3A_296 : memref<!tpu.dma_semaphore, #tpu.memory_space<semaphore_mem>>) {add = true}
          %dma_wait3A_303 = arith.constant 0 : i32
          %dma_wait3A_304 = tpu.memref_slice %arg10[%run_scoped3A_151, %dma_wait3A_303] : memref<16x128xi32, #tpu.memory_space<vmem>> -> memref<1x128xi32, #tpu.memory_space<vmem>>
          %dma_wait3A_305 = tpu.memref_squeeze %dma_wait3A_304 : memref<1x128xi32, #tpu.memory_space<vmem>> -> memref<128xi32, #tpu.memory_space<vmem>>
          %dma_wait3A_306 = arith.constant 0 : i32
          %dma_wait3A_307 = arith.constant 0 : i32
          %dma_wait3A_308 = tpu.memref_slice %arg15[%dma_wait3A_306, %dma_wait3A_307] : memref<10240x128xf32, #tpu.memory_space<vmem_shared>> -> memref<10240x128xf32, #tpu.memory_space<vmem_shared>>
          tpu.wait_indirect_dma semaphore(%run_scoped3A_296 : memref<!tpu.dma_semaphore, #tpu.memory_space<semaphore_mem>>) src(%arg12 : memref<128x128xf32, #tpu.memory_space<vmem>>) dst(%dma_wait3A_308 : memref<10240x128xf32, #tpu.memory_space<vmem_shared>>)
          tpu.yield
        }) : () -> ()
        %dma_wait3A_152 = arith.constant 6 : i32
        %dma_wait3A_153 = arith.constant 0 : i32
        %dma_wait3A_154 = tpu.memref_slice %arg9[%dma_wait3A_152, %dma_wait3A_153] : memref<16x128xi32, #tpu.memory_space<vmem>> -> memref<1x128xi32, #tpu.memory_space<vmem>>
        %dma_wait3A_155 = tpu.memref_squeeze %dma_wait3A_154 : memref<1x128xi32, #tpu.memory_space<vmem>> -> memref<128xi32, #tpu.memory_space<vmem>>
        %dma_wait3A_156 = arith.constant 0 : i32
        %dma_wait3A_157 = arith.constant 0 : i32
        %dma_wait3A_158 = tpu.memref_slice %arg5[%dma_wait3A_156, %dma_wait3A_157] : memref<10240x128xf32, #tpu.memory_space<hbm>> -> memref<10240x128xf32, #tpu.memory_space<hbm>>
        tpu.wait_indirect_dma semaphore(%arg17 : memref<!tpu.dma_semaphore, #tpu.memory_space<semaphore_mem>>) src(%dma_wait3A_158 : memref<10240x128xf32, #tpu.memory_space<hbm>>) dst(%arg11 : memref<128x128xf32, #tpu.memory_space<vmem>>)
        %dma_start3A_159 = arith.constant 7 : i32
        %dma_start3A_160 = arith.constant 0 : i32
        %dma_start3A_161 = tpu.memref_slice %arg9[%dma_start3A_159, %dma_start3A_160] : memref<16x128xi32, #tpu.memory_space<vmem>> -> memref<1x128xi32, #tpu.memory_space<vmem>>
        %dma_start3A_162 = tpu.memref_squeeze %dma_start3A_161 : memref<1x128xi32, #tpu.memory_space<vmem>> -> memref<128xi32, #tpu.memory_space<vmem>>
        %dma_start3A_163 = arith.constant 0 : i32
        %dma_start3A_164 = arith.constant 0 : i32
        %dma_start3A_165 = tpu.memref_slice %arg5[%dma_start3A_163, %dma_start3A_164] : memref<10240x128xf32, #tpu.memory_space<hbm>> -> memref<10240x128xf32, #tpu.memory_space<hbm>>
        tpu.enqueue_indirect_dma source(%dma_start3A_165 : memref<10240x128xf32, #tpu.memory_space<hbm>>) target(%arg12 : memref<128x128xf32, #tpu.memory_space<vmem>>) offsets(%dma_start3A_162 : memref<128xi32, #tpu.memory_space<vmem>>) semaphore(%arg18 : memref<!tpu.dma_semaphore, #tpu.memory_space<semaphore_mem>>)
        %run_scoped3A_166 = arith.constant 6 : i32
        "tpu.region"() ({
          %run_scoped3A_296 = tpu.sem_alloc : memref<!tpu.dma_semaphore, #tpu.memory_space<semaphore_mem>>
          %dma_start3A_297 = arith.constant 0 : i32
          %dma_start3A_298 = tpu.memref_slice %arg10[%run_scoped3A_166, %dma_start3A_297] : memref<16x128xi32, #tpu.memory_space<vmem>> -> memref<1x128xi32, #tpu.memory_space<vmem>>
          %dma_start3A_299 = tpu.memref_squeeze %dma_start3A_298 : memref<1x128xi32, #tpu.memory_space<vmem>> -> memref<128xi32, #tpu.memory_space<vmem>>
          %dma_start3A_300 = arith.constant 0 : i32
          %dma_start3A_301 = arith.constant 0 : i32
          %dma_start3A_302 = tpu.memref_slice %arg15[%dma_start3A_300, %dma_start3A_301] : memref<10240x128xf32, #tpu.memory_space<vmem_shared>> -> memref<10240x128xf32, #tpu.memory_space<vmem_shared>>
          tpu.enqueue_indirect_dma source(%arg11 : memref<128x128xf32, #tpu.memory_space<vmem>>) target(%dma_start3A_302 : memref<10240x128xf32, #tpu.memory_space<vmem_shared>>) offsets(%dma_start3A_299 : memref<128xi32, #tpu.memory_space<vmem>>) semaphore(%run_scoped3A_296 : memref<!tpu.dma_semaphore, #tpu.memory_space<semaphore_mem>>) {add = true}
          %dma_wait3A_303 = arith.constant 0 : i32
          %dma_wait3A_304 = tpu.memref_slice %arg10[%run_scoped3A_166, %dma_wait3A_303] : memref<16x128xi32, #tpu.memory_space<vmem>> -> memref<1x128xi32, #tpu.memory_space<vmem>>
          %dma_wait3A_305 = tpu.memref_squeeze %dma_wait3A_304 : memref<1x128xi32, #tpu.memory_space<vmem>> -> memref<128xi32, #tpu.memory_space<vmem>>
          %dma_wait3A_306 = arith.constant 0 : i32
          %dma_wait3A_307 = arith.constant 0 : i32
          %dma_wait3A_308 = tpu.memref_slice %arg15[%dma_wait3A_306, %dma_wait3A_307] : memref<10240x128xf32, #tpu.memory_space<vmem_shared>> -> memref<10240x128xf32, #tpu.memory_space<vmem_shared>>
          tpu.wait_indirect_dma semaphore(%run_scoped3A_296 : memref<!tpu.dma_semaphore, #tpu.memory_space<semaphore_mem>>) src(%arg11 : memref<128x128xf32, #tpu.memory_space<vmem>>) dst(%dma_wait3A_308 : memref<10240x128xf32, #tpu.memory_space<vmem_shared>>)
          tpu.yield
        }) : () -> ()
        %dma_wait3A_167 = arith.constant 7 : i32
        %dma_wait3A_168 = arith.constant 0 : i32
        %dma_wait3A_169 = tpu.memref_slice %arg9[%dma_wait3A_167, %dma_wait3A_168] : memref<16x128xi32, #tpu.memory_space<vmem>> -> memref<1x128xi32, #tpu.memory_space<vmem>>
        %dma_wait3A_170 = tpu.memref_squeeze %dma_wait3A_169 : memref<1x128xi32, #tpu.memory_space<vmem>> -> memref<128xi32, #tpu.memory_space<vmem>>
        %dma_wait3A_171 = arith.constant 0 : i32
        %dma_wait3A_172 = arith.constant 0 : i32
        %dma_wait3A_173 = tpu.memref_slice %arg5[%dma_wait3A_171, %dma_wait3A_172] : memref<10240x128xf32, #tpu.memory_space<hbm>> -> memref<10240x128xf32, #tpu.memory_space<hbm>>
        tpu.wait_indirect_dma semaphore(%arg18 : memref<!tpu.dma_semaphore, #tpu.memory_space<semaphore_mem>>) src(%dma_wait3A_173 : memref<10240x128xf32, #tpu.memory_space<hbm>>) dst(%arg12 : memref<128x128xf32, #tpu.memory_space<vmem>>)
        %dma_start3A_174 = arith.constant 8 : i32
        %dma_start3A_175 = arith.constant 0 : i32
        %dma_start3A_176 = tpu.memref_slice %arg9[%dma_start3A_174, %dma_start3A_175] : memref<16x128xi32, #tpu.memory_space<vmem>> -> memref<1x128xi32, #tpu.memory_space<vmem>>
        %dma_start3A_177 = tpu.memref_squeeze %dma_start3A_176 : memref<1x128xi32, #tpu.memory_space<vmem>> -> memref<128xi32, #tpu.memory_space<vmem>>
        %dma_start3A_178 = arith.constant 0 : i32
        %dma_start3A_179 = arith.constant 0 : i32
        %dma_start3A_180 = tpu.memref_slice %arg5[%dma_start3A_178, %dma_start3A_179] : memref<10240x128xf32, #tpu.memory_space<hbm>> -> memref<10240x128xf32, #tpu.memory_space<hbm>>
        tpu.enqueue_indirect_dma source(%dma_start3A_180 : memref<10240x128xf32, #tpu.memory_space<hbm>>) target(%arg11 : memref<128x128xf32, #tpu.memory_space<vmem>>) offsets(%dma_start3A_177 : memref<128xi32, #tpu.memory_space<vmem>>) semaphore(%arg17 : memref<!tpu.dma_semaphore, #tpu.memory_space<semaphore_mem>>)
        %run_scoped3A_181 = arith.constant 7 : i32
        "tpu.region"() ({
          %run_scoped3A_296 = tpu.sem_alloc : memref<!tpu.dma_semaphore, #tpu.memory_space<semaphore_mem>>
          %dma_start3A_297 = arith.constant 0 : i32
          %dma_start3A_298 = tpu.memref_slice %arg10[%run_scoped3A_181, %dma_start3A_297] : memref<16x128xi32, #tpu.memory_space<vmem>> -> memref<1x128xi32, #tpu.memory_space<vmem>>
          %dma_start3A_299 = tpu.memref_squeeze %dma_start3A_298 : memref<1x128xi32, #tpu.memory_space<vmem>> -> memref<128xi32, #tpu.memory_space<vmem>>
          %dma_start3A_300 = arith.constant 0 : i32
          %dma_start3A_301 = arith.constant 0 : i32
          %dma_start3A_302 = tpu.memref_slice %arg15[%dma_start3A_300, %dma_start3A_301] : memref<10240x128xf32, #tpu.memory_space<vmem_shared>> -> memref<10240x128xf32, #tpu.memory_space<vmem_shared>>
          tpu.enqueue_indirect_dma source(%arg12 : memref<128x128xf32, #tpu.memory_space<vmem>>) target(%dma_start3A_302 : memref<10240x128xf32, #tpu.memory_space<vmem_shared>>) offsets(%dma_start3A_299 : memref<128xi32, #tpu.memory_space<vmem>>) semaphore(%run_scoped3A_296 : memref<!tpu.dma_semaphore, #tpu.memory_space<semaphore_mem>>) {add = true}
          %dma_wait3A_303 = arith.constant 0 : i32
          %dma_wait3A_304 = tpu.memref_slice %arg10[%run_scoped3A_181, %dma_wait3A_303] : memref<16x128xi32, #tpu.memory_space<vmem>> -> memref<1x128xi32, #tpu.memory_space<vmem>>
          %dma_wait3A_305 = tpu.memref_squeeze %dma_wait3A_304 : memref<1x128xi32, #tpu.memory_space<vmem>> -> memref<128xi32, #tpu.memory_space<vmem>>
          %dma_wait3A_306 = arith.constant 0 : i32
          %dma_wait3A_307 = arith.constant 0 : i32
          %dma_wait3A_308 = tpu.memref_slice %arg15[%dma_wait3A_306, %dma_wait3A_307] : memref<10240x128xf32, #tpu.memory_space<vmem_shared>> -> memref<10240x128xf32, #tpu.memory_space<vmem_shared>>
          tpu.wait_indirect_dma semaphore(%run_scoped3A_296 : memref<!tpu.dma_semaphore, #tpu.memory_space<semaphore_mem>>) src(%arg12 : memref<128x128xf32, #tpu.memory_space<vmem>>) dst(%dma_wait3A_308 : memref<10240x128xf32, #tpu.memory_space<vmem_shared>>)
          tpu.yield
        }) : () -> ()
        %dma_wait3A_182 = arith.constant 8 : i32
        %dma_wait3A_183 = arith.constant 0 : i32
        %dma_wait3A_184 = tpu.memref_slice %arg9[%dma_wait3A_182, %dma_wait3A_183] : memref<16x128xi32, #tpu.memory_space<vmem>> -> memref<1x128xi32, #tpu.memory_space<vmem>>
        %dma_wait3A_185 = tpu.memref_squeeze %dma_wait3A_184 : memref<1x128xi32, #tpu.memory_space<vmem>> -> memref<128xi32, #tpu.memory_space<vmem>>
        %dma_wait3A_186 = arith.constant 0 : i32
        %dma_wait3A_187 = arith.constant 0 : i32
        %dma_wait3A_188 = tpu.memref_slice %arg5[%dma_wait3A_186, %dma_wait3A_187] : memref<10240x128xf32, #tpu.memory_space<hbm>> -> memref<10240x128xf32, #tpu.memory_space<hbm>>
        tpu.wait_indirect_dma semaphore(%arg17 : memref<!tpu.dma_semaphore, #tpu.memory_space<semaphore_mem>>) src(%dma_wait3A_188 : memref<10240x128xf32, #tpu.memory_space<hbm>>) dst(%arg11 : memref<128x128xf32, #tpu.memory_space<vmem>>)
        %dma_start3A_189 = arith.constant 9 : i32
        %dma_start3A_190 = arith.constant 0 : i32
        %dma_start3A_191 = tpu.memref_slice %arg9[%dma_start3A_189, %dma_start3A_190] : memref<16x128xi32, #tpu.memory_space<vmem>> -> memref<1x128xi32, #tpu.memory_space<vmem>>
        %dma_start3A_192 = tpu.memref_squeeze %dma_start3A_191 : memref<1x128xi32, #tpu.memory_space<vmem>> -> memref<128xi32, #tpu.memory_space<vmem>>
        %dma_start3A_193 = arith.constant 0 : i32
        %dma_start3A_194 = arith.constant 0 : i32
        %dma_start3A_195 = tpu.memref_slice %arg5[%dma_start3A_193, %dma_start3A_194] : memref<10240x128xf32, #tpu.memory_space<hbm>> -> memref<10240x128xf32, #tpu.memory_space<hbm>>
        tpu.enqueue_indirect_dma source(%dma_start3A_195 : memref<10240x128xf32, #tpu.memory_space<hbm>>) target(%arg12 : memref<128x128xf32, #tpu.memory_space<vmem>>) offsets(%dma_start3A_192 : memref<128xi32, #tpu.memory_space<vmem>>) semaphore(%arg18 : memref<!tpu.dma_semaphore, #tpu.memory_space<semaphore_mem>>)
        %run_scoped3A_196 = arith.constant 8 : i32
        "tpu.region"() ({
          %run_scoped3A_296 = tpu.sem_alloc : memref<!tpu.dma_semaphore, #tpu.memory_space<semaphore_mem>>
          %dma_start3A_297 = arith.constant 0 : i32
          %dma_start3A_298 = tpu.memref_slice %arg10[%run_scoped3A_196, %dma_start3A_297] : memref<16x128xi32, #tpu.memory_space<vmem>> -> memref<1x128xi32, #tpu.memory_space<vmem>>
          %dma_start3A_299 = tpu.memref_squeeze %dma_start3A_298 : memref<1x128xi32, #tpu.memory_space<vmem>> -> memref<128xi32, #tpu.memory_space<vmem>>
          %dma_start3A_300 = arith.constant 0 : i32
          %dma_start3A_301 = arith.constant 0 : i32
          %dma_start3A_302 = tpu.memref_slice %arg15[%dma_start3A_300, %dma_start3A_301] : memref<10240x128xf32, #tpu.memory_space<vmem_shared>> -> memref<10240x128xf32, #tpu.memory_space<vmem_shared>>
          tpu.enqueue_indirect_dma source(%arg11 : memref<128x128xf32, #tpu.memory_space<vmem>>) target(%dma_start3A_302 : memref<10240x128xf32, #tpu.memory_space<vmem_shared>>) offsets(%dma_start3A_299 : memref<128xi32, #tpu.memory_space<vmem>>) semaphore(%run_scoped3A_296 : memref<!tpu.dma_semaphore, #tpu.memory_space<semaphore_mem>>) {add = true}
          %dma_wait3A_303 = arith.constant 0 : i32
          %dma_wait3A_304 = tpu.memref_slice %arg10[%run_scoped3A_196, %dma_wait3A_303] : memref<16x128xi32, #tpu.memory_space<vmem>> -> memref<1x128xi32, #tpu.memory_space<vmem>>
          %dma_wait3A_305 = tpu.memref_squeeze %dma_wait3A_304 : memref<1x128xi32, #tpu.memory_space<vmem>> -> memref<128xi32, #tpu.memory_space<vmem>>
          %dma_wait3A_306 = arith.constant 0 : i32
          %dma_wait3A_307 = arith.constant 0 : i32
          %dma_wait3A_308 = tpu.memref_slice %arg15[%dma_wait3A_306, %dma_wait3A_307] : memref<10240x128xf32, #tpu.memory_space<vmem_shared>> -> memref<10240x128xf32, #tpu.memory_space<vmem_shared>>
          tpu.wait_indirect_dma semaphore(%run_scoped3A_296 : memref<!tpu.dma_semaphore, #tpu.memory_space<semaphore_mem>>) src(%arg11 : memref<128x128xf32, #tpu.memory_space<vmem>>) dst(%dma_wait3A_308 : memref<10240x128xf32, #tpu.memory_space<vmem_shared>>)
          tpu.yield
        }) : () -> ()
        %dma_wait3A_197 = arith.constant 9 : i32
        %dma_wait3A_198 = arith.constant 0 : i32
        %dma_wait3A_199 = tpu.memref_slice %arg9[%dma_wait3A_197, %dma_wait3A_198] : memref<16x128xi32, #tpu.memory_space<vmem>> -> memref<1x128xi32, #tpu.memory_space<vmem>>
        %dma_wait3A_200 = tpu.memref_squeeze %dma_wait3A_199 : memref<1x128xi32, #tpu.memory_space<vmem>> -> memref<128xi32, #tpu.memory_space<vmem>>
        %dma_wait3A_201 = arith.constant 0 : i32
        %dma_wait3A_202 = arith.constant 0 : i32
        %dma_wait3A_203 = tpu.memref_slice %arg5[%dma_wait3A_201, %dma_wait3A_202] : memref<10240x128xf32, #tpu.memory_space<hbm>> -> memref<10240x128xf32, #tpu.memory_space<hbm>>
        tpu.wait_indirect_dma semaphore(%arg18 : memref<!tpu.dma_semaphore, #tpu.memory_space<semaphore_mem>>) src(%dma_wait3A_203 : memref<10240x128xf32, #tpu.memory_space<hbm>>) dst(%arg12 : memref<128x128xf32, #tpu.memory_space<vmem>>)
        %dma_start3A_204 = arith.constant 10 : i32
        %dma_start3A_205 = arith.constant 0 : i32
        %dma_start3A_206 = tpu.memref_slice %arg9[%dma_start3A_204, %dma_start3A_205] : memref<16x128xi32, #tpu.memory_space<vmem>> -> memref<1x128xi32, #tpu.memory_space<vmem>>
        %dma_start3A_207 = tpu.memref_squeeze %dma_start3A_206 : memref<1x128xi32, #tpu.memory_space<vmem>> -> memref<128xi32, #tpu.memory_space<vmem>>
        %dma_start3A_208 = arith.constant 0 : i32
        %dma_start3A_209 = arith.constant 0 : i32
        %dma_start3A_210 = tpu.memref_slice %arg5[%dma_start3A_208, %dma_start3A_209] : memref<10240x128xf32, #tpu.memory_space<hbm>> -> memref<10240x128xf32, #tpu.memory_space<hbm>>
        tpu.enqueue_indirect_dma source(%dma_start3A_210 : memref<10240x128xf32, #tpu.memory_space<hbm>>) target(%arg11 : memref<128x128xf32, #tpu.memory_space<vmem>>) offsets(%dma_start3A_207 : memref<128xi32, #tpu.memory_space<vmem>>) semaphore(%arg17 : memref<!tpu.dma_semaphore, #tpu.memory_space<semaphore_mem>>)
        %run_scoped3A_211 = arith.constant 9 : i32
        "tpu.region"() ({
          %run_scoped3A_296 = tpu.sem_alloc : memref<!tpu.dma_semaphore, #tpu.memory_space<semaphore_mem>>
          %dma_start3A_297 = arith.constant 0 : i32
          %dma_start3A_298 = tpu.memref_slice %arg10[%run_scoped3A_211, %dma_start3A_297] : memref<16x128xi32, #tpu.memory_space<vmem>> -> memref<1x128xi32, #tpu.memory_space<vmem>>
          %dma_start3A_299 = tpu.memref_squeeze %dma_start3A_298 : memref<1x128xi32, #tpu.memory_space<vmem>> -> memref<128xi32, #tpu.memory_space<vmem>>
          %dma_start3A_300 = arith.constant 0 : i32
          %dma_start3A_301 = arith.constant 0 : i32
          %dma_start3A_302 = tpu.memref_slice %arg15[%dma_start3A_300, %dma_start3A_301] : memref<10240x128xf32, #tpu.memory_space<vmem_shared>> -> memref<10240x128xf32, #tpu.memory_space<vmem_shared>>
          tpu.enqueue_indirect_dma source(%arg12 : memref<128x128xf32, #tpu.memory_space<vmem>>) target(%dma_start3A_302 : memref<10240x128xf32, #tpu.memory_space<vmem_shared>>) offsets(%dma_start3A_299 : memref<128xi32, #tpu.memory_space<vmem>>) semaphore(%run_scoped3A_296 : memref<!tpu.dma_semaphore, #tpu.memory_space<semaphore_mem>>) {add = true}
          %dma_wait3A_303 = arith.constant 0 : i32
          %dma_wait3A_304 = tpu.memref_slice %arg10[%run_scoped3A_211, %dma_wait3A_303] : memref<16x128xi32, #tpu.memory_space<vmem>> -> memref<1x128xi32, #tpu.memory_space<vmem>>
          %dma_wait3A_305 = tpu.memref_squeeze %dma_wait3A_304 : memref<1x128xi32, #tpu.memory_space<vmem>> -> memref<128xi32, #tpu.memory_space<vmem>>
          %dma_wait3A_306 = arith.constant 0 : i32
          %dma_wait3A_307 = arith.constant 0 : i32
          %dma_wait3A_308 = tpu.memref_slice %arg15[%dma_wait3A_306, %dma_wait3A_307] : memref<10240x128xf32, #tpu.memory_space<vmem_shared>> -> memref<10240x128xf32, #tpu.memory_space<vmem_shared>>
          tpu.wait_indirect_dma semaphore(%run_scoped3A_296 : memref<!tpu.dma_semaphore, #tpu.memory_space<semaphore_mem>>) src(%arg12 : memref<128x128xf32, #tpu.memory_space<vmem>>) dst(%dma_wait3A_308 : memref<10240x128xf32, #tpu.memory_space<vmem_shared>>)
          tpu.yield
        }) : () -> ()
        %dma_wait3A_212 = arith.constant 10 : i32
        %dma_wait3A_213 = arith.constant 0 : i32
        %dma_wait3A_214 = tpu.memref_slice %arg9[%dma_wait3A_212, %dma_wait3A_213] : memref<16x128xi32, #tpu.memory_space<vmem>> -> memref<1x128xi32, #tpu.memory_space<vmem>>
        %dma_wait3A_215 = tpu.memref_squeeze %dma_wait3A_214 : memref<1x128xi32, #tpu.memory_space<vmem>> -> memref<128xi32, #tpu.memory_space<vmem>>
        %dma_wait3A_216 = arith.constant 0 : i32
        %dma_wait3A_217 = arith.constant 0 : i32
        %dma_wait3A_218 = tpu.memref_slice %arg5[%dma_wait3A_216, %dma_wait3A_217] : memref<10240x128xf32, #tpu.memory_space<hbm>> -> memref<10240x128xf32, #tpu.memory_space<hbm>>
        tpu.wait_indirect_dma semaphore(%arg17 : memref<!tpu.dma_semaphore, #tpu.memory_space<semaphore_mem>>) src(%dma_wait3A_218 : memref<10240x128xf32, #tpu.memory_space<hbm>>) dst(%arg11 : memref<128x128xf32, #tpu.memory_space<vmem>>)
        %dma_start3A_219 = arith.constant 11 : i32
        %dma_start3A_220 = arith.constant 0 : i32
        %dma_start3A_221 = tpu.memref_slice %arg9[%dma_start3A_219, %dma_start3A_220] : memref<16x128xi32, #tpu.memory_space<vmem>> -> memref<1x128xi32, #tpu.memory_space<vmem>>
        %dma_start3A_222 = tpu.memref_squeeze %dma_start3A_221 : memref<1x128xi32, #tpu.memory_space<vmem>> -> memref<128xi32, #tpu.memory_space<vmem>>
        %dma_start3A_223 = arith.constant 0 : i32
        %dma_start3A_224 = arith.constant 0 : i32
        %dma_start3A_225 = tpu.memref_slice %arg5[%dma_start3A_223, %dma_start3A_224] : memref<10240x128xf32, #tpu.memory_space<hbm>> -> memref<10240x128xf32, #tpu.memory_space<hbm>>
        tpu.enqueue_indirect_dma source(%dma_start3A_225 : memref<10240x128xf32, #tpu.memory_space<hbm>>) target(%arg12 : memref<128x128xf32, #tpu.memory_space<vmem>>) offsets(%dma_start3A_222 : memref<128xi32, #tpu.memory_space<vmem>>) semaphore(%arg18 : memref<!tpu.dma_semaphore, #tpu.memory_space<semaphore_mem>>)
        %run_scoped3A_226 = arith.constant 10 : i32
        "tpu.region"() ({
          %run_scoped3A_296 = tpu.sem_alloc : memref<!tpu.dma_semaphore, #tpu.memory_space<semaphore_mem>>
          %dma_start3A_297 = arith.constant 0 : i32
          %dma_start3A_298 = tpu.memref_slice %arg10[%run_scoped3A_226, %dma_start3A_297] : memref<16x128xi32, #tpu.memory_space<vmem>> -> memref<1x128xi32, #tpu.memory_space<vmem>>
          %dma_start3A_299 = tpu.memref_squeeze %dma_start3A_298 : memref<1x128xi32, #tpu.memory_space<vmem>> -> memref<128xi32, #tpu.memory_space<vmem>>
          %dma_start3A_300 = arith.constant 0 : i32
          %dma_start3A_301 = arith.constant 0 : i32
          %dma_start3A_302 = tpu.memref_slice %arg15[%dma_start3A_300, %dma_start3A_301] : memref<10240x128xf32, #tpu.memory_space<vmem_shared>> -> memref<10240x128xf32, #tpu.memory_space<vmem_shared>>
          tpu.enqueue_indirect_dma source(%arg11 : memref<128x128xf32, #tpu.memory_space<vmem>>) target(%dma_start3A_302 : memref<10240x128xf32, #tpu.memory_space<vmem_shared>>) offsets(%dma_start3A_299 : memref<128xi32, #tpu.memory_space<vmem>>) semaphore(%run_scoped3A_296 : memref<!tpu.dma_semaphore, #tpu.memory_space<semaphore_mem>>) {add = true}
          %dma_wait3A_303 = arith.constant 0 : i32
          %dma_wait3A_304 = tpu.memref_slice %arg10[%run_scoped3A_226, %dma_wait3A_303] : memref<16x128xi32, #tpu.memory_space<vmem>> -> memref<1x128xi32, #tpu.memory_space<vmem>>
          %dma_wait3A_305 = tpu.memref_squeeze %dma_wait3A_304 : memref<1x128xi32, #tpu.memory_space<vmem>> -> memref<128xi32, #tpu.memory_space<vmem>>
          %dma_wait3A_306 = arith.constant 0 : i32
          %dma_wait3A_307 = arith.constant 0 : i32
          %dma_wait3A_308 = tpu.memref_slice %arg15[%dma_wait3A_306, %dma_wait3A_307] : memref<10240x128xf32, #tpu.memory_space<vmem_shared>> -> memref<10240x128xf32, #tpu.memory_space<vmem_shared>>
          tpu.wait_indirect_dma semaphore(%run_scoped3A_296 : memref<!tpu.dma_semaphore, #tpu.memory_space<semaphore_mem>>) src(%arg11 : memref<128x128xf32, #tpu.memory_space<vmem>>) dst(%dma_wait3A_308 : memref<10240x128xf32, #tpu.memory_space<vmem_shared>>)
          tpu.yield
        }) : () -> ()
        %dma_wait3A_227 = arith.constant 11 : i32
        %dma_wait3A_228 = arith.constant 0 : i32
        %dma_wait3A_229 = tpu.memref_slice %arg9[%dma_wait3A_227, %dma_wait3A_228] : memref<16x128xi32, #tpu.memory_space<vmem>> -> memref<1x128xi32, #tpu.memory_space<vmem>>
        %dma_wait3A_230 = tpu.memref_squeeze %dma_wait3A_229 : memref<1x128xi32, #tpu.memory_space<vmem>> -> memref<128xi32, #tpu.memory_space<vmem>>
        %dma_wait3A_231 = arith.constant 0 : i32
        %dma_wait3A_232 = arith.constant 0 : i32
        %dma_wait3A_233 = tpu.memref_slice %arg5[%dma_wait3A_231, %dma_wait3A_232] : memref<10240x128xf32, #tpu.memory_space<hbm>> -> memref<10240x128xf32, #tpu.memory_space<hbm>>
        tpu.wait_indirect_dma semaphore(%arg18 : memref<!tpu.dma_semaphore, #tpu.memory_space<semaphore_mem>>) src(%dma_wait3A_233 : memref<10240x128xf32, #tpu.memory_space<hbm>>) dst(%arg12 : memref<128x128xf32, #tpu.memory_space<vmem>>)
        %dma_start3A_234 = arith.constant 12 : i32
        %dma_start3A_235 = arith.constant 0 : i32
        %dma_start3A_236 = tpu.memref_slice %arg9[%dma_start3A_234, %dma_start3A_235] : memref<16x128xi32, #tpu.memory_space<vmem>> -> memref<1x128xi32, #tpu.memory_space<vmem>>
        %dma_start3A_237 = tpu.memref_squeeze %dma_start3A_236 : memref<1x128xi32, #tpu.memory_space<vmem>> -> memref<128xi32, #tpu.memory_space<vmem>>
        %dma_start3A_238 = arith.constant 0 : i32
        %dma_start3A_239 = arith.constant 0 : i32
        %dma_start3A_240 = tpu.memref_slice %arg5[%dma_start3A_238, %dma_start3A_239] : memref<10240x128xf32, #tpu.memory_space<hbm>> -> memref<10240x128xf32, #tpu.memory_space<hbm>>
        tpu.enqueue_indirect_dma source(%dma_start3A_240 : memref<10240x128xf32, #tpu.memory_space<hbm>>) target(%arg11 : memref<128x128xf32, #tpu.memory_space<vmem>>) offsets(%dma_start3A_237 : memref<128xi32, #tpu.memory_space<vmem>>) semaphore(%arg17 : memref<!tpu.dma_semaphore, #tpu.memory_space<semaphore_mem>>)
        %run_scoped3A_241 = arith.constant 11 : i32
        "tpu.region"() ({
          %run_scoped3A_296 = tpu.sem_alloc : memref<!tpu.dma_semaphore, #tpu.memory_space<semaphore_mem>>
          %dma_start3A_297 = arith.constant 0 : i32
          %dma_start3A_298 = tpu.memref_slice %arg10[%run_scoped3A_241, %dma_start3A_297] : memref<16x128xi32, #tpu.memory_space<vmem>> -> memref<1x128xi32, #tpu.memory_space<vmem>>
          %dma_start3A_299 = tpu.memref_squeeze %dma_start3A_298 : memref<1x128xi32, #tpu.memory_space<vmem>> -> memref<128xi32, #tpu.memory_space<vmem>>
          %dma_start3A_300 = arith.constant 0 : i32
          %dma_start3A_301 = arith.constant 0 : i32
          %dma_start3A_302 = tpu.memref_slice %arg15[%dma_start3A_300, %dma_start3A_301] : memref<10240x128xf32, #tpu.memory_space<vmem_shared>> -> memref<10240x128xf32, #tpu.memory_space<vmem_shared>>
          tpu.enqueue_indirect_dma source(%arg12 : memref<128x128xf32, #tpu.memory_space<vmem>>) target(%dma_start3A_302 : memref<10240x128xf32, #tpu.memory_space<vmem_shared>>) offsets(%dma_start3A_299 : memref<128xi32, #tpu.memory_space<vmem>>) semaphore(%run_scoped3A_296 : memref<!tpu.dma_semaphore, #tpu.memory_space<semaphore_mem>>) {add = true}
          %dma_wait3A_303 = arith.constant 0 : i32
          %dma_wait3A_304 = tpu.memref_slice %arg10[%run_scoped3A_241, %dma_wait3A_303] : memref<16x128xi32, #tpu.memory_space<vmem>> -> memref<1x128xi32, #tpu.memory_space<vmem>>
          %dma_wait3A_305 = tpu.memref_squeeze %dma_wait3A_304 : memref<1x128xi32, #tpu.memory_space<vmem>> -> memref<128xi32, #tpu.memory_space<vmem>>
          %dma_wait3A_306 = arith.constant 0 : i32
          %dma_wait3A_307 = arith.constant 0 : i32
          %dma_wait3A_308 = tpu.memref_slice %arg15[%dma_wait3A_306, %dma_wait3A_307] : memref<10240x128xf32, #tpu.memory_space<vmem_shared>> -> memref<10240x128xf32, #tpu.memory_space<vmem_shared>>
          tpu.wait_indirect_dma semaphore(%run_scoped3A_296 : memref<!tpu.dma_semaphore, #tpu.memory_space<semaphore_mem>>) src(%arg12 : memref<128x128xf32, #tpu.memory_space<vmem>>) dst(%dma_wait3A_308 : memref<10240x128xf32, #tpu.memory_space<vmem_shared>>)
          tpu.yield
        }) : () -> ()
        %dma_wait3A_242 = arith.constant 12 : i32
        %dma_wait3A_243 = arith.constant 0 : i32
        %dma_wait3A_244 = tpu.memref_slice %arg9[%dma_wait3A_242, %dma_wait3A_243] : memref<16x128xi32, #tpu.memory_space<vmem>> -> memref<1x128xi32, #tpu.memory_space<vmem>>
        %dma_wait3A_245 = tpu.memref_squeeze %dma_wait3A_244 : memref<1x128xi32, #tpu.memory_space<vmem>> -> memref<128xi32, #tpu.memory_space<vmem>>
        %dma_wait3A_246 = arith.constant 0 : i32
        %dma_wait3A_247 = arith.constant 0 : i32
        %dma_wait3A_248 = tpu.memref_slice %arg5[%dma_wait3A_246, %dma_wait3A_247] : memref<10240x128xf32, #tpu.memory_space<hbm>> -> memref<10240x128xf32, #tpu.memory_space<hbm>>
        tpu.wait_indirect_dma semaphore(%arg17 : memref<!tpu.dma_semaphore, #tpu.memory_space<semaphore_mem>>) src(%dma_wait3A_248 : memref<10240x128xf32, #tpu.memory_space<hbm>>) dst(%arg11 : memref<128x128xf32, #tpu.memory_space<vmem>>)
        %dma_start3A_249 = arith.constant 13 : i32
        %dma_start3A_250 = arith.constant 0 : i32
        %dma_start3A_251 = tpu.memref_slice %arg9[%dma_start3A_249, %dma_start3A_250] : memref<16x128xi32, #tpu.memory_space<vmem>> -> memref<1x128xi32, #tpu.memory_space<vmem>>
        %dma_start3A_252 = tpu.memref_squeeze %dma_start3A_251 : memref<1x128xi32, #tpu.memory_space<vmem>> -> memref<128xi32, #tpu.memory_space<vmem>>
        %dma_start3A_253 = arith.constant 0 : i32
        %dma_start3A_254 = arith.constant 0 : i32
        %dma_start3A_255 = tpu.memref_slice %arg5[%dma_start3A_253, %dma_start3A_254] : memref<10240x128xf32, #tpu.memory_space<hbm>> -> memref<10240x128xf32, #tpu.memory_space<hbm>>
        tpu.enqueue_indirect_dma source(%dma_start3A_255 : memref<10240x128xf32, #tpu.memory_space<hbm>>) target(%arg12 : memref<128x128xf32, #tpu.memory_space<vmem>>) offsets(%dma_start3A_252 : memref<128xi32, #tpu.memory_space<vmem>>) semaphore(%arg18 : memref<!tpu.dma_semaphore, #tpu.memory_space<semaphore_mem>>)
        %run_scoped3A_256 = arith.constant 12 : i32
        "tpu.region"() ({
          %run_scoped3A_296 = tpu.sem_alloc : memref<!tpu.dma_semaphore, #tpu.memory_space<semaphore_mem>>
          %dma_start3A_297 = arith.constant 0 : i32
          %dma_start3A_298 = tpu.memref_slice %arg10[%run_scoped3A_256, %dma_start3A_297] : memref<16x128xi32, #tpu.memory_space<vmem>> -> memref<1x128xi32, #tpu.memory_space<vmem>>
          %dma_start3A_299 = tpu.memref_squeeze %dma_start3A_298 : memref<1x128xi32, #tpu.memory_space<vmem>> -> memref<128xi32, #tpu.memory_space<vmem>>
          %dma_start3A_300 = arith.constant 0 : i32
          %dma_start3A_301 = arith.constant 0 : i32
          %dma_start3A_302 = tpu.memref_slice %arg15[%dma_start3A_300, %dma_start3A_301] : memref<10240x128xf32, #tpu.memory_space<vmem_shared>> -> memref<10240x128xf32, #tpu.memory_space<vmem_shared>>
          tpu.enqueue_indirect_dma source(%arg11 : memref<128x128xf32, #tpu.memory_space<vmem>>) target(%dma_start3A_302 : memref<10240x128xf32, #tpu.memory_space<vmem_shared>>) offsets(%dma_start3A_299 : memref<128xi32, #tpu.memory_space<vmem>>) semaphore(%run_scoped3A_296 : memref<!tpu.dma_semaphore, #tpu.memory_space<semaphore_mem>>) {add = true}
          %dma_wait3A_303 = arith.constant 0 : i32
          %dma_wait3A_304 = tpu.memref_slice %arg10[%run_scoped3A_256, %dma_wait3A_303] : memref<16x128xi32, #tpu.memory_space<vmem>> -> memref<1x128xi32, #tpu.memory_space<vmem>>
          %dma_wait3A_305 = tpu.memref_squeeze %dma_wait3A_304 : memref<1x128xi32, #tpu.memory_space<vmem>> -> memref<128xi32, #tpu.memory_space<vmem>>
          %dma_wait3A_306 = arith.constant 0 : i32
          %dma_wait3A_307 = arith.constant 0 : i32
          %dma_wait3A_308 = tpu.memref_slice %arg15[%dma_wait3A_306, %dma_wait3A_307] : memref<10240x128xf32, #tpu.memory_space<vmem_shared>> -> memref<10240x128xf32, #tpu.memory_space<vmem_shared>>
          tpu.wait_indirect_dma semaphore(%run_scoped3A_296 : memref<!tpu.dma_semaphore, #tpu.memory_space<semaphore_mem>>) src(%arg11 : memref<128x128xf32, #tpu.memory_space<vmem>>) dst(%dma_wait3A_308 : memref<10240x128xf32, #tpu.memory_space<vmem_shared>>)
          tpu.yield
        }) : () -> ()
        %dma_wait3A_257 = arith.constant 13 : i32
        %dma_wait3A_258 = arith.constant 0 : i32
        %dma_wait3A_259 = tpu.memref_slice %arg9[%dma_wait3A_257, %dma_wait3A_258] : memref<16x128xi32, #tpu.memory_space<vmem>> -> memref<1x128xi32, #tpu.memory_space<vmem>>
        %dma_wait3A_260 = tpu.memref_squeeze %dma_wait3A_259 : memref<1x128xi32, #tpu.memory_space<vmem>> -> memref<128xi32, #tpu.memory_space<vmem>>
        %dma_wait3A_261 = arith.constant 0 : i32
        %dma_wait3A_262 = arith.constant 0 : i32
        %dma_wait3A_263 = tpu.memref_slice %arg5[%dma_wait3A_261, %dma_wait3A_262] : memref<10240x128xf32, #tpu.memory_space<hbm>> -> memref<10240x128xf32, #tpu.memory_space<hbm>>
        tpu.wait_indirect_dma semaphore(%arg18 : memref<!tpu.dma_semaphore, #tpu.memory_space<semaphore_mem>>) src(%dma_wait3A_263 : memref<10240x128xf32, #tpu.memory_space<hbm>>) dst(%arg12 : memref<128x128xf32, #tpu.memory_space<vmem>>)
        %dma_start3A_264 = arith.constant 14 : i32
        %dma_start3A_265 = arith.constant 0 : i32
        %dma_start3A_266 = tpu.memref_slice %arg9[%dma_start3A_264, %dma_start3A_265] : memref<16x128xi32, #tpu.memory_space<vmem>> -> memref<1x128xi32, #tpu.memory_space<vmem>>
        %dma_start3A_267 = tpu.memref_squeeze %dma_start3A_266 : memref<1x128xi32, #tpu.memory_space<vmem>> -> memref<128xi32, #tpu.memory_space<vmem>>
        %dma_start3A_268 = arith.constant 0 : i32
        %dma_start3A_269 = arith.constant 0 : i32
        %dma_start3A_270 = tpu.memref_slice %arg5[%dma_start3A_268, %dma_start3A_269] : memref<10240x128xf32, #tpu.memory_space<hbm>> -> memref<10240x128xf32, #tpu.memory_space<hbm>>
        tpu.enqueue_indirect_dma source(%dma_start3A_270 : memref<10240x128xf32, #tpu.memory_space<hbm>>) target(%arg11 : memref<128x128xf32, #tpu.memory_space<vmem>>) offsets(%dma_start3A_267 : memref<128xi32, #tpu.memory_space<vmem>>) semaphore(%arg17 : memref<!tpu.dma_semaphore, #tpu.memory_space<semaphore_mem>>)
        %run_scoped3A_271 = arith.constant 13 : i32
        "tpu.region"() ({
          %run_scoped3A_296 = tpu.sem_alloc : memref<!tpu.dma_semaphore, #tpu.memory_space<semaphore_mem>>
          %dma_start3A_297 = arith.constant 0 : i32
          %dma_start3A_298 = tpu.memref_slice %arg10[%run_scoped3A_271, %dma_start3A_297] : memref<16x128xi32, #tpu.memory_space<vmem>> -> memref<1x128xi32, #tpu.memory_space<vmem>>
          %dma_start3A_299 = tpu.memref_squeeze %dma_start3A_298 : memref<1x128xi32, #tpu.memory_space<vmem>> -> memref<128xi32, #tpu.memory_space<vmem>>
          %dma_start3A_300 = arith.constant 0 : i32
          %dma_start3A_301 = arith.constant 0 : i32
          %dma_start3A_302 = tpu.memref_slice %arg15[%dma_start3A_300, %dma_start3A_301] : memref<10240x128xf32, #tpu.memory_space<vmem_shared>> -> memref<10240x128xf32, #tpu.memory_space<vmem_shared>>
          tpu.enqueue_indirect_dma source(%arg12 : memref<128x128xf32, #tpu.memory_space<vmem>>) target(%dma_start3A_302 : memref<10240x128xf32, #tpu.memory_space<vmem_shared>>) offsets(%dma_start3A_299 : memref<128xi32, #tpu.memory_space<vmem>>) semaphore(%run_scoped3A_296 : memref<!tpu.dma_semaphore, #tpu.memory_space<semaphore_mem>>) {add = true}
          %dma_wait3A_303 = arith.constant 0 : i32
          %dma_wait3A_304 = tpu.memref_slice %arg10[%run_scoped3A_271, %dma_wait3A_303] : memref<16x128xi32, #tpu.memory_space<vmem>> -> memref<1x128xi32, #tpu.memory_space<vmem>>
          %dma_wait3A_305 = tpu.memref_squeeze %dma_wait3A_304 : memref<1x128xi32, #tpu.memory_space<vmem>> -> memref<128xi32, #tpu.memory_space<vmem>>
          %dma_wait3A_306 = arith.constant 0 : i32
          %dma_wait3A_307 = arith.constant 0 : i32
          %dma_wait3A_308 = tpu.memref_slice %arg15[%dma_wait3A_306, %dma_wait3A_307] : memref<10240x128xf32, #tpu.memory_space<vmem_shared>> -> memref<10240x128xf32, #tpu.memory_space<vmem_shared>>
          tpu.wait_indirect_dma semaphore(%run_scoped3A_296 : memref<!tpu.dma_semaphore, #tpu.memory_space<semaphore_mem>>) src(%arg12 : memref<128x128xf32, #tpu.memory_space<vmem>>) dst(%dma_wait3A_308 : memref<10240x128xf32, #tpu.memory_space<vmem_shared>>)
          tpu.yield
        }) : () -> ()
        %dma_wait3A_272 = arith.constant 14 : i32
        %dma_wait3A_273 = arith.constant 0 : i32
        %dma_wait3A_274 = tpu.memref_slice %arg9[%dma_wait3A_272, %dma_wait3A_273] : memref<16x128xi32, #tpu.memory_space<vmem>> -> memref<1x128xi32, #tpu.memory_space<vmem>>
        %dma_wait3A_275 = tpu.memref_squeeze %dma_wait3A_274 : memref<1x128xi32, #tpu.memory_space<vmem>> -> memref<128xi32, #tpu.memory_space<vmem>>
        %dma_wait3A_276 = arith.constant 0 : i32
        %dma_wait3A_277 = arith.constant 0 : i32
        %dma_wait3A_278 = tpu.memref_slice %arg5[%dma_wait3A_276, %dma_wait3A_277] : memref<10240x128xf32, #tpu.memory_space<hbm>> -> memref<10240x128xf32, #tpu.memory_space<hbm>>
        tpu.wait_indirect_dma semaphore(%arg17 : memref<!tpu.dma_semaphore, #tpu.memory_space<semaphore_mem>>) src(%dma_wait3A_278 : memref<10240x128xf32, #tpu.memory_space<hbm>>) dst(%arg11 : memref<128x128xf32, #tpu.memory_space<vmem>>)
        %dma_start3A_279 = arith.constant 15 : i32
        %dma_start3A_280 = arith.constant 0 : i32
        %dma_start3A_281 = tpu.memref_slice %arg9[%dma_start3A_279, %dma_start3A_280] : memref<16x128xi32, #tpu.memory_space<vmem>> -> memref<1x128xi32, #tpu.memory_space<vmem>>
        %dma_start3A_282 = tpu.memref_squeeze %dma_start3A_281 : memref<1x128xi32, #tpu.memory_space<vmem>> -> memref<128xi32, #tpu.memory_space<vmem>>
        %dma_start3A_283 = arith.constant 0 : i32
        %dma_start3A_284 = arith.constant 0 : i32
        %dma_start3A_285 = tpu.memref_slice %arg5[%dma_start3A_283, %dma_start3A_284] : memref<10240x128xf32, #tpu.memory_space<hbm>> -> memref<10240x128xf32, #tpu.memory_space<hbm>>
        tpu.enqueue_indirect_dma source(%dma_start3A_285 : memref<10240x128xf32, #tpu.memory_space<hbm>>) target(%arg12 : memref<128x128xf32, #tpu.memory_space<vmem>>) offsets(%dma_start3A_282 : memref<128xi32, #tpu.memory_space<vmem>>) semaphore(%arg18 : memref<!tpu.dma_semaphore, #tpu.memory_space<semaphore_mem>>)
        %run_scoped3A_286 = arith.constant 14 : i32
        "tpu.region"() ({
          %run_scoped3A_296 = tpu.sem_alloc : memref<!tpu.dma_semaphore, #tpu.memory_space<semaphore_mem>>
          %dma_start3A_297 = arith.constant 0 : i32
          %dma_start3A_298 = tpu.memref_slice %arg10[%run_scoped3A_286, %dma_start3A_297] : memref<16x128xi32, #tpu.memory_space<vmem>> -> memref<1x128xi32, #tpu.memory_space<vmem>>
          %dma_start3A_299 = tpu.memref_squeeze %dma_start3A_298 : memref<1x128xi32, #tpu.memory_space<vmem>> -> memref<128xi32, #tpu.memory_space<vmem>>
          %dma_start3A_300 = arith.constant 0 : i32
          %dma_start3A_301 = arith.constant 0 : i32
          %dma_start3A_302 = tpu.memref_slice %arg15[%dma_start3A_300, %dma_start3A_301] : memref<10240x128xf32, #tpu.memory_space<vmem_shared>> -> memref<10240x128xf32, #tpu.memory_space<vmem_shared>>
          tpu.enqueue_indirect_dma source(%arg11 : memref<128x128xf32, #tpu.memory_space<vmem>>) target(%dma_start3A_302 : memref<10240x128xf32, #tpu.memory_space<vmem_shared>>) offsets(%dma_start3A_299 : memref<128xi32, #tpu.memory_space<vmem>>) semaphore(%run_scoped3A_296 : memref<!tpu.dma_semaphore, #tpu.memory_space<semaphore_mem>>) {add = true}
          %dma_wait3A_303 = arith.constant 0 : i32
          %dma_wait3A_304 = tpu.memref_slice %arg10[%run_scoped3A_286, %dma_wait3A_303] : memref<16x128xi32, #tpu.memory_space<vmem>> -> memref<1x128xi32, #tpu.memory_space<vmem>>
          %dma_wait3A_305 = tpu.memref_squeeze %dma_wait3A_304 : memref<1x128xi32, #tpu.memory_space<vmem>> -> memref<128xi32, #tpu.memory_space<vmem>>
          %dma_wait3A_306 = arith.constant 0 : i32
          %dma_wait3A_307 = arith.constant 0 : i32
          %dma_wait3A_308 = tpu.memref_slice %arg15[%dma_wait3A_306, %dma_wait3A_307] : memref<10240x128xf32, #tpu.memory_space<vmem_shared>> -> memref<10240x128xf32, #tpu.memory_space<vmem_shared>>
          tpu.wait_indirect_dma semaphore(%run_scoped3A_296 : memref<!tpu.dma_semaphore, #tpu.memory_space<semaphore_mem>>) src(%arg11 : memref<128x128xf32, #tpu.memory_space<vmem>>) dst(%dma_wait3A_308 : memref<10240x128xf32, #tpu.memory_space<vmem_shared>>)
          tpu.yield
        }) : () -> ()
        %dma_wait3A_287 = arith.constant 15 : i32
        %dma_wait3A_288 = arith.constant 0 : i32
        %dma_wait3A_289 = tpu.memref_slice %arg9[%dma_wait3A_287, %dma_wait3A_288] : memref<16x128xi32, #tpu.memory_space<vmem>> -> memref<1x128xi32, #tpu.memory_space<vmem>>
        %dma_wait3A_290 = tpu.memref_squeeze %dma_wait3A_289 : memref<1x128xi32, #tpu.memory_space<vmem>> -> memref<128xi32, #tpu.memory_space<vmem>>
        %dma_wait3A_291 = arith.constant 0 : i32
        %dma_wait3A_292 = arith.constant 0 : i32
        %dma_wait3A_293 = tpu.memref_slice %arg5[%dma_wait3A_291, %dma_wait3A_292] : memref<10240x128xf32, #tpu.memory_space<hbm>> -> memref<10240x128xf32, #tpu.memory_space<hbm>>
        tpu.wait_indirect_dma semaphore(%arg18 : memref<!tpu.dma_semaphore, #tpu.memory_space<semaphore_mem>>) src(%dma_wait3A_293 : memref<10240x128xf32, #tpu.memory_space<hbm>>) dst(%arg12 : memref<128x128xf32, #tpu.memory_space<vmem>>)
        %run_scoped3A_294 = arith.constant 15 : i32
        "tpu.region"() ({
          %run_scoped3A_296 = tpu.sem_alloc : memref<!tpu.dma_semaphore, #tpu.memory_space<semaphore_mem>>
          %dma_start3A_297 = arith.constant 0 : i32
          %dma_start3A_298 = tpu.memref_slice %arg10[%run_scoped3A_294, %dma_start3A_297] : memref<16x128xi32, #tpu.memory_space<vmem>> -> memref<1x128xi32, #tpu.memory_space<vmem>>
          %dma_start3A_299 = tpu.memref_squeeze %dma_start3A_298 : memref<1x128xi32, #tpu.memory_space<vmem>> -> memref<128xi32, #tpu.memory_space<vmem>>
          %dma_start3A_300 = arith.constant 0 : i32
          %dma_start3A_301 = arith.constant 0 : i32
          %dma_start3A_302 = tpu.memref_slice %arg15[%dma_start3A_300, %dma_start3A_301] : memref<10240x128xf32, #tpu.memory_space<vmem_shared>> -> memref<10240x128xf32, #tpu.memory_space<vmem_shared>>
          tpu.enqueue_indirect_dma source(%arg12 : memref<128x128xf32, #tpu.memory_space<vmem>>) target(%dma_start3A_302 : memref<10240x128xf32, #tpu.memory_space<vmem_shared>>) offsets(%dma_start3A_299 : memref<128xi32, #tpu.memory_space<vmem>>) semaphore(%run_scoped3A_296 : memref<!tpu.dma_semaphore, #tpu.memory_space<semaphore_mem>>) {add = true}
          %dma_wait3A_303 = arith.constant 0 : i32
          %dma_wait3A_304 = tpu.memref_slice %arg10[%run_scoped3A_294, %dma_wait3A_303] : memref<16x128xi32, #tpu.memory_space<vmem>> -> memref<1x128xi32, #tpu.memory_space<vmem>>
          %dma_wait3A_305 = tpu.memref_squeeze %dma_wait3A_304 : memref<1x128xi32, #tpu.memory_space<vmem>> -> memref<128xi32, #tpu.memory_space<vmem>>
          %dma_wait3A_306 = arith.constant 0 : i32
          %dma_wait3A_307 = arith.constant 0 : i32
          %dma_wait3A_308 = tpu.memref_slice %arg15[%dma_wait3A_306, %dma_wait3A_307] : memref<10240x128xf32, #tpu.memory_space<vmem_shared>> -> memref<10240x128xf32, #tpu.memory_space<vmem_shared>>
          tpu.wait_indirect_dma semaphore(%run_scoped3A_296 : memref<!tpu.dma_semaphore, #tpu.memory_space<semaphore_mem>>) src(%arg12 : memref<128x128xf32, #tpu.memory_space<vmem>>) dst(%dma_wait3A_308 : memref<10240x128xf32, #tpu.memory_space<vmem_shared>>)
          tpu.yield
        }) : () -> ()
        %scan3A_295 = arith.constant 0 : i32
        scf.yield %scan3A_295 : i32
      }
      %scan3A_45 = arith.constant 10 : i32
    } else {
    }
    %barrier3A_28 = arith.constant 0 : index
    tpu.barrier barrier_id(%barrier3A_28)
    %eq3A_29 = arith.constant 0 : i32
    %eq3A_30 = arith.cmpi eq, %arg0, %eq3A_29 : i32
    %convert_element_type3A_31 = arith.extui %eq3A_30 : i1 to i32
    %cond3A_32 = arith.constant 0 : i32
    %cond3A_33 = arith.cmpi ne, %convert_element_type3A_31, %cond3A_32 : i32
    scf.if %cond3A_33 {
      "tpu.region"() ({
        %run_scoped3A = tpu.sem_alloc : memref<!tpu.dma_semaphore, #tpu.memory_space<semaphore_mem>>
        %dma_start3A = arith.constant 0 : i32
        %dma_start3A_39 = tpu.memref_slice %arg6[%mul3A_0, %dma_start3A] : memref<10240x128xf32, #tpu.memory_space<hbm>> -> memref<640x128xf32, #tpu.memory_space<hbm>>
        %dma_start3A_40 = arith.constant 0 : i32
        %dma_start3A_41 = tpu.memref_slice %arg15[%mul3A_0, %dma_start3A_40] : memref<10240x128xf32, #tpu.memory_space<vmem_shared>> -> memref<640x128xf32, #tpu.memory_space<vmem_shared>>
        tpu.enqueue_dma source(%dma_start3A_41 : memref<640x128xf32, #tpu.memory_space<vmem_shared>>) target(%dma_start3A_39 : memref<640x128xf32, #tpu.memory_space<hbm>>) target_semaphore(%run_scoped3A : memref<!tpu.dma_semaphore, #tpu.memory_space<semaphore_mem>>)
        %dma_wait3A = arith.constant 0 : i32
        %dma_wait3A_42 = tpu.memref_slice %arg6[%mul3A_0, %dma_wait3A] : memref<10240x128xf32, #tpu.memory_space<hbm>> -> memref<640x128xf32, #tpu.memory_space<hbm>>
        %dma_wait3A_43 = arith.constant 0 : i32
        %dma_wait3A_44 = tpu.memref_slice %arg15[%mul3A_0, %dma_wait3A_43] : memref<10240x128xf32, #tpu.memory_space<vmem_shared>> -> memref<640x128xf32, #tpu.memory_space<vmem_shared>>
        tpu.wait_dma2 semaphore(%run_scoped3A : memref<!tpu.dma_semaphore, #tpu.memory_space<semaphore_mem>>) src(%dma_wait3A_44 : memref<640x128xf32, #tpu.memory_space<vmem_shared>>) dst(%dma_wait3A_42 : memref<640x128xf32, #tpu.memory_space<hbm>>)
        tpu.yield
      }) : () -> ()
      "tpu.region"() ({
        %run_scoped3A = tpu.sem_alloc : memref<!tpu.dma_semaphore, #tpu.memory_space<semaphore_mem>>
        %dma_start3A = tpu.memref_slice %arg7[%mul3A_0] : memref<10240xf32, #tpu.memory_space<hbm>> -> memref<640xf32, #tpu.memory_space<hbm>>
        %dma_start3A_39 = tpu.memref_slice %arg16[%mul3A_0] : memref<10240xf32, #tpu.memory_space<vmem_shared>> -> memref<640xf32, #tpu.memory_space<vmem_shared>>
        tpu.enqueue_dma source(%dma_start3A_39 : memref<640xf32, #tpu.memory_space<vmem_shared>>) target(%dma_start3A : memref<640xf32, #tpu.memory_space<hbm>>) target_semaphore(%run_scoped3A : memref<!tpu.dma_semaphore, #tpu.memory_space<semaphore_mem>>)
        %dma_wait3A = tpu.memref_slice %arg7[%mul3A_0] : memref<10240xf32, #tpu.memory_space<hbm>> -> memref<640xf32, #tpu.memory_space<hbm>>
        %dma_wait3A_40 = tpu.memref_slice %arg16[%mul3A_0] : memref<10240xf32, #tpu.memory_space<vmem_shared>> -> memref<640xf32, #tpu.memory_space<vmem_shared>>
        tpu.wait_dma2 semaphore(%run_scoped3A : memref<!tpu.dma_semaphore, #tpu.memory_space<semaphore_mem>>) src(%dma_wait3A_40 : memref<640xf32, #tpu.memory_space<vmem_shared>>) dst(%dma_wait3A : memref<640xf32, #tpu.memory_space<hbm>>)
        tpu.yield
      }) : () -> ()
    } else {
    }
    %eq3A_34 = arith.constant 1 : i32
    %eq3A_35 = arith.cmpi eq, %arg0, %eq3A_34 : i32
    %convert_element_type3A_36 = arith.extui %eq3A_35 : i1 to i32
    %cond3A_37 = arith.constant 0 : i32
    %cond3A_38 = arith.cmpi ne, %convert_element_type3A_36, %cond3A_37 : i32
    scf.if %cond3A_38 {
      "tpu.region"() ({
        %run_scoped3A = tpu.sem_alloc : memref<!tpu.dma_semaphore, #tpu.memory_space<semaphore_mem>>
        %dma_start3A = arith.constant 0 : i32
        %dma_start3A_39 = tpu.memref_slice %arg8[%mul3A_0, %dma_start3A] : memref<10240x128xf32, #tpu.memory_space<hbm>> -> memref<640x128xf32, #tpu.memory_space<hbm>>
        %dma_start3A_40 = arith.constant 0 : i32
        %dma_start3A_41 = tpu.memref_slice %arg15[%mul3A_0, %dma_start3A_40] : memref<10240x128xf32, #tpu.memory_space<vmem_shared>> -> memref<640x128xf32, #tpu.memory_space<vmem_shared>>
        tpu.enqueue_dma source(%dma_start3A_41 : memref<640x128xf32, #tpu.memory_space<vmem_shared>>) target(%dma_start3A_39 : memref<640x128xf32, #tpu.memory_space<hbm>>) target_semaphore(%run_scoped3A : memref<!tpu.dma_semaphore, #tpu.memory_space<semaphore_mem>>)
        %dma_wait3A = arith.constant 0 : i32
        %dma_wait3A_42 = tpu.memref_slice %arg8[%mul3A_0, %dma_wait3A] : memref<10240x128xf32, #tpu.memory_space<hbm>> -> memref<640x128xf32, #tpu.memory_space<hbm>>
        %dma_wait3A_43 = arith.constant 0 : i32
        %dma_wait3A_44 = tpu.memref_slice %arg15[%mul3A_0, %dma_wait3A_43] : memref<10240x128xf32, #tpu.memory_space<vmem_shared>> -> memref<640x128xf32, #tpu.memory_space<vmem_shared>>
        tpu.wait_dma2 semaphore(%run_scoped3A : memref<!tpu.dma_semaphore, #tpu.memory_space<semaphore_mem>>) src(%dma_wait3A_44 : memref<640x128xf32, #tpu.memory_space<vmem_shared>>) dst(%dma_wait3A_42 : memref<640x128xf32, #tpu.memory_space<hbm>>)
        tpu.yield
      }) : () -> ()
    } else {
    }
    return
  }
}

#map = affine_map<(d0, d1) -> (0, 0)>
module attributes {stable_mosaic.version = 14 : i64} {
  func.func @_sc_pass2(%arg0: i32, %arg1: i32, %arg2: memref<2560x128xi32, #tpu.memory_space<hbm>>, %arg3: memref<2560x128xi32, #tpu.memory_space<hbm>>, %arg4: memref<10240x128xf32, #tpu.memory_space<hbm>>, %arg5: memref<10240x128xf32, #tpu.memory_space<hbm>>, %arg6: memref<10240x128xf32, #tpu.memory_space<hbm>>, %arg7: memref<10240x128xf32, #tpu.memory_space<hbm>>, %arg8: memref<16x128xi32, #tpu.memory_space<vmem>>, %arg9: memref<16x128xi32, #tpu.memory_space<vmem>>, %arg10: memref<128x128xf32, #tpu.memory_space<vmem>>, %arg11: memref<128x128xf32, #tpu.memory_space<vmem>>, %arg12: memref<10240x128xf32, #tpu.memory_space<vmem_shared>>, %arg13: memref<!tpu.dma_semaphore, #tpu.memory_space<semaphore_mem>>, %arg14: memref<!tpu.dma_semaphore, #tpu.memory_space<semaphore_mem>>) attributes {dimension_semantics = [#tpu.dimension_semantics<core_parallel>, #tpu.dimension_semantics<subcore_parallel>], iteration_bounds = array<i64: 2, 16>, scalar_prefetch = 0 : i64, scratch_operands = 7 : i64, tpu.core_type = #tpu.core_type<sc_vector_subcore>, window_params = [{transform_indices = #map}, {transform_indices = #map}, {transform_indices = #map}, {transform_indices = #map}, {transform_indices = #map}, {transform_indices = #map}]} {
    %mul3A = arith.constant 16 : i32
    %mul3A_0 = arith.muli %arg0, %mul3A : i32
    %add3A = arith.addi %mul3A_0, %arg1 : i32
    %mul3A_1 = arith.constant 640 : i32
    %mul3A_2 = arith.muli %arg1, %mul3A_1 : i32
    %eq3A = arith.constant 0 : i32
    %eq3A_3 = arith.cmpi eq, %arg0, %eq3A : i32
    %convert_element_type3A = arith.extui %eq3A_3 : i1 to i32
    %cond3A = arith.constant 0 : i32
    %cond3A_4 = arith.cmpi ne, %convert_element_type3A, %cond3A : i32
    scf.if %cond3A_4 {
      "tpu.region"() ({
        %run_scoped3A = tpu.sem_alloc : memref<!tpu.dma_semaphore, #tpu.memory_space<semaphore_mem>>
        %dma_start3A = arith.constant 0 : i32
        %dma_start3A_27 = tpu.memref_slice %arg12[%mul3A_2, %dma_start3A] : memref<10240x128xf32, #tpu.memory_space<vmem_shared>> -> memref<640x128xf32, #tpu.memory_space<vmem_shared>>
        %dma_start3A_28 = arith.constant 0 : i32
        %dma_start3A_29 = tpu.memref_slice %arg5[%mul3A_2, %dma_start3A_28] : memref<10240x128xf32, #tpu.memory_space<hbm>> -> memref<640x128xf32, #tpu.memory_space<hbm>>
        tpu.enqueue_dma source(%dma_start3A_29 : memref<640x128xf32, #tpu.memory_space<hbm>>) target(%dma_start3A_27 : memref<640x128xf32, #tpu.memory_space<vmem_shared>>) target_semaphore(%run_scoped3A : memref<!tpu.dma_semaphore, #tpu.memory_space<semaphore_mem>>)
        %dma_wait3A = arith.constant 0 : i32
        %dma_wait3A_30 = tpu.memref_slice %arg12[%mul3A_2, %dma_wait3A] : memref<10240x128xf32, #tpu.memory_space<vmem_shared>> -> memref<640x128xf32, #tpu.memory_space<vmem_shared>>
        %dma_wait3A_31 = arith.constant 0 : i32
        %dma_wait3A_32 = tpu.memref_slice %arg5[%mul3A_2, %dma_wait3A_31] : memref<10240x128xf32, #tpu.memory_space<hbm>> -> memref<640x128xf32, #tpu.memory_space<hbm>>
        tpu.wait_dma2 semaphore(%run_scoped3A : memref<!tpu.dma_semaphore, #tpu.memory_space<semaphore_mem>>) src(%dma_wait3A_32 : memref<640x128xf32, #tpu.memory_space<hbm>>) dst(%dma_wait3A_30 : memref<640x128xf32, #tpu.memory_space<vmem_shared>>)
        tpu.yield
      }) : () -> ()
    } else {
    }
    %eq3A_5 = arith.constant 1 : i32
    %eq3A_6 = arith.cmpi eq, %arg0, %eq3A_5 : i32
    %convert_element_type3A_7 = arith.extui %eq3A_6 : i1 to i32
    %cond3A_8 = arith.constant 0 : i32
    %cond3A_9 = arith.cmpi ne, %convert_element_type3A_7, %cond3A_8 : i32
    scf.if %cond3A_9 {
      %scan3A_27 = arith.constant 0 : i32
      %scan3A_28 = arith.constant 0 : i32
      %scan3A_29 = arith.constant 128 : i32
      %scan3A_30 = arith.addi %scan3A_28, %scan3A_29 : i32
      %scan3A_31 = arith.constant 1 : i32
      %scan3A_32 = scf.for %scan3A_44 = %scan3A_28 to %scan3A_30 step %scan3A_31 iter_args(%scan3A_45 = %scan3A_27) -> (i32)  : i32 {
        %scan3A_46 = arith.constant 0 : i32
        %scan3A_47 = arith.constant 0 : i32
        %scan3A_48 = arith.constant 8 : i32
        %scan3A_49 = arith.addi %scan3A_47, %scan3A_48 : i32
        %scan3A_50 = arith.constant 1 : i32
        %scan3A_51 = scf.for %scan3A_53 = %scan3A_47 to %scan3A_49 step %scan3A_50 iter_args(%scan3A_54 = %scan3A_46) -> (i32)  : i32 {
          %broadcast_in_dim3A = arith.constant 0.000000e+00 : f32
          %broadcast_in_dim3A_55 = vector.broadcast %broadcast_in_dim3A : f32 to vector<16xf32>
          %mul3A_56 = arith.constant 16 : i32
          %mul3A_57 = arith.muli %scan3A_53, %mul3A_56 : i32
          %swap3A = arith.index_cast %scan3A_44 : i32 to index
          %swap3A_58 = arith.index_cast %mul3A_57 : i32 to index
          %swap3A_59 = tpu.vector_load %arg10[%swap3A, %swap3A_58] {strides = array<i32>} : memref<128x128xf32, #tpu.memory_space<vmem>>, vector<1x16xf32>,
          %swap3A_60 = vector.shape_cast %swap3A_59 : vector<1x16xf32> to vector<16xf32>
          %swap3A_61 = vector.shape_cast %broadcast_in_dim3A_55 : vector<16xf32> to vector<1x16xf32>
          tpu.vector_store %arg10[%swap3A, %swap3A_58], %swap3A_61 {strides = array<i32>} : memref<128x128xf32, #tpu.memory_space<vmem>>, vector<1x16xf32>,
          %scan3A_62 = arith.constant 0 : i32
          scf.yield %scan3A_62 : i32
        }
        %scan3A_52 = arith.constant 8 : i32
        scf.yield %scan3A_51 : i32
      }
      %scan3A_33 = arith.constant 128 : i32
      %add3A_34 = arith.constant 0 : i32
      %add3A_35 = arith.addi %mul3A_2, %add3A_34 : i32
      "tpu.region"() ({
        %run_scoped3A = tpu.sem_alloc : memref<!tpu.dma_semaphore, #tpu.memory_space<semaphore_mem>>
        %dma_start3A = arith.constant 0 : i32
        %dma_start3A_44 = tpu.memref_slice %arg12[%add3A_35, %dma_start3A] : memref<10240x128xf32, #tpu.memory_space<vmem_shared>> -> memref<128x128xf32, #tpu.memory_space<vmem_shared>>
        %dma_start3A_45 = arith.constant 0 : i32
        %dma_start3A_46 = tpu.memref_slice %arg12[%add3A_35, %dma_start3A_45] : memref<10240x128xf32, #tpu.memory_space<vmem_shared>> -> memref<128x128xf32, #tpu.memory_space<vmem_shared>>
        tpu.enqueue_dma source(%arg10 : memref<128x128xf32, #tpu.memory_space<vmem>>) target(%dma_start3A_46 : memref<128x128xf32, #tpu.memory_space<vmem_shared>>) target_semaphore(%run_scoped3A : memref<!tpu.dma_semaphore, #tpu.memory_space<semaphore_mem>>)
        %dma_wait3A = arith.constant 0 : i32
        %dma_wait3A_47 = tpu.memref_slice %arg12[%add3A_35, %dma_wait3A] : memref<10240x128xf32, #tpu.memory_space<vmem_shared>> -> memref<128x128xf32, #tpu.memory_space<vmem_shared>>
        %dma_wait3A_48 = arith.constant 0 : i32
        %dma_wait3A_49 = tpu.memref_slice %arg12[%add3A_35, %dma_wait3A_48] : memref<10240x128xf32, #tpu.memory_space<vmem_shared>> -> memref<128x128xf32, #tpu.memory_space<vmem_shared>>
        tpu.wait_dma2 semaphore(%run_scoped3A : memref<!tpu.dma_semaphore, #tpu.memory_space<semaphore_mem>>) src(%arg10 : memref<128x128xf32, #tpu.memory_space<vmem>>) dst(%dma_wait3A_49 : memref<128x128xf32, #tpu.memory_space<vmem_shared>>)
        tpu.yield
      }) : () -> ()
      %add3A_36 = arith.constant 128 : i32
      %add3A_37 = arith.addi %mul3A_2, %add3A_36 : i32
      "tpu.region"() ({
        %run_scoped3A = tpu.sem_alloc : memref<!tpu.dma_semaphore, #tpu.memory_space<semaphore_mem>>
        %dma_start3A = arith.constant 0 : i32
        %dma_start3A_44 = tpu.memref_slice %arg12[%add3A_37, %dma_start3A] : memref<10240x128xf32, #tpu.memory_space<vmem_shared>> -> memref<128x128xf32, #tpu.memory_space<vmem_shared>>
        %dma_start3A_45 = arith.constant 0 : i32
        %dma_start3A_46 = tpu.memref_slice %arg12[%add3A_37, %dma_start3A_45] : memref<10240x128xf32, #tpu.memory_space<vmem_shared>> -> memref<128x128xf32, #tpu.memory_space<vmem_shared>>
        tpu.enqueue_dma source(%arg10 : memref<128x128xf32, #tpu.memory_space<vmem>>) target(%dma_start3A_46 : memref<128x128xf32, #tpu.memory_space<vmem_shared>>) target_semaphore(%run_scoped3A : memref<!tpu.dma_semaphore, #tpu.memory_space<semaphore_mem>>)
        %dma_wait3A = arith.constant 0 : i32
        %dma_wait3A_47 = tpu.memref_slice %arg12[%add3A_37, %dma_wait3A] : memref<10240x128xf32, #tpu.memory_space<vmem_shared>> -> memref<128x128xf32, #tpu.memory_space<vmem_shared>>
        %dma_wait3A_48 = arith.constant 0 : i32
        %dma_wait3A_49 = tpu.memref_slice %arg12[%add3A_37, %dma_wait3A_48] : memref<10240x128xf32, #tpu.memory_space<vmem_shared>> -> memref<128x128xf32, #tpu.memory_space<vmem_shared>>
        tpu.wait_dma2 semaphore(%run_scoped3A : memref<!tpu.dma_semaphore, #tpu.memory_space<semaphore_mem>>) src(%arg10 : memref<128x128xf32, #tpu.memory_space<vmem>>) dst(%dma_wait3A_49 : memref<128x128xf32, #tpu.memory_space<vmem_shared>>)
        tpu.yield
      }) : () -> ()
      %add3A_38 = arith.constant 256 : i32
      %add3A_39 = arith.addi %mul3A_2, %add3A_38 : i32
      "tpu.region"() ({
        %run_scoped3A = tpu.sem_alloc : memref<!tpu.dma_semaphore, #tpu.memory_space<semaphore_mem>>
        %dma_start3A = arith.constant 0 : i32
        %dma_start3A_44 = tpu.memref_slice %arg12[%add3A_39, %dma_start3A] : memref<10240x128xf32, #tpu.memory_space<vmem_shared>> -> memref<128x128xf32, #tpu.memory_space<vmem_shared>>
        %dma_start3A_45 = arith.constant 0 : i32
        %dma_start3A_46 = tpu.memref_slice %arg12[%add3A_39, %dma_start3A_45] : memref<10240x128xf32, #tpu.memory_space<vmem_shared>> -> memref<128x128xf32, #tpu.memory_space<vmem_shared>>
        tpu.enqueue_dma source(%arg10 : memref<128x128xf32, #tpu.memory_space<vmem>>) target(%dma_start3A_46 : memref<128x128xf32, #tpu.memory_space<vmem_shared>>) target_semaphore(%run_scoped3A : memref<!tpu.dma_semaphore, #tpu.memory_space<semaphore_mem>>)
        %dma_wait3A = arith.constant 0 : i32
        %dma_wait3A_47 = tpu.memref_slice %arg12[%add3A_39, %dma_wait3A] : memref<10240x128xf32, #tpu.memory_space<vmem_shared>> -> memref<128x128xf32, #tpu.memory_space<vmem_shared>>
        %dma_wait3A_48 = arith.constant 0 : i32
        %dma_wait3A_49 = tpu.memref_slice %arg12[%add3A_39, %dma_wait3A_48] : memref<10240x128xf32, #tpu.memory_space<vmem_shared>> -> memref<128x128xf32, #tpu.memory_space<vmem_shared>>
        tpu.wait_dma2 semaphore(%run_scoped3A : memref<!tpu.dma_semaphore, #tpu.memory_space<semaphore_mem>>) src(%arg10 : memref<128x128xf32, #tpu.memory_space<vmem>>) dst(%dma_wait3A_49 : memref<128x128xf32, #tpu.memory_space<vmem_shared>>)
        tpu.yield
      }) : () -> ()
      %add3A_40 = arith.constant 384 : i32
      %add3A_41 = arith.addi %mul3A_2, %add3A_40 : i32
      "tpu.region"() ({
        %run_scoped3A = tpu.sem_alloc : memref<!tpu.dma_semaphore, #tpu.memory_space<semaphore_mem>>
        %dma_start3A = arith.constant 0 : i32
        %dma_start3A_44 = tpu.memref_slice %arg12[%add3A_41, %dma_start3A] : memref<10240x128xf32, #tpu.memory_space<vmem_shared>> -> memref<128x128xf32, #tpu.memory_space<vmem_shared>>
        %dma_start3A_45 = arith.constant 0 : i32
        %dma_start3A_46 = tpu.memref_slice %arg12[%add3A_41, %dma_start3A_45] : memref<10240x128xf32, #tpu.memory_space<vmem_shared>> -> memref<128x128xf32, #tpu.memory_space<vmem_shared>>
        tpu.enqueue_dma source(%arg10 : memref<128x128xf32, #tpu.memory_space<vmem>>) target(%dma_start3A_46 : memref<128x128xf32, #tpu.memory_space<vmem_shared>>) target_semaphore(%run_scoped3A : memref<!tpu.dma_semaphore, #tpu.memory_space<semaphore_mem>>)
        %dma_wait3A = arith.constant 0 : i32
        %dma_wait3A_47 = tpu.memref_slice %arg12[%add3A_41, %dma_wait3A] : memref<10240x128xf32, #tpu.memory_space<vmem_shared>> -> memref<128x128xf32, #tpu.memory_space<vmem_shared>>
        %dma_wait3A_48 = arith.constant 0 : i32
        %dma_wait3A_49 = tpu.memref_slice %arg12[%add3A_41, %dma_wait3A_48] : memref<10240x128xf32, #tpu.memory_space<vmem_shared>> -> memref<128x128xf32, #tpu.memory_space<vmem_shared>>
        tpu.wait_dma2 semaphore(%run_scoped3A : memref<!tpu.dma_semaphore, #tpu.memory_space<semaphore_mem>>) src(%arg10 : memref<128x128xf32, #tpu.memory_space<vmem>>) dst(%dma_wait3A_49 : memref<128x128xf32, #tpu.memory_space<vmem_shared>>)
        tpu.yield
      }) : () -> ()
      %add3A_42 = arith.constant 512 : i32
      %add3A_43 = arith.addi %mul3A_2, %add3A_42 : i32
      "tpu.region"() ({
        %run_scoped3A = tpu.sem_alloc : memref<!tpu.dma_semaphore, #tpu.memory_space<semaphore_mem>>
        %dma_start3A = arith.constant 0 : i32
        %dma_start3A_44 = tpu.memref_slice %arg12[%add3A_43, %dma_start3A] : memref<10240x128xf32, #tpu.memory_space<vmem_shared>> -> memref<128x128xf32, #tpu.memory_space<vmem_shared>>
        %dma_start3A_45 = arith.constant 0 : i32
        %dma_start3A_46 = tpu.memref_slice %arg12[%add3A_43, %dma_start3A_45] : memref<10240x128xf32, #tpu.memory_space<vmem_shared>> -> memref<128x128xf32, #tpu.memory_space<vmem_shared>>
        tpu.enqueue_dma source(%arg10 : memref<128x128xf32, #tpu.memory_space<vmem>>) target(%dma_start3A_46 : memref<128x128xf32, #tpu.memory_space<vmem_shared>>) target_semaphore(%run_scoped3A : memref<!tpu.dma_semaphore, #tpu.memory_space<semaphore_mem>>)
        %dma_wait3A = arith.constant 0 : i32
        %dma_wait3A_47 = tpu.memref_slice %arg12[%add3A_43, %dma_wait3A] : memref<10240x128xf32, #tpu.memory_space<vmem_shared>> -> memref<128x128xf32, #tpu.memory_space<vmem_shared>>
        %dma_wait3A_48 = arith.constant 0 : i32
        %dma_wait3A_49 = tpu.memref_slice %arg12[%add3A_43, %dma_wait3A_48] : memref<10240x128xf32, #tpu.memory_space<vmem_shared>> -> memref<128x128xf32, #tpu.memory_space<vmem_shared>>
        tpu.wait_dma2 semaphore(%run_scoped3A : memref<!tpu.dma_semaphore, #tpu.memory_space<semaphore_mem>>) src(%arg10 : memref<128x128xf32, #tpu.memory_space<vmem>>) dst(%dma_wait3A_49 : memref<128x128xf32, #tpu.memory_space<vmem_shared>>)
        tpu.yield
      }) : () -> ()
    } else {
    }
    %barrier3A = arith.constant 0 : index
    tpu.barrier barrier_id(%barrier3A)
    %scan3A = arith.constant 0 : i32
    %scan3A_10 = arith.constant 0 : i32
    %scan3A_11 = arith.constant 5 : i32
    %scan3A_12 = arith.addi %scan3A_10, %scan3A_11 : i32
    %scan3A_13 = arith.constant 1 : i32
    %scan3A_14 = scf.for %scan3A_27 = %scan3A_10 to %scan3A_12 step %scan3A_13 iter_args(%scan3A_28 = %scan3A) -> (i32)  : i32 {
      %mul3A_29 = arith.constant 80 : i32
      %mul3A_30 = arith.muli %add3A, %mul3A_29 : i32
      %mul3A_31 = arith.constant 16 : i32
      %mul3A_32 = arith.muli %scan3A_27, %mul3A_31 : i32
      %add3A_33 = arith.addi %mul3A_30, %mul3A_32 : i32
      "tpu.region"() ({
        %run_scoped3A_277 = tpu.sem_alloc : memref<!tpu.dma_semaphore, #tpu.memory_space<semaphore_mem>>
        %dma_start3A_278 = arith.constant 0 : i32
        %dma_start3A_279 = tpu.memref_slice %arg2[%add3A_33, %dma_start3A_278] : memref<2560x128xi32, #tpu.memory_space<hbm>> -> memref<16x128xi32, #tpu.memory_space<hbm>>
        %dma_start3A_280 = arith.constant 0 : i32
        %dma_start3A_281 = tpu.memref_slice %arg2[%add3A_33, %dma_start3A_280] : memref<2560x128xi32, #tpu.memory_space<hbm>> -> memref<16x128xi32, #tpu.memory_space<hbm>>
        tpu.enqueue_dma source(%dma_start3A_281 : memref<16x128xi32, #tpu.memory_space<hbm>>) target(%arg8 : memref<16x128xi32, #tpu.memory_space<vmem>>) target_semaphore(%run_scoped3A_277 : memref<!tpu.dma_semaphore, #tpu.memory_space<semaphore_mem>>)
        %dma_wait3A_282 = arith.constant 0 : i32
        %dma_wait3A_283 = tpu.memref_slice %arg2[%add3A_33, %dma_wait3A_282] : memref<2560x128xi32, #tpu.memory_space<hbm>> -> memref<16x128xi32, #tpu.memory_space<hbm>>
        %dma_wait3A_284 = arith.constant 0 : i32
        %dma_wait3A_285 = tpu.memref_slice %arg2[%add3A_33, %dma_wait3A_284] : memref<2560x128xi32, #tpu.memory_space<hbm>> -> memref<16x128xi32, #tpu.memory_space<hbm>>
        tpu.wait_dma2 semaphore(%run_scoped3A_277 : memref<!tpu.dma_semaphore, #tpu.memory_space<semaphore_mem>>) src(%dma_wait3A_285 : memref<16x128xi32, #tpu.memory_space<hbm>>) dst(%arg8 : memref<16x128xi32, #tpu.memory_space<vmem>>)
        tpu.yield
      }) : () -> ()
      %mul3A_34 = arith.constant 80 : i32
      %mul3A_35 = arith.muli %add3A, %mul3A_34 : i32
      %mul3A_36 = arith.constant 16 : i32
      %mul3A_37 = arith.muli %scan3A_27, %mul3A_36 : i32
      %add3A_38 = arith.addi %mul3A_35, %mul3A_37 : i32
      "tpu.region"() ({
        %run_scoped3A_277 = tpu.sem_alloc : memref<!tpu.dma_semaphore, #tpu.memory_space<semaphore_mem>>
        %dma_start3A_278 = arith.constant 0 : i32
        %dma_start3A_279 = tpu.memref_slice %arg3[%add3A_38, %dma_start3A_278] : memref<2560x128xi32, #tpu.memory_space<hbm>> -> memref<16x128xi32, #tpu.memory_space<hbm>>
        %dma_start3A_280 = arith.constant 0 : i32
        %dma_start3A_281 = tpu.memref_slice %arg3[%add3A_38, %dma_start3A_280] : memref<2560x128xi32, #tpu.memory_space<hbm>> -> memref<16x128xi32, #tpu.memory_space<hbm>>
        tpu.enqueue_dma source(%dma_start3A_281 : memref<16x128xi32, #tpu.memory_space<hbm>>) target(%arg9 : memref<16x128xi32, #tpu.memory_space<vmem>>) target_semaphore(%run_scoped3A_277 : memref<!tpu.dma_semaphore, #tpu.memory_space<semaphore_mem>>)
        %dma_wait3A_282 = arith.constant 0 : i32
        %dma_wait3A_283 = tpu.memref_slice %arg3[%add3A_38, %dma_wait3A_282] : memref<2560x128xi32, #tpu.memory_space<hbm>> -> memref<16x128xi32, #tpu.memory_space<hbm>>
        %dma_wait3A_284 = arith.constant 0 : i32
        %dma_wait3A_285 = tpu.memref_slice %arg3[%add3A_38, %dma_wait3A_284] : memref<2560x128xi32, #tpu.memory_space<hbm>> -> memref<16x128xi32, #tpu.memory_space<hbm>>
        tpu.wait_dma2 semaphore(%run_scoped3A_277 : memref<!tpu.dma_semaphore, #tpu.memory_space<semaphore_mem>>) src(%dma_wait3A_285 : memref<16x128xi32, #tpu.memory_space<hbm>>) dst(%arg9 : memref<16x128xi32, #tpu.memory_space<vmem>>)
        tpu.yield
      }) : () -> ()
      %dma_start3A = arith.constant 0 : i32
      %dma_start3A_39 = arith.constant 0 : i32
      %dma_start3A_40 = tpu.memref_slice %arg8[%dma_start3A, %dma_start3A_39] : memref<16x128xi32, #tpu.memory_space<vmem>> -> memref<1x128xi32, #tpu.memory_space<vmem>>
      %dma_start3A_41 = tpu.memref_squeeze %dma_start3A_40 : memref<1x128xi32, #tpu.memory_space<vmem>> -> memref<128xi32, #tpu.memory_space<vmem>>
      %dma_start3A_42 = arith.constant 0 : i32
      %dma_start3A_43 = arith.constant 0 : i32
      %dma_start3A_44 = tpu.memref_slice %arg4[%dma_start3A_42, %dma_start3A_43] : memref<10240x128xf32, #tpu.memory_space<hbm>> -> memref<10240x128xf32, #tpu.memory_space<hbm>>
      tpu.enqueue_indirect_dma source(%dma_start3A_44 : memref<10240x128xf32, #tpu.memory_space<hbm>>) target(%arg10 : memref<128x128xf32, #tpu.memory_space<vmem>>) offsets(%dma_start3A_41 : memref<128xi32, #tpu.memory_space<vmem>>) semaphore(%arg13 : memref<!tpu.dma_semaphore, #tpu.memory_space<semaphore_mem>>)
      %dma_wait3A = arith.constant 0 : i32
      %dma_wait3A_45 = arith.constant 0 : i32
      %dma_wait3A_46 = tpu.memref_slice %arg8[%dma_wait3A, %dma_wait3A_45] : memref<16x128xi32, #tpu.memory_space<vmem>> -> memref<1x128xi32, #tpu.memory_space<vmem>>
      %dma_wait3A_47 = tpu.memref_squeeze %dma_wait3A_46 : memref<1x128xi32, #tpu.memory_space<vmem>> -> memref<128xi32, #tpu.memory_space<vmem>>
      %dma_wait3A_48 = arith.constant 0 : i32
      %dma_wait3A_49 = arith.constant 0 : i32
      %dma_wait3A_50 = tpu.memref_slice %arg4[%dma_wait3A_48, %dma_wait3A_49] : memref<10240x128xf32, #tpu.memory_space<hbm>> -> memref<10240x128xf32, #tpu.memory_space<hbm>>
      tpu.wait_indirect_dma semaphore(%arg13 : memref<!tpu.dma_semaphore, #tpu.memory_space<semaphore_mem>>) src(%dma_wait3A_50 : memref<10240x128xf32, #tpu.memory_space<hbm>>) dst(%arg10 : memref<128x128xf32, #tpu.memory_space<vmem>>)
      %dma_start3A_51 = arith.constant 1 : i32
      %dma_start3A_52 = arith.constant 0 : i32
      %dma_start3A_53 = tpu.memref_slice %arg8[%dma_start3A_51, %dma_start3A_52] : memref<16x128xi32, #tpu.memory_space<vmem>> -> memref<1x128xi32, #tpu.memory_space<vmem>>
      %dma_start3A_54 = tpu.memref_squeeze %dma_start3A_53 : memref<1x128xi32, #tpu.memory_space<vmem>> -> memref<128xi32, #tpu.memory_space<vmem>>
      %dma_start3A_55 = arith.constant 0 : i32
      %dma_start3A_56 = arith.constant 0 : i32
      %dma_start3A_57 = tpu.memref_slice %arg4[%dma_start3A_55, %dma_start3A_56] : memref<10240x128xf32, #tpu.memory_space<hbm>> -> memref<10240x128xf32, #tpu.memory_space<hbm>>
      tpu.enqueue_indirect_dma source(%dma_start3A_57 : memref<10240x128xf32, #tpu.memory_space<hbm>>) target(%arg11 : memref<128x128xf32, #tpu.memory_space<vmem>>) offsets(%dma_start3A_54 : memref<128xi32, #tpu.memory_space<vmem>>) semaphore(%arg14 : memref<!tpu.dma_semaphore, #tpu.memory_space<semaphore_mem>>)
      %run_scoped3A = arith.constant 0 : i32
      "tpu.region"() ({
        %run_scoped3A_277 = tpu.sem_alloc : memref<!tpu.dma_semaphore, #tpu.memory_space<semaphore_mem>>
        %dma_start3A_278 = arith.constant 0 : i32
        %dma_start3A_279 = tpu.memref_slice %arg9[%run_scoped3A, %dma_start3A_278] : memref<16x128xi32, #tpu.memory_space<vmem>> -> memref<1x128xi32, #tpu.memory_space<vmem>>
        %dma_start3A_280 = tpu.memref_squeeze %dma_start3A_279 : memref<1x128xi32, #tpu.memory_space<vmem>> -> memref<128xi32, #tpu.memory_space<vmem>>
        %dma_start3A_281 = arith.constant 0 : i32
        %dma_start3A_282 = arith.constant 0 : i32
        %dma_start3A_283 = tpu.memref_slice %arg12[%dma_start3A_281, %dma_start3A_282] : memref<10240x128xf32, #tpu.memory_space<vmem_shared>> -> memref<10240x128xf32, #tpu.memory_space<vmem_shared>>
        tpu.enqueue_indirect_dma source(%arg10 : memref<128x128xf32, #tpu.memory_space<vmem>>) target(%dma_start3A_283 : memref<10240x128xf32, #tpu.memory_space<vmem_shared>>) offsets(%dma_start3A_280 : memref<128xi32, #tpu.memory_space<vmem>>) semaphore(%run_scoped3A_277 : memref<!tpu.dma_semaphore, #tpu.memory_space<semaphore_mem>>) {add = true}
        %dma_wait3A_284 = arith.constant 0 : i32
        %dma_wait3A_285 = tpu.memref_slice %arg9[%run_scoped3A, %dma_wait3A_284] : memref<16x128xi32, #tpu.memory_space<vmem>> -> memref<1x128xi32, #tpu.memory_space<vmem>>
        %dma_wait3A_286 = tpu.memref_squeeze %dma_wait3A_285 : memref<1x128xi32, #tpu.memory_space<vmem>> -> memref<128xi32, #tpu.memory_space<vmem>>
        %dma_wait3A_287 = arith.constant 0 : i32
        %dma_wait3A_288 = arith.constant 0 : i32
        %dma_wait3A_289 = tpu.memref_slice %arg12[%dma_wait3A_287, %dma_wait3A_288] : memref<10240x128xf32, #tpu.memory_space<vmem_shared>> -> memref<10240x128xf32, #tpu.memory_space<vmem_shared>>
        tpu.wait_indirect_dma semaphore(%run_scoped3A_277 : memref<!tpu.dma_semaphore, #tpu.memory_space<semaphore_mem>>) src(%arg10 : memref<128x128xf32, #tpu.memory_space<vmem>>) dst(%dma_wait3A_289 : memref<10240x128xf32, #tpu.memory_space<vmem_shared>>)
        tpu.yield
      }) : () -> ()
      %dma_wait3A_58 = arith.constant 1 : i32
      %dma_wait3A_59 = arith.constant 0 : i32
      %dma_wait3A_60 = tpu.memref_slice %arg8[%dma_wait3A_58, %dma_wait3A_59] : memref<16x128xi32, #tpu.memory_space<vmem>> -> memref<1x128xi32, #tpu.memory_space<vmem>>
      %dma_wait3A_61 = tpu.memref_squeeze %dma_wait3A_60 : memref<1x128xi32, #tpu.memory_space<vmem>> -> memref<128xi32, #tpu.memory_space<vmem>>
      %dma_wait3A_62 = arith.constant 0 : i32
      %dma_wait3A_63 = arith.constant 0 : i32
      %dma_wait3A_64 = tpu.memref_slice %arg4[%dma_wait3A_62, %dma_wait3A_63] : memref<10240x128xf32, #tpu.memory_space<hbm>> -> memref<10240x128xf32, #tpu.memory_space<hbm>>
      tpu.wait_indirect_dma semaphore(%arg14 : memref<!tpu.dma_semaphore, #tpu.memory_space<semaphore_mem>>) src(%dma_wait3A_64 : memref<10240x128xf32, #tpu.memory_space<hbm>>) dst(%arg11 : memref<128x128xf32, #tpu.memory_space<vmem>>)
      %dma_start3A_65 = arith.constant 2 : i32
      %dma_start3A_66 = arith.constant 0 : i32
      %dma_start3A_67 = tpu.memref_slice %arg8[%dma_start3A_65, %dma_start3A_66] : memref<16x128xi32, #tpu.memory_space<vmem>> -> memref<1x128xi32, #tpu.memory_space<vmem>>
      %dma_start3A_68 = tpu.memref_squeeze %dma_start3A_67 : memref<1x128xi32, #tpu.memory_space<vmem>> -> memref<128xi32, #tpu.memory_space<vmem>>
      %dma_start3A_69 = arith.constant 0 : i32
      %dma_start3A_70 = arith.constant 0 : i32
      %dma_start3A_71 = tpu.memref_slice %arg4[%dma_start3A_69, %dma_start3A_70] : memref<10240x128xf32, #tpu.memory_space<hbm>> -> memref<10240x128xf32, #tpu.memory_space<hbm>>
      tpu.enqueue_indirect_dma source(%dma_start3A_71 : memref<10240x128xf32, #tpu.memory_space<hbm>>) target(%arg10 : memref<128x128xf32, #tpu.memory_space<vmem>>) offsets(%dma_start3A_68 : memref<128xi32, #tpu.memory_space<vmem>>) semaphore(%arg13 : memref<!tpu.dma_semaphore, #tpu.memory_space<semaphore_mem>>)
      %run_scoped3A_72 = arith.constant 1 : i32
      "tpu.region"() ({
        %run_scoped3A_277 = tpu.sem_alloc : memref<!tpu.dma_semaphore, #tpu.memory_space<semaphore_mem>>
        %dma_start3A_278 = arith.constant 0 : i32
        %dma_start3A_279 = tpu.memref_slice %arg9[%run_scoped3A_72, %dma_start3A_278] : memref<16x128xi32, #tpu.memory_space<vmem>> -> memref<1x128xi32, #tpu.memory_space<vmem>>
        %dma_start3A_280 = tpu.memref_squeeze %dma_start3A_279 : memref<1x128xi32, #tpu.memory_space<vmem>> -> memref<128xi32, #tpu.memory_space<vmem>>
        %dma_start3A_281 = arith.constant 0 : i32
        %dma_start3A_282 = arith.constant 0 : i32
        %dma_start3A_283 = tpu.memref_slice %arg12[%dma_start3A_281, %dma_start3A_282] : memref<10240x128xf32, #tpu.memory_space<vmem_shared>> -> memref<10240x128xf32, #tpu.memory_space<vmem_shared>>
        tpu.enqueue_indirect_dma source(%arg11 : memref<128x128xf32, #tpu.memory_space<vmem>>) target(%dma_start3A_283 : memref<10240x128xf32, #tpu.memory_space<vmem_shared>>) offsets(%dma_start3A_280 : memref<128xi32, #tpu.memory_space<vmem>>) semaphore(%run_scoped3A_277 : memref<!tpu.dma_semaphore, #tpu.memory_space<semaphore_mem>>) {add = true}
        %dma_wait3A_284 = arith.constant 0 : i32
        %dma_wait3A_285 = tpu.memref_slice %arg9[%run_scoped3A_72, %dma_wait3A_284] : memref<16x128xi32, #tpu.memory_space<vmem>> -> memref<1x128xi32, #tpu.memory_space<vmem>>
        %dma_wait3A_286 = tpu.memref_squeeze %dma_wait3A_285 : memref<1x128xi32, #tpu.memory_space<vmem>> -> memref<128xi32, #tpu.memory_space<vmem>>
        %dma_wait3A_287 = arith.constant 0 : i32
        %dma_wait3A_288 = arith.constant 0 : i32
        %dma_wait3A_289 = tpu.memref_slice %arg12[%dma_wait3A_287, %dma_wait3A_288] : memref<10240x128xf32, #tpu.memory_space<vmem_shared>> -> memref<10240x128xf32, #tpu.memory_space<vmem_shared>>
        tpu.wait_indirect_dma semaphore(%run_scoped3A_277 : memref<!tpu.dma_semaphore, #tpu.memory_space<semaphore_mem>>) src(%arg11 : memref<128x128xf32, #tpu.memory_space<vmem>>) dst(%dma_wait3A_289 : memref<10240x128xf32, #tpu.memory_space<vmem_shared>>)
        tpu.yield
      }) : () -> ()
      %dma_wait3A_73 = arith.constant 2 : i32
      %dma_wait3A_74 = arith.constant 0 : i32
      %dma_wait3A_75 = tpu.memref_slice %arg8[%dma_wait3A_73, %dma_wait3A_74] : memref<16x128xi32, #tpu.memory_space<vmem>> -> memref<1x128xi32, #tpu.memory_space<vmem>>
      %dma_wait3A_76 = tpu.memref_squeeze %dma_wait3A_75 : memref<1x128xi32, #tpu.memory_space<vmem>> -> memref<128xi32, #tpu.memory_space<vmem>>
      %dma_wait3A_77 = arith.constant 0 : i32
      %dma_wait3A_78 = arith.constant 0 : i32
      %dma_wait3A_79 = tpu.memref_slice %arg4[%dma_wait3A_77, %dma_wait3A_78] : memref<10240x128xf32, #tpu.memory_space<hbm>> -> memref<10240x128xf32, #tpu.memory_space<hbm>>
      tpu.wait_indirect_dma semaphore(%arg13 : memref<!tpu.dma_semaphore, #tpu.memory_space<semaphore_mem>>) src(%dma_wait3A_79 : memref<10240x128xf32, #tpu.memory_space<hbm>>) dst(%arg10 : memref<128x128xf32, #tpu.memory_space<vmem>>)
      %dma_start3A_80 = arith.constant 3 : i32
      %dma_start3A_81 = arith.constant 0 : i32
      %dma_start3A_82 = tpu.memref_slice %arg8[%dma_start3A_80, %dma_start3A_81] : memref<16x128xi32, #tpu.memory_space<vmem>> -> memref<1x128xi32, #tpu.memory_space<vmem>>
      %dma_start3A_83 = tpu.memref_squeeze %dma_start3A_82 : memref<1x128xi32, #tpu.memory_space<vmem>> -> memref<128xi32, #tpu.memory_space<vmem>>
      %dma_start3A_84 = arith.constant 0 : i32
      %dma_start3A_85 = arith.constant 0 : i32
      %dma_start3A_86 = tpu.memref_slice %arg4[%dma_start3A_84, %dma_start3A_85] : memref<10240x128xf32, #tpu.memory_space<hbm>> -> memref<10240x128xf32, #tpu.memory_space<hbm>>
      tpu.enqueue_indirect_dma source(%dma_start3A_86 : memref<10240x128xf32, #tpu.memory_space<hbm>>) target(%arg11 : memref<128x128xf32, #tpu.memory_space<vmem>>) offsets(%dma_start3A_83 : memref<128xi32, #tpu.memory_space<vmem>>) semaphore(%arg14 : memref<!tpu.dma_semaphore, #tpu.memory_space<semaphore_mem>>)
      %run_scoped3A_87 = arith.constant 2 : i32
      "tpu.region"() ({
        %run_scoped3A_277 = tpu.sem_alloc : memref<!tpu.dma_semaphore, #tpu.memory_space<semaphore_mem>>
        %dma_start3A_278 = arith.constant 0 : i32
        %dma_start3A_279 = tpu.memref_slice %arg9[%run_scoped3A_87, %dma_start3A_278] : memref<16x128xi32, #tpu.memory_space<vmem>> -> memref<1x128xi32, #tpu.memory_space<vmem>>
        %dma_start3A_280 = tpu.memref_squeeze %dma_start3A_279 : memref<1x128xi32, #tpu.memory_space<vmem>> -> memref<128xi32, #tpu.memory_space<vmem>>
        %dma_start3A_281 = arith.constant 0 : i32
        %dma_start3A_282 = arith.constant 0 : i32
        %dma_start3A_283 = tpu.memref_slice %arg12[%dma_start3A_281, %dma_start3A_282] : memref<10240x128xf32, #tpu.memory_space<vmem_shared>> -> memref<10240x128xf32, #tpu.memory_space<vmem_shared>>
        tpu.enqueue_indirect_dma source(%arg10 : memref<128x128xf32, #tpu.memory_space<vmem>>) target(%dma_start3A_283 : memref<10240x128xf32, #tpu.memory_space<vmem_shared>>) offsets(%dma_start3A_280 : memref<128xi32, #tpu.memory_space<vmem>>) semaphore(%run_scoped3A_277 : memref<!tpu.dma_semaphore, #tpu.memory_space<semaphore_mem>>) {add = true}
        %dma_wait3A_284 = arith.constant 0 : i32
        %dma_wait3A_285 = tpu.memref_slice %arg9[%run_scoped3A_87, %dma_wait3A_284] : memref<16x128xi32, #tpu.memory_space<vmem>> -> memref<1x128xi32, #tpu.memory_space<vmem>>
        %dma_wait3A_286 = tpu.memref_squeeze %dma_wait3A_285 : memref<1x128xi32, #tpu.memory_space<vmem>> -> memref<128xi32, #tpu.memory_space<vmem>>
        %dma_wait3A_287 = arith.constant 0 : i32
        %dma_wait3A_288 = arith.constant 0 : i32
        %dma_wait3A_289 = tpu.memref_slice %arg12[%dma_wait3A_287, %dma_wait3A_288] : memref<10240x128xf32, #tpu.memory_space<vmem_shared>> -> memref<10240x128xf32, #tpu.memory_space<vmem_shared>>
        tpu.wait_indirect_dma semaphore(%run_scoped3A_277 : memref<!tpu.dma_semaphore, #tpu.memory_space<semaphore_mem>>) src(%arg10 : memref<128x128xf32, #tpu.memory_space<vmem>>) dst(%dma_wait3A_289 : memref<10240x128xf32, #tpu.memory_space<vmem_shared>>)
        tpu.yield
      }) : () -> ()
      %dma_wait3A_88 = arith.constant 3 : i32
      %dma_wait3A_89 = arith.constant 0 : i32
      %dma_wait3A_90 = tpu.memref_slice %arg8[%dma_wait3A_88, %dma_wait3A_89] : memref<16x128xi32, #tpu.memory_space<vmem>> -> memref<1x128xi32, #tpu.memory_space<vmem>>
      %dma_wait3A_91 = tpu.memref_squeeze %dma_wait3A_90 : memref<1x128xi32, #tpu.memory_space<vmem>> -> memref<128xi32, #tpu.memory_space<vmem>>
      %dma_wait3A_92 = arith.constant 0 : i32
      %dma_wait3A_93 = arith.constant 0 : i32
      %dma_wait3A_94 = tpu.memref_slice %arg4[%dma_wait3A_92, %dma_wait3A_93] : memref<10240x128xf32, #tpu.memory_space<hbm>> -> memref<10240x128xf32, #tpu.memory_space<hbm>>
      tpu.wait_indirect_dma semaphore(%arg14 : memref<!tpu.dma_semaphore, #tpu.memory_space<semaphore_mem>>) src(%dma_wait3A_94 : memref<10240x128xf32, #tpu.memory_space<hbm>>) dst(%arg11 : memref<128x128xf32, #tpu.memory_space<vmem>>)
      %dma_start3A_95 = arith.constant 4 : i32
      %dma_start3A_96 = arith.constant 0 : i32
      %dma_start3A_97 = tpu.memref_slice %arg8[%dma_start3A_95, %dma_start3A_96] : memref<16x128xi32, #tpu.memory_space<vmem>> -> memref<1x128xi32, #tpu.memory_space<vmem>>
      %dma_start3A_98 = tpu.memref_squeeze %dma_start3A_97 : memref<1x128xi32, #tpu.memory_space<vmem>> -> memref<128xi32, #tpu.memory_space<vmem>>
      %dma_start3A_99 = arith.constant 0 : i32
      %dma_start3A_100 = arith.constant 0 : i32
      %dma_start3A_101 = tpu.memref_slice %arg4[%dma_start3A_99, %dma_start3A_100] : memref<10240x128xf32, #tpu.memory_space<hbm>> -> memref<10240x128xf32, #tpu.memory_space<hbm>>
      tpu.enqueue_indirect_dma source(%dma_start3A_101 : memref<10240x128xf32, #tpu.memory_space<hbm>>) target(%arg10 : memref<128x128xf32, #tpu.memory_space<vmem>>) offsets(%dma_start3A_98 : memref<128xi32, #tpu.memory_space<vmem>>) semaphore(%arg13 : memref<!tpu.dma_semaphore, #tpu.memory_space<semaphore_mem>>)
      %run_scoped3A_102 = arith.constant 3 : i32
      "tpu.region"() ({
        %run_scoped3A_277 = tpu.sem_alloc : memref<!tpu.dma_semaphore, #tpu.memory_space<semaphore_mem>>
        %dma_start3A_278 = arith.constant 0 : i32
        %dma_start3A_279 = tpu.memref_slice %arg9[%run_scoped3A_102, %dma_start3A_278] : memref<16x128xi32, #tpu.memory_space<vmem>> -> memref<1x128xi32, #tpu.memory_space<vmem>>
        %dma_start3A_280 = tpu.memref_squeeze %dma_start3A_279 : memref<1x128xi32, #tpu.memory_space<vmem>> -> memref<128xi32, #tpu.memory_space<vmem>>
        %dma_start3A_281 = arith.constant 0 : i32
        %dma_start3A_282 = arith.constant 0 : i32
        %dma_start3A_283 = tpu.memref_slice %arg12[%dma_start3A_281, %dma_start3A_282] : memref<10240x128xf32, #tpu.memory_space<vmem_shared>> -> memref<10240x128xf32, #tpu.memory_space<vmem_shared>>
        tpu.enqueue_indirect_dma source(%arg11 : memref<128x128xf32, #tpu.memory_space<vmem>>) target(%dma_start3A_283 : memref<10240x128xf32, #tpu.memory_space<vmem_shared>>) offsets(%dma_start3A_280 : memref<128xi32, #tpu.memory_space<vmem>>) semaphore(%run_scoped3A_277 : memref<!tpu.dma_semaphore, #tpu.memory_space<semaphore_mem>>) {add = true}
        %dma_wait3A_284 = arith.constant 0 : i32
        %dma_wait3A_285 = tpu.memref_slice %arg9[%run_scoped3A_102, %dma_wait3A_284] : memref<16x128xi32, #tpu.memory_space<vmem>> -> memref<1x128xi32, #tpu.memory_space<vmem>>
        %dma_wait3A_286 = tpu.memref_squeeze %dma_wait3A_285 : memref<1x128xi32, #tpu.memory_space<vmem>> -> memref<128xi32, #tpu.memory_space<vmem>>
        %dma_wait3A_287 = arith.constant 0 : i32
        %dma_wait3A_288 = arith.constant 0 : i32
        %dma_wait3A_289 = tpu.memref_slice %arg12[%dma_wait3A_287, %dma_wait3A_288] : memref<10240x128xf32, #tpu.memory_space<vmem_shared>> -> memref<10240x128xf32, #tpu.memory_space<vmem_shared>>
        tpu.wait_indirect_dma semaphore(%run_scoped3A_277 : memref<!tpu.dma_semaphore, #tpu.memory_space<semaphore_mem>>) src(%arg11 : memref<128x128xf32, #tpu.memory_space<vmem>>) dst(%dma_wait3A_289 : memref<10240x128xf32, #tpu.memory_space<vmem_shared>>)
        tpu.yield
      }) : () -> ()
      %dma_wait3A_103 = arith.constant 4 : i32
      %dma_wait3A_104 = arith.constant 0 : i32
      %dma_wait3A_105 = tpu.memref_slice %arg8[%dma_wait3A_103, %dma_wait3A_104] : memref<16x128xi32, #tpu.memory_space<vmem>> -> memref<1x128xi32, #tpu.memory_space<vmem>>
      %dma_wait3A_106 = tpu.memref_squeeze %dma_wait3A_105 : memref<1x128xi32, #tpu.memory_space<vmem>> -> memref<128xi32, #tpu.memory_space<vmem>>
      %dma_wait3A_107 = arith.constant 0 : i32
      %dma_wait3A_108 = arith.constant 0 : i32
      %dma_wait3A_109 = tpu.memref_slice %arg4[%dma_wait3A_107, %dma_wait3A_108] : memref<10240x128xf32, #tpu.memory_space<hbm>> -> memref<10240x128xf32, #tpu.memory_space<hbm>>
      tpu.wait_indirect_dma semaphore(%arg13 : memref<!tpu.dma_semaphore, #tpu.memory_space<semaphore_mem>>) src(%dma_wait3A_109 : memref<10240x128xf32, #tpu.memory_space<hbm>>) dst(%arg10 : memref<128x128xf32, #tpu.memory_space<vmem>>)
      %dma_start3A_110 = arith.constant 5 : i32
      %dma_start3A_111 = arith.constant 0 : i32
      %dma_start3A_112 = tpu.memref_slice %arg8[%dma_start3A_110, %dma_start3A_111] : memref<16x128xi32, #tpu.memory_space<vmem>> -> memref<1x128xi32, #tpu.memory_space<vmem>>
      %dma_start3A_113 = tpu.memref_squeeze %dma_start3A_112 : memref<1x128xi32, #tpu.memory_space<vmem>> -> memref<128xi32, #tpu.memory_space<vmem>>
      %dma_start3A_114 = arith.constant 0 : i32
      %dma_start3A_115 = arith.constant 0 : i32
      %dma_start3A_116 = tpu.memref_slice %arg4[%dma_start3A_114, %dma_start3A_115] : memref<10240x128xf32, #tpu.memory_space<hbm>> -> memref<10240x128xf32, #tpu.memory_space<hbm>>
      tpu.enqueue_indirect_dma source(%dma_start3A_116 : memref<10240x128xf32, #tpu.memory_space<hbm>>) target(%arg11 : memref<128x128xf32, #tpu.memory_space<vmem>>) offsets(%dma_start3A_113 : memref<128xi32, #tpu.memory_space<vmem>>) semaphore(%arg14 : memref<!tpu.dma_semaphore, #tpu.memory_space<semaphore_mem>>)
      %run_scoped3A_117 = arith.constant 4 : i32
      "tpu.region"() ({
        %run_scoped3A_277 = tpu.sem_alloc : memref<!tpu.dma_semaphore, #tpu.memory_space<semaphore_mem>>
        %dma_start3A_278 = arith.constant 0 : i32
        %dma_start3A_279 = tpu.memref_slice %arg9[%run_scoped3A_117, %dma_start3A_278] : memref<16x128xi32, #tpu.memory_space<vmem>> -> memref<1x128xi32, #tpu.memory_space<vmem>>
        %dma_start3A_280 = tpu.memref_squeeze %dma_start3A_279 : memref<1x128xi32, #tpu.memory_space<vmem>> -> memref<128xi32, #tpu.memory_space<vmem>>
        %dma_start3A_281 = arith.constant 0 : i32
        %dma_start3A_282 = arith.constant 0 : i32
        %dma_start3A_283 = tpu.memref_slice %arg12[%dma_start3A_281, %dma_start3A_282] : memref<10240x128xf32, #tpu.memory_space<vmem_shared>> -> memref<10240x128xf32, #tpu.memory_space<vmem_shared>>
        tpu.enqueue_indirect_dma source(%arg10 : memref<128x128xf32, #tpu.memory_space<vmem>>) target(%dma_start3A_283 : memref<10240x128xf32, #tpu.memory_space<vmem_shared>>) offsets(%dma_start3A_280 : memref<128xi32, #tpu.memory_space<vmem>>) semaphore(%run_scoped3A_277 : memref<!tpu.dma_semaphore, #tpu.memory_space<semaphore_mem>>) {add = true}
        %dma_wait3A_284 = arith.constant 0 : i32
        %dma_wait3A_285 = tpu.memref_slice %arg9[%run_scoped3A_117, %dma_wait3A_284] : memref<16x128xi32, #tpu.memory_space<vmem>> -> memref<1x128xi32, #tpu.memory_space<vmem>>
        %dma_wait3A_286 = tpu.memref_squeeze %dma_wait3A_285 : memref<1x128xi32, #tpu.memory_space<vmem>> -> memref<128xi32, #tpu.memory_space<vmem>>
        %dma_wait3A_287 = arith.constant 0 : i32
        %dma_wait3A_288 = arith.constant 0 : i32
        %dma_wait3A_289 = tpu.memref_slice %arg12[%dma_wait3A_287, %dma_wait3A_288] : memref<10240x128xf32, #tpu.memory_space<vmem_shared>> -> memref<10240x128xf32, #tpu.memory_space<vmem_shared>>
        tpu.wait_indirect_dma semaphore(%run_scoped3A_277 : memref<!tpu.dma_semaphore, #tpu.memory_space<semaphore_mem>>) src(%arg10 : memref<128x128xf32, #tpu.memory_space<vmem>>) dst(%dma_wait3A_289 : memref<10240x128xf32, #tpu.memory_space<vmem_shared>>)
        tpu.yield
      }) : () -> ()
      %dma_wait3A_118 = arith.constant 5 : i32
      %dma_wait3A_119 = arith.constant 0 : i32
      %dma_wait3A_120 = tpu.memref_slice %arg8[%dma_wait3A_118, %dma_wait3A_119] : memref<16x128xi32, #tpu.memory_space<vmem>> -> memref<1x128xi32, #tpu.memory_space<vmem>>
      %dma_wait3A_121 = tpu.memref_squeeze %dma_wait3A_120 : memref<1x128xi32, #tpu.memory_space<vmem>> -> memref<128xi32, #tpu.memory_space<vmem>>
      %dma_wait3A_122 = arith.constant 0 : i32
      %dma_wait3A_123 = arith.constant 0 : i32
      %dma_wait3A_124 = tpu.memref_slice %arg4[%dma_wait3A_122, %dma_wait3A_123] : memref<10240x128xf32, #tpu.memory_space<hbm>> -> memref<10240x128xf32, #tpu.memory_space<hbm>>
      tpu.wait_indirect_dma semaphore(%arg14 : memref<!tpu.dma_semaphore, #tpu.memory_space<semaphore_mem>>) src(%dma_wait3A_124 : memref<10240x128xf32, #tpu.memory_space<hbm>>) dst(%arg11 : memref<128x128xf32, #tpu.memory_space<vmem>>)
      %dma_start3A_125 = arith.constant 6 : i32
      %dma_start3A_126 = arith.constant 0 : i32
      %dma_start3A_127 = tpu.memref_slice %arg8[%dma_start3A_125, %dma_start3A_126] : memref<16x128xi32, #tpu.memory_space<vmem>> -> memref<1x128xi32, #tpu.memory_space<vmem>>
      %dma_start3A_128 = tpu.memref_squeeze %dma_start3A_127 : memref<1x128xi32, #tpu.memory_space<vmem>> -> memref<128xi32, #tpu.memory_space<vmem>>
      %dma_start3A_129 = arith.constant 0 : i32
      %dma_start3A_130 = arith.constant 0 : i32
      %dma_start3A_131 = tpu.memref_slice %arg4[%dma_start3A_129, %dma_start3A_130] : memref<10240x128xf32, #tpu.memory_space<hbm>> -> memref<10240x128xf32, #tpu.memory_space<hbm>>
      tpu.enqueue_indirect_dma source(%dma_start3A_131 : memref<10240x128xf32, #tpu.memory_space<hbm>>) target(%arg10 : memref<128x128xf32, #tpu.memory_space<vmem>>) offsets(%dma_start3A_128 : memref<128xi32, #tpu.memory_space<vmem>>) semaphore(%arg13 : memref<!tpu.dma_semaphore, #tpu.memory_space<semaphore_mem>>)
      %run_scoped3A_132 = arith.constant 5 : i32
      "tpu.region"() ({
        %run_scoped3A_277 = tpu.sem_alloc : memref<!tpu.dma_semaphore, #tpu.memory_space<semaphore_mem>>
        %dma_start3A_278 = arith.constant 0 : i32
        %dma_start3A_279 = tpu.memref_slice %arg9[%run_scoped3A_132, %dma_start3A_278] : memref<16x128xi32, #tpu.memory_space<vmem>> -> memref<1x128xi32, #tpu.memory_space<vmem>>
        %dma_start3A_280 = tpu.memref_squeeze %dma_start3A_279 : memref<1x128xi32, #tpu.memory_space<vmem>> -> memref<128xi32, #tpu.memory_space<vmem>>
        %dma_start3A_281 = arith.constant 0 : i32
        %dma_start3A_282 = arith.constant 0 : i32
        %dma_start3A_283 = tpu.memref_slice %arg12[%dma_start3A_281, %dma_start3A_282] : memref<10240x128xf32, #tpu.memory_space<vmem_shared>> -> memref<10240x128xf32, #tpu.memory_space<vmem_shared>>
        tpu.enqueue_indirect_dma source(%arg11 : memref<128x128xf32, #tpu.memory_space<vmem>>) target(%dma_start3A_283 : memref<10240x128xf32, #tpu.memory_space<vmem_shared>>) offsets(%dma_start3A_280 : memref<128xi32, #tpu.memory_space<vmem>>) semaphore(%run_scoped3A_277 : memref<!tpu.dma_semaphore, #tpu.memory_space<semaphore_mem>>) {add = true}
        %dma_wait3A_284 = arith.constant 0 : i32
        %dma_wait3A_285 = tpu.memref_slice %arg9[%run_scoped3A_132, %dma_wait3A_284] : memref<16x128xi32, #tpu.memory_space<vmem>> -> memref<1x128xi32, #tpu.memory_space<vmem>>
        %dma_wait3A_286 = tpu.memref_squeeze %dma_wait3A_285 : memref<1x128xi32, #tpu.memory_space<vmem>> -> memref<128xi32, #tpu.memory_space<vmem>>
        %dma_wait3A_287 = arith.constant 0 : i32
        %dma_wait3A_288 = arith.constant 0 : i32
        %dma_wait3A_289 = tpu.memref_slice %arg12[%dma_wait3A_287, %dma_wait3A_288] : memref<10240x128xf32, #tpu.memory_space<vmem_shared>> -> memref<10240x128xf32, #tpu.memory_space<vmem_shared>>
        tpu.wait_indirect_dma semaphore(%run_scoped3A_277 : memref<!tpu.dma_semaphore, #tpu.memory_space<semaphore_mem>>) src(%arg11 : memref<128x128xf32, #tpu.memory_space<vmem>>) dst(%dma_wait3A_289 : memref<10240x128xf32, #tpu.memory_space<vmem_shared>>)
        tpu.yield
      }) : () -> ()
      %dma_wait3A_133 = arith.constant 6 : i32
      %dma_wait3A_134 = arith.constant 0 : i32
      %dma_wait3A_135 = tpu.memref_slice %arg8[%dma_wait3A_133, %dma_wait3A_134] : memref<16x128xi32, #tpu.memory_space<vmem>> -> memref<1x128xi32, #tpu.memory_space<vmem>>
      %dma_wait3A_136 = tpu.memref_squeeze %dma_wait3A_135 : memref<1x128xi32, #tpu.memory_space<vmem>> -> memref<128xi32, #tpu.memory_space<vmem>>
      %dma_wait3A_137 = arith.constant 0 : i32
      %dma_wait3A_138 = arith.constant 0 : i32
      %dma_wait3A_139 = tpu.memref_slice %arg4[%dma_wait3A_137, %dma_wait3A_138] : memref<10240x128xf32, #tpu.memory_space<hbm>> -> memref<10240x128xf32, #tpu.memory_space<hbm>>
      tpu.wait_indirect_dma semaphore(%arg13 : memref<!tpu.dma_semaphore, #tpu.memory_space<semaphore_mem>>) src(%dma_wait3A_139 : memref<10240x128xf32, #tpu.memory_space<hbm>>) dst(%arg10 : memref<128x128xf32, #tpu.memory_space<vmem>>)
      %dma_start3A_140 = arith.constant 7 : i32
      %dma_start3A_141 = arith.constant 0 : i32
      %dma_start3A_142 = tpu.memref_slice %arg8[%dma_start3A_140, %dma_start3A_141] : memref<16x128xi32, #tpu.memory_space<vmem>> -> memref<1x128xi32, #tpu.memory_space<vmem>>
      %dma_start3A_143 = tpu.memref_squeeze %dma_start3A_142 : memref<1x128xi32, #tpu.memory_space<vmem>> -> memref<128xi32, #tpu.memory_space<vmem>>
      %dma_start3A_144 = arith.constant 0 : i32
      %dma_start3A_145 = arith.constant 0 : i32
      %dma_start3A_146 = tpu.memref_slice %arg4[%dma_start3A_144, %dma_start3A_145] : memref<10240x128xf32, #tpu.memory_space<hbm>> -> memref<10240x128xf32, #tpu.memory_space<hbm>>
      tpu.enqueue_indirect_dma source(%dma_start3A_146 : memref<10240x128xf32, #tpu.memory_space<hbm>>) target(%arg11 : memref<128x128xf32, #tpu.memory_space<vmem>>) offsets(%dma_start3A_143 : memref<128xi32, #tpu.memory_space<vmem>>) semaphore(%arg14 : memref<!tpu.dma_semaphore, #tpu.memory_space<semaphore_mem>>)
      %run_scoped3A_147 = arith.constant 6 : i32
      "tpu.region"() ({
        %run_scoped3A_277 = tpu.sem_alloc : memref<!tpu.dma_semaphore, #tpu.memory_space<semaphore_mem>>
        %dma_start3A_278 = arith.constant 0 : i32
        %dma_start3A_279 = tpu.memref_slice %arg9[%run_scoped3A_147, %dma_start3A_278] : memref<16x128xi32, #tpu.memory_space<vmem>> -> memref<1x128xi32, #tpu.memory_space<vmem>>
        %dma_start3A_280 = tpu.memref_squeeze %dma_start3A_279 : memref<1x128xi32, #tpu.memory_space<vmem>> -> memref<128xi32, #tpu.memory_space<vmem>>
        %dma_start3A_281 = arith.constant 0 : i32
        %dma_start3A_282 = arith.constant 0 : i32
        %dma_start3A_283 = tpu.memref_slice %arg12[%dma_start3A_281, %dma_start3A_282] : memref<10240x128xf32, #tpu.memory_space<vmem_shared>> -> memref<10240x128xf32, #tpu.memory_space<vmem_shared>>
        tpu.enqueue_indirect_dma source(%arg10 : memref<128x128xf32, #tpu.memory_space<vmem>>) target(%dma_start3A_283 : memref<10240x128xf32, #tpu.memory_space<vmem_shared>>) offsets(%dma_start3A_280 : memref<128xi32, #tpu.memory_space<vmem>>) semaphore(%run_scoped3A_277 : memref<!tpu.dma_semaphore, #tpu.memory_space<semaphore_mem>>) {add = true}
        %dma_wait3A_284 = arith.constant 0 : i32
        %dma_wait3A_285 = tpu.memref_slice %arg9[%run_scoped3A_147, %dma_wait3A_284] : memref<16x128xi32, #tpu.memory_space<vmem>> -> memref<1x128xi32, #tpu.memory_space<vmem>>
        %dma_wait3A_286 = tpu.memref_squeeze %dma_wait3A_285 : memref<1x128xi32, #tpu.memory_space<vmem>> -> memref<128xi32, #tpu.memory_space<vmem>>
        %dma_wait3A_287 = arith.constant 0 : i32
        %dma_wait3A_288 = arith.constant 0 : i32
        %dma_wait3A_289 = tpu.memref_slice %arg12[%dma_wait3A_287, %dma_wait3A_288] : memref<10240x128xf32, #tpu.memory_space<vmem_shared>> -> memref<10240x128xf32, #tpu.memory_space<vmem_shared>>
        tpu.wait_indirect_dma semaphore(%run_scoped3A_277 : memref<!tpu.dma_semaphore, #tpu.memory_space<semaphore_mem>>) src(%arg10 : memref<128x128xf32, #tpu.memory_space<vmem>>) dst(%dma_wait3A_289 : memref<10240x128xf32, #tpu.memory_space<vmem_shared>>)
        tpu.yield
      }) : () -> ()
      %dma_wait3A_148 = arith.constant 7 : i32
      %dma_wait3A_149 = arith.constant 0 : i32
      %dma_wait3A_150 = tpu.memref_slice %arg8[%dma_wait3A_148, %dma_wait3A_149] : memref<16x128xi32, #tpu.memory_space<vmem>> -> memref<1x128xi32, #tpu.memory_space<vmem>>
      %dma_wait3A_151 = tpu.memref_squeeze %dma_wait3A_150 : memref<1x128xi32, #tpu.memory_space<vmem>> -> memref<128xi32, #tpu.memory_space<vmem>>
      %dma_wait3A_152 = arith.constant 0 : i32
      %dma_wait3A_153 = arith.constant 0 : i32
      %dma_wait3A_154 = tpu.memref_slice %arg4[%dma_wait3A_152, %dma_wait3A_153] : memref<10240x128xf32, #tpu.memory_space<hbm>> -> memref<10240x128xf32, #tpu.memory_space<hbm>>
      tpu.wait_indirect_dma semaphore(%arg14 : memref<!tpu.dma_semaphore, #tpu.memory_space<semaphore_mem>>) src(%dma_wait3A_154 : memref<10240x128xf32, #tpu.memory_space<hbm>>) dst(%arg11 : memref<128x128xf32, #tpu.memory_space<vmem>>)
      %dma_start3A_155 = arith.constant 8 : i32
      %dma_start3A_156 = arith.constant 0 : i32
      %dma_start3A_157 = tpu.memref_slice %arg8[%dma_start3A_155, %dma_start3A_156] : memref<16x128xi32, #tpu.memory_space<vmem>> -> memref<1x128xi32, #tpu.memory_space<vmem>>
      %dma_start3A_158 = tpu.memref_squeeze %dma_start3A_157 : memref<1x128xi32, #tpu.memory_space<vmem>> -> memref<128xi32, #tpu.memory_space<vmem>>
      %dma_start3A_159 = arith.constant 0 : i32
      %dma_start3A_160 = arith.constant 0 : i32
      %dma_start3A_161 = tpu.memref_slice %arg4[%dma_start3A_159, %dma_start3A_160] : memref<10240x128xf32, #tpu.memory_space<hbm>> -> memref<10240x128xf32, #tpu.memory_space<hbm>>
      tpu.enqueue_indirect_dma source(%dma_start3A_161 : memref<10240x128xf32, #tpu.memory_space<hbm>>) target(%arg10 : memref<128x128xf32, #tpu.memory_space<vmem>>) offsets(%dma_start3A_158 : memref<128xi32, #tpu.memory_space<vmem>>) semaphore(%arg13 : memref<!tpu.dma_semaphore, #tpu.memory_space<semaphore_mem>>)
      %run_scoped3A_162 = arith.constant 7 : i32
      "tpu.region"() ({
        %run_scoped3A_277 = tpu.sem_alloc : memref<!tpu.dma_semaphore, #tpu.memory_space<semaphore_mem>>
        %dma_start3A_278 = arith.constant 0 : i32
        %dma_start3A_279 = tpu.memref_slice %arg9[%run_scoped3A_162, %dma_start3A_278] : memref<16x128xi32, #tpu.memory_space<vmem>> -> memref<1x128xi32, #tpu.memory_space<vmem>>
        %dma_start3A_280 = tpu.memref_squeeze %dma_start3A_279 : memref<1x128xi32, #tpu.memory_space<vmem>> -> memref<128xi32, #tpu.memory_space<vmem>>
        %dma_start3A_281 = arith.constant 0 : i32
        %dma_start3A_282 = arith.constant 0 : i32
        %dma_start3A_283 = tpu.memref_slice %arg12[%dma_start3A_281, %dma_start3A_282] : memref<10240x128xf32, #tpu.memory_space<vmem_shared>> -> memref<10240x128xf32, #tpu.memory_space<vmem_shared>>
        tpu.enqueue_indirect_dma source(%arg11 : memref<128x128xf32, #tpu.memory_space<vmem>>) target(%dma_start3A_283 : memref<10240x128xf32, #tpu.memory_space<vmem_shared>>) offsets(%dma_start3A_280 : memref<128xi32, #tpu.memory_space<vmem>>) semaphore(%run_scoped3A_277 : memref<!tpu.dma_semaphore, #tpu.memory_space<semaphore_mem>>) {add = true}
        %dma_wait3A_284 = arith.constant 0 : i32
        %dma_wait3A_285 = tpu.memref_slice %arg9[%run_scoped3A_162, %dma_wait3A_284] : memref<16x128xi32, #tpu.memory_space<vmem>> -> memref<1x128xi32, #tpu.memory_space<vmem>>
        %dma_wait3A_286 = tpu.memref_squeeze %dma_wait3A_285 : memref<1x128xi32, #tpu.memory_space<vmem>> -> memref<128xi32, #tpu.memory_space<vmem>>
        %dma_wait3A_287 = arith.constant 0 : i32
        %dma_wait3A_288 = arith.constant 0 : i32
        %dma_wait3A_289 = tpu.memref_slice %arg12[%dma_wait3A_287, %dma_wait3A_288] : memref<10240x128xf32, #tpu.memory_space<vmem_shared>> -> memref<10240x128xf32, #tpu.memory_space<vmem_shared>>
        tpu.wait_indirect_dma semaphore(%run_scoped3A_277 : memref<!tpu.dma_semaphore, #tpu.memory_space<semaphore_mem>>) src(%arg11 : memref<128x128xf32, #tpu.memory_space<vmem>>) dst(%dma_wait3A_289 : memref<10240x128xf32, #tpu.memory_space<vmem_shared>>)
        tpu.yield
      }) : () -> ()
      %dma_wait3A_163 = arith.constant 8 : i32
      %dma_wait3A_164 = arith.constant 0 : i32
      %dma_wait3A_165 = tpu.memref_slice %arg8[%dma_wait3A_163, %dma_wait3A_164] : memref<16x128xi32, #tpu.memory_space<vmem>> -> memref<1x128xi32, #tpu.memory_space<vmem>>
      %dma_wait3A_166 = tpu.memref_squeeze %dma_wait3A_165 : memref<1x128xi32, #tpu.memory_space<vmem>> -> memref<128xi32, #tpu.memory_space<vmem>>
      %dma_wait3A_167 = arith.constant 0 : i32
      %dma_wait3A_168 = arith.constant 0 : i32
      %dma_wait3A_169 = tpu.memref_slice %arg4[%dma_wait3A_167, %dma_wait3A_168] : memref<10240x128xf32, #tpu.memory_space<hbm>> -> memref<10240x128xf32, #tpu.memory_space<hbm>>
      tpu.wait_indirect_dma semaphore(%arg13 : memref<!tpu.dma_semaphore, #tpu.memory_space<semaphore_mem>>) src(%dma_wait3A_169 : memref<10240x128xf32, #tpu.memory_space<hbm>>) dst(%arg10 : memref<128x128xf32, #tpu.memory_space<vmem>>)
      %dma_start3A_170 = arith.constant 9 : i32
      %dma_start3A_171 = arith.constant 0 : i32
      %dma_start3A_172 = tpu.memref_slice %arg8[%dma_start3A_170, %dma_start3A_171] : memref<16x128xi32, #tpu.memory_space<vmem>> -> memref<1x128xi32, #tpu.memory_space<vmem>>
      %dma_start3A_173 = tpu.memref_squeeze %dma_start3A_172 : memref<1x128xi32, #tpu.memory_space<vmem>> -> memref<128xi32, #tpu.memory_space<vmem>>
      %dma_start3A_174 = arith.constant 0 : i32
      %dma_start3A_175 = arith.constant 0 : i32
      %dma_start3A_176 = tpu.memref_slice %arg4[%dma_start3A_174, %dma_start3A_175] : memref<10240x128xf32, #tpu.memory_space<hbm>> -> memref<10240x128xf32, #tpu.memory_space<hbm>>
      tpu.enqueue_indirect_dma source(%dma_start3A_176 : memref<10240x128xf32, #tpu.memory_space<hbm>>) target(%arg11 : memref<128x128xf32, #tpu.memory_space<vmem>>) offsets(%dma_start3A_173 : memref<128xi32, #tpu.memory_space<vmem>>) semaphore(%arg14 : memref<!tpu.dma_semaphore, #tpu.memory_space<semaphore_mem>>)
      %run_scoped3A_177 = arith.constant 8 : i32
      "tpu.region"() ({
        %run_scoped3A_277 = tpu.sem_alloc : memref<!tpu.dma_semaphore, #tpu.memory_space<semaphore_mem>>
        %dma_start3A_278 = arith.constant 0 : i32
        %dma_start3A_279 = tpu.memref_slice %arg9[%run_scoped3A_177, %dma_start3A_278] : memref<16x128xi32, #tpu.memory_space<vmem>> -> memref<1x128xi32, #tpu.memory_space<vmem>>
        %dma_start3A_280 = tpu.memref_squeeze %dma_start3A_279 : memref<1x128xi32, #tpu.memory_space<vmem>> -> memref<128xi32, #tpu.memory_space<vmem>>
        %dma_start3A_281 = arith.constant 0 : i32
        %dma_start3A_282 = arith.constant 0 : i32
        %dma_start3A_283 = tpu.memref_slice %arg12[%dma_start3A_281, %dma_start3A_282] : memref<10240x128xf32, #tpu.memory_space<vmem_shared>> -> memref<10240x128xf32, #tpu.memory_space<vmem_shared>>
        tpu.enqueue_indirect_dma source(%arg10 : memref<128x128xf32, #tpu.memory_space<vmem>>) target(%dma_start3A_283 : memref<10240x128xf32, #tpu.memory_space<vmem_shared>>) offsets(%dma_start3A_280 : memref<128xi32, #tpu.memory_space<vmem>>) semaphore(%run_scoped3A_277 : memref<!tpu.dma_semaphore, #tpu.memory_space<semaphore_mem>>) {add = true}
        %dma_wait3A_284 = arith.constant 0 : i32
        %dma_wait3A_285 = tpu.memref_slice %arg9[%run_scoped3A_177, %dma_wait3A_284] : memref<16x128xi32, #tpu.memory_space<vmem>> -> memref<1x128xi32, #tpu.memory_space<vmem>>
        %dma_wait3A_286 = tpu.memref_squeeze %dma_wait3A_285 : memref<1x128xi32, #tpu.memory_space<vmem>> -> memref<128xi32, #tpu.memory_space<vmem>>
        %dma_wait3A_287 = arith.constant 0 : i32
        %dma_wait3A_288 = arith.constant 0 : i32
        %dma_wait3A_289 = tpu.memref_slice %arg12[%dma_wait3A_287, %dma_wait3A_288] : memref<10240x128xf32, #tpu.memory_space<vmem_shared>> -> memref<10240x128xf32, #tpu.memory_space<vmem_shared>>
        tpu.wait_indirect_dma semaphore(%run_scoped3A_277 : memref<!tpu.dma_semaphore, #tpu.memory_space<semaphore_mem>>) src(%arg10 : memref<128x128xf32, #tpu.memory_space<vmem>>) dst(%dma_wait3A_289 : memref<10240x128xf32, #tpu.memory_space<vmem_shared>>)
        tpu.yield
      }) : () -> ()
      %dma_wait3A_178 = arith.constant 9 : i32
      %dma_wait3A_179 = arith.constant 0 : i32
      %dma_wait3A_180 = tpu.memref_slice %arg8[%dma_wait3A_178, %dma_wait3A_179] : memref<16x128xi32, #tpu.memory_space<vmem>> -> memref<1x128xi32, #tpu.memory_space<vmem>>
      %dma_wait3A_181 = tpu.memref_squeeze %dma_wait3A_180 : memref<1x128xi32, #tpu.memory_space<vmem>> -> memref<128xi32, #tpu.memory_space<vmem>>
      %dma_wait3A_182 = arith.constant 0 : i32
      %dma_wait3A_183 = arith.constant 0 : i32
      %dma_wait3A_184 = tpu.memref_slice %arg4[%dma_wait3A_182, %dma_wait3A_183] : memref<10240x128xf32, #tpu.memory_space<hbm>> -> memref<10240x128xf32, #tpu.memory_space<hbm>>
      tpu.wait_indirect_dma semaphore(%arg14 : memref<!tpu.dma_semaphore, #tpu.memory_space<semaphore_mem>>) src(%dma_wait3A_184 : memref<10240x128xf32, #tpu.memory_space<hbm>>) dst(%arg11 : memref<128x128xf32, #tpu.memory_space<vmem>>)
      %dma_start3A_185 = arith.constant 10 : i32
      %dma_start3A_186 = arith.constant 0 : i32
      %dma_start3A_187 = tpu.memref_slice %arg8[%dma_start3A_185, %dma_start3A_186] : memref<16x128xi32, #tpu.memory_space<vmem>> -> memref<1x128xi32, #tpu.memory_space<vmem>>
      %dma_start3A_188 = tpu.memref_squeeze %dma_start3A_187 : memref<1x128xi32, #tpu.memory_space<vmem>> -> memref<128xi32, #tpu.memory_space<vmem>>
      %dma_start3A_189 = arith.constant 0 : i32
      %dma_start3A_190 = arith.constant 0 : i32
      %dma_start3A_191 = tpu.memref_slice %arg4[%dma_start3A_189, %dma_start3A_190] : memref<10240x128xf32, #tpu.memory_space<hbm>> -> memref<10240x128xf32, #tpu.memory_space<hbm>>
      tpu.enqueue_indirect_dma source(%dma_start3A_191 : memref<10240x128xf32, #tpu.memory_space<hbm>>) target(%arg10 : memref<128x128xf32, #tpu.memory_space<vmem>>) offsets(%dma_start3A_188 : memref<128xi32, #tpu.memory_space<vmem>>) semaphore(%arg13 : memref<!tpu.dma_semaphore, #tpu.memory_space<semaphore_mem>>)
      %run_scoped3A_192 = arith.constant 9 : i32
      "tpu.region"() ({
        %run_scoped3A_277 = tpu.sem_alloc : memref<!tpu.dma_semaphore, #tpu.memory_space<semaphore_mem>>
        %dma_start3A_278 = arith.constant 0 : i32
        %dma_start3A_279 = tpu.memref_slice %arg9[%run_scoped3A_192, %dma_start3A_278] : memref<16x128xi32, #tpu.memory_space<vmem>> -> memref<1x128xi32, #tpu.memory_space<vmem>>
        %dma_start3A_280 = tpu.memref_squeeze %dma_start3A_279 : memref<1x128xi32, #tpu.memory_space<vmem>> -> memref<128xi32, #tpu.memory_space<vmem>>
        %dma_start3A_281 = arith.constant 0 : i32
        %dma_start3A_282 = arith.constant 0 : i32
        %dma_start3A_283 = tpu.memref_slice %arg12[%dma_start3A_281, %dma_start3A_282] : memref<10240x128xf32, #tpu.memory_space<vmem_shared>> -> memref<10240x128xf32, #tpu.memory_space<vmem_shared>>
        tpu.enqueue_indirect_dma source(%arg11 : memref<128x128xf32, #tpu.memory_space<vmem>>) target(%dma_start3A_283 : memref<10240x128xf32, #tpu.memory_space<vmem_shared>>) offsets(%dma_start3A_280 : memref<128xi32, #tpu.memory_space<vmem>>) semaphore(%run_scoped3A_277 : memref<!tpu.dma_semaphore, #tpu.memory_space<semaphore_mem>>) {add = true}
        %dma_wait3A_284 = arith.constant 0 : i32
        %dma_wait3A_285 = tpu.memref_slice %arg9[%run_scoped3A_192, %dma_wait3A_284] : memref<16x128xi32, #tpu.memory_space<vmem>> -> memref<1x128xi32, #tpu.memory_space<vmem>>
        %dma_wait3A_286 = tpu.memref_squeeze %dma_wait3A_285 : memref<1x128xi32, #tpu.memory_space<vmem>> -> memref<128xi32, #tpu.memory_space<vmem>>
        %dma_wait3A_287 = arith.constant 0 : i32
        %dma_wait3A_288 = arith.constant 0 : i32
        %dma_wait3A_289 = tpu.memref_slice %arg12[%dma_wait3A_287, %dma_wait3A_288] : memref<10240x128xf32, #tpu.memory_space<vmem_shared>> -> memref<10240x128xf32, #tpu.memory_space<vmem_shared>>
        tpu.wait_indirect_dma semaphore(%run_scoped3A_277 : memref<!tpu.dma_semaphore, #tpu.memory_space<semaphore_mem>>) src(%arg11 : memref<128x128xf32, #tpu.memory_space<vmem>>) dst(%dma_wait3A_289 : memref<10240x128xf32, #tpu.memory_space<vmem_shared>>)
        tpu.yield
      }) : () -> ()
      %dma_wait3A_193 = arith.constant 10 : i32
      %dma_wait3A_194 = arith.constant 0 : i32
      %dma_wait3A_195 = tpu.memref_slice %arg8[%dma_wait3A_193, %dma_wait3A_194] : memref<16x128xi32, #tpu.memory_space<vmem>> -> memref<1x128xi32, #tpu.memory_space<vmem>>
      %dma_wait3A_196 = tpu.memref_squeeze %dma_wait3A_195 : memref<1x128xi32, #tpu.memory_space<vmem>> -> memref<128xi32, #tpu.memory_space<vmem>>
      %dma_wait3A_197 = arith.constant 0 : i32
      %dma_wait3A_198 = arith.constant 0 : i32
      %dma_wait3A_199 = tpu.memref_slice %arg4[%dma_wait3A_197, %dma_wait3A_198] : memref<10240x128xf32, #tpu.memory_space<hbm>> -> memref<10240x128xf32, #tpu.memory_space<hbm>>
      tpu.wait_indirect_dma semaphore(%arg13 : memref<!tpu.dma_semaphore, #tpu.memory_space<semaphore_mem>>) src(%dma_wait3A_199 : memref<10240x128xf32, #tpu.memory_space<hbm>>) dst(%arg10 : memref<128x128xf32, #tpu.memory_space<vmem>>)
      %dma_start3A_200 = arith.constant 11 : i32
      %dma_start3A_201 = arith.constant 0 : i32
      %dma_start3A_202 = tpu.memref_slice %arg8[%dma_start3A_200, %dma_start3A_201] : memref<16x128xi32, #tpu.memory_space<vmem>> -> memref<1x128xi32, #tpu.memory_space<vmem>>
      %dma_start3A_203 = tpu.memref_squeeze %dma_start3A_202 : memref<1x128xi32, #tpu.memory_space<vmem>> -> memref<128xi32, #tpu.memory_space<vmem>>
      %dma_start3A_204 = arith.constant 0 : i32
      %dma_start3A_205 = arith.constant 0 : i32
      %dma_start3A_206 = tpu.memref_slice %arg4[%dma_start3A_204, %dma_start3A_205] : memref<10240x128xf32, #tpu.memory_space<hbm>> -> memref<10240x128xf32, #tpu.memory_space<hbm>>
      tpu.enqueue_indirect_dma source(%dma_start3A_206 : memref<10240x128xf32, #tpu.memory_space<hbm>>) target(%arg11 : memref<128x128xf32, #tpu.memory_space<vmem>>) offsets(%dma_start3A_203 : memref<128xi32, #tpu.memory_space<vmem>>) semaphore(%arg14 : memref<!tpu.dma_semaphore, #tpu.memory_space<semaphore_mem>>)
      %run_scoped3A_207 = arith.constant 10 : i32
      "tpu.region"() ({
        %run_scoped3A_277 = tpu.sem_alloc : memref<!tpu.dma_semaphore, #tpu.memory_space<semaphore_mem>>
        %dma_start3A_278 = arith.constant 0 : i32
        %dma_start3A_279 = tpu.memref_slice %arg9[%run_scoped3A_207, %dma_start3A_278] : memref<16x128xi32, #tpu.memory_space<vmem>> -> memref<1x128xi32, #tpu.memory_space<vmem>>
        %dma_start3A_280 = tpu.memref_squeeze %dma_start3A_279 : memref<1x128xi32, #tpu.memory_space<vmem>> -> memref<128xi32, #tpu.memory_space<vmem>>
        %dma_start3A_281 = arith.constant 0 : i32
        %dma_start3A_282 = arith.constant 0 : i32
        %dma_start3A_283 = tpu.memref_slice %arg12[%dma_start3A_281, %dma_start3A_282] : memref<10240x128xf32, #tpu.memory_space<vmem_shared>> -> memref<10240x128xf32, #tpu.memory_space<vmem_shared>>
        tpu.enqueue_indirect_dma source(%arg10 : memref<128x128xf32, #tpu.memory_space<vmem>>) target(%dma_start3A_283 : memref<10240x128xf32, #tpu.memory_space<vmem_shared>>) offsets(%dma_start3A_280 : memref<128xi32, #tpu.memory_space<vmem>>) semaphore(%run_scoped3A_277 : memref<!tpu.dma_semaphore, #tpu.memory_space<semaphore_mem>>) {add = true}
        %dma_wait3A_284 = arith.constant 0 : i32
        %dma_wait3A_285 = tpu.memref_slice %arg9[%run_scoped3A_207, %dma_wait3A_284] : memref<16x128xi32, #tpu.memory_space<vmem>> -> memref<1x128xi32, #tpu.memory_space<vmem>>
        %dma_wait3A_286 = tpu.memref_squeeze %dma_wait3A_285 : memref<1x128xi32, #tpu.memory_space<vmem>> -> memref<128xi32, #tpu.memory_space<vmem>>
        %dma_wait3A_287 = arith.constant 0 : i32
        %dma_wait3A_288 = arith.constant 0 : i32
        %dma_wait3A_289 = tpu.memref_slice %arg12[%dma_wait3A_287, %dma_wait3A_288] : memref<10240x128xf32, #tpu.memory_space<vmem_shared>> -> memref<10240x128xf32, #tpu.memory_space<vmem_shared>>
        tpu.wait_indirect_dma semaphore(%run_scoped3A_277 : memref<!tpu.dma_semaphore, #tpu.memory_space<semaphore_mem>>) src(%arg10 : memref<128x128xf32, #tpu.memory_space<vmem>>) dst(%dma_wait3A_289 : memref<10240x128xf32, #tpu.memory_space<vmem_shared>>)
        tpu.yield
      }) : () -> ()
      %dma_wait3A_208 = arith.constant 11 : i32
      %dma_wait3A_209 = arith.constant 0 : i32
      %dma_wait3A_210 = tpu.memref_slice %arg8[%dma_wait3A_208, %dma_wait3A_209] : memref<16x128xi32, #tpu.memory_space<vmem>> -> memref<1x128xi32, #tpu.memory_space<vmem>>
      %dma_wait3A_211 = tpu.memref_squeeze %dma_wait3A_210 : memref<1x128xi32, #tpu.memory_space<vmem>> -> memref<128xi32, #tpu.memory_space<vmem>>
      %dma_wait3A_212 = arith.constant 0 : i32
      %dma_wait3A_213 = arith.constant 0 : i32
      %dma_wait3A_214 = tpu.memref_slice %arg4[%dma_wait3A_212, %dma_wait3A_213] : memref<10240x128xf32, #tpu.memory_space<hbm>> -> memref<10240x128xf32, #tpu.memory_space<hbm>>
      tpu.wait_indirect_dma semaphore(%arg14 : memref<!tpu.dma_semaphore, #tpu.memory_space<semaphore_mem>>) src(%dma_wait3A_214 : memref<10240x128xf32, #tpu.memory_space<hbm>>) dst(%arg11 : memref<128x128xf32, #tpu.memory_space<vmem>>)
      %dma_start3A_215 = arith.constant 12 : i32
      %dma_start3A_216 = arith.constant 0 : i32
      %dma_start3A_217 = tpu.memref_slice %arg8[%dma_start3A_215, %dma_start3A_216] : memref<16x128xi32, #tpu.memory_space<vmem>> -> memref<1x128xi32, #tpu.memory_space<vmem>>
      %dma_start3A_218 = tpu.memref_squeeze %dma_start3A_217 : memref<1x128xi32, #tpu.memory_space<vmem>> -> memref<128xi32, #tpu.memory_space<vmem>>
      %dma_start3A_219 = arith.constant 0 : i32
      %dma_start3A_220 = arith.constant 0 : i32
      %dma_start3A_221 = tpu.memref_slice %arg4[%dma_start3A_219, %dma_start3A_220] : memref<10240x128xf32, #tpu.memory_space<hbm>> -> memref<10240x128xf32, #tpu.memory_space<hbm>>
      tpu.enqueue_indirect_dma source(%dma_start3A_221 : memref<10240x128xf32, #tpu.memory_space<hbm>>) target(%arg10 : memref<128x128xf32, #tpu.memory_space<vmem>>) offsets(%dma_start3A_218 : memref<128xi32, #tpu.memory_space<vmem>>) semaphore(%arg13 : memref<!tpu.dma_semaphore, #tpu.memory_space<semaphore_mem>>)
      %run_scoped3A_222 = arith.constant 11 : i32
      "tpu.region"() ({
        %run_scoped3A_277 = tpu.sem_alloc : memref<!tpu.dma_semaphore, #tpu.memory_space<semaphore_mem>>
        %dma_start3A_278 = arith.constant 0 : i32
        %dma_start3A_279 = tpu.memref_slice %arg9[%run_scoped3A_222, %dma_start3A_278] : memref<16x128xi32, #tpu.memory_space<vmem>> -> memref<1x128xi32, #tpu.memory_space<vmem>>
        %dma_start3A_280 = tpu.memref_squeeze %dma_start3A_279 : memref<1x128xi32, #tpu.memory_space<vmem>> -> memref<128xi32, #tpu.memory_space<vmem>>
        %dma_start3A_281 = arith.constant 0 : i32
        %dma_start3A_282 = arith.constant 0 : i32
        %dma_start3A_283 = tpu.memref_slice %arg12[%dma_start3A_281, %dma_start3A_282] : memref<10240x128xf32, #tpu.memory_space<vmem_shared>> -> memref<10240x128xf32, #tpu.memory_space<vmem_shared>>
        tpu.enqueue_indirect_dma source(%arg11 : memref<128x128xf32, #tpu.memory_space<vmem>>) target(%dma_start3A_283 : memref<10240x128xf32, #tpu.memory_space<vmem_shared>>) offsets(%dma_start3A_280 : memref<128xi32, #tpu.memory_space<vmem>>) semaphore(%run_scoped3A_277 : memref<!tpu.dma_semaphore, #tpu.memory_space<semaphore_mem>>) {add = true}
        %dma_wait3A_284 = arith.constant 0 : i32
        %dma_wait3A_285 = tpu.memref_slice %arg9[%run_scoped3A_222, %dma_wait3A_284] : memref<16x128xi32, #tpu.memory_space<vmem>> -> memref<1x128xi32, #tpu.memory_space<vmem>>
        %dma_wait3A_286 = tpu.memref_squeeze %dma_wait3A_285 : memref<1x128xi32, #tpu.memory_space<vmem>> -> memref<128xi32, #tpu.memory_space<vmem>>
        %dma_wait3A_287 = arith.constant 0 : i32
        %dma_wait3A_288 = arith.constant 0 : i32
        %dma_wait3A_289 = tpu.memref_slice %arg12[%dma_wait3A_287, %dma_wait3A_288] : memref<10240x128xf32, #tpu.memory_space<vmem_shared>> -> memref<10240x128xf32, #tpu.memory_space<vmem_shared>>
        tpu.wait_indirect_dma semaphore(%run_scoped3A_277 : memref<!tpu.dma_semaphore, #tpu.memory_space<semaphore_mem>>) src(%arg11 : memref<128x128xf32, #tpu.memory_space<vmem>>) dst(%dma_wait3A_289 : memref<10240x128xf32, #tpu.memory_space<vmem_shared>>)
        tpu.yield
      }) : () -> ()
      %dma_wait3A_223 = arith.constant 12 : i32
      %dma_wait3A_224 = arith.constant 0 : i32
      %dma_wait3A_225 = tpu.memref_slice %arg8[%dma_wait3A_223, %dma_wait3A_224] : memref<16x128xi32, #tpu.memory_space<vmem>> -> memref<1x128xi32, #tpu.memory_space<vmem>>
      %dma_wait3A_226 = tpu.memref_squeeze %dma_wait3A_225 : memref<1x128xi32, #tpu.memory_space<vmem>> -> memref<128xi32, #tpu.memory_space<vmem>>
      %dma_wait3A_227 = arith.constant 0 : i32
      %dma_wait3A_228 = arith.constant 0 : i32
      %dma_wait3A_229 = tpu.memref_slice %arg4[%dma_wait3A_227, %dma_wait3A_228] : memref<10240x128xf32, #tpu.memory_space<hbm>> -> memref<10240x128xf32, #tpu.memory_space<hbm>>
      tpu.wait_indirect_dma semaphore(%arg13 : memref<!tpu.dma_semaphore, #tpu.memory_space<semaphore_mem>>) src(%dma_wait3A_229 : memref<10240x128xf32, #tpu.memory_space<hbm>>) dst(%arg10 : memref<128x128xf32, #tpu.memory_space<vmem>>)
      %dma_start3A_230 = arith.constant 13 : i32
      %dma_start3A_231 = arith.constant 0 : i32
      %dma_start3A_232 = tpu.memref_slice %arg8[%dma_start3A_230, %dma_start3A_231] : memref<16x128xi32, #tpu.memory_space<vmem>> -> memref<1x128xi32, #tpu.memory_space<vmem>>
      %dma_start3A_233 = tpu.memref_squeeze %dma_start3A_232 : memref<1x128xi32, #tpu.memory_space<vmem>> -> memref<128xi32, #tpu.memory_space<vmem>>
      %dma_start3A_234 = arith.constant 0 : i32
      %dma_start3A_235 = arith.constant 0 : i32
      %dma_start3A_236 = tpu.memref_slice %arg4[%dma_start3A_234, %dma_start3A_235] : memref<10240x128xf32, #tpu.memory_space<hbm>> -> memref<10240x128xf32, #tpu.memory_space<hbm>>
      tpu.enqueue_indirect_dma source(%dma_start3A_236 : memref<10240x128xf32, #tpu.memory_space<hbm>>) target(%arg11 : memref<128x128xf32, #tpu.memory_space<vmem>>) offsets(%dma_start3A_233 : memref<128xi32, #tpu.memory_space<vmem>>) semaphore(%arg14 : memref<!tpu.dma_semaphore, #tpu.memory_space<semaphore_mem>>)
      %run_scoped3A_237 = arith.constant 12 : i32
      "tpu.region"() ({
        %run_scoped3A_277 = tpu.sem_alloc : memref<!tpu.dma_semaphore, #tpu.memory_space<semaphore_mem>>
        %dma_start3A_278 = arith.constant 0 : i32
        %dma_start3A_279 = tpu.memref_slice %arg9[%run_scoped3A_237, %dma_start3A_278] : memref<16x128xi32, #tpu.memory_space<vmem>> -> memref<1x128xi32, #tpu.memory_space<vmem>>
        %dma_start3A_280 = tpu.memref_squeeze %dma_start3A_279 : memref<1x128xi32, #tpu.memory_space<vmem>> -> memref<128xi32, #tpu.memory_space<vmem>>
        %dma_start3A_281 = arith.constant 0 : i32
        %dma_start3A_282 = arith.constant 0 : i32
        %dma_start3A_283 = tpu.memref_slice %arg12[%dma_start3A_281, %dma_start3A_282] : memref<10240x128xf32, #tpu.memory_space<vmem_shared>> -> memref<10240x128xf32, #tpu.memory_space<vmem_shared>>
        tpu.enqueue_indirect_dma source(%arg10 : memref<128x128xf32, #tpu.memory_space<vmem>>) target(%dma_start3A_283 : memref<10240x128xf32, #tpu.memory_space<vmem_shared>>) offsets(%dma_start3A_280 : memref<128xi32, #tpu.memory_space<vmem>>) semaphore(%run_scoped3A_277 : memref<!tpu.dma_semaphore, #tpu.memory_space<semaphore_mem>>) {add = true}
        %dma_wait3A_284 = arith.constant 0 : i32
        %dma_wait3A_285 = tpu.memref_slice %arg9[%run_scoped3A_237, %dma_wait3A_284] : memref<16x128xi32, #tpu.memory_space<vmem>> -> memref<1x128xi32, #tpu.memory_space<vmem>>
        %dma_wait3A_286 = tpu.memref_squeeze %dma_wait3A_285 : memref<1x128xi32, #tpu.memory_space<vmem>> -> memref<128xi32, #tpu.memory_space<vmem>>
        %dma_wait3A_287 = arith.constant 0 : i32
        %dma_wait3A_288 = arith.constant 0 : i32
        %dma_wait3A_289 = tpu.memref_slice %arg12[%dma_wait3A_287, %dma_wait3A_288] : memref<10240x128xf32, #tpu.memory_space<vmem_shared>> -> memref<10240x128xf32, #tpu.memory_space<vmem_shared>>
        tpu.wait_indirect_dma semaphore(%run_scoped3A_277 : memref<!tpu.dma_semaphore, #tpu.memory_space<semaphore_mem>>) src(%arg10 : memref<128x128xf32, #tpu.memory_space<vmem>>) dst(%dma_wait3A_289 : memref<10240x128xf32, #tpu.memory_space<vmem_shared>>)
        tpu.yield
      }) : () -> ()
      %dma_wait3A_238 = arith.constant 13 : i32
      %dma_wait3A_239 = arith.constant 0 : i32
      %dma_wait3A_240 = tpu.memref_slice %arg8[%dma_wait3A_238, %dma_wait3A_239] : memref<16x128xi32, #tpu.memory_space<vmem>> -> memref<1x128xi32, #tpu.memory_space<vmem>>
      %dma_wait3A_241 = tpu.memref_squeeze %dma_wait3A_240 : memref<1x128xi32, #tpu.memory_space<vmem>> -> memref<128xi32, #tpu.memory_space<vmem>>
      %dma_wait3A_242 = arith.constant 0 : i32
      %dma_wait3A_243 = arith.constant 0 : i32
      %dma_wait3A_244 = tpu.memref_slice %arg4[%dma_wait3A_242, %dma_wait3A_243] : memref<10240x128xf32, #tpu.memory_space<hbm>> -> memref<10240x128xf32, #tpu.memory_space<hbm>>
      tpu.wait_indirect_dma semaphore(%arg14 : memref<!tpu.dma_semaphore, #tpu.memory_space<semaphore_mem>>) src(%dma_wait3A_244 : memref<10240x128xf32, #tpu.memory_space<hbm>>) dst(%arg11 : memref<128x128xf32, #tpu.memory_space<vmem>>)
      %dma_start3A_245 = arith.constant 14 : i32
      %dma_start3A_246 = arith.constant 0 : i32
      %dma_start3A_247 = tpu.memref_slice %arg8[%dma_start3A_245, %dma_start3A_246] : memref<16x128xi32, #tpu.memory_space<vmem>> -> memref<1x128xi32, #tpu.memory_space<vmem>>
      %dma_start3A_248 = tpu.memref_squeeze %dma_start3A_247 : memref<1x128xi32, #tpu.memory_space<vmem>> -> memref<128xi32, #tpu.memory_space<vmem>>
      %dma_start3A_249 = arith.constant 0 : i32
      %dma_start3A_250 = arith.constant 0 : i32
      %dma_start3A_251 = tpu.memref_slice %arg4[%dma_start3A_249, %dma_start3A_250] : memref<10240x128xf32, #tpu.memory_space<hbm>> -> memref<10240x128xf32, #tpu.memory_space<hbm>>
      tpu.enqueue_indirect_dma source(%dma_start3A_251 : memref<10240x128xf32, #tpu.memory_space<hbm>>) target(%arg10 : memref<128x128xf32, #tpu.memory_space<vmem>>) offsets(%dma_start3A_248 : memref<128xi32, #tpu.memory_space<vmem>>) semaphore(%arg13 : memref<!tpu.dma_semaphore, #tpu.memory_space<semaphore_mem>>)
      %run_scoped3A_252 = arith.constant 13 : i32
      "tpu.region"() ({
        %run_scoped3A_277 = tpu.sem_alloc : memref<!tpu.dma_semaphore, #tpu.memory_space<semaphore_mem>>
        %dma_start3A_278 = arith.constant 0 : i32
        %dma_start3A_279 = tpu.memref_slice %arg9[%run_scoped3A_252, %dma_start3A_278] : memref<16x128xi32, #tpu.memory_space<vmem>> -> memref<1x128xi32, #tpu.memory_space<vmem>>
        %dma_start3A_280 = tpu.memref_squeeze %dma_start3A_279 : memref<1x128xi32, #tpu.memory_space<vmem>> -> memref<128xi32, #tpu.memory_space<vmem>>
        %dma_start3A_281 = arith.constant 0 : i32
        %dma_start3A_282 = arith.constant 0 : i32
        %dma_start3A_283 = tpu.memref_slice %arg12[%dma_start3A_281, %dma_start3A_282] : memref<10240x128xf32, #tpu.memory_space<vmem_shared>> -> memref<10240x128xf32, #tpu.memory_space<vmem_shared>>
        tpu.enqueue_indirect_dma source(%arg11 : memref<128x128xf32, #tpu.memory_space<vmem>>) target(%dma_start3A_283 : memref<10240x128xf32, #tpu.memory_space<vmem_shared>>) offsets(%dma_start3A_280 : memref<128xi32, #tpu.memory_space<vmem>>) semaphore(%run_scoped3A_277 : memref<!tpu.dma_semaphore, #tpu.memory_space<semaphore_mem>>) {add = true}
        %dma_wait3A_284 = arith.constant 0 : i32
        %dma_wait3A_285 = tpu.memref_slice %arg9[%run_scoped3A_252, %dma_wait3A_284] : memref<16x128xi32, #tpu.memory_space<vmem>> -> memref<1x128xi32, #tpu.memory_space<vmem>>
        %dma_wait3A_286 = tpu.memref_squeeze %dma_wait3A_285 : memref<1x128xi32, #tpu.memory_space<vmem>> -> memref<128xi32, #tpu.memory_space<vmem>>
        %dma_wait3A_287 = arith.constant 0 : i32
        %dma_wait3A_288 = arith.constant 0 : i32
        %dma_wait3A_289 = tpu.memref_slice %arg12[%dma_wait3A_287, %dma_wait3A_288] : memref<10240x128xf32, #tpu.memory_space<vmem_shared>> -> memref<10240x128xf32, #tpu.memory_space<vmem_shared>>
        tpu.wait_indirect_dma semaphore(%run_scoped3A_277 : memref<!tpu.dma_semaphore, #tpu.memory_space<semaphore_mem>>) src(%arg11 : memref<128x128xf32, #tpu.memory_space<vmem>>) dst(%dma_wait3A_289 : memref<10240x128xf32, #tpu.memory_space<vmem_shared>>)
        tpu.yield
      }) : () -> ()
      %dma_wait3A_253 = arith.constant 14 : i32
      %dma_wait3A_254 = arith.constant 0 : i32
      %dma_wait3A_255 = tpu.memref_slice %arg8[%dma_wait3A_253, %dma_wait3A_254] : memref<16x128xi32, #tpu.memory_space<vmem>> -> memref<1x128xi32, #tpu.memory_space<vmem>>
      %dma_wait3A_256 = tpu.memref_squeeze %dma_wait3A_255 : memref<1x128xi32, #tpu.memory_space<vmem>> -> memref<128xi32, #tpu.memory_space<vmem>>
      %dma_wait3A_257 = arith.constant 0 : i32
      %dma_wait3A_258 = arith.constant 0 : i32
      %dma_wait3A_259 = tpu.memref_slice %arg4[%dma_wait3A_257, %dma_wait3A_258] : memref<10240x128xf32, #tpu.memory_space<hbm>> -> memref<10240x128xf32, #tpu.memory_space<hbm>>
      tpu.wait_indirect_dma semaphore(%arg13 : memref<!tpu.dma_semaphore, #tpu.memory_space<semaphore_mem>>) src(%dma_wait3A_259 : memref<10240x128xf32, #tpu.memory_space<hbm>>) dst(%arg10 : memref<128x128xf32, #tpu.memory_space<vmem>>)
      %dma_start3A_260 = arith.constant 15 : i32
      %dma_start3A_261 = arith.constant 0 : i32
      %dma_start3A_262 = tpu.memref_slice %arg8[%dma_start3A_260, %dma_start3A_261] : memref<16x128xi32, #tpu.memory_space<vmem>> -> memref<1x128xi32, #tpu.memory_space<vmem>>
      %dma_start3A_263 = tpu.memref_squeeze %dma_start3A_262 : memref<1x128xi32, #tpu.memory_space<vmem>> -> memref<128xi32, #tpu.memory_space<vmem>>
      %dma_start3A_264 = arith.constant 0 : i32
      %dma_start3A_265 = arith.constant 0 : i32
      %dma_start3A_266 = tpu.memref_slice %arg4[%dma_start3A_264, %dma_start3A_265] : memref<10240x128xf32, #tpu.memory_space<hbm>> -> memref<10240x128xf32, #tpu.memory_space<hbm>>
      tpu.enqueue_indirect_dma source(%dma_start3A_266 : memref<10240x128xf32, #tpu.memory_space<hbm>>) target(%arg11 : memref<128x128xf32, #tpu.memory_space<vmem>>) offsets(%dma_start3A_263 : memref<128xi32, #tpu.memory_space<vmem>>) semaphore(%arg14 : memref<!tpu.dma_semaphore, #tpu.memory_space<semaphore_mem>>)
      %run_scoped3A_267 = arith.constant 14 : i32
      "tpu.region"() ({
        %run_scoped3A_277 = tpu.sem_alloc : memref<!tpu.dma_semaphore, #tpu.memory_space<semaphore_mem>>
        %dma_start3A_278 = arith.constant 0 : i32
        %dma_start3A_279 = tpu.memref_slice %arg9[%run_scoped3A_267, %dma_start3A_278] : memref<16x128xi32, #tpu.memory_space<vmem>> -> memref<1x128xi32, #tpu.memory_space<vmem>>
        %dma_start3A_280 = tpu.memref_squeeze %dma_start3A_279 : memref<1x128xi32, #tpu.memory_space<vmem>> -> memref<128xi32, #tpu.memory_space<vmem>>
        %dma_start3A_281 = arith.constant 0 : i32
        %dma_start3A_282 = arith.constant 0 : i32
        %dma_start3A_283 = tpu.memref_slice %arg12[%dma_start3A_281, %dma_start3A_282] : memref<10240x128xf32, #tpu.memory_space<vmem_shared>> -> memref<10240x128xf32, #tpu.memory_space<vmem_shared>>
        tpu.enqueue_indirect_dma source(%arg10 : memref<128x128xf32, #tpu.memory_space<vmem>>) target(%dma_start3A_283 : memref<10240x128xf32, #tpu.memory_space<vmem_shared>>) offsets(%dma_start3A_280 : memref<128xi32, #tpu.memory_space<vmem>>) semaphore(%run_scoped3A_277 : memref<!tpu.dma_semaphore, #tpu.memory_space<semaphore_mem>>) {add = true}
        %dma_wait3A_284 = arith.constant 0 : i32
        %dma_wait3A_285 = tpu.memref_slice %arg9[%run_scoped3A_267, %dma_wait3A_284] : memref<16x128xi32, #tpu.memory_space<vmem>> -> memref<1x128xi32, #tpu.memory_space<vmem>>
        %dma_wait3A_286 = tpu.memref_squeeze %dma_wait3A_285 : memref<1x128xi32, #tpu.memory_space<vmem>> -> memref<128xi32, #tpu.memory_space<vmem>>
        %dma_wait3A_287 = arith.constant 0 : i32
        %dma_wait3A_288 = arith.constant 0 : i32
        %dma_wait3A_289 = tpu.memref_slice %arg12[%dma_wait3A_287, %dma_wait3A_288] : memref<10240x128xf32, #tpu.memory_space<vmem_shared>> -> memref<10240x128xf32, #tpu.memory_space<vmem_shared>>
        tpu.wait_indirect_dma semaphore(%run_scoped3A_277 : memref<!tpu.dma_semaphore, #tpu.memory_space<semaphore_mem>>) src(%arg10 : memref<128x128xf32, #tpu.memory_space<vmem>>) dst(%dma_wait3A_289 : memref<10240x128xf32, #tpu.memory_space<vmem_shared>>)
        tpu.yield
      }) : () -> ()
      %dma_wait3A_268 = arith.constant 15 : i32
      %dma_wait3A_269 = arith.constant 0 : i32
      %dma_wait3A_270 = tpu.memref_slice %arg8[%dma_wait3A_268, %dma_wait3A_269] : memref<16x128xi32, #tpu.memory_space<vmem>> -> memref<1x128xi32, #tpu.memory_space<vmem>>
      %dma_wait3A_271 = tpu.memref_squeeze %dma_wait3A_270 : memref<1x128xi32, #tpu.memory_space<vmem>> -> memref<128xi32, #tpu.memory_space<vmem>>
      %dma_wait3A_272 = arith.constant 0 : i32
      %dma_wait3A_273 = arith.constant 0 : i32
      %dma_wait3A_274 = tpu.memref_slice %arg4[%dma_wait3A_272, %dma_wait3A_273] : memref<10240x128xf32, #tpu.memory_space<hbm>> -> memref<10240x128xf32, #tpu.memory_space<hbm>>
      tpu.wait_indirect_dma semaphore(%arg14 : memref<!tpu.dma_semaphore, #tpu.memory_space<semaphore_mem>>) src(%dma_wait3A_274 : memref<10240x128xf32, #tpu.memory_space<hbm>>) dst(%arg11 : memref<128x128xf32, #tpu.memory_space<vmem>>)
      %run_scoped3A_275 = arith.constant 15 : i32
      "tpu.region"() ({
        %run_scoped3A_277 = tpu.sem_alloc : memref<!tpu.dma_semaphore, #tpu.memory_space<semaphore_mem>>
        %dma_start3A_278 = arith.constant 0 : i32
        %dma_start3A_279 = tpu.memref_slice %arg9[%run_scoped3A_275, %dma_start3A_278] : memref<16x128xi32, #tpu.memory_space<vmem>> -> memref<1x128xi32, #tpu.memory_space<vmem>>
        %dma_start3A_280 = tpu.memref_squeeze %dma_start3A_279 : memref<1x128xi32, #tpu.memory_space<vmem>> -> memref<128xi32, #tpu.memory_space<vmem>>
        %dma_start3A_281 = arith.constant 0 : i32
        %dma_start3A_282 = arith.constant 0 : i32
        %dma_start3A_283 = tpu.memref_slice %arg12[%dma_start3A_281, %dma_start3A_282] : memref<10240x128xf32, #tpu.memory_space<vmem_shared>> -> memref<10240x128xf32, #tpu.memory_space<vmem_shared>>
        tpu.enqueue_indirect_dma source(%arg11 : memref<128x128xf32, #tpu.memory_space<vmem>>) target(%dma_start3A_283 : memref<10240x128xf32, #tpu.memory_space<vmem_shared>>) offsets(%dma_start3A_280 : memref<128xi32, #tpu.memory_space<vmem>>) semaphore(%run_scoped3A_277 : memref<!tpu.dma_semaphore, #tpu.memory_space<semaphore_mem>>) {add = true}
        %dma_wait3A_284 = arith.constant 0 : i32
        %dma_wait3A_285 = tpu.memref_slice %arg9[%run_scoped3A_275, %dma_wait3A_284] : memref<16x128xi32, #tpu.memory_space<vmem>> -> memref<1x128xi32, #tpu.memory_space<vmem>>
        %dma_wait3A_286 = tpu.memref_squeeze %dma_wait3A_285 : memref<1x128xi32, #tpu.memory_space<vmem>> -> memref<128xi32, #tpu.memory_space<vmem>>
        %dma_wait3A_287 = arith.constant 0 : i32
        %dma_wait3A_288 = arith.constant 0 : i32
        %dma_wait3A_289 = tpu.memref_slice %arg12[%dma_wait3A_287, %dma_wait3A_288] : memref<10240x128xf32, #tpu.memory_space<vmem_shared>> -> memref<10240x128xf32, #tpu.memory_space<vmem_shared>>
        tpu.wait_indirect_dma semaphore(%run_scoped3A_277 : memref<!tpu.dma_semaphore, #tpu.memory_space<semaphore_mem>>) src(%arg11 : memref<128x128xf32, #tpu.memory_space<vmem>>) dst(%dma_wait3A_289 : memref<10240x128xf32, #tpu.memory_space<vmem_shared>>)
        tpu.yield
      }) : () -> ()
      %scan3A_276 = arith.constant 0 : i32
      scf.yield %scan3A_276 : i32
    }
    %scan3A_15 = arith.constant 5 : i32
    %barrier3A_16 = arith.constant 0 : index
    tpu.barrier barrier_id(%barrier3A_16)
    %eq3A_17 = arith.constant 0 : i32
    %eq3A_18 = arith.cmpi eq, %arg0, %eq3A_17 : i32
    %convert_element_type3A_19 = arith.extui %eq3A_18 : i1 to i32
    %cond3A_20 = arith.constant 0 : i32
    %cond3A_21 = arith.cmpi ne, %convert_element_type3A_19, %cond3A_20 : i32
    scf.if %cond3A_21 {
      "tpu.region"() ({
        %run_scoped3A = tpu.sem_alloc : memref<!tpu.dma_semaphore, #tpu.memory_space<semaphore_mem>>
        %dma_start3A = arith.constant 0 : i32
        %dma_start3A_27 = tpu.memref_slice %arg6[%mul3A_2, %dma_start3A] : memref<10240x128xf32, #tpu.memory_space<hbm>> -> memref<640x128xf32, #tpu.memory_space<hbm>>
        %dma_start3A_28 = arith.constant 0 : i32
        %dma_start3A_29 = tpu.memref_slice %arg12[%mul3A_2, %dma_start3A_28] : memref<10240x128xf32, #tpu.memory_space<vmem_shared>> -> memref<640x128xf32, #tpu.memory_space<vmem_shared>>
        tpu.enqueue_dma source(%dma_start3A_29 : memref<640x128xf32, #tpu.memory_space<vmem_shared>>) target(%dma_start3A_27 : memref<640x128xf32, #tpu.memory_space<hbm>>) target_semaphore(%run_scoped3A : memref<!tpu.dma_semaphore, #tpu.memory_space<semaphore_mem>>)
        %dma_wait3A = arith.constant 0 : i32
        %dma_wait3A_30 = tpu.memref_slice %arg6[%mul3A_2, %dma_wait3A] : memref<10240x128xf32, #tpu.memory_space<hbm>> -> memref<640x128xf32, #tpu.memory_space<hbm>>
        %dma_wait3A_31 = arith.constant 0 : i32
        %dma_wait3A_32 = tpu.memref_slice %arg12[%mul3A_2, %dma_wait3A_31] : memref<10240x128xf32, #tpu.memory_space<vmem_shared>> -> memref<640x128xf32, #tpu.memory_space<vmem_shared>>
        tpu.wait_dma2 semaphore(%run_scoped3A : memref<!tpu.dma_semaphore, #tpu.memory_space<semaphore_mem>>) src(%dma_wait3A_32 : memref<640x128xf32, #tpu.memory_space<vmem_shared>>) dst(%dma_wait3A_30 : memref<640x128xf32, #tpu.memory_space<hbm>>)
        tpu.yield
      }) : () -> ()
    } else {
    }
    %eq3A_22 = arith.constant 1 : i32
    %eq3A_23 = arith.cmpi eq, %arg0, %eq3A_22 : i32
    %convert_element_type3A_24 = arith.extui %eq3A_23 : i1 to i32
    %cond3A_25 = arith.constant 0 : i32
    %cond3A_26 = arith.cmpi ne, %convert_element_type3A_24, %cond3A_25 : i32
    scf.if %cond3A_26 {
      "tpu.region"() ({
        %run_scoped3A = tpu.sem_alloc : memref<!tpu.dma_semaphore, #tpu.memory_space<semaphore_mem>>
        %dma_start3A = arith.constant 0 : i32
        %dma_start3A_27 = tpu.memref_slice %arg7[%mul3A_2, %dma_start3A] : memref<10240x128xf32, #tpu.memory_space<hbm>> -> memref<640x128xf32, #tpu.memory_space<hbm>>
        %dma_start3A_28 = arith.constant 0 : i32
        %dma_start3A_29 = tpu.memref_slice %arg12[%mul3A_2, %dma_start3A_28] : memref<10240x128xf32, #tpu.memory_space<vmem_shared>> -> memref<640x128xf32, #tpu.memory_space<vmem_shared>>
        tpu.enqueue_dma source(%dma_start3A_29 : memref<640x128xf32, #tpu.memory_space<vmem_shared>>) target(%dma_start3A_27 : memref<640x128xf32, #tpu.memory_space<hbm>>) target_semaphore(%run_scoped3A : memref<!tpu.dma_semaphore, #tpu.memory_space<semaphore_mem>>)
        %dma_wait3A = arith.constant 0 : i32
        %dma_wait3A_30 = tpu.memref_slice %arg7[%mul3A_2, %dma_wait3A] : memref<10240x128xf32, #tpu.memory_space<hbm>> -> memref<640x128xf32, #tpu.memory_space<hbm>>
        %dma_wait3A_31 = arith.constant 0 : i32
        %dma_wait3A_32 = tpu.memref_slice %arg12[%mul3A_2, %dma_wait3A_31] : memref<10240x128xf32, #tpu.memory_space<vmem_shared>> -> memref<640x128xf32, #tpu.memory_space<vmem_shared>>
        tpu.wait_dma2 semaphore(%run_scoped3A : memref<!tpu.dma_semaphore, #tpu.memory_space<semaphore_mem>>) src(%dma_wait3A_32 : memref<640x128xf32, #tpu.memory_space<vmem_shared>>) dst(%dma_wait3A_30 : memref<640x128xf32, #tpu.memory_space<hbm>>)
        tpu.yield
      }) : () -> ()
    } else {
    }
    return
  }
}

module attributes {stable_mosaic.version = 14 : i64} {
  func.func @_tc_body(%arg0: i32, %arg1: memref<512x128xf32, #tpu.memory_space<vmem>>, %arg2: memref<512x128xf32, #tpu.memory_space<vmem>>, %arg3: memref<512x128xf32, #tpu.memory_space<vmem>>, %arg4: memref<512x128xf32, #tpu.memory_space<vmem>>, %arg5: memref<512x128xf32, #tpu.memory_space<vmem>>, %arg6: memref<128x128xf32, #tpu.memory_space<vmem>>, %arg7: memref<128x128xf32, #tpu.memory_space<vmem>>, %arg8: memref<128x128xf32, #tpu.memory_space<vmem>>, %arg9: memref<512x128xf32, #tpu.memory_space<vmem>>) attributes {dimension_semantics = [#tpu.dimension_semantics<arbitrary>], iteration_bounds = array<i64: 20>, scalar_prefetch = 0 : i64, scratch_operands = 0 : i64, tpu.core_type = #tpu.core_type<tc>, window_params = [{transform_indices = @transform_0, window_bounds = array<i64: 512, 128>}, {transform_indices = @transform_1, window_bounds = array<i64: 512, 128>}, {transform_indices = @transform_2, window_bounds = array<i64: 512, 128>}, {transform_indices = @transform_3, window_bounds = array<i64: 512, 128>}, {transform_indices = @transform_4, window_bounds = array<i64: 512, 128>}, {pipeline_mode = #tpu.pipeline_mode<synchronous>, transform_indices = @transform_5, window_bounds = array<i64: 128, 128>}, {pipeline_mode = #tpu.pipeline_mode<synchronous>, transform_indices = @transform_6, window_bounds = array<i64: 128, 128>}, {pipeline_mode = #tpu.pipeline_mode<synchronous>, transform_indices = @transform_7, window_bounds = array<i64: 128, 128>}, {transform_indices = @transform_8, window_bounds = array<i64: 512, 128>}]} {
    %get3A = arith.constant 0 : index
    %get3A_0 = arith.constant 0 : index
    %get3A_1 = vector.load %arg2[%get3A, %get3A_0] : memref<512x128xf32, #tpu.memory_space<vmem>>, vector<512x128xf32>
    %get3A_2 = arith.constant 0 : index
    %get3A_3 = arith.constant 0 : index
    %get3A_4 = vector.load %arg3[%get3A_2, %get3A_3] : memref<512x128xf32, #tpu.memory_space<vmem>>, vector<512x128xf32>
    %add3A = arith.addf %get3A_1, %get3A_4 : vector<512x128xf32>
    %get3A_5 = arith.constant 0 : index
    %get3A_6 = arith.constant 0 : index
    %get3A_7 = vector.load %arg4[%get3A_5, %get3A_6] : memref<512x128xf32, #tpu.memory_space<vmem>>, vector<512x128xf32>
    %mul3A = arith.mulf %add3A, %get3A_7 : vector<512x128xf32>
    %get3A_8 = arith.constant 0 : index
    %get3A_9 = arith.constant 0 : index
    %get3A_10 = vector.load %arg6[%get3A_8, %get3A_9] : memref<128x128xf32, #tpu.memory_space<vmem>>, vector<128x128xf32>
    %dot_general3A = arith.constant dense<0.000000e+00> : vector<512x128xf32>
    %dot_general3A_11 = tpu.matmul %mul3A, %get3A_10, %dot_general3A {dimension_numbers = #tpu.dot_dimension_numbers<[1], [1], [0], [0], [0, 0, 1, 0], [], []>, transpose_lhs_hint = false} : vector<512x128xf32>, vector<128x128xf32>, vector<512x128xf32> -> vector<512x128xf32>
    %get3A_12 = arith.constant 0 : index
    %get3A_13 = arith.constant 0 : index
    %get3A_14 = vector.load %arg1[%get3A_12, %get3A_13] : memref<512x128xf32, #tpu.memory_space<vmem>>, vector<512x128xf32>
    %get3A_15 = arith.constant 0 : index
    %get3A_16 = arith.constant 0 : index
    %get3A_17 = vector.load %arg7[%get3A_15, %get3A_16] : memref<128x128xf32, #tpu.memory_space<vmem>>, vector<128x128xf32>
    %dot_general3A_18 = arith.constant dense<0.000000e+00> : vector<512x128xf32>
    %dot_general3A_19 = tpu.matmul %get3A_14, %get3A_17, %dot_general3A_18 {dimension_numbers = #tpu.dot_dimension_numbers<[1], [1], [0], [0], [0, 0, 1, 0], [], []>, transpose_lhs_hint = false} : vector<512x128xf32>, vector<128x128xf32>, vector<512x128xf32> -> vector<512x128xf32>
    %get3A_20 = arith.constant 0 : index
    %get3A_21 = arith.constant 0 : index
    %get3A_22 = vector.load %arg8[%get3A_20, %get3A_21] : memref<128x128xf32, #tpu.memory_space<vmem>>, vector<128x128xf32>
    %dot_general3A_23 = arith.constant dense<0.000000e+00> : vector<512x128xf32>
    %dot_general3A_24 = tpu.matmul %get3A_14, %get3A_22, %dot_general3A_23 {dimension_numbers = #tpu.dot_dimension_numbers<[1], [1], [0], [0], [0, 0, 1, 0], [], []>, transpose_lhs_hint = false} : vector<512x128xf32>, vector<128x128xf32>, vector<512x128xf32> -> vector<512x128xf32>
    %add3A_25 = arith.addf %dot_general3A_11, %dot_general3A_19 : vector<512x128xf32>
    %get3A_26 = arith.constant 0 : index
    %get3A_27 = arith.constant 0 : index
    %get3A_28 = vector.load %arg5[%get3A_26, %get3A_27] : memref<512x128xf32, #tpu.memory_space<vmem>>, vector<512x128xf32>
    %sub3A = arith.subf %dot_general3A_24, %dot_general3A_19 : vector<512x128xf32>
    %mul3A_29 = arith.mulf %get3A_28, %sub3A : vector<512x128xf32>
    %add3A_30 = arith.addf %add3A_25, %mul3A_29 : vector<512x128xf32>
    %ge3A = arith.constant 0.000000e+00 : f32
    %ge3A_31 = vector.broadcast %ge3A : f32 to vector<512x128xf32>
    %ge3A_32 = arith.cmpf oge, %add3A_30, %ge3A_31 : vector<512x128xf32>
    %mul3A_33 = arith.constant 0.229166672 : f32
    %mul3A_34 = vector.broadcast %mul3A_33 : f32 to vector<512x128xf32>
    %mul3A_35 = arith.mulf %add3A_30, %mul3A_34 : vector<512x128xf32>
    %select_n3A = arith.select %ge3A_32, %add3A_30, %mul3A_35 : vector<512x128xi1>, vector<512x128xf32>
    %swap3A = arith.constant 0 : index
    %swap3A_36 = arith.constant 0 : index
    %swap3A_37 = vector.load %arg9[%swap3A, %swap3A_36] : memref<512x128xf32, #tpu.memory_space<vmem>>, vector<512x128xf32>
    tpu.vector_store %arg9[%swap3A, %swap3A_36], %select_n3A {strides = array<i32>} : memref<512x128xf32, #tpu.memory_space<vmem>>, vector<512x128xf32>,
    return
  }
  func.func @transform_0(%arg0: i32) -> (i32, i32) {
    %c0_i32 = arith.constant 0 : i32
    %c0_i32_0 = arith.constant 0 : i32
    return %arg0, %c0_i32 : i32, i32
  }
  func.func @transform_1(%arg0: i32) -> (i32, i32) {
    %c0_i32 = arith.constant 0 : i32
    %c0_i32_0 = arith.constant 0 : i32
    return %arg0, %c0_i32 : i32, i32
  }
  func.func @transform_2(%arg0: i32) -> (i32, i32) {
    %c0_i32 = arith.constant 0 : i32
    %c0_i32_0 = arith.constant 0 : i32
    return %arg0, %c0_i32 : i32, i32
  }
  func.func @transform_3(%arg0: i32) -> (i32, i32) {
    %c0_i32 = arith.constant 0 : i32
    %c0_i32_0 = arith.constant 0 : i32
    return %arg0, %c0_i32 : i32, i32
  }
  func.func @transform_4(%arg0: i32) -> (i32, i32) {
    %c0_i32 = arith.constant 0 : i32
    %c0_i32_0 = arith.constant 0 : i32
    return %arg0, %c0_i32 : i32, i32
  }
  func.func @transform_5(%arg0: i32) -> (i32, i32) {
    %c0_i32 = arith.constant 0 : i32
    %c0_i32_0 = arith.constant 0 : i32
    %c0_i32_1 = arith.constant 0 : i32
    return %c0_i32, %c0_i32_0 : i32, i32
  }
  func.func @transform_6(%arg0: i32) -> (i32, i32) {
    %c0_i32 = arith.constant 0 : i32
    %c0_i32_0 = arith.constant 0 : i32
    %c0_i32_1 = arith.constant 0 : i32
    return %c0_i32, %c0_i32_0 : i32, i32
  }
  func.func @transform_7(%arg0: i32) -> (i32, i32) {
    %c0_i32 = arith.constant 0 : i32
    %c0_i32_0 = arith.constant 0 : i32
    %c0_i32_1 = arith.constant 0 : i32
    return %c0_i32, %c0_i32_0 : i32, i32
  }
  func.func @transform_8(%arg0: i32) -> (i32, i32) {
    %c0_i32 = arith.constant 0 : i32
    %c0_i32_0 = arith.constant 0 : i32
    return %arg0, %c0_i32 : i32, i32
  }
}

</mosaic_0001>

<sc_bundles>
// kernel: kernel.6.cloned.1.call-start
scs
__scs_entry_jumppad:
0x0: {  	(pc) =	sbr.rel $0x88, $3  }
0x1: {  	(tag) =	ssettag $0x0;
	lr =	simm.s32 $0x1  }
0x2: {  	[smem:$0x3F98] =	sst lr;
	_ =	strace $0xD0000000  }
0x3: {  	_ = 	snop  }
0x4: {  	_ = 	snop  }
0x5: {  	_ = 	snop  }
0x6: {  	_ = 	snop  }
0x7: {  	_ = 	snop  }
__scs_overlays_trampoline_lowered:
0x8: {  	[smem:$0x3FA7] =	sst s0  }
0x9: {  	[smem:$0x3FA8] =	sst s1  }
0xa: {  	[smem:$0x3FA9] =	sst s2  }
0xb: {  	[smem:$0x3FAA] =	sst s3  }
0xc: {  	[smem:$0x3FAB] =	sst s4  }
0xd: {  	[smem:$0x3FAC] =	sst s5  }
0xe: {  	[smem:$0x3FAD] =	sst s6  }
0xf: {  	[smem:$0x3FAE] =	sst s7  }
0x10: {  	[smem:$0x3FAF] =	sst s8  }
0x11: {  	[smem:$0x3FB0] =	sst s9;
	s0 =	simm.s32 @!p0 $0x0  }
0x12: {  	s1 =	sld [smem:$0x3F96];
	s0 =	simm.s32 @p0 $0x1  }
0x13: {  	[smem:$0x3FB1] =	sst s0;
	s0 =	simm.s32 @!p1 $0x0  }
0x14: {  	s2 =	sld [smem:$0x3F95];
	s0 =	simm.s32 @p1 $0x1  }
0x15: {  	[smem:$0x3FB2] =	sst s0;
	s0 =	simm.s32 @!p2 $0x0  }
0x16: {  	s3 =	sld [smem:$0x3FDB];
	s0 =	simm.s32 @p2 $0x1  }
0x17: {  	s4 =	simm.s32 $0x1BF5;
	[smem:$0x3FB4] =	sst s0  }
0x18: {  	s0 =	sld [smem:$0x3F97];
	_ =	swait.ge [sflag:s4], $0x0  }
0x19: {  	s7 =	sld [smem:$0x3F98]  }
0x1a: {  	s8 =	sadd.s32 $0xFFFFE003, lr  }
0x1b: {  	s9 =	sadd.s32 $0xFFFFFEF7, lr;
	s5 =	simm.s32 $0xFFFFFFFF;
	p2 =	slt.u32 s8, $0xFFFFF086  }
0x1c: {  	p1 =	slt.u32 s9, $0xF7A;
	s5 =	simm.s32 @!p2 $0x0  }
0x1d: {  	s5 =	simm.s32 @p1 $0x1;
	p0 =	seq.s32 s7, s2  }
0x1e: {  	s7 =	smul.u32 @!p0 $0xF7A, s2;
	p2 =	seq.s32 @!p0 s5, $0x0  }
0x1f: {  	s9 =	smul.u32 $0xF7A, s1;
	s8 =	simm.s32 @!p0 $0x1BF5;
	p2 =	por !p2, p0  }
0x20: {  	[sflag:s8] =	ssyncset.s32 @!p0 $0xFFFFF086;
	s6 =	sadd.s32 @!p0 s3, s7;
	s7 =	simm.s32 @!p0 $0x108  }
0x21: {  	s3 =	sadd.s32 s3, s9;
	s6 =	sadd.s32 @!p0 $0x88, s6;
	s7 =	simm.s32 @p2 $0x1082  }
0x22: {  	[simem:s7], [sflag:s8] =	dma.local @!p0 [hbm:s6], $0xF7A  }
0x23: {  	s9 =	sor.u32 $0xD0000000, s2;
	s6 =	simm.s32 $0x108;
	_ =	swait.ge @!p0 [sflag:s8], $0x0  }
0x24: {  	s3 =	sadd.s32 $0x88, s3;
	s6 =	simm.s32 @!p1 $0x1082;
	[sflag:s4] =	ssyncset.s32 $0xFFFFF086  }
0x25: {  	[simem:s6], [sflag:s4] =	dma.local [hbm:s3], $0xF7A  }
0x26: {  	[smem:$0x3F98] =	sst s1;
	(tag) =	ssettag s2;
	_ =	strace s9  }
0x27: {  	s1 =	sld [smem:$0x3FA8]  }
0x28: {  	s2 =	sld [smem:$0x3FA9]  }
0x29: {  	s4 =	sld [smem:$0x3FAB]  }
0x2a: {  	p0 =	seq.s32 s5, $0x0;
	s5 =	sld [smem:$0x3FAC]  }
0x2b: {  	s6 =	sld [smem:$0x3FAD]  }
0x2c: {  	s7 =	sld [smem:$0x3FAE]  }
0x2d: {  	s3 =	simm.s32 $0x108;
	s8 =	sld [smem:$0x3FAF]  }
0x2e: {  	s3 =	simm.s32 @!p0 $0x1082;
	s9 =	sld [smem:$0x3FB0]  }
0x2f: {  	lr =	sadd.s32 s0, s3;
	s0 =	sld [smem:$0x3FA7]  }
0x30: {  	s3 =	sld [smem:$0x3FAA]  }
0x31: {  	[smem:$0x3FB3] =	sst s10  }
0x32: {  	s10 =	sld [smem:$0x3FB1];
	_ =	sdelay $0x3  }
0x33: {  	p0 =	seq.s32 s10, $0x1;
	s10 =	sld [smem:$0x3FB3];
	_ =	sdelay $0x3  }
0x34: {  	[smem:$0x3FB3] =	sst s10  }
0x35: {  	s10 =	sld [smem:$0x3FB2];
	_ =	sdelay $0x3  }
0x36: {  	p1 =	seq.s32 s10, $0x1;
	s10 =	sld [smem:$0x3FB3];
	_ =	sdelay $0x3  }
0x37: {  	[smem:$0x3FB3] =	sst s10  }
0x38: {  	s10 =	sld [smem:$0x3FB4]  }
0x39: {  	_ = 	snop;
	(pc) =	sbr.ind lr, $3  }
0x3a: {  	_ = 	snop  }
0x3b: {  	_ = 	snop  }
0x3c: {  	p2 =	seq.s32 s10, $0x1;
	s10 =	sld [smem:$0x3FB3]  }
0x3d: {  	_ =	shalt  }
0x3e: {  	_ =	shalt  }
0x3f: {  	_ =	shalt  }
0x40: {  	_ =	shalt  }
0x41: {  	_ =	shalt  }
0x42: {  	_ =	shalt  }
0x43: {  	_ =	shalt  }
0x44: {  	_ =	shalt  }
0x45: {  	_ =	shalt  }
0x46: {  	_ =	shalt  }
0x47: {  	_ =	shalt  }
0x48: {  	_ =	shalt  }
0x49: {  	_ =	shalt  }
0x4a: {  	_ =	shalt  }
0x4b: {  	_ =	shalt  }
0x4c: {  	_ =	shalt  }
0x4d: {  	_ =	shalt  }
0x4e: {  	_ =	shalt  }
0x4f: {  	_ =	shalt  }
0x50: {  	_ =	shalt  }
0x51: {  	_ =	shalt  }
0x52: {  	_ =	shalt  }
0x53: {  	_ =	shalt  }
0x54: {  	_ =	shalt  }
0x55: {  	_ =	shalt  }
0x56: {  	_ =	shalt  }
0x57: {  	_ =	shalt  }
0x58: {  	_ =	shalt  }
0x59: {  	_ =	shalt  }
0x5a: {  	_ =	shalt  }
0x5b: {  	_ =	shalt  }
0x5c: {  	_ =	shalt  }
0x5d: {  	_ =	shalt  }
0x5e: {  	_ =	shalt  }
0x5f: {  	_ =	shalt  }
0x60: {  	_ =	shalt  }
0x61: {  	_ =	shalt  }
0x62: {  	_ =	shalt  }
0x63: {  	_ =	shalt  }
0x64: {  	_ =	shalt  }
0x65: {  	_ =	shalt  }
0x66: {  	_ =	shalt  }
0x67: {  	_ =	shalt  }
0x68: {  	_ =	shalt  }
0x69: {  	_ =	shalt  }
0x6a: {  	_ =	shalt  }
0x6b: {  	_ =	shalt  }
0x6c: {  	_ =	shalt  }
0x6d: {  	_ =	shalt  }
0x6e: {  	_ =	shalt  }
0x6f: {  	_ =	shalt  }
0x70: {  	_ =	shalt  }
0x71: {  	_ =	shalt  }
0x72: {  	_ =	shalt  }
0x73: {  	_ =	shalt  }
0x74: {  	_ =	shalt  }
0x75: {  	_ =	shalt  }
0x76: {  	_ =	shalt  }
0x77: {  	_ =	shalt  }
0x78: {  	_ =	shalt  }
0x79: {  	_ =	shalt  }
0x7a: {  	_ =	shalt  }
0x7b: {  	_ =	shalt  }
0x7c: {  	_ =	shalt  }
0x7d: {  	_ =	shalt  }
0x7e: {  	_ =	shalt  }
0x7f: {  	_ =	shalt  }
0x80: {  	_ =	shalt  }
0x81: {  	_ =	shalt  }
0x82: {  	_ =	shalt  }
0x83: {  	_ =	shalt  }
0x84: {  	_ =	shalt  }
0x85: {  	_ =	shalt  }
0x86: {  	_ =	shalt  }
0x87: {  	_ =	shalt  }
.Lfunc_end0:
.L_simem_size_0:
called_computation_lowered:
.L_overlay_start_0:
0x88: {  	s2 =	sld [smem:$0x3FD9]  }
0x89: {  	s3 =	sld [smem:$0x3FFE];
	_ =	sdelay $0x1  }
0x8a: {  	s1 =	srdreg.scid  }
0x8b: {  	s0 =	sand.u32 $0x1, s1  }
0x8c: {  	s17 =	sshll.u32 s0, $0xA;
	s2 =	sadd.s32 s3, s2  }
0x8d: {  	s2 =	sadd.s32 s2, s17  }
0x8e: {  	[smem:$0x3FBF] =	sst s2  }
0x8f: {  	_ = 	snop  }
0x90: {  	s2 =	sld [smem:$0x3FC8]  }
0x91: {  	s18 =	sld [smem:$0x3FD0];
	(tm) =	ssettm $0x1  }
0x92: {  	s4 =	sld [smem:$0x3FFB];
	_ =	sdelay $0x3  }
0x93: {  	_ =	strace s4  }
0x94: {  	s4 =	sld [smem:$0x3FFC];
	_ =	sdelay $0x3  }
0x95: {  	_ =	strace s4  }
0x96: {  	s4 =	sld [smem:$0x3FFD];
	_ =	sdelay $0x3  }
0x97: {  	_ =	strace s4  }
0x98: {  	_ =	strace $0x8FFFFFFF  }
0x99: {  	s19 =	sld [smem:$0x3FDB];
	_ =	sdelay $0x1  }
0x9a: {  	s5 =	simm.s32 $_scs_section_size  }
0x9b: {  	s6 =	simm.s32 $_size__tile_overlayer_lowered;
	s7 =	simm.s32 $_tile_overlayer_lowered  }
0x9c: {  	s22 =	simm.s32 $0x1BFF;
	s21 =	sshll.u32 s7, $0x1;
	s4 =	sadd.s32 s5, s19  }
0x9d: {  	s8 =	simm.s32 $0x0;
	s20 =	sshll.u32 s6, $0x1;
	s6 =	sadd.s32 s21, s4  }
0x9e: {  	[timem:s8], [sflag:s22] =	dma.local [hbm:s6], s20  }
0x9f: {  	_ =	swait.ge [sflag:s22], s20  }
0xa0: {  	s5 =	ssub.s32 $0x0, s20;
	[sflag:s22] =	ssyncset.done $0x0  }
0xa1: {  	[sflag:s22] =	ssyncadd.s32 s5;
	_ =	sdelay $0x1  }
0xa2: {  	s23 =	simm.s32 $0x1B8B  }
0xa3: {  	_ =	swait.ge [sflag:s23], $0x1  }
0xa4: {  	[sflag:s23] =	ssyncset.done $0x0  }
0xa5: {  	s25 =	simm.s32 $0x1B8E;
	s24 =	sld [smem:$0x3FFE];
	[sflag:s23] =	ssyncadd.s32 $0xFFFFFFFF  }
0xa6: {  	s26 =	simm.s32 $execute0_lowered;
	[smem:$0x3FD2] =	sst s25  }
0xa7: {  	s6 =	sshll.u32 s26, $0x1;
	_ =	strace $0x80000046;
	[dreg:$0x1] =	wrdreg $0xFFFFFFFF  }
0xa8: {  	s28 =	simm.s32 $_size_execute0_lowered;
	s4 =	sadd.s32 s4, s6;
	[dreg:$0x0] =	wrdreg $0x0  }
0xa9: {  	s6 =	sshll.u32 s28, $0x1;
	[dreg:$0x2] =	wrdreg s4  }
0xaa: {  	[dreg:$0x3] =	wrdreg s6  }
0xab: {  	[dreg:$0x4] =	wrdreg $0xC0  }
0xac: {  	_ =	task [dreg:s8], $0x5FFFF  }
0xad: {  	[dreg:$0x1] =	wrdreg $0xFFFFFFFF  }
0xae: {  	[dreg:$0x0] =	wrdreg $0x60  }
0xaf: {  	[dreg:$0x2] =	wrdreg s24  }
0xb0: {  	[dreg:$0x3] =	wrdreg s18  }
0xb1: {  	[dreg:$0x4] =	wrdreg s2  }
0xb2: {  	[dreg:$0x5] =	wrdreg $0x93000  }
0xb3: {  	[dreg:$0x6] =	wrdreg $0x1D3000  }
0xb4: {  	[dreg:$0x7] =	wrdreg $0x9  }
0xb5: {  	_ =	task.clear_ibuf [dreg:s8], $0x8FFFF;
	_ =	strace $0x90000046  }
0xb6: {  	s29 =	simm.s32 $0x9;
	_ =	strace $0x80000048  }
0xb7: {  	_ =	swait.ge [sflag:s29], $0x1  }
0xb8: {  	[sflag:s29] =	ssyncadd.s32 $0xFFFFFFFF  }
0xb9: {  	_ =	strace $0x90000048  }
0xba: {  	_ =	sfence  }
0xbb: {  	s30 =	sld [smem:$0x0];
	_ =	sdelay $0x2  }
0xbc: {  	s31 =	sshll.u32 s1, $0xD;
	s1 =	sshrl.u32 s1, $0x2  }
0xbd: {  	s3 =	sand.u32 $0x4000, s31;
	s1 =	sadd.s32 s1, s30  }
0xbe: {  	s0 =	sor.u32 s3, s0;
	s1 =	sshll.u32 s1, $0x11  }
0xbf: {  	s0 =	sor.u32 s1, s0  }
0xc0: {  	s0 =	sadd.s32 $0x8F2B, s0  }
0xc1: {  	[sflag:s0] =	ssyncadd.remote.s32 $0x1  }
0xc2: {  	_ =	sfence.sel $0xFFFF  }
0xc3: {  	[dreg:$0x0] =	wrdreg $0xFFFFFFFF;
	(pc) =	sbr.abs _section_cstart, $3  }
0xc4: {  	[dreg:$0x1] =	wrdreg $0xFFFFFFFF  }
0xc5: {  	_ =	task.clear_ibuf [dreg:s8], $0x2FFFF;
	_ =	strace $0x9FFFFFFF  }
0xc6: {  	(tm) =	ssettm $0x7FFFFFFF  }
0xc7: {  	_ =	shalt  }
tec
execute0_lowered:
.L_overlay_start_1:
0x0: {  	(tag) =	ssettag $0x1  }
0x1: {  	s0 =	rddreg [dreg:$0x0]  }
0x2: {  	s2 =	rddreg [dreg:$0x1]  }
0x3: {  	s1 =	rddreg [dreg:$0x2]  }
0x4: {  	s3 =	rddreg [dreg:$0x3]  }
0x5: {  	s4 =	rddreg [dreg:$0x4];
	s5 =	simm.s32 $0x0  }
0x6: {  	s16 =	stileid.u32;
	s10 =	srdreg.scid;
	s22 =	simm.s32 $0x100  }
0x7: {  	s23 =	simm.s32 $0x180;
	s25 =	simm.s32 $0x200;
	s26 =	simm.s32 $0x280  }
0x8: {  	s31 =	simm.s32 $0x800;
	s28 =	simm.s32 $0x9000;
	s6 =	smul.u32 $0xA00, s16  }
0x9: {  	s29 =	simm.s32 $0x2;
	s30 =	simm.s32 $0xA00;
	s8 =	smul.u32 $0x2800, s16  }
0xa: {  	[smem:$0x7FF] =	sst s5;
	s17 =	smul.u32 $0x50000, s16;
	s7 =	sadd.s32 $0xC600, s0  }
0xb: {  	s11 =	smul.u32 $0x280, s16;
	_ =	strace $0x80000047;
	[dreg:$0x7] =	wrdreg s22  }
0xc: {  	s10 =	sand.u32 $0x1, s10;
	s24 =	smul.u32 $0xA0, s16;
	[dreg:$0x8] =	wrdreg s23  }
0xd: {  	s16 =	simm.s32 $0xB80;
	s12 =	ssub.s32 $0x2, s10;
	[dreg:$0x9] =	wrdreg s25  }
0xe: {  	[dreg:$0xa] =	wrdreg s26;
	s22 =	simm.s32 $0x500;
	p0 =	sne.s32 s10, $0x0  }
0xf: {  	s23 =	simm.s32 $0x580;
	s25 =	simm.s32 $0x680;
	[dreg:$0xf] =	wrdreg s22  }
0x10: {  	s26 =	simm.s32 $0x700;
	s10 =	simm.s32 $0x880;
	[dreg:$0x10] =	wrdreg s23  }
0x11: {  	s9 =	sadd.s32 s6, s0;
	s13 =	sshrl.u32 s17, $0x2;
	[dreg:$0x12] =	wrdreg s25  }
0x12: {  	s14 =	sshrl.u32 s11, $0x3;
	s11 =	sadd.s32 s11, s4;
	[dreg:$0x13] =	wrdreg s26  }
0x13: {  	s8 =	sadd.s32 s8, s0;
	s13 =	sadd.s32 s13, s3;
	[dreg:$0x19] =	wrdreg s11  }
0x14: {  	s15 =	sshrl.u32 s12, $0x1;
	s9 =	sadd.s32 $0x2600, s9;
	[dreg:$0x14] =	wrdreg s13  }
0x15: {  	s0 =	sadd.s32 s14, s0;
	s14 =	simm.s32 $0x380;
	[dreg:$0x6] =	wrdreg s9  }
0x16: {  	s25 =	simm.s32 $0x5000;
	s19 =	sadd.s32 $0x4000, s13;
	[dreg:$0xc] =	wrdreg s14  }
0x17: {  	s26 =	simm.s32 $0x80;
	s20 =	sadd.s32 $0x8000, s13;
	[dreg:$0x15] =	wrdreg s19  }
0x18: {  	s23 =	simm.s32 $0x980;
	s21 =	sadd.s32 $0xC000, s13;
	[dreg:$0x16] =	wrdreg s20  }
0x19: {  	s22 =	simm.s32 $0xD80;
	s0 =	sadd.s32 $0x34600, s0;
	[dreg:$0x17] =	wrdreg s21  }
0x1a: {  	s18 =	sadd.s32 $0x10000, s13;
	s13 =	simm.s32 $0x300;
	[dreg:$0x1c] =	wrdreg s0  }
0x1b: {  	s12 =	ssub.s32 s12, s15;
	s11 =	simm.s32 $0x900;
	[dreg:$0xb] =	wrdreg s13  }
0x1c: {  	s15 =	smax.u32 s12, $0x1;
	s14 =	sadd.s32 s6, s2;
	[dreg:$0x18] =	wrdreg s18  }
0x1d: {  	s9 =	simm.s32 $0xA80;
	s12 =	simm.s32 $0xF80;
	[dreg:$0x1d] =	wrdreg s15  }
0x1e: {  	s6 =	simm.s32 $0x780;
	s20 =	sadd.s32 $0x34C00, s8;
	[dreg:$0x1e] =	wrdreg s14  }
0x1f: {  	s8 =	sadd.s32 $0x5CC00, s8;
	s19 =	simm.s32 $0x400;
	[dreg:$0x1a] =	wrdreg s20  }
.Ltmp0:
0x20: {  	s21 =	sor.u32 $0xF, s24;
	[dreg:$0x1b] =	wrdreg s8;
	(pc) =	sbr.rel .LBB2_1-.Ltmp0, $4  }
0x21: {  	s24 =	simm.s32 $0x600;
	s13 =	simm.s32 $0xF00;
	[dreg:$0xd] =	wrdreg s19  }
0x22: {  	s0 =	simm.s32 $0x0;
	s20 =	simm.s32 $0x480;
	[dreg:$0x1f] =	wrdreg s21  }
0x23: {  	s21 =	simm.s32 $0x3;
	[dreg:$0x11] =	wrdreg s24;
	s24 =	simm.s32 $0x1  }
0x24: {  	v0 =	vimm.f32 $0.0e+00;
	v1 =	vimm.f32 $1.000000000e+00;
	s19 =	simm.s32 $0xC00;
	[dreg:$0xe] =	wrdreg s20;
	s20 =	simm.s32 $0x1000  }
.LBB2_9:
0x25: {  	[sflag:s21] =	ssyncadd.s32 $0xFFFFC000;
	s0 =	sadd.s32 s6, s2  }
0x26: {  	[tilespmem:s5], [sflag:$0x3] =	stream.linear.gather [hbm4b:s0+s5], $0x800, $0x38;
	[tilespmem:$0x1D580] =	vst v63  }
0x27: {  	_ =	swait.ge [sflag:s21], $0x800  }
0x28: {  	[sflag:s21] =	ssyncset.done $0x0  }
0x29: {  	s6 =	sadd.s32 s6, s14;
	[sflag:s21] =	ssyncadd.s32 $0xFFFFF800  }
0x2a: {  	[tilespmem:s31], [sflag:$0x3] =	stream.linear.gather [hbm4b:s6+s5], $0x800, $0x38;
	[tilespmem:$0x1D580] =	vst v63  }
0x2b: {  	_ =	swait.ge [sflag:s21], $0x800  }
0x2c: {  	[sflag:s21] =	ssyncset.done $0x0  }
0x2d: {  	[sflag:s21] =	ssyncadd.s32 $0xFFFFF800  }
0x2e: {  	[tilespmem:s20], [sflag:$0x1] =	stream.indirect.gather [hbm4b:s7+s26], $0x80, s5, s26, $0xb8;
	[tilespmem:$0x1D580] =	vst v63  }
0x2f: {  	_ =	swait.ge [sflag:s24], $0x4000  }
0x30: {  	[sflag:s24] =	ssyncset.done $0x0  }
0x31: {  	[sflag:s24] =	ssyncadd.s32 $0xFFFFC000  }
0x32: {  	[tilespmem:s25], [sflag:$0x2] =	stream.indirect.gather [hbm4b:s7+s26], $0x80, s26, s26, $0xb8;
	[tilespmem:$0x1D580] =	vst v63  }
0x33: {  	_ = 	snop  }
0x34: {  	[spmem:s3] =	stream.indirect.scatter.add.f32 [tilespmem:s20], [sflag:$0x3], $0x80, s31, s26, $0xb8;
	[tilespmem:$0x1D580] =	vst v63  }
0x35: {  	_ =	swait.ge [sflag:s21], $0x4000  }
0x36: {  	[sflag:s21] =	ssyncset.done $0x0  }
0x37: {  	[sflag:s21] =	ssyncadd.s32 $0xFFFFC000  }
0x38: {  	_ =	swait.ge [sflag:s29], $0x4000  }
0x39: {  	[sflag:s29] =	ssyncset.done $0x0  }
0x3a: {  	s2 =	rddreg [dreg:$0x7];
	[sflag:s29] =	ssyncadd.s32 $0xFFFFC000  }
0x3b: {  	[tilespmem:s20], [sflag:$0x1] =	stream.indirect.gather [hbm4b:s7+s26], $0x80, s2, s26, $0xb8;
	[tilespmem:$0x1D580] =	vst v63  }
0x3c: {  	_ = 	snop  }
0x3d: {  	[spmem:s3] =	stream.indirect.scatter.add.f32 [tilespmem:s25], [sflag:$0x3], $0x80, s10, s26, $0xb8;
	[tilespmem:$0x1D580] =	vst v63  }
0x3e: {  	_ =	swait.ge [sflag:s21], $0x4000  }
0x3f: {  	[sflag:s21] =	ssyncset.done $0x0  }
0x40: {  	[sflag:s21] =	ssyncadd.s32 $0xFFFFC000  }
0x41: {  	_ =	swait.ge [sflag:s24], $0x4000  }
0x42: {  	[sflag:s24] =	ssyncset.done $0x0  }
0x43: {  	s6 =	rddreg [dreg:$0x8];
	[sflag:s24] =	ssyncadd.s32 $0xFFFFC000  }
0x44: {  	[tilespmem:s25], [sflag:$0x2] =	stream.indirect.gather [hbm4b:s7+s26], $0x80, s6, s26, $0xb8;
	[tilespmem:$0x1D580] =	vst v63  }
0x45: {  	_ = 	snop  }
0x46: {  	[spmem:s3] =	stream.indirect.scatter.add.f32 [tilespmem:s20], [sflag:$0x3], $0x80, s11, s26, $0xb8;
	[tilespmem:$0x1D580] =	vst v63  }
0x47: {  	_ =	swait.ge [sflag:s21], $0x4000  }
0x48: {  	[sflag:s21] =	ssyncset.done $0x0  }
0x49: {  	[sflag:s21] =	ssyncadd.s32 $0xFFFFC000  }
0x4a: {  	_ =	swait.ge [sflag:s29], $0x4000  }
0x4b: {  	[sflag:s29] =	ssyncset.done $0x0  }
0x4c: {  	s2 =	rddreg [dreg:$0x9];
	[sflag:s29] =	ssyncadd.s32 $0xFFFFC000  }
0x4d: {  	[tilespmem:s20], [sflag:$0x1] =	stream.indirect.gather [hbm4b:s7+s26], $0x80, s2, s26, $0xb8;
	[tilespmem:$0x1D580] =	vst v63  }
0x4e: {  	_ = 	snop  }
0x4f: {  	[spmem:s3] =	stream.indirect.scatter.add.f32 [tilespmem:s25], [sflag:$0x3], $0x80, s23, s26, $0xb8;
	[tilespmem:$0x1D580] =	vst v63  }
0x50: {  	_ =	swait.ge [sflag:s21], $0x4000  }
0x51: {  	[sflag:s21] =	ssyncset.done $0x0  }
0x52: {  	[sflag:s21] =	ssyncadd.s32 $0xFFFFC000  }
0x53: {  	_ =	swait.ge [sflag:s24], $0x4000  }
0x54: {  	[sflag:s24] =	ssyncset.done $0x0  }
0x55: {  	s6 =	rddreg [dreg:$0xa];
	[sflag:s24] =	ssyncadd.s32 $0xFFFFC000  }
0x56: {  	[tilespmem:s25], [sflag:$0x2] =	stream.indirect.gather [hbm4b:s7+s26], $0x80, s6, s26, $0xb8;
	[tilespmem:$0x1D580] =	vst v63  }
0x57: {  	_ = 	snop  }
0x58: {  	[spmem:s3] =	stream.indirect.scatter.add.f32 [tilespmem:s20], [sflag:$0x3], $0x80, s30, s26, $0xb8;
	[tilespmem:$0x1D580] =	vst v63  }
0x59: {  	_ =	swait.ge [sflag:s21], $0x4000  }
0x5a: {  	[sflag:s21] =	ssyncset.done $0x0  }
0x5b: {  	[sflag:s21] =	ssyncadd.s32 $0xFFFFC000  }
0x5c: {  	_ =	swait.ge [sflag:s29], $0x4000  }
0x5d: {  	[sflag:s29] =	ssyncset.done $0x0  }
0x5e: {  	s2 =	rddreg [dreg:$0xb];
	[sflag:s29] =	ssyncadd.s32 $0xFFFFC000  }
0x5f: {  	[tilespmem:s20], [sflag:$0x1] =	stream.indirect.gather [hbm4b:s7+s26], $0x80, s2, s26, $0xb8;
	[tilespmem:$0x1D580] =	vst v63  }
0x60: {  	_ = 	snop  }
0x61: {  	[spmem:s3] =	stream.indirect.scatter.add.f32 [tilespmem:s25], [sflag:$0x3], $0x80, s9, s26, $0xb8;
	[tilespmem:$0x1D580] =	vst v63  }
0x62: {  	_ =	swait.ge [sflag:s21], $0x4000  }
0x63: {  	[sflag:s21] =	ssyncset.done $0x0  }
0x64: {  	[sflag:s21] =	ssyncadd.s32 $0xFFFFC000  }
0x65: {  	_ =	swait.ge [sflag:s24], $0x4000  }
0x66: {  	[sflag:s24] =	ssyncset.done $0x0  }
0x67: {  	s6 =	rddreg [dreg:$0xc];
	[sflag:s24] =	ssyncadd.s32 $0xFFFFC000  }
0x68: {  	[tilespmem:s25], [sflag:$0x2] =	stream.indirect.gather [hbm4b:s7+s26], $0x80, s6, s26, $0xb8;
	[tilespmem:$0x1D580] =	vst v63  }
0x69: {  	_ = 	snop  }
0x6a: {  	[spmem:s3] =	stream.indirect.scatter.add.f32 [tilespmem:s20], [sflag:$0x3], $0x80, s16, s26, $0xb8;
	[tilespmem:$0x1D580] =	vst v63  }
0x6b: {  	_ =	swait.ge [sflag:s21], $0x4000  }
0x6c: {  	[sflag:s21] =	ssyncset.done $0x0  }
0x6d: {  	[sflag:s21] =	ssyncadd.s32 $0xFFFFC000  }
0x6e: {  	_ =	swait.ge [sflag:s29], $0x4000  }
0x6f: {  	[sflag:s29] =	ssyncset.done $0x0  }
0x70: {  	s16 =	rddreg [dreg:$0xd];
	[sflag:s29] =	ssyncadd.s32 $0xFFFFC000  }
0x71: {  	[tilespmem:s20], [sflag:$0x1] =	stream.indirect.gather [hbm4b:s7+s26], $0x80, s16, s26, $0xb8;
	[tilespmem:$0x1D580] =	vst v63  }
0x72: {  	_ = 	snop  }
0x73: {  	[spmem:s3] =	stream.indirect.scatter.add.f32 [tilespmem:s25], [sflag:$0x3], $0x80, s22, s26, $0xb8;
	[tilespmem:$0x1D580] =	vst v63  }
0x74: {  	_ =	swait.ge [sflag:s21], $0x4000  }
0x75: {  	[sflag:s21] =	ssyncset.done $0x0  }
0x76: {  	[sflag:s21] =	ssyncadd.s32 $0xFFFFC000  }
0x77: {  	_ =	swait.ge [sflag:s24], $0x4000  }
0x78: {  	[sflag:s24] =	ssyncset.done $0x0  }
0x79: {  	s22 =	rddreg [dreg:$0xe];
	[sflag:s24] =	ssyncadd.s32 $0xFFFFC000  }
0x7a: {  	[tilespmem:s25], [sflag:$0x2] =	stream.indirect.gather [hbm4b:s7+s26], $0x80, s22, s26, $0xb8;
	[tilespmem:$0x1D580] =	vst v63  }
0x7b: {  	s2 =	simm.s32 $0xC00  }
0x7c: {  	[spmem:s3] =	stream.indirect.scatter.add.f32 [tilespmem:s20], [sflag:$0x3], $0x80, s2, s26, $0xb8;
	[tilespmem:$0x1D580] =	vst v63  }
0x7d: {  	_ =	swait.ge [sflag:s21], $0x4000  }
0x7e: {  	[sflag:s21] =	ssyncset.done $0x0  }
0x7f: {  	[sflag:s21] =	ssyncadd.s32 $0xFFFFC000  }
0x80: {  	_ =	swait.ge [sflag:s29], $0x4000  }
0x81: {  	[sflag:s29] =	ssyncset.done $0x0  }
0x82: {  	s6 =	rddreg [dreg:$0xf];
	[sflag:s29] =	ssyncadd.s32 $0xFFFFC000  }
0x83: {  	[tilespmem:s20], [sflag:$0x1] =	stream.indirect.gather [hbm4b:s7+s26], $0x80, s6, s26, $0xb8;
	[tilespmem:$0x1D580] =	vst v63  }
0x84: {  	_ = 	snop  }
0x85: {  	[spmem:s3] =	stream.indirect.scatter.add.f32 [tilespmem:s25], [sflag:$0x3], $0x80, s15, s26, $0xb8;
	[tilespmem:$0x1D580] =	vst v63  }
0x86: {  	_ =	swait.ge [sflag:s21], $0x4000  }
0x87: {  	[sflag:s21] =	ssyncset.done $0x0  }
0x88: {  	[sflag:s21] =	ssyncadd.s32 $0xFFFFC000  }
0x89: {  	_ =	swait.ge [sflag:s24], $0x4000  }
0x8a: {  	[sflag:s24] =	ssyncset.done $0x0  }
0x8b: {  	s16 =	rddreg [dreg:$0x10];
	[sflag:s24] =	ssyncadd.s32 $0xFFFFC000  }
0x8c: {  	[tilespmem:s25], [sflag:$0x2] =	stream.indirect.gather [hbm4b:s7+s26], $0x80, s16, s26, $0xb8;
	[tilespmem:$0x1D580] =	vst v63  }
0x8d: {  	_ = 	snop  }
0x8e: {  	[spmem:s3] =	stream.indirect.scatter.add.f32 [tilespmem:s20], [sflag:$0x3], $0x80, s18, s26, $0xb8;
	[tilespmem:$0x1D580] =	vst v63  }
0x8f: {  	_ =	swait.ge [sflag:s21], $0x4000  }
0x90: {  	[sflag:s21] =	ssyncset.done $0x0  }
0x91: {  	[sflag:s21] =	ssyncadd.s32 $0xFFFFC000  }
0x92: {  	_ =	swait.ge [sflag:s29], $0x4000  }
0x93: {  	[sflag:s29] =	ssyncset.done $0x0  }
0x94: {  	s22 =	rddreg [dreg:$0x11];
	[sflag:s29] =	ssyncadd.s32 $0xFFFFC000  }
0x95: {  	[tilespmem:s20], [sflag:$0x1] =	stream.indirect.gather [hbm4b:s7+s26], $0x80, s22, s26, $0xb8;
	[tilespmem:$0x1D580] =	vst v63  }
0x96: {  	_ = 	snop  }
0x97: {  	[spmem:s3] =	stream.indirect.scatter.add.f32 [tilespmem:s25], [sflag:$0x3], $0x80, s19, s26, $0xb8;
	[tilespmem:$0x1D580] =	vst v63  }
0x98: {  	_ =	swait.ge [sflag:s21], $0x4000  }
0x99: {  	[sflag:s21] =	ssyncset.done $0x0  }
0x9a: {  	[sflag:s21] =	ssyncadd.s32 $0xFFFFC000  }
0x9b: {  	_ =	swait.ge [sflag:s24], $0x4000  }
0x9c: {  	[sflag:s24] =	ssyncset.done $0x0  }
0x9d: {  	s2 =	rddreg [dreg:$0x12];
	[sflag:s24] =	ssyncadd.s32 $0xFFFFC000  }
0x9e: {  	[tilespmem:s25], [sflag:$0x2] =	stream.indirect.gather [hbm4b:s7+s26], $0x80, s2, s26, $0xb8;
	[tilespmem:$0x1D580] =	vst v63  }
0x9f: {  	s6 =	simm.s32 $0xE00  }
0xa0: {  	[spmem:s3] =	stream.indirect.scatter.add.f32 [tilespmem:s20], [sflag:$0x3], $0x80, s6, s26, $0xb8;
	[tilespmem:$0x1D580] =	vst v63  }
0xa1: {  	_ =	swait.ge [sflag:s21], $0x4000  }
0xa2: {  	[sflag:s21] =	ssyncset.done $0x0  }
0xa3: {  	[sflag:s21] =	ssyncadd.s32 $0xFFFFC000  }
0xa4: {  	_ =	swait.ge [sflag:s29], $0x4000  }
0xa5: {  	[sflag:s29] =	ssyncset.done $0x0  }
0xa6: {  	s15 =	rddreg [dreg:$0x13];
	[sflag:s29] =	ssyncadd.s32 $0xFFFFC000  }
0xa7: {  	[tilespmem:s20], [sflag:$0x1] =	stream.indirect.gather [hbm4b:s7+s26], $0x80, s15, s26, $0xb8;
	[tilespmem:$0x1D580] =	vst v63  }
0xa8: {  	_ = 	snop  }
0xa9: {  	[spmem:s3] =	stream.indirect.scatter.add.f32 [tilespmem:s25], [sflag:$0x3], $0x80, s13, s26, $0xb8;
	[tilespmem:$0x1D580] =	vst v63  }
0xaa: {  	_ =	swait.ge [sflag:s21], $0x4000  }
0xab: {  	[sflag:s21] =	ssyncset.done $0x0  }
0xac: {  	[sflag:s21] =	ssyncadd.s32 $0xFFFFC000  }
0xad: {  	_ =	swait.ge [sflag:s24], $0x4000  }
0xae: {  	[sflag:s24] =	ssyncset.done $0x0  }
0xaf: {  	[sflag:s24] =	ssyncadd.s32 $0xFFFFC000  }
0xb0: {  	[tilespmem:s25], [sflag:$0x2] =	stream.indirect.gather [hbm4b:s7+s26], $0x80, s8, s26, $0xb8;
	[tilespmem:$0x1D580] =	vst v63  }
0xb1: {  	_ = 	snop  }
0xb2: {  	[spmem:s3] =	stream.indirect.scatter.add.f32 [tilespmem:s20], [sflag:$0x3], $0x80, s12, s26, $0xb8;
	[tilespmem:$0x1D580] =	vst v63  }
0xb3: {  	_ =	swait.ge [sflag:s21], $0x4000  }
0xb4: {  	[sflag:s21] =	ssyncset.done $0x0  }
0xb5: {  	[sflag:s21] =	ssyncadd.s32 $0xFFFFC000  }
0xb6: {  	_ =	swait.ge [sflag:s29], $0x4000  }
0xb7: {  	[sflag:s29] =	ssyncset.done $0x0  }
0xb8: {  	s16 =	simm.s32 $0xF80;
	[sflag:s29] =	ssyncadd.s32 $0xFFFFC000  }
0xb9: {  	[spmem:s3] =	stream.indirect.scatter.add.f32 [tilespmem:s25], [sflag:$0x3], $0x80, s16, s26, $0xb8;
	[tilespmem:$0x1D580] =	vst v63  }
0xba: {  	_ =	swait.ge [sflag:s21], $0x4000  }
0xbb: {  	[sflag:s21] =	ssyncset.done $0x0  }
0xbc: {  	s18 =	stileid.u32;
	[sflag:s21] =	ssyncadd.s32 $0xFFFFC000  }
0xbd: {  	s0 =	sshll.u32 s18, $0x6;
	[bflag:$0x0] =	sbarrier.arrive $0xFFFF  }
0xbe: {  	s0 =	sor.u32 $0x1C03, s0;
	s19 =	rddreg [dreg:$0x14]  }
0xbf: {  	s13 =	simm.s32 $0xF00;
	s22 =	rddreg [dreg:$0x1a];
	s2 =	sshrl.u32 s19, $0x3  }
0xc0: {  	[hbm:s22], [sflag:s0] =	dma.local [spmem:s2], $0x2800  }
0xc1: {  	s12 =	simm.s32 $0xF80;
	s16 =	simm.s32 $0xB80;
	_ =	swait.ge [sflag:s21], $0x2800  }
0xc2: {  	s19 =	simm.s32 $0xC00;
	[sflag:s21] =	ssyncset.done $0x0;
	s0 =	sld [smem:$0x7FD]  }
0xc3: {  	s22 =	simm.s32 $0xD80;
	s8 =	rddreg [dreg:$0x1d];
	[sflag:s21] =	ssyncadd.s32 $0xFFFFD800  }
.LBB2_10:
0xc4: {  	_ = 	snop  }
0xc5: {  	s0 =	sadd.s32 $0x1, s0  }
0xc6: {  	p1 =	sne.s32 s0, s8  }
.Ltmp1:
0xc7: {  	_ = 	snop;
	(pc) =	sbr.rel @!p1 .LBB2_11-.Ltmp1, $2  }
0xc8: {  	_ =	sdelay $0x2  }
0xc9: {  	s6 =	simm.s32 $0x780  }
.LBB2_1:
0xca: {  	[smem:$0x7FD] =	sst s0;
	s0 =	simm.s32 $0x0;
	s2 =	simm.s32 $0x200  }
.LBB2_2:
0xcb: {  	p1 =	sne.s32 s2, $0xFE00;
	[tilespmem:s0+$0x1070] =	vst v0  }
0xcc: {  	[tilespmem:s0+$0x1000] =	vst v0  }
0xcd: {  	[tilespmem:s0+$0x1010] =	vst v0  }
.Ltmp2:
0xce: {  	[tilespmem:s0+$0x1020] =	vst v0;
	(pc) =	sbr.rel @p1 .LBB2_2-.Ltmp2, $4  }
0xcf: {  	[tilespmem:s0+$0x1030] =	vst v0  }
0xd0: {  	[tilespmem:s0+$0x1040] =	vst v0  }
0xd1: {  	[tilespmem:s0+$0x1050] =	vst v0  }
0xd2: {  	[tilespmem:s0+$0x1060] =	vst v0;
	s0 =	sshra.s32 s2, $0x2;
	s2 =	sadd.s32 $0x200, s2  }
0xd3: {  	[tilespmem:s0+$0x1070] =	vst v0  }
0xd4: {  	[tilespmem:s0+$0x1000] =	vst v0  }
0xd5: {  	[tilespmem:s0+$0x1010] =	vst v0  }
0xd6: {  	[tilespmem:s0+$0x1020] =	vst v0  }
0xd7: {  	[tilespmem:s0+$0x1030] =	vst v0  }
0xd8: {  	[tilespmem:s0+$0x1040] =	vst v0  }
0xd9: {  	[tilespmem:s0+$0x1050] =	vst v0  }
0xda: {  	[tilespmem:s0+$0x1060] =	vst v0;
	s18 =	rddreg [dreg:$0x14]  }
0xdb: {  	[spmem:s18] =	stream.linear.scatter [tilespmem:s20], [sflag:$0x3], $0x4000, $0x38;
	[tilespmem:$0x1D580] =	vst v63  }
0xdc: {  	_ =	swait.ge [sflag:s21], $0x4000  }
0xdd: {  	[sflag:s21] =	ssyncset.done $0x0  }
0xde: {  	s2 =	rddreg [dreg:$0x15];
	[sflag:s21] =	ssyncadd.s32 $0xFFFFC000  }
0xdf: {  	[spmem:s2] =	stream.linear.scatter [tilespmem:s20], [sflag:$0x3], $0x4000, $0x38;
	[tilespmem:$0x1D580] =	vst v63  }
0xe0: {  	_ =	swait.ge [sflag:s21], $0x4000  }
0xe1: {  	[sflag:s21] =	ssyncset.done $0x0  }
0xe2: {  	s8 =	rddreg [dreg:$0x16];
	[sflag:s21] =	ssyncadd.s32 $0xFFFFC000  }
0xe3: {  	[spmem:s8] =	stream.linear.scatter [tilespmem:s20], [sflag:$0x3], $0x4000, $0x38;
	[tilespmem:$0x1D580] =	vst v63  }
0xe4: {  	_ =	swait.ge [sflag:s21], $0x4000  }
0xe5: {  	[sflag:s21] =	ssyncset.done $0x0  }
0xe6: {  	s18 =	rddreg [dreg:$0x17];
	[sflag:s21] =	ssyncadd.s32 $0xFFFFC000  }
0xe7: {  	[spmem:s18] =	stream.linear.scatter [tilespmem:s20], [sflag:$0x3], $0x4000, $0x38;
	[tilespmem:$0x1D580] =	vst v63  }
0xe8: {  	_ =	swait.ge [sflag:s21], $0x4000  }
0xe9: {  	[sflag:s21] =	ssyncset.done $0x0  }
.Ltmp3:
0xea: {  	s15 =	rddreg [dreg:$0x18];
	[sflag:s21] =	ssyncadd.s32 $0xFFFFC000;
	(pc) =	sbr.rel @p0 .LBB2_7-.Ltmp3, $4  }
0xeb: {  	[spmem:s15] =	stream.linear.scatter [tilespmem:s20], [sflag:$0x3], $0x4000, $0x38;
	[tilespmem:$0x1D580] =	vst v63  }
0xec: {  	_ =	swait.ge [sflag:s21], $0x4000  }
0xed: {  	[sflag:s21] =	ssyncset.done $0x0  }
0xee: {  	[sflag:s21] =	ssyncadd.s32 $0xFFFFC000  }
0xef: {  	[tilespmem:$0x9000] =	vst v1  }
0xf0: {  	[tilespmem:$0x9010] =	vst v1  }
0xf1: {  	[tilespmem:$0x9020] =	vst v1  }
0xf2: {  	[tilespmem:$0x9030] =	vst v1  }
0xf3: {  	[tilespmem:$0x9040] =	vst v1  }
0xf4: {  	[tilespmem:$0x9050] =	vst v1  }
0xf5: {  	[tilespmem:$0x9060] =	vst v1  }
0xf6: {  	[tilespmem:$0x9070] =	vst v1  }
0xf7: {  	[tilespmem:$0x9080] =	vst v0  }
0xf8: {  	[tilespmem:$0x9090] =	vst v0  }
0xf9: {  	[tilespmem:$0x90A0] =	vst v0  }
0xfa: {  	[tilespmem:$0x90B0] =	vst v0  }
0xfb: {  	[tilespmem:$0x90C0] =	vst v0  }
0xfc: {  	[tilespmem:$0x90D0] =	vst v0  }
0xfd: {  	[tilespmem:$0x90E0] =	vst v0  }
0xfe: {  	[tilespmem:$0x90F0] =	vst v0  }
0xff: {  	[tilespmem:$0x9100] =	vst v0  }
0x100: {  	[tilespmem:$0x9110] =	vst v0  }
0x101: {  	[tilespmem:$0x9120] =	vst v0  }
0x102: {  	[tilespmem:$0x9130] =	vst v0  }
0x103: {  	[tilespmem:$0x9140] =	vst v0  }
0x104: {  	[tilespmem:$0x9150] =	vst v0  }
0x105: {  	[tilespmem:$0x9160] =	vst v0  }
0x106: {  	[tilespmem:$0x9170] =	vst v0  }
0x107: {  	[tilespmem:$0x9180] =	vst v0  }
0x108: {  	[tilespmem:$0x9190] =	vst v0  }
0x109: {  	[tilespmem:$0x91A0] =	vst v0  }
0x10a: {  	[tilespmem:$0x91B0] =	vst v0  }
0x10b: {  	[tilespmem:$0x91C0] =	vst v0  }
0x10c: {  	[tilespmem:$0x91D0] =	vst v0  }
0x10d: {  	[tilespmem:$0x91E0] =	vst v0  }
0x10e: {  	[tilespmem:$0x91F0] =	vst v0  }
0x10f: {  	[tilespmem:$0x9200] =	vst v0  }
0x110: {  	[tilespmem:$0x9210] =	vst v0  }
0x111: {  	[tilespmem:$0x9220] =	vst v0  }
0x112: {  	[tilespmem:$0x9230] =	vst v0  }
0x113: {  	[tilespmem:$0x9240] =	vst v0  }
0x114: {  	[tilespmem:$0x9250] =	vst v0  }
0x115: {  	[tilespmem:$0x9260] =	vst v0  }
0x116: {  	[tilespmem:$0x9270] =	vst v0  }
0x117: {  	[tilespmem:$0x9280] =	vst v0  }
0x118: {  	[tilespmem:$0x9290] =	vst v0  }
0x119: {  	[tilespmem:$0x92A0] =	vst v0  }
0x11a: {  	[tilespmem:$0x92B0] =	vst v0  }
0x11b: {  	[tilespmem:$0x92C0] =	vst v0  }
0x11c: {  	[tilespmem:$0x92D0] =	vst v0  }
0x11d: {  	[tilespmem:$0x92E0] =	vst v0  }
0x11e: {  	[tilespmem:$0x92F0] =	vst v0;
	s2 =	rddreg [dreg:$0x19];
	s0 =	simm.s32 $0x9080  }
0x11f: {  	[spmem:s2] =	stream.linear.scatter [tilespmem:s0], [sflag:$0x3], $0x280, $0x38;
	[tilespmem:$0x1D580] =	vst v63  }
0x120: {  	_ =	swait.ge [sflag:s21], $0x280  }
0x121: {  	[sflag:s21] =	ssyncset.done $0x0  }
0x122: {  	[sflag:s21] =	ssyncadd.s32 $0xFFFFFD80  }
0x123: {  	[bflag:$0x0] =	sbarrier.arrive $0xFFFF  }
0x124: {  	[tilespmem:s31], [sflag:$0x3] =	stream.linear.gather [hbm4b:s14+s5], $0x800, $0x38;
	[tilespmem:$0x1D580] =	vst v63  }
0x125: {  	s8 =	rddreg [dreg:$0x1f]  }
0x126: {  	s0 =	sadd.s32 $0x0, s17;
	s15 =	sadd.s32 $0xFFFFFFF1, s8  }
0x127: {  	s2 =	smov.u32 s0;
	_ =	swait.ge [sflag:s21], $0x800;
	p1 =	slt.u32 s15, $0x9C4  }
0x128: {  	[sflag:s21] =	ssyncset.done $0x0;
	s2 =	simm.s32 @!p1 $0x0  }
0x129: {  	[sflag:s21] =	ssyncadd.s32 $0xFFFFF800;
	s2 =	sadd.s32 s1, s2  }
0x12a: {  	[tilespmem:s20], [sflag:$0x1] =	stream.linear.gather [hbm4b:s2+s5], $0x4000, $0x38;
	[tilespmem:$0x1D580] =	vst v63  }
0x12b: {  	s2 =	sadd.s32 $0x800, s0;
	_ =	swait.ge [sflag:s24], $0x4000  }
0x12c: {  	s2 =	simm.s32 @!p1 $0x0;
	[sflag:s24] =	ssyncset.done $0x0  }
0x12d: {  	s2 =	sadd.s32 s1, s2;
	[sflag:s24] =	ssyncadd.s32 $0xFFFFC000  }
0x12e: {  	[tilespmem:s25], [sflag:$0x2] =	stream.linear.gather [hbm4b:s2+s5], $0x4000, $0x38;
	[tilespmem:$0x1D580] =	vst v63  }
0x12f: {  	_ = 	snop  }
0x130: {  	[spmem:s3] =	stream.indirect.scatter.add.f32 [tilespmem:s20], [sflag:$0x3], $0x80, s31, s26, $0xb8;
	[tilespmem:$0x1D580] =	vst v63  }
0x131: {  	_ =	swait.ge [sflag:s21], $0x4000  }
0x132: {  	[sflag:s21] =	ssyncset.done $0x0  }
0x133: {  	[sflag:s21] =	ssyncadd.s32 $0xFFFFC000  }
0x134: {  	[spmem:s4] =	stream.indirect.scatter.add.f32 [tilespmem:s28], [sflag:$0x3], $0x1, s31, s26, $0xb8;
	[tilespmem:$0x1D580] =	vst v63  }
0x135: {  	_ =	swait.ge [sflag:s21], $0x80  }
0x136: {  	[sflag:s21] =	ssyncset.done $0x0  }
0x137: {  	[sflag:s21] =	ssyncadd.s32 $0xFFFFFF80  }
0x138: {  	s2 =	sadd.s32 $0x1000, s0;
	_ =	swait.ge [sflag:s29], $0x4000  }
0x139: {  	s2 =	simm.s32 @!p1 $0x0;
	[sflag:s29] =	ssyncset.done $0x0  }
0x13a: {  	s2 =	sadd.s32 s1, s2;
	[sflag:s29] =	ssyncadd.s32 $0xFFFFC000  }
0x13b: {  	[tilespmem:s20], [sflag:$0x1] =	stream.linear.gather [hbm4b:s2+s5], $0x4000, $0x38;
	[tilespmem:$0x1D580] =	vst v63  }
0x13c: {  	_ = 	snop  }
0x13d: {  	[spmem:s3] =	stream.indirect.scatter.add.f32 [tilespmem:s25], [sflag:$0x3], $0x80, s10, s26, $0xb8;
	[tilespmem:$0x1D580] =	vst v63  }
0x13e: {  	_ =	swait.ge [sflag:s21], $0x4000  }
0x13f: {  	[sflag:s21] =	ssyncset.done $0x0  }
0x140: {  	[sflag:s21] =	ssyncadd.s32 $0xFFFFC000  }
0x141: {  	[spmem:s4] =	stream.indirect.scatter.add.f32 [tilespmem:s28], [sflag:$0x3], $0x1, s10, s26, $0xb8;
	[tilespmem:$0x1D580] =	vst v63  }
0x142: {  	_ =	swait.ge [sflag:s21], $0x80  }
0x143: {  	[sflag:s21] =	ssyncset.done $0x0  }
0x144: {  	[sflag:s21] =	ssyncadd.s32 $0xFFFFFF80  }
0x145: {  	s2 =	sadd.s32 $0x1800, s0;
	_ =	swait.ge [sflag:s24], $0x4000  }
0x146: {  	s2 =	simm.s32 @!p1 $0x0;
	[sflag:s24] =	ssyncset.done $0x0  }
0x147: {  	s2 =	sadd.s32 s1, s2;
	[sflag:s24] =	ssyncadd.s32 $0xFFFFC000  }
0x148: {  	[tilespmem:s25], [sflag:$0x2] =	stream.linear.gather [hbm4b:s2+s5], $0x4000, $0x38;
	[tilespmem:$0x1D580] =	vst v63  }
0x149: {  	_ = 	snop  }
0x14a: {  	[spmem:s3] =	stream.indirect.scatter.add.f32 [tilespmem:s20], [sflag:$0x3], $0x80, s11, s26, $0xb8;
	[tilespmem:$0x1D580] =	vst v63  }
0x14b: {  	_ =	swait.ge [sflag:s21], $0x4000  }
0x14c: {  	[sflag:s21] =	ssyncset.done $0x0  }
0x14d: {  	[sflag:s21] =	ssyncadd.s32 $0xFFFFC000  }
0x14e: {  	[spmem:s4] =	stream.indirect.scatter.add.f32 [tilespmem:s28], [sflag:$0x3], $0x1, s11, s26, $0xb8;
	[tilespmem:$0x1D580] =	vst v63  }
0x14f: {  	_ =	swait.ge [sflag:s21], $0x80  }
0x150: {  	[sflag:s21] =	ssyncset.done $0x0  }
0x151: {  	s18 =	sadd.s32 $0xFFFFFFF5, s8;
	[sflag:s21] =	ssyncadd.s32 $0xFFFFFF80  }
0x152: {  	s6 =	sadd.s32 $0x2000, s0;
	p1 =	slt.u32 s18, $0x9C4;
	_ =	swait.ge [sflag:s29], $0x4000  }
0x153: {  	s6 =	simm.s32 @!p1 $0x0;
	[sflag:s29] =	ssyncset.done $0x0  }
0x154: {  	s10 =	sadd.s32 s1, s6;
	[sflag:s29] =	ssyncadd.s32 $0xFFFFC000  }
0x155: {  	[tilespmem:s20], [sflag:$0x1] =	stream.linear.gather [hbm4b:s10+s5], $0x4000, $0x38;
	[tilespmem:$0x1D580] =	vst v63  }
0x156: {  	_ = 	snop  }
0x157: {  	[spmem:s3] =	stream.indirect.scatter.add.f32 [tilespmem:s25], [sflag:$0x3], $0x80, s23, s26, $0xb8;
	[tilespmem:$0x1D580] =	vst v63  }
0x158: {  	_ =	swait.ge [sflag:s21], $0x4000  }
0x159: {  	[sflag:s21] =	ssyncset.done $0x0  }
0x15a: {  	[sflag:s21] =	ssyncadd.s32 $0xFFFFC000  }
0x15b: {  	[spmem:s4] =	stream.indirect.scatter.add.f32 [tilespmem:s28], [sflag:$0x3], $0x1, s23, s26, $0xb8;
	[tilespmem:$0x1D580] =	vst v63  }
0x15c: {  	_ =	swait.ge [sflag:s21], $0x80  }
0x15d: {  	[sflag:s21] =	ssyncset.done $0x0  }
0x15e: {  	s11 =	sadd.s32 $0xFFFFFFF6, s8;
	[sflag:s21] =	ssyncadd.s32 $0xFFFFFF80  }
0x15f: {  	s6 =	sadd.s32 $0x2800, s0;
	p1 =	slt.u32 s11, $0x9C4;
	_ =	swait.ge [sflag:s24], $0x4000  }
0x160: {  	s6 =	simm.s32 @!p1 $0x0;
	[sflag:s24] =	ssyncset.done $0x0  }
0x161: {  	s15 =	sadd.s32 s1, s6;
	[sflag:s24] =	ssyncadd.s32 $0xFFFFC000  }
0x162: {  	[tilespmem:s25], [sflag:$0x2] =	stream.linear.gather [hbm4b:s15+s5], $0x4000, $0x38;
	[tilespmem:$0x1D580] =	vst v63  }
0x163: {  	_ = 	snop  }
0x164: {  	[spmem:s3] =	stream.indirect.scatter.add.f32 [tilespmem:s20], [sflag:$0x3], $0x80, s30, s26, $0xb8;
	[tilespmem:$0x1D580] =	vst v63  }
0x165: {  	_ =	swait.ge [sflag:s21], $0x4000  }
0x166: {  	[sflag:s21] =	ssyncset.done $0x0  }
0x167: {  	[sflag:s21] =	ssyncadd.s32 $0xFFFFC000  }
0x168: {  	[spmem:s4] =	stream.indirect.scatter.add.f32 [tilespmem:s28], [sflag:$0x3], $0x1, s30, s26, $0xb8;
	[tilespmem:$0x1D580] =	vst v63  }
0x169: {  	_ =	swait.ge [sflag:s21], $0x80  }
0x16a: {  	[sflag:s21] =	ssyncset.done $0x0  }
0x16b: {  	s18 =	sadd.s32 $0xFFFFFFF7, s8;
	[sflag:s21] =	ssyncadd.s32 $0xFFFFFF80  }
0x16c: {  	p1 =	slt.u32 s18, $0x9C4;
	s6 =	sadd.s32 $0x3000, s0;
	_ =	swait.ge [sflag:s29], $0x4000  }
0x16d: {  	s6 =	simm.s32 @!p1 $0x0;
	[sflag:s29] =	ssyncset.done $0x0  }
0x16e: {  	s23 =	sadd.s32 s1, s6;
	[sflag:s29] =	ssyncadd.s32 $0xFFFFC000  }
0x16f: {  	[tilespmem:s20], [sflag:$0x1] =	stream.linear.gather [hbm4b:s23+s5], $0x4000, $0x38;
	[tilespmem:$0x1D580] =	vst v63  }
0x170: {  	_ = 	snop  }
0x171: {  	[spmem:s3] =	stream.indirect.scatter.add.f32 [tilespmem:s25], [sflag:$0x3], $0x80, s9, s26, $0xb8;
	[tilespmem:$0x1D580] =	vst v63  }
0x172: {  	_ =	swait.ge [sflag:s21], $0x4000  }
0x173: {  	[sflag:s21] =	ssyncset.done $0x0  }
0x174: {  	[sflag:s21] =	ssyncadd.s32 $0xFFFFC000  }
0x175: {  	[spmem:s4] =	stream.indirect.scatter.add.f32 [tilespmem:s28], [sflag:$0x3], $0x1, s9, s26, $0xb8;
	[tilespmem:$0x1D580] =	vst v63  }
0x176: {  	_ =	swait.ge [sflag:s21], $0x80  }
0x177: {  	[sflag:s21] =	ssyncset.done $0x0  }
0x178: {  	s30 =	sadd.s32 $0xFFFFFFF8, s8;
	[sflag:s21] =	ssyncadd.s32 $0xFFFFFF80  }
0x179: {  	s6 =	sadd.s32 $0x3800, s0;
	p1 =	slt.u32 s30, $0x9C4;
	_ =	swait.ge [sflag:s24], $0x4000  }
0x17a: {  	s6 =	simm.s32 @!p1 $0x0;
	[sflag:s24] =	ssyncset.done $0x0  }
0x17b: {  	s6 =	sadd.s32 s1, s6;
	[sflag:s24] =	ssyncadd.s32 $0xFFFFC000  }
0x17c: {  	[tilespmem:s25], [sflag:$0x2] =	stream.linear.gather [hbm4b:s6+s5], $0x4000, $0x38;
	[tilespmem:$0x1D580] =	vst v63  }
0x17d: {  	s9 =	simm.s32 $0xB00  }
0x17e: {  	[spmem:s3] =	stream.indirect.scatter.add.f32 [tilespmem:s20], [sflag:$0x3], $0x80, s9, s26, $0xb8;
	[tilespmem:$0x1D580] =	vst v63  }
0x17f: {  	_ =	swait.ge [sflag:s21], $0x4000  }
0x180: {  	[sflag:s21] =	ssyncset.done $0x0  }
0x181: {  	[sflag:s21] =	ssyncadd.s32 $0xFFFFC000  }
0x182: {  	[spmem:s4] =	stream.indirect.scatter.add.f32 [tilespmem:s28], [sflag:$0x3], $0x1, s9, s26, $0xb8;
	[tilespmem:$0x1D580] =	vst v63  }
0x183: {  	_ =	swait.ge [sflag:s21], $0x80  }
0x184: {  	[sflag:s21] =	ssyncset.done $0x0  }
0x185: {  	s10 =	sadd.s32 $0xFFFFFFF9, s8;
	[sflag:s21] =	ssyncadd.s32 $0xFFFFFF80  }
0x186: {  	p1 =	slt.u32 s10, $0x9C4;
	s6 =	sadd.s32 $0x4000, s0;
	_ =	swait.ge [sflag:s29], $0x4000  }
0x187: {  	s6 =	simm.s32 @!p1 $0x0;
	[sflag:s29] =	ssyncset.done $0x0  }
0x188: {  	s11 =	sadd.s32 s1, s6;
	[sflag:s29] =	ssyncadd.s32 $0xFFFFC000  }
0x189: {  	[tilespmem:s20], [sflag:$0x1] =	stream.linear.gather [hbm4b:s11+s5], $0x4000, $0x38;
	[tilespmem:$0x1D580] =	vst v63  }
0x18a: {  	_ = 	snop  }
0x18b: {  	[spmem:s3] =	stream.indirect.scatter.add.f32 [tilespmem:s25], [sflag:$0x3], $0x80, s16, s26, $0xb8;
	[tilespmem:$0x1D580] =	vst v63  }
0x18c: {  	_ =	swait.ge [sflag:s21], $0x4000  }
0x18d: {  	[sflag:s21] =	ssyncset.done $0x0  }
0x18e: {  	[sflag:s21] =	ssyncadd.s32 $0xFFFFC000  }
0x18f: {  	[spmem:s4] =	stream.indirect.scatter.add.f32 [tilespmem:s28], [sflag:$0x3], $0x1, s16, s26, $0xb8;
	[tilespmem:$0x1D580] =	vst v63  }
0x190: {  	_ =	swait.ge [sflag:s21], $0x80  }
0x191: {  	[sflag:s21] =	ssyncset.done $0x0  }
0x192: {  	s15 =	sadd.s32 $0xFFFFFFFA, s8;
	[sflag:s21] =	ssyncadd.s32 $0xFFFFFF80  }
0x193: {  	p1 =	slt.u32 s15, $0x9C4;
	s6 =	sadd.s32 $0x4800, s0;
	_ =	swait.ge [sflag:s24], $0x4000  }
0x194: {  	s6 =	simm.s32 @!p1 $0x0;
	[sflag:s24] =	ssyncset.done $0x0  }
0x195: {  	s16 =	sadd.s32 s1, s6;
	[sflag:s24] =	ssyncadd.s32 $0xFFFFC000  }
0x196: {  	[tilespmem:s25], [sflag:$0x2] =	stream.linear.gather [hbm4b:s16+s5], $0x4000, $0x38;
	[tilespmem:$0x1D580] =	vst v63  }
0x197: {  	_ = 	snop  }
0x198: {  	[spmem:s3] =	stream.indirect.scatter.add.f32 [tilespmem:s20], [sflag:$0x3], $0x80, s19, s26, $0xb8;
	[tilespmem:$0x1D580] =	vst v63  }
0x199: {  	_ =	swait.ge [sflag:s21], $0x4000  }
0x19a: {  	[sflag:s21] =	ssyncset.done $0x0  }
0x19b: {  	[sflag:s21] =	ssyncadd.s32 $0xFFFFC000  }
0x19c: {  	[spmem:s4] =	stream.indirect.scatter.add.f32 [tilespmem:s28], [sflag:$0x3], $0x1, s19, s26, $0xb8;
	[tilespmem:$0x1D580] =	vst v63  }
0x19d: {  	_ =	swait.ge [sflag:s21], $0x80  }
0x19e: {  	[sflag:s21] =	ssyncset.done $0x0  }
0x19f: {  	s18 =	sadd.s32 $0xFFFFFFFB, s8;
	[sflag:s21] =	ssyncadd.s32 $0xFFFFFF80  }
0x1a0: {  	p1 =	slt.u32 s18, $0x9C4;
	s6 =	sadd.s32 $0x5000, s0;
	_ =	swait.ge [sflag:s29], $0x4000  }
0x1a1: {  	s6 =	simm.s32 @!p1 $0x0;
	[sflag:s29] =	ssyncset.done $0x0  }
0x1a2: {  	s19 =	sadd.s32 s1, s6;
	[sflag:s29] =	ssyncadd.s32 $0xFFFFC000  }
0x1a3: {  	[tilespmem:s20], [sflag:$0x1] =	stream.linear.gather [hbm4b:s19+s5], $0x4000, $0x38;
	[tilespmem:$0x1D580] =	vst v63  }
0x1a4: {  	s23 =	simm.s32 $0xC80  }
0x1a5: {  	[spmem:s3] =	stream.indirect.scatter.add.f32 [tilespmem:s25], [sflag:$0x3], $0x80, s23, s26, $0xb8;
	[tilespmem:$0x1D580] =	vst v63  }
0x1a6: {  	_ =	swait.ge [sflag:s21], $0x4000  }
0x1a7: {  	[sflag:s21] =	ssyncset.done $0x0  }
0x1a8: {  	[sflag:s21] =	ssyncadd.s32 $0xFFFFC000  }
0x1a9: {  	[spmem:s4] =	stream.indirect.scatter.add.f32 [tilespmem:s28], [sflag:$0x3], $0x1, s23, s26, $0xb8;
	[tilespmem:$0x1D580] =	vst v63  }
0x1aa: {  	_ =	swait.ge [sflag:s21], $0x80  }
0x1ab: {  	[sflag:s21] =	ssyncset.done $0x0  }
0x1ac: {  	s30 =	sadd.s32 $0xFFFFFFFC, s8;
	[sflag:s21] =	ssyncadd.s32 $0xFFFFFF80  }
0x1ad: {  	p1 =	slt.u32 s30, $0x9C4;
	s6 =	sadd.s32 $0x5800, s0;
	_ =	swait.ge [sflag:s24], $0x4000  }
0x1ae: {  	s6 =	simm.s32 @!p1 $0x0;
	[sflag:s24] =	ssyncset.done $0x0  }
0x1af: {  	s9 =	sadd.s32 s1, s6;
	[sflag:s24] =	ssyncadd.s32 $0xFFFFC000  }
0x1b0: {  	[tilespmem:s25], [sflag:$0x2] =	stream.linear.gather [hbm4b:s9+s5], $0x4000, $0x38;
	[tilespmem:$0x1D580] =	vst v63  }
0x1b1: {  	s10 =	simm.s32 $0xD00  }
0x1b2: {  	[spmem:s3] =	stream.indirect.scatter.add.f32 [tilespmem:s20], [sflag:$0x3], $0x80, s10, s26, $0xb8;
	[tilespmem:$0x1D580] =	vst v63  }
0x1b3: {  	_ =	swait.ge [sflag:s21], $0x4000  }
0x1b4: {  	[sflag:s21] =	ssyncset.done $0x0  }
0x1b5: {  	[sflag:s21] =	ssyncadd.s32 $0xFFFFC000  }
0x1b6: {  	[spmem:s4] =	stream.indirect.scatter.add.f32 [tilespmem:s28], [sflag:$0x3], $0x1, s10, s26, $0xb8;
	[tilespmem:$0x1D580] =	vst v63  }
0x1b7: {  	_ =	swait.ge [sflag:s21], $0x80  }
0x1b8: {  	[sflag:s21] =	ssyncset.done $0x0  }
0x1b9: {  	s11 =	sadd.s32 $0xFFFFFFFD, s8;
	[sflag:s21] =	ssyncadd.s32 $0xFFFFFF80  }
0x1ba: {  	p1 =	slt.u32 s11, $0x9C4;
	s6 =	sadd.s32 $0x6000, s0;
	_ =	swait.ge [sflag:s29], $0x4000  }
0x1bb: {  	s6 =	simm.s32 @!p1 $0x0;
	[sflag:s29] =	ssyncset.done $0x0  }
0x1bc: {  	s15 =	sadd.s32 s1, s6;
	[sflag:s29] =	ssyncadd.s32 $0xFFFFC000  }
0x1bd: {  	[tilespmem:s20], [sflag:$0x1] =	stream.linear.gather [hbm4b:s15+s5], $0x4000, $0x38;
	[tilespmem:$0x1D580] =	vst v63  }
0x1be: {  	_ = 	snop  }
0x1bf: {  	[spmem:s3] =	stream.indirect.scatter.add.f32 [tilespmem:s25], [sflag:$0x3], $0x80, s22, s26, $0xb8;
	[tilespmem:$0x1D580] =	vst v63  }
0x1c0: {  	_ =	swait.ge [sflag:s21], $0x4000  }
0x1c1: {  	[sflag:s21] =	ssyncset.done $0x0  }
0x1c2: {  	[sflag:s21] =	ssyncadd.s32 $0xFFFFC000  }
0x1c3: {  	[spmem:s4] =	stream.indirect.scatter.add.f32 [tilespmem:s28], [sflag:$0x3], $0x1, s22, s26, $0xb8;
	[tilespmem:$0x1D580] =	vst v63  }
0x1c4: {  	_ =	swait.ge [sflag:s21], $0x80  }
0x1c5: {  	[sflag:s21] =	ssyncset.done $0x0  }
0x1c6: {  	s16 =	sadd.s32 $0xFFFFFFFE, s8;
	[sflag:s21] =	ssyncadd.s32 $0xFFFFFF80  }
0x1c7: {  	p1 =	slt.u32 s16, $0x9C4;
	s6 =	sadd.s32 $0x6800, s0;
	_ =	swait.ge [sflag:s24], $0x4000  }
0x1c8: {  	s6 =	simm.s32 @!p1 $0x0;
	[sflag:s24] =	ssyncset.done $0x0  }
0x1c9: {  	s18 =	sadd.s32 s1, s6;
	[sflag:s24] =	ssyncadd.s32 $0xFFFFC000  }
0x1ca: {  	[tilespmem:s25], [sflag:$0x2] =	stream.linear.gather [hbm4b:s18+s5], $0x4000, $0x38;
	[tilespmem:$0x1D580] =	vst v63  }
0x1cb: {  	s19 =	simm.s32 $0xE00  }
0x1cc: {  	[spmem:s3] =	stream.indirect.scatter.add.f32 [tilespmem:s20], [sflag:$0x3], $0x80, s19, s26, $0xb8;
	[tilespmem:$0x1D580] =	vst v63  }
0x1cd: {  	_ =	swait.ge [sflag:s21], $0x4000  }
0x1ce: {  	[sflag:s21] =	ssyncset.done $0x0  }
0x1cf: {  	[sflag:s21] =	ssyncadd.s32 $0xFFFFC000  }
0x1d0: {  	[spmem:s4] =	stream.indirect.scatter.add.f32 [tilespmem:s28], [sflag:$0x3], $0x1, s19, s26, $0xb8;
	[tilespmem:$0x1D580] =	vst v63  }
0x1d1: {  	_ =	swait.ge [sflag:s21], $0x80  }
0x1d2: {  	[sflag:s21] =	ssyncset.done $0x0  }
0x1d3: {  	s22 =	sadd.s32 $0xFFFFFFFF, s8;
	[sflag:s21] =	ssyncadd.s32 $0xFFFFFF80  }
0x1d4: {  	s6 =	sadd.s32 $0x7000, s0;
	p1 =	slt.u32 s22, $0x9C4;
	_ =	swait.ge [sflag:s29], $0x4000  }
0x1d5: {  	s6 =	simm.s32 @!p1 $0x0;
	[sflag:s29] =	ssyncset.done $0x0  }
0x1d6: {  	s23 =	sadd.s32 s1, s6;
	[sflag:s29] =	ssyncadd.s32 $0xFFFFC000  }
0x1d7: {  	[tilespmem:s20], [sflag:$0x1] =	stream.linear.gather [hbm4b:s23+s5], $0x4000, $0x38;
	[tilespmem:$0x1D580] =	vst v63  }
0x1d8: {  	s30 =	simm.s32 $0xE80  }
0x1d9: {  	[spmem:s3] =	stream.indirect.scatter.add.f32 [tilespmem:s25], [sflag:$0x3], $0x80, s30, s26, $0xb8;
	[tilespmem:$0x1D580] =	vst v63  }
0x1da: {  	_ =	swait.ge [sflag:s21], $0x4000  }
0x1db: {  	[sflag:s21] =	ssyncset.done $0x0  }
0x1dc: {  	[sflag:s21] =	ssyncadd.s32 $0xFFFFC000  }
0x1dd: {  	[spmem:s4] =	stream.indirect.scatter.add.f32 [tilespmem:s28], [sflag:$0x3], $0x1, s30, s26, $0xb8;
	[tilespmem:$0x1D580] =	vst v63  }
0x1de: {  	_ =	swait.ge [sflag:s21], $0x80  }
0x1df: {  	[sflag:s21] =	ssyncset.done $0x0  }
0x1e0: {  	[sflag:s21] =	ssyncadd.s32 $0xFFFFFF80  }
0x1e1: {  	s0 =	sadd.s32 $0x7800, s0;
	p1 =	slt.u32 s8, $0x9C4;
	_ =	swait.ge [sflag:s24], $0x4000  }
0x1e2: {  	s0 =	simm.s32 @!p1 $0x0;
	[sflag:s24] =	ssyncset.done $0x0  }
0x1e3: {  	s0 =	sadd.s32 s1, s0;
	[sflag:s24] =	ssyncadd.s32 $0xFFFFC000  }
0x1e4: {  	[tilespmem:s25], [sflag:$0x2] =	stream.linear.gather [hbm4b:s0+s5], $0x4000, $0x38;
	[tilespmem:$0x1D580] =	vst v63  }
0x1e5: {  	_ = 	snop  }
0x1e6: {  	[spmem:s3] =	stream.indirect.scatter.add.f32 [tilespmem:s20], [sflag:$0x3], $0x80, s13, s26, $0xb8;
	[tilespmem:$0x1D580] =	vst v63  }
0x1e7: {  	_ =	swait.ge [sflag:s21], $0x4000  }
0x1e8: {  	[sflag:s21] =	ssyncset.done $0x0  }
0x1e9: {  	[sflag:s21] =	ssyncadd.s32 $0xFFFFC000  }
0x1ea: {  	[spmem:s4] =	stream.indirect.scatter.add.f32 [tilespmem:s28], [sflag:$0x3], $0x1, s13, s26, $0xb8;
	[tilespmem:$0x1D580] =	vst v63  }
0x1eb: {  	_ =	swait.ge [sflag:s21], $0x80  }
0x1ec: {  	[sflag:s21] =	ssyncset.done $0x0  }
0x1ed: {  	[sflag:s21] =	ssyncadd.s32 $0xFFFFFF80  }
0x1ee: {  	_ =	swait.ge [sflag:s29], $0x4000  }
0x1ef: {  	[sflag:s29] =	ssyncset.done $0x0  }
0x1f0: {  	[sflag:s29] =	ssyncadd.s32 $0xFFFFC000  }
0x1f1: {  	[spmem:s3] =	stream.indirect.scatter.add.f32 [tilespmem:s25], [sflag:$0x3], $0x80, s12, s26, $0xb8;
	[tilespmem:$0x1D580] =	vst v63  }
0x1f2: {  	_ =	swait.ge [sflag:s21], $0x4000  }
0x1f3: {  	[sflag:s21] =	ssyncset.done $0x0  }
0x1f4: {  	[sflag:s21] =	ssyncadd.s32 $0xFFFFC000  }
0x1f5: {  	[spmem:s4] =	stream.indirect.scatter.add.f32 [tilespmem:s28], [sflag:$0x3], $0x1, s12, s26, $0xb8;
	[tilespmem:$0x1D580] =	vst v63  }
0x1f6: {  	s6 =	sadd.s32 $0x10, s8;
	s18 =	smov.u32 s14;
	_ =	swait.ge [sflag:s21], $0x80  }
0x1f7: {  	s19 =	simm.s32 $0x8000;
	s23 =	simm.s32 $0xD00;
	[sflag:s21] =	ssyncset.done $0x0  }
.LBB2_5:
0x1f8: {  	s0 =	sadd.s32 $0xFFFFFFF1, s6;
	[sflag:s21] =	ssyncadd.s32 $0xFFFFFF80  }
0x1f9: {  	s18 =	sadd.s32 $0x100, s18;
	s30 =	sadd.s32 s19, s17;
	s8 =	smov.u32 s17  }
0x1fa: {  	[tilespmem:s31], [sflag:$0x3] =	stream.linear.gather [hbm4b:s18+s5], $0x800, $0x38;
	[tilespmem:$0x1D580] =	vst v63  }
0x1fb: {  	p1 =	slt.u32 s0, $0x9C4;
	s0 =	smov.u32 s30;
	_ =	swait.ge [sflag:s21], $0x800  }
0x1fc: {  	s2 =	sadd.s32 $0x800, s30;
	s0 =	simm.s32 @!p1 $0x0;
	[sflag:s21] =	ssyncset.done $0x0  }
0x1fd: {  	s2 =	simm.s32 @!p1 $0x0;
	s0 =	sadd.s32 s1, s0;
	[sflag:s21] =	ssyncadd.s32 $0xFFFFF800  }
0x1fe: {  	[tilespmem:s20], [sflag:$0x1] =	stream.linear.gather [hbm4b:s0+s5], $0x4000, $0x38;
	[tilespmem:$0x1D580] =	vst v63  }
0x1ff: {  	s17 =	sadd.s32 $0x1000, s30;
	s13 =	sadd.s32 $0x1800, s30;
	_ =	swait.ge [sflag:s24], $0x4000  }
0x200: {  	s12 =	sadd.s32 $0x2000, s30;
	s17 =	simm.s32 @!p1 $0x0;
	[sflag:s24] =	ssyncset.done $0x0  }
0x201: {  	s13 =	simm.s32 @!p1 $0x0;
	s0 =	sadd.s32 s1, s2;
	[sflag:s24] =	ssyncadd.s32 $0xFFFFC000  }
0x202: {  	[tilespmem:s25], [sflag:$0x2] =	stream.linear.gather [hbm4b:s0+s5], $0x4000, $0x38;
	[tilespmem:$0x1D580] =	vst v63  }
0x203: {  	s11 =	sadd.s32 $0x2800, s30;
	s10 =	sadd.s32 $0x3000, s30;
	s9 =	sadd.s32 $0x3800, s30  }
0x204: {  	[spmem:s3] =	stream.indirect.scatter.add.f32 [tilespmem:s20], [sflag:$0x3], $0x80, s31, s26, $0xb8;
	[tilespmem:$0x1D580] =	vst v63  }
0x205: {  	s16 =	sadd.s32 $0x4800, s30;
	s2 =	sadd.s32 $0x4000, s30;
	_ =	swait.ge [sflag:s21], $0x4000  }
0x206: {  	s15 =	sadd.s32 $0x5000, s30;
	s14 =	sadd.s32 $0x5800, s30;
	[sflag:s21] =	ssyncset.done $0x0  }
0x207: {  	s22 =	sadd.s32 $0x6000, s30;
	s0 =	sadd.s32 $0x6800, s30;
	[sflag:s21] =	ssyncadd.s32 $0xFFFFC000  }
0x208: {  	[spmem:s4] =	stream.indirect.scatter.add.f32 [tilespmem:s28], [sflag:$0x3], $0x1, s31, s26, $0xb8;
	[tilespmem:$0x1D580] =	vst v63  }
0x209: {  	s31 =	sadd.s32 $0x7000, s30;
	s30 =	sadd.s32 $0x7800, s30;
	_ =	swait.ge [sflag:s21], $0x80  }
0x20a: {  	p1 =	seq.s32 s19, $0x48000;
	s19 =	sadd.s32 $0x8000, s19;
	[sflag:s21] =	ssyncset.done $0x0  }
0x20b: {  	[sflag:s21] =	ssyncadd.s32 $0xFFFFFF80  }
0x20c: {  	_ =	swait.ge [sflag:s29], $0x4000  }
0x20d: {  	[sflag:s29] =	ssyncset.done $0x0  }
0x20e: {  	s17 =	sadd.s32 s1, s17;
	[sflag:s29] =	ssyncadd.s32 $0xFFFFC000  }
0x20f: {  	[tilespmem:s20], [sflag:$0x1] =	stream.linear.gather [hbm4b:s17+s5], $0x4000, $0x38;
	[tilespmem:$0x1D580] =	vst v63  }
0x210: {  	s17 =	smov.u32 s8  }
0x211: {  	s8 =	simm.s32 $0x880  }
0x212: {  	[spmem:s3] =	stream.indirect.scatter.add.f32 [tilespmem:s25], [sflag:$0x3], $0x80, s8, s26, $0xb8;
	[tilespmem:$0x1D580] =	vst v63  }
0x213: {  	_ =	swait.ge [sflag:s21], $0x4000  }
0x214: {  	[sflag:s21] =	ssyncset.done $0x0  }
0x215: {  	[sflag:s21] =	ssyncadd.s32 $0xFFFFC000  }
0x216: {  	[spmem:s4] =	stream.indirect.scatter.add.f32 [tilespmem:s28], [sflag:$0x3], $0x1, s8, s26, $0xb8;
	[tilespmem:$0x1D580] =	vst v63  }
0x217: {  	_ =	swait.ge [sflag:s21], $0x80  }
0x218: {  	[sflag:s21] =	ssyncset.done $0x0  }
0x219: {  	[sflag:s21] =	ssyncadd.s32 $0xFFFFFF80  }
0x21a: {  	_ =	swait.ge [sflag:s24], $0x4000  }
0x21b: {  	[sflag:s24] =	ssyncset.done $0x0  }
0x21c: {  	s13 =	sadd.s32 s1, s13;
	[sflag:s24] =	ssyncadd.s32 $0xFFFFC000  }
0x21d: {  	[tilespmem:s25], [sflag:$0x2] =	stream.linear.gather [hbm4b:s13+s5], $0x4000, $0x38;
	[tilespmem:$0x1D580] =	vst v63  }
0x21e: {  	s8 =	simm.s32 $0x900  }
0x21f: {  	[spmem:s3] =	stream.indirect.scatter.add.f32 [tilespmem:s20], [sflag:$0x3], $0x80, s8, s26, $0xb8;
	[tilespmem:$0x1D580] =	vst v63  }
0x220: {  	_ =	swait.ge [sflag:s21], $0x4000  }
0x221: {  	[sflag:s21] =	ssyncset.done $0x0  }
0x222: {  	[sflag:s21] =	ssyncadd.s32 $0xFFFFC000  }
0x223: {  	[spmem:s4] =	stream.indirect.scatter.add.f32 [tilespmem:s28], [sflag:$0x3], $0x1, s8, s26, $0xb8;
	[tilespmem:$0x1D580] =	vst v63  }
0x224: {  	_ =	swait.ge [sflag:s21], $0x80  }
0x225: {  	[sflag:s21] =	ssyncset.done $0x0  }
0x226: {  	s13 =	sadd.s32 $0xFFFFFFF5, s6;
	[sflag:s21] =	ssyncadd.s32 $0xFFFFFF80  }
0x227: {  	p2 =	slt.u32 s13, $0x9C4;
	s13 =	simm.s32 $0xF00;
	_ =	swait.ge [sflag:s29], $0x4000  }
0x228: {  	s12 =	simm.s32 @!p2 $0x0;
	[sflag:s29] =	ssyncset.done $0x0  }
0x229: {  	s12 =	sadd.s32 s1, s12;
	[sflag:s29] =	ssyncadd.s32 $0xFFFFC000  }
0x22a: {  	[tilespmem:s20], [sflag:$0x1] =	stream.linear.gather [hbm4b:s12+s5], $0x4000, $0x38;
	[tilespmem:$0x1D580] =	vst v63  }
0x22b: {  	s8 =	simm.s32 $0x980  }
0x22c: {  	[spmem:s3] =	stream.indirect.scatter.add.f32 [tilespmem:s25], [sflag:$0x3], $0x80, s8, s26, $0xb8;
	[tilespmem:$0x1D580] =	vst v63  }
0x22d: {  	_ =	swait.ge [sflag:s21], $0x4000  }
0x22e: {  	[sflag:s21] =	ssyncset.done $0x0  }
0x22f: {  	[sflag:s21] =	ssyncadd.s32 $0xFFFFC000  }
0x230: {  	[spmem:s4] =	stream.indirect.scatter.add.f32 [tilespmem:s28], [sflag:$0x3], $0x1, s8, s26, $0xb8;
	[tilespmem:$0x1D580] =	vst v63  }
0x231: {  	_ =	swait.ge [sflag:s21], $0x80  }
0x232: {  	[sflag:s21] =	ssyncset.done $0x0  }
0x233: {  	s12 =	sadd.s32 $0xFFFFFFF6, s6;
	[sflag:s21] =	ssyncadd.s32 $0xFFFFFF80  }
0x234: {  	p2 =	slt.u32 s12, $0x9C4;
	s12 =	simm.s32 $0xF80;
	_ =	swait.ge [sflag:s24], $0x4000  }
0x235: {  	s11 =	simm.s32 @!p2 $0x0;
	[sflag:s24] =	ssyncset.done $0x0  }
0x236: {  	s11 =	sadd.s32 s1, s11;
	[sflag:s24] =	ssyncadd.s32 $0xFFFFC000  }
0x237: {  	[tilespmem:s25], [sflag:$0x2] =	stream.linear.gather [hbm4b:s11+s5], $0x4000, $0x38;
	[tilespmem:$0x1D580] =	vst v63  }
0x238: {  	s8 =	simm.s32 $0xA00  }
0x239: {  	[spmem:s3] =	stream.indirect.scatter.add.f32 [tilespmem:s20], [sflag:$0x3], $0x80, s8, s26, $0xb8;
	[tilespmem:$0x1D580] =	vst v63  }
0x23a: {  	_ =	swait.ge [sflag:s21], $0x4000  }
0x23b: {  	[sflag:s21] =	ssyncset.done $0x0  }
0x23c: {  	[sflag:s21] =	ssyncadd.s32 $0xFFFFC000  }
0x23d: {  	[spmem:s4] =	stream.indirect.scatter.add.f32 [tilespmem:s28], [sflag:$0x3], $0x1, s8, s26, $0xb8;
	[tilespmem:$0x1D580] =	vst v63  }
0x23e: {  	_ =	swait.ge [sflag:s21], $0x80  }
0x23f: {  	[sflag:s21] =	ssyncset.done $0x0  }
0x240: {  	s11 =	sadd.s32 $0xFFFFFFF7, s6;
	[sflag:s21] =	ssyncadd.s32 $0xFFFFFF80  }
0x241: {  	p2 =	slt.u32 s11, $0x9C4;
	_ =	swait.ge [sflag:s29], $0x4000  }
0x242: {  	s10 =	simm.s32 @!p2 $0x0;
	[sflag:s29] =	ssyncset.done $0x0  }
0x243: {  	s10 =	sadd.s32 s1, s10;
	[sflag:s29] =	ssyncadd.s32 $0xFFFFC000  }
0x244: {  	[tilespmem:s20], [sflag:$0x1] =	stream.linear.gather [hbm4b:s10+s5], $0x4000, $0x38;
	[tilespmem:$0x1D580] =	vst v63  }
0x245: {  	s8 =	simm.s32 $0xA80  }
0x246: {  	[spmem:s3] =	stream.indirect.scatter.add.f32 [tilespmem:s25], [sflag:$0x3], $0x80, s8, s26, $0xb8;
	[tilespmem:$0x1D580] =	vst v63  }
0x247: {  	_ =	swait.ge [sflag:s21], $0x4000  }
0x248: {  	[sflag:s21] =	ssyncset.done $0x0  }
0x249: {  	[sflag:s21] =	ssyncadd.s32 $0xFFFFC000  }
0x24a: {  	[spmem:s4] =	stream.indirect.scatter.add.f32 [tilespmem:s28], [sflag:$0x3], $0x1, s8, s26, $0xb8;
	[tilespmem:$0x1D580] =	vst v63  }
0x24b: {  	_ =	swait.ge [sflag:s21], $0x80  }
0x24c: {  	[sflag:s21] =	ssyncset.done $0x0  }
0x24d: {  	s10 =	sadd.s32 $0xFFFFFFF8, s6;
	[sflag:s21] =	ssyncadd.s32 $0xFFFFFF80  }
0x24e: {  	p2 =	slt.u32 s10, $0x9C4;
	s8 =	simm.s32 $0xB00;
	_ =	swait.ge [sflag:s24], $0x4000  }
0x24f: {  	s9 =	simm.s32 @!p2 $0x0;
	[sflag:s24] =	ssyncset.done $0x0  }
0x250: {  	s9 =	sadd.s32 s1, s9;
	[sflag:s24] =	ssyncadd.s32 $0xFFFFC000  }
0x251: {  	[tilespmem:s25], [sflag:$0x2] =	stream.linear.gather [hbm4b:s9+s5], $0x4000, $0x38;
	[tilespmem:$0x1D580] =	vst v63  }
0x252: {  	_ = 	snop  }
0x253: {  	[spmem:s3] =	stream.indirect.scatter.add.f32 [tilespmem:s20], [sflag:$0x3], $0x80, s8, s26, $0xb8;
	[tilespmem:$0x1D580] =	vst v63  }
0x254: {  	_ =	swait.ge [sflag:s21], $0x4000  }
0x255: {  	[sflag:s21] =	ssyncset.done $0x0  }
0x256: {  	[sflag:s21] =	ssyncadd.s32 $0xFFFFC000  }
0x257: {  	[spmem:s4] =	stream.indirect.scatter.add.f32 [tilespmem:s28], [sflag:$0x3], $0x1, s8, s26, $0xb8;
	[tilespmem:$0x1D580] =	vst v63  }
0x258: {  	_ =	swait.ge [sflag:s21], $0x80  }
0x259: {  	[sflag:s21] =	ssyncset.done $0x0  }
0x25a: {  	s9 =	sadd.s32 $0xFFFFFFF9, s6;
	[sflag:s21] =	ssyncadd.s32 $0xFFFFFF80  }
0x25b: {  	p2 =	slt.u32 s9, $0x9C4;
	_ =	swait.ge [sflag:s29], $0x4000  }
0x25c: {  	s2 =	simm.s32 @!p2 $0x0;
	[sflag:s29] =	ssyncset.done $0x0  }
0x25d: {  	s2 =	sadd.s32 s1, s2;
	[sflag:s29] =	ssyncadd.s32 $0xFFFFC000  }
0x25e: {  	[tilespmem:s20], [sflag:$0x1] =	stream.linear.gather [hbm4b:s2+s5], $0x4000, $0x38;
	[tilespmem:$0x1D580] =	vst v63  }
0x25f: {  	s2 =	simm.s32 $0xB80  }
0x260: {  	[spmem:s3] =	stream.indirect.scatter.add.f32 [tilespmem:s25], [sflag:$0x3], $0x80, s2, s26, $0xb8;
	[tilespmem:$0x1D580] =	vst v63  }
0x261: {  	_ =	swait.ge [sflag:s21], $0x4000  }
0x262: {  	[sflag:s21] =	ssyncset.done $0x0  }
0x263: {  	[sflag:s21] =	ssyncadd.s32 $0xFFFFC000  }
0x264: {  	[spmem:s4] =	stream.indirect.scatter.add.f32 [tilespmem:s28], [sflag:$0x3], $0x1, s2, s26, $0xb8;
	[tilespmem:$0x1D580] =	vst v63  }
0x265: {  	_ =	swait.ge [sflag:s21], $0x80  }
0x266: {  	[sflag:s21] =	ssyncset.done $0x0  }
0x267: {  	s2 =	sadd.s32 $0xFFFFFFFA, s6;
	[sflag:s21] =	ssyncadd.s32 $0xFFFFFF80  }
0x268: {  	p2 =	slt.u32 s2, $0x9C4;
	_ =	swait.ge [sflag:s24], $0x4000  }
0x269: {  	s16 =	simm.s32 @!p2 $0x0;
	[sflag:s24] =	ssyncset.done $0x0  }
0x26a: {  	s2 =	sadd.s32 s1, s16;
	[sflag:s24] =	ssyncadd.s32 $0xFFFFC000  }
0x26b: {  	[tilespmem:s25], [sflag:$0x2] =	stream.linear.gather [hbm4b:s2+s5], $0x4000, $0x38;
	[tilespmem:$0x1D580] =	vst v63  }
0x26c: {  	s2 =	simm.s32 $0xC00  }
0x26d: {  	[spmem:s3] =	stream.indirect.scatter.add.f32 [tilespmem:s20], [sflag:$0x3], $0x80, s2, s26, $0xb8;
	[tilespmem:$0x1D580] =	vst v63  }
0x26e: {  	_ =	swait.ge [sflag:s21], $0x4000  }
0x26f: {  	[sflag:s21] =	ssyncset.done $0x0  }
0x270: {  	[sflag:s21] =	ssyncadd.s32 $0xFFFFC000  }
0x271: {  	[spmem:s4] =	stream.indirect.scatter.add.f32 [tilespmem:s28], [sflag:$0x3], $0x1, s2, s26, $0xb8;
	[tilespmem:$0x1D580] =	vst v63  }
0x272: {  	_ =	swait.ge [sflag:s21], $0x80  }
0x273: {  	[sflag:s21] =	ssyncset.done $0x0  }
0x274: {  	s2 =	sadd.s32 $0xFFFFFFFB, s6;
	[sflag:s21] =	ssyncadd.s32 $0xFFFFFF80  }
0x275: {  	p2 =	slt.u32 s2, $0x9C4;
	_ =	swait.ge [sflag:s29], $0x4000  }
0x276: {  	s15 =	simm.s32 @!p2 $0x0;
	[sflag:s29] =	ssyncset.done $0x0  }
0x277: {  	s2 =	sadd.s32 s1, s15;
	[sflag:s29] =	ssyncadd.s32 $0xFFFFC000  }
0x278: {  	[tilespmem:s20], [sflag:$0x1] =	stream.linear.gather [hbm4b:s2+s5], $0x4000, $0x38;
	[tilespmem:$0x1D580] =	vst v63  }
0x279: {  	s2 =	simm.s32 $0xC80  }
0x27a: {  	[spmem:s3] =	stream.indirect.scatter.add.f32 [tilespmem:s25], [sflag:$0x3], $0x80, s2, s26, $0xb8;
	[tilespmem:$0x1D580] =	vst v63  }
0x27b: {  	_ =	swait.ge [sflag:s21], $0x4000  }
0x27c: {  	[sflag:s21] =	ssyncset.done $0x0  }
0x27d: {  	[sflag:s21] =	ssyncadd.s32 $0xFFFFC000  }
0x27e: {  	[spmem:s4] =	stream.indirect.scatter.add.f32 [tilespmem:s28], [sflag:$0x3], $0x1, s2, s26, $0xb8;
	[tilespmem:$0x1D580] =	vst v63  }
0x27f: {  	_ =	swait.ge [sflag:s21], $0x80  }
0x280: {  	[sflag:s21] =	ssyncset.done $0x0  }
0x281: {  	s2 =	sadd.s32 $0xFFFFFFFC, s6;
	[sflag:s21] =	ssyncadd.s32 $0xFFFFFF80  }
0x282: {  	p2 =	slt.u32 s2, $0x9C4;
	_ =	swait.ge [sflag:s24], $0x4000  }
0x283: {  	s14 =	simm.s32 @!p2 $0x0;
	[sflag:s24] =	ssyncset.done $0x0  }
0x284: {  	s2 =	sadd.s32 s1, s14;
	[sflag:s24] =	ssyncadd.s32 $0xFFFFC000  }
0x285: {  	[tilespmem:s25], [sflag:$0x2] =	stream.linear.gather [hbm4b:s2+s5], $0x4000, $0x38;
	[tilespmem:$0x1D580] =	vst v63  }
0x286: {  	_ = 	snop  }
0x287: {  	[spmem:s3] =	stream.indirect.scatter.add.f32 [tilespmem:s20], [sflag:$0x3], $0x80, s23, s26, $0xb8;
	[tilespmem:$0x1D580] =	vst v63  }
0x288: {  	_ =	swait.ge [sflag:s21], $0x4000  }
0x289: {  	[sflag:s21] =	ssyncset.done $0x0  }
0x28a: {  	[sflag:s21] =	ssyncadd.s32 $0xFFFFC000  }
0x28b: {  	[spmem:s4] =	stream.indirect.scatter.add.f32 [tilespmem:s28], [sflag:$0x3], $0x1, s23, s26, $0xb8;
	[tilespmem:$0x1D580] =	vst v63  }
0x28c: {  	_ =	swait.ge [sflag:s21], $0x80  }
0x28d: {  	[sflag:s21] =	ssyncset.done $0x0  }
0x28e: {  	s2 =	sadd.s32 $0xFFFFFFFD, s6;
	[sflag:s21] =	ssyncadd.s32 $0xFFFFFF80  }
0x28f: {  	p2 =	slt.u32 s2, $0x9C4;
	_ =	swait.ge [sflag:s29], $0x4000  }
0x290: {  	s22 =	simm.s32 @!p2 $0x0;
	[sflag:s29] =	ssyncset.done $0x0  }
0x291: {  	s2 =	sadd.s32 s1, s22;
	s22 =	simm.s32 $0xD80;
	[sflag:s29] =	ssyncadd.s32 $0xFFFFC000  }
0x292: {  	[tilespmem:s20], [sflag:$0x1] =	stream.linear.gather [hbm4b:s2+s5], $0x4000, $0x38;
	[tilespmem:$0x1D580] =	vst v63  }
0x293: {  	_ = 	snop  }
0x294: {  	[spmem:s3] =	stream.indirect.scatter.add.f32 [tilespmem:s25], [sflag:$0x3], $0x80, s22, s26, $0xb8;
	[tilespmem:$0x1D580] =	vst v63  }
0x295: {  	_ =	swait.ge [sflag:s21], $0x4000  }
0x296: {  	[sflag:s21] =	ssyncset.done $0x0  }
0x297: {  	[sflag:s21] =	ssyncadd.s32 $0xFFFFC000  }
0x298: {  	[spmem:s4] =	stream.indirect.scatter.add.f32 [tilespmem:s28], [sflag:$0x3], $0x1, s22, s26, $0xb8;
	[tilespmem:$0x1D580] =	vst v63  }
0x299: {  	_ =	swait.ge [sflag:s21], $0x80  }
0x29a: {  	[sflag:s21] =	ssyncset.done $0x0  }
0x29b: {  	s2 =	sadd.s32 $0xFFFFFFFE, s6;
	[sflag:s21] =	ssyncadd.s32 $0xFFFFFF80  }
0x29c: {  	p2 =	slt.u32 s2, $0x9C4;
	s2 =	simm.s32 $0xE80;
	_ =	swait.ge [sflag:s24], $0x4000  }
0x29d: {  	s0 =	simm.s32 @!p2 $0x0;
	[sflag:s24] =	ssyncset.done $0x0  }
0x29e: {  	s0 =	sadd.s32 s1, s0;
	[sflag:s24] =	ssyncadd.s32 $0xFFFFC000  }
0x29f: {  	[tilespmem:s25], [sflag:$0x2] =	stream.linear.gather [hbm4b:s0+s5], $0x4000, $0x38;
	[tilespmem:$0x1D580] =	vst v63  }
0x2a0: {  	s0 =	simm.s32 $0xE00  }
0x2a1: {  	[spmem:s3] =	stream.indirect.scatter.add.f32 [tilespmem:s20], [sflag:$0x3], $0x80, s0, s26, $0xb8;
	[tilespmem:$0x1D580] =	vst v63  }
0x2a2: {  	_ =	swait.ge [sflag:s21], $0x4000  }
0x2a3: {  	[sflag:s21] =	ssyncset.done $0x0  }
0x2a4: {  	[sflag:s21] =	ssyncadd.s32 $0xFFFFC000  }
0x2a5: {  	[spmem:s4] =	stream.indirect.scatter.add.f32 [tilespmem:s28], [sflag:$0x3], $0x1, s0, s26, $0xb8;
	[tilespmem:$0x1D580] =	vst v63  }
0x2a6: {  	_ =	swait.ge [sflag:s21], $0x80  }
0x2a7: {  	[sflag:s21] =	ssyncset.done $0x0  }
0x2a8: {  	s0 =	sadd.s32 $0xFFFFFFFF, s6;
	[sflag:s21] =	ssyncadd.s32 $0xFFFFFF80  }
0x2a9: {  	p2 =	slt.u32 s0, $0x9C4;
	_ =	swait.ge [sflag:s29], $0x4000  }
0x2aa: {  	s31 =	simm.s32 @!p2 $0x0;
	[sflag:s29] =	ssyncset.done $0x0  }
0x2ab: {  	s0 =	sadd.s32 s1, s31;
	s31 =	simm.s32 $0x800;
	[sflag:s29] =	ssyncadd.s32 $0xFFFFC000  }
0x2ac: {  	[tilespmem:s20], [sflag:$0x1] =	stream.linear.gather [hbm4b:s0+s5], $0x4000, $0x38;
	[tilespmem:$0x1D580] =	vst v63  }
0x2ad: {  	_ = 	snop  }
0x2ae: {  	[spmem:s3] =	stream.indirect.scatter.add.f32 [tilespmem:s25], [sflag:$0x3], $0x80, s2, s26, $0xb8;
	[tilespmem:$0x1D580] =	vst v63  }
0x2af: {  	_ =	swait.ge [sflag:s21], $0x4000  }
0x2b0: {  	[sflag:s21] =	ssyncset.done $0x0  }
0x2b1: {  	[sflag:s21] =	ssyncadd.s32 $0xFFFFC000  }
0x2b2: {  	[spmem:s4] =	stream.indirect.scatter.add.f32 [tilespmem:s28], [sflag:$0x3], $0x1, s2, s26, $0xb8;
	[tilespmem:$0x1D580] =	vst v63  }
0x2b3: {  	_ =	swait.ge [sflag:s21], $0x80  }
0x2b4: {  	[sflag:s21] =	ssyncset.done $0x0  }
0x2b5: {  	[sflag:s21] =	ssyncadd.s32 $0xFFFFFF80  }
0x2b6: {  	p2 =	slt.u32 s6, $0x9C4;
	_ =	swait.ge [sflag:s24], $0x4000  }
0x2b7: {  	s30 =	simm.s32 @!p2 $0x0;
	[sflag:s24] =	ssyncset.done $0x0  }
0x2b8: {  	s0 =	sadd.s32 s1, s30;
	[sflag:s24] =	ssyncadd.s32 $0xFFFFC000  }
0x2b9: {  	[tilespmem:s25], [sflag:$0x2] =	stream.linear.gather [hbm4b:s0+s5], $0x4000, $0x38;
	[tilespmem:$0x1D580] =	vst v63  }
0x2ba: {  	_ = 	snop  }
0x2bb: {  	[spmem:s3] =	stream.indirect.scatter.add.f32 [tilespmem:s20], [sflag:$0x3], $0x80, s13, s26, $0xb8;
	[tilespmem:$0x1D580] =	vst v63  }
0x2bc: {  	_ =	swait.ge [sflag:s21], $0x4000  }
0x2bd: {  	[sflag:s21] =	ssyncset.done $0x0  }
0x2be: {  	[sflag:s21] =	ssyncadd.s32 $0xFFFFC000  }
0x2bf: {  	[spmem:s4] =	stream.indirect.scatter.add.f32 [tilespmem:s28], [sflag:$0x3], $0x1, s13, s26, $0xb8;
	[tilespmem:$0x1D580] =	vst v63  }
0x2c0: {  	_ =	swait.ge [sflag:s21], $0x80  }
0x2c1: {  	[sflag:s21] =	ssyncset.done $0x0  }
0x2c2: {  	[sflag:s21] =	ssyncadd.s32 $0xFFFFFF80  }
0x2c3: {  	_ =	swait.ge [sflag:s29], $0x4000  }
0x2c4: {  	[sflag:s29] =	ssyncset.done $0x0  }
0x2c5: {  	[sflag:s29] =	ssyncadd.s32 $0xFFFFC000  }
0x2c6: {  	[spmem:s3] =	stream.indirect.scatter.add.f32 [tilespmem:s25], [sflag:$0x3], $0x80, s12, s26, $0xb8;
	[tilespmem:$0x1D580] =	vst v63  }
0x2c7: {  	_ =	swait.ge [sflag:s21], $0x4000  }
.Ltmp4:
0x2c8: {  	[sflag:s21] =	ssyncset.done $0x0;
	(pc) =	sbr.rel @!p1 .LBB2_5-.Ltmp4, $4  }
0x2c9: {  	[sflag:s21] =	ssyncadd.s32 $0xFFFFC000  }
0x2ca: {  	[spmem:s4] =	stream.indirect.scatter.add.f32 [tilespmem:s28], [sflag:$0x3], $0x1, s12, s26, $0xb8;
	[tilespmem:$0x1D580] =	vst v63  }
0x2cb: {  	_ =	swait.ge [sflag:s21], $0x80  }
0x2cc: {  	s6 =	sadd.s32 $0x10, s6;
	[sflag:s21] =	ssyncset.done $0x0  }
0x2cd: {  	[sflag:s21] =	ssyncadd.s32 $0xFFFFFF80  }
0x2ce: {  	s0 =	stileid.u32;
	[bflag:$0x0] =	sbarrier.arrive $0xFFFF  }
0x2cf: {  	s0 =	sshll.u32 s0, $0x6;
	s2 =	rddreg [dreg:$0x14]  }
0x2d0: {  	s0 =	sor.u32 $0x1C03, s0;
	s6 =	rddreg [dreg:$0x1b];
	s2 =	sshrl.u32 s2, $0x3  }
0x2d1: {  	[hbm:s6], [sflag:s0] =	dma.local [spmem:s2], $0x2800  }
0x2d2: {  	_ =	swait.ge [sflag:s21], $0x2800  }
0x2d3: {  	[sflag:s21] =	ssyncset.done $0x0;
	s19 =	rddreg [dreg:$0x19]  }
0x2d4: {  	s23 =	rddreg [dreg:$0x1c];
	[sflag:s21] =	ssyncadd.s32 $0xFFFFD800;
	s2 =	sshrl.u32 s19, $0x3  }
0x2d5: {  	[hbm:s23], [sflag:s0] =	dma.local [spmem:s2], $0x50  }
.Ltmp5:
0x2d6: {  	s10 =	simm.s32 $0x880;
	(pc) =	sbr.rel .LBB2_10-.Ltmp5, $4  }
0x2d7: {  	s11 =	simm.s32 $0x900;
	s30 =	simm.s32 $0xA00;
	_ =	swait.ge [sflag:s21], $0x50  }
0x2d8: {  	s9 =	simm.s32 $0xA80;
	s16 =	simm.s32 $0xB80;
	s8 =	rddreg [dreg:$0x1d]  }
0x2d9: {  	s19 =	simm.s32 $0xC00;
	[sflag:s21] =	ssyncset.done $0x0;
	s0 =	sld [smem:$0x7FD]  }
0x2da: {  	s23 =	simm.s32 $0x980;
	s14 =	rddreg [dreg:$0x1e];
	[sflag:s21] =	ssyncadd.s32 $0xFFFFFFB0  }
.LBB2_7:
0x2db: {  	[bflag:$0x0] =	sbarrier.arrive $0xFFFF  }
0x2dc: {  	s0 =	rddreg [dreg:$0x6]  }
0x2dd: {  	s0 =	sadd.s32 $0x0, s0  }
0x2de: {  	[tilespmem:s5], [sflag:$0x3] =	stream.linear.gather [hbm4b:s0+s5], $0x800, $0x38;
	[tilespmem:$0x1D580] =	vst v63  }
0x2df: {  	_ =	swait.ge [sflag:s21], $0x800  }
0x2e0: {  	[sflag:s21] =	ssyncset.done $0x0  }
0x2e1: {  	s22 =	sadd.s32 $0x0, s14;
	[sflag:s21] =	ssyncadd.s32 $0xFFFFF800  }
0x2e2: {  	[tilespmem:s31], [sflag:$0x3] =	stream.linear.gather [hbm4b:s22+s5], $0x800, $0x38;
	[tilespmem:$0x1D580] =	vst v63  }
0x2e3: {  	_ =	swait.ge [sflag:s21], $0x800  }
0x2e4: {  	[sflag:s21] =	ssyncset.done $0x0  }
0x2e5: {  	[sflag:s21] =	ssyncadd.s32 $0xFFFFF800  }
0x2e6: {  	[tilespmem:s20], [sflag:$0x1] =	stream.indirect.gather [hbm4b:s7+s26], $0x80, s5, s26, $0xb8;
	[tilespmem:$0x1D580] =	vst v63  }
0x2e7: {  	_ =	swait.ge [sflag:s24], $0x4000  }
0x2e8: {  	[sflag:s24] =	ssyncset.done $0x0  }
0x2e9: {  	[sflag:s24] =	ssyncadd.s32 $0xFFFFC000  }
0x2ea: {  	[tilespmem:s25], [sflag:$0x2] =	stream.indirect.gather [hbm4b:s7+s26], $0x80, s26, s26, $0xb8;
	[tilespmem:$0x1D580] =	vst v63  }
0x2eb: {  	_ = 	snop  }
0x2ec: {  	[spmem:s3] =	stream.indirect.scatter.add.f32 [tilespmem:s20], [sflag:$0x3], $0x80, s31, s26, $0xb8;
	[tilespmem:$0x1D580] =	vst v63  }
0x2ed: {  	_ =	swait.ge [sflag:s21], $0x4000  }
0x2ee: {  	[sflag:s21] =	ssyncset.done $0x0  }
0x2ef: {  	[sflag:s21] =	ssyncadd.s32 $0xFFFFC000  }
0x2f0: {  	_ =	swait.ge [sflag:s29], $0x4000  }
0x2f1: {  	[sflag:s29] =	ssyncset.done $0x0  }
0x2f2: {  	s2 =	rddreg [dreg:$0x7];
	[sflag:s29] =	ssyncadd.s32 $0xFFFFC000  }
0x2f3: {  	[tilespmem:s20], [sflag:$0x1] =	stream.indirect.gather [hbm4b:s7+s26], $0x80, s2, s26, $0xb8;
	[tilespmem:$0x1D580] =	vst v63  }
0x2f4: {  	_ = 	snop  }
0x2f5: {  	[spmem:s3] =	stream.indirect.scatter.add.f32 [tilespmem:s25], [sflag:$0x3], $0x80, s10, s26, $0xb8;
	[tilespmem:$0x1D580] =	vst v63  }
0x2f6: {  	_ =	swait.ge [sflag:s21], $0x4000  }
0x2f7: {  	[sflag:s21] =	ssyncset.done $0x0  }
0x2f8: {  	[sflag:s21] =	ssyncadd.s32 $0xFFFFC000  }
0x2f9: {  	_ =	swait.ge [sflag:s24], $0x4000  }
0x2fa: {  	[sflag:s24] =	ssyncset.done $0x0  }
0x2fb: {  	s8 =	rddreg [dreg:$0x8];
	[sflag:s24] =	ssyncadd.s32 $0xFFFFC000  }
0x2fc: {  	[tilespmem:s25], [sflag:$0x2] =	stream.indirect.gather [hbm4b:s7+s26], $0x80, s8, s26, $0xb8;
	[tilespmem:$0x1D580] =	vst v63  }
0x2fd: {  	_ = 	snop  }
0x2fe: {  	[spmem:s3] =	stream.indirect.scatter.add.f32 [tilespmem:s20], [sflag:$0x3], $0x80, s11, s26, $0xb8;
	[tilespmem:$0x1D580] =	vst v63  }
0x2ff: {  	_ =	swait.ge [sflag:s21], $0x4000  }
0x300: {  	[sflag:s21] =	ssyncset.done $0x0  }
0x301: {  	[sflag:s21] =	ssyncadd.s32 $0xFFFFC000  }
0x302: {  	_ =	swait.ge [sflag:s29], $0x4000  }
0x303: {  	[sflag:s29] =	ssyncset.done $0x0  }
0x304: {  	s12 =	rddreg [dreg:$0x9];
	[sflag:s29] =	ssyncadd.s32 $0xFFFFC000  }
0x305: {  	[tilespmem:s20], [sflag:$0x1] =	stream.indirect.gather [hbm4b:s7+s26], $0x80, s12, s26, $0xb8;
	[tilespmem:$0x1D580] =	vst v63  }
0x306: {  	_ = 	snop  }
0x307: {  	[spmem:s3] =	stream.indirect.scatter.add.f32 [tilespmem:s25], [sflag:$0x3], $0x80, s23, s26, $0xb8;
	[tilespmem:$0x1D580] =	vst v63  }
0x308: {  	_ =	swait.ge [sflag:s21], $0x4000  }
0x309: {  	[sflag:s21] =	ssyncset.done $0x0  }
0x30a: {  	[sflag:s21] =	ssyncadd.s32 $0xFFFFC000  }
0x30b: {  	_ =	swait.ge [sflag:s24], $0x4000  }
0x30c: {  	[sflag:s24] =	ssyncset.done $0x0  }
0x30d: {  	s13 =	rddreg [dreg:$0xa];
	[sflag:s24] =	ssyncadd.s32 $0xFFFFC000  }
0x30e: {  	[tilespmem:s25], [sflag:$0x2] =	stream.indirect.gather [hbm4b:s7+s26], $0x80, s13, s26, $0xb8;
	[tilespmem:$0x1D580] =	vst v63  }
0x30f: {  	_ = 	snop  }
0x310: {  	[spmem:s3] =	stream.indirect.scatter.add.f32 [tilespmem:s20], [sflag:$0x3], $0x80, s30, s26, $0xb8;
	[tilespmem:$0x1D580] =	vst v63  }
0x311: {  	_ =	swait.ge [sflag:s21], $0x4000  }
0x312: {  	[sflag:s21] =	ssyncset.done $0x0  }
0x313: {  	[sflag:s21] =	ssyncadd.s32 $0xFFFFC000  }
0x314: {  	_ =	swait.ge [sflag:s29], $0x4000  }
0x315: {  	[sflag:s29] =	ssyncset.done $0x0  }
0x316: {  	s15 =	rddreg [dreg:$0xb];
	[sflag:s29] =	ssyncadd.s32 $0xFFFFC000  }
0x317: {  	[tilespmem:s20], [sflag:$0x1] =	stream.indirect.gather [hbm4b:s7+s26], $0x80, s15, s26, $0xb8;
	[tilespmem:$0x1D580] =	vst v63  }
0x318: {  	_ = 	snop  }
0x319: {  	[spmem:s3] =	stream.indirect.scatter.add.f32 [tilespmem:s25], [sflag:$0x3], $0x80, s9, s26, $0xb8;
	[tilespmem:$0x1D580] =	vst v63  }
0x31a: {  	_ =	swait.ge [sflag:s21], $0x4000  }
0x31b: {  	[sflag:s21] =	ssyncset.done $0x0  }
0x31c: {  	[sflag:s21] =	ssyncadd.s32 $0xFFFFC000  }
0x31d: {  	_ =	swait.ge [sflag:s24], $0x4000  }
0x31e: {  	[sflag:s24] =	ssyncset.done $0x0  }
0x31f: {  	s16 =	rddreg [dreg:$0xc];
	[sflag:s24] =	ssyncadd.s32 $0xFFFFC000  }
0x320: {  	[tilespmem:s25], [sflag:$0x2] =	stream.indirect.gather [hbm4b:s7+s26], $0x80, s16, s26, $0xb8;
	[tilespmem:$0x1D580] =	vst v63  }
0x321: {  	s16 =	simm.s32 $0xB00  }
0x322: {  	[spmem:s3] =	stream.indirect.scatter.add.f32 [tilespmem:s20], [sflag:$0x3], $0x80, s16, s26, $0xb8;
	[tilespmem:$0x1D580] =	vst v63  }
0x323: {  	_ =	swait.ge [sflag:s21], $0x4000  }
0x324: {  	[sflag:s21] =	ssyncset.done $0x0  }
0x325: {  	[sflag:s21] =	ssyncadd.s32 $0xFFFFC000  }
0x326: {  	_ =	swait.ge [sflag:s29], $0x4000  }
0x327: {  	[sflag:s29] =	ssyncset.done $0x0  }
0x328: {  	s18 =	rddreg [dreg:$0xd];
	[sflag:s29] =	ssyncadd.s32 $0xFFFFC000  }
0x329: {  	[tilespmem:s20], [sflag:$0x1] =	stream.indirect.gather [hbm4b:s7+s26], $0x80, s18, s26, $0xb8;
	[tilespmem:$0x1D580] =	vst v63  }
0x32a: {  	s22 =	simm.s32 $0xB80  }
0x32b: {  	[spmem:s3] =	stream.indirect.scatter.add.f32 [tilespmem:s25], [sflag:$0x3], $0x80, s22, s26, $0xb8;
	[tilespmem:$0x1D580] =	vst v63  }
0x32c: {  	_ =	swait.ge [sflag:s21], $0x4000  }
0x32d: {  	[sflag:s21] =	ssyncset.done $0x0  }
0x32e: {  	[sflag:s21] =	ssyncadd.s32 $0xFFFFC000  }
0x32f: {  	_ =	swait.ge [sflag:s24], $0x4000  }
0x330: {  	[sflag:s24] =	ssyncset.done $0x0  }
0x331: {  	s19 =	rddreg [dreg:$0xe];
	[sflag:s24] =	ssyncadd.s32 $0xFFFFC000  }
0x332: {  	[tilespmem:s25], [sflag:$0x2] =	stream.indirect.gather [hbm4b:s7+s26], $0x80, s19, s26, $0xb8;
	[tilespmem:$0x1D580] =	vst v63  }
0x333: {  	s2 =	simm.s32 $0xC00  }
0x334: {  	[spmem:s3] =	stream.indirect.scatter.add.f32 [tilespmem:s20], [sflag:$0x3], $0x80, s2, s26, $0xb8;
	[tilespmem:$0x1D580] =	vst v63  }
0x335: {  	_ =	swait.ge [sflag:s21], $0x4000  }
0x336: {  	[sflag:s21] =	ssyncset.done $0x0  }
0x337: {  	[sflag:s21] =	ssyncadd.s32 $0xFFFFC000  }
0x338: {  	_ =	swait.ge [sflag:s29], $0x4000  }
0x339: {  	[sflag:s29] =	ssyncset.done $0x0  }
0x33a: {  	s8 =	rddreg [dreg:$0xf];
	[sflag:s29] =	ssyncadd.s32 $0xFFFFC000  }
0x33b: {  	[tilespmem:s20], [sflag:$0x1] =	stream.indirect.gather [hbm4b:s7+s26], $0x80, s8, s26, $0xb8;
	[tilespmem:$0x1D580] =	vst v63  }
0x33c: {  	s15 =	simm.s32 $0xC80  }
0x33d: {  	[spmem:s3] =	stream.indirect.scatter.add.f32 [tilespmem:s25], [sflag:$0x3], $0x80, s15, s26, $0xb8;
	[tilespmem:$0x1D580] =	vst v63  }
0x33e: {  	_ =	swait.ge [sflag:s21], $0x4000  }
0x33f: {  	[sflag:s21] =	ssyncset.done $0x0  }
0x340: {  	[sflag:s21] =	ssyncadd.s32 $0xFFFFC000  }
0x341: {  	_ =	swait.ge [sflag:s24], $0x4000  }
0x342: {  	[sflag:s24] =	ssyncset.done $0x0  }
0x343: {  	s9 =	rddreg [dreg:$0x10];
	[sflag:s24] =	ssyncadd.s32 $0xFFFFC000  }
0x344: {  	[tilespmem:s25], [sflag:$0x2] =	stream.indirect.gather [hbm4b:s7+s26], $0x80, s9, s26, $0xb8;
	[tilespmem:$0x1D580] =	vst v63  }
0x345: {  	s18 =	simm.s32 $0xD00  }
0x346: {  	[spmem:s3] =	stream.indirect.scatter.add.f32 [tilespmem:s20], [sflag:$0x3], $0x80, s18, s26, $0xb8;
	[tilespmem:$0x1D580] =	vst v63  }
0x347: {  	_ =	swait.ge [sflag:s21], $0x4000  }
0x348: {  	[sflag:s21] =	ssyncset.done $0x0  }
0x349: {  	[sflag:s21] =	ssyncadd.s32 $0xFFFFC000  }
0x34a: {  	_ =	swait.ge [sflag:s29], $0x4000  }
0x34b: {  	[sflag:s29] =	ssyncset.done $0x0  }
0x34c: {  	s12 =	rddreg [dreg:$0x11];
	[sflag:s29] =	ssyncadd.s32 $0xFFFFC000  }
0x34d: {  	[tilespmem:s20], [sflag:$0x1] =	stream.indirect.gather [hbm4b:s7+s26], $0x80, s12, s26, $0xb8;
	[tilespmem:$0x1D580] =	vst v63  }
0x34e: {  	s19 =	simm.s32 $0xD80  }
0x34f: {  	[spmem:s3] =	stream.indirect.scatter.add.f32 [tilespmem:s25], [sflag:$0x3], $0x80, s19, s26, $0xb8;
	[tilespmem:$0x1D580] =	vst v63  }
0x350: {  	_ =	swait.ge [sflag:s21], $0x4000  }
0x351: {  	[sflag:s21] =	ssyncset.done $0x0  }
0x352: {  	[sflag:s21] =	ssyncadd.s32 $0xFFFFC000  }
0x353: {  	_ =	swait.ge [sflag:s24], $0x4000  }
0x354: {  	[sflag:s24] =	ssyncset.done $0x0  }
0x355: {  	s13 =	rddreg [dreg:$0x12];
	[sflag:s24] =	ssyncadd.s32 $0xFFFFC000  }
0x356: {  	[tilespmem:s25], [sflag:$0x2] =	stream.indirect.gather [hbm4b:s7+s26], $0x80, s13, s26, $0xb8;
	[tilespmem:$0x1D580] =	vst v63  }
0x357: {  	s2 =	simm.s32 $0xE00  }
0x358: {  	[spmem:s3] =	stream.indirect.scatter.add.f32 [tilespmem:s20], [sflag:$0x3], $0x80, s2, s26, $0xb8;
	[tilespmem:$0x1D580] =	vst v63  }
0x359: {  	_ =	swait.ge [sflag:s21], $0x4000  }
0x35a: {  	[sflag:s21] =	ssyncset.done $0x0  }
0x35b: {  	[sflag:s21] =	ssyncadd.s32 $0xFFFFC000  }
0x35c: {  	_ =	swait.ge [sflag:s29], $0x4000  }
0x35d: {  	[sflag:s29] =	ssyncset.done $0x0  }
0x35e: {  	s8 =	rddreg [dreg:$0x13];
	[sflag:s29] =	ssyncadd.s32 $0xFFFFC000  }
0x35f: {  	[tilespmem:s20], [sflag:$0x1] =	stream.indirect.gather [hbm4b:s7+s26], $0x80, s8, s26, $0xb8;
	[tilespmem:$0x1D580] =	vst v63  }
0x360: {  	s13 =	simm.s32 $0xE80  }
0x361: {  	[spmem:s3] =	stream.indirect.scatter.add.f32 [tilespmem:s25], [sflag:$0x3], $0x80, s13, s26, $0xb8;
	[tilespmem:$0x1D580] =	vst v63  }
0x362: {  	_ =	swait.ge [sflag:s21], $0x4000  }
0x363: {  	[sflag:s21] =	ssyncset.done $0x0  }
0x364: {  	[sflag:s21] =	ssyncadd.s32 $0xFFFFC000  }
0x365: {  	_ =	swait.ge [sflag:s24], $0x4000  }
0x366: {  	[sflag:s24] =	ssyncset.done $0x0  }
0x367: {  	[sflag:s24] =	ssyncadd.s32 $0xFFFFC000  }
0x368: {  	[tilespmem:s25], [sflag:$0x2] =	stream.indirect.gather [hbm4b:s7+s26], $0x80, s6, s26, $0xb8;
	[tilespmem:$0x1D580] =	vst v63  }
0x369: {  	s12 =	simm.s32 $0xF00  }
0x36a: {  	[spmem:s3] =	stream.indirect.scatter.add.f32 [tilespmem:s20], [sflag:$0x3], $0x80, s12, s26, $0xb8;
	[tilespmem:$0x1D580] =	vst v63  }
0x36b: {  	_ =	swait.ge [sflag:s21], $0x4000  }
0x36c: {  	[sflag:s21] =	ssyncset.done $0x0  }
0x36d: {  	[sflag:s21] =	ssyncadd.s32 $0xFFFFC000  }
0x36e: {  	_ =	swait.ge [sflag:s29], $0x4000  }
0x36f: {  	[sflag:s29] =	ssyncset.done $0x0  }
0x370: {  	s9 =	simm.s32 $0xF80;
	[sflag:s29] =	ssyncadd.s32 $0xFFFFC000  }
0x371: {  	[spmem:s3] =	stream.indirect.scatter.add.f32 [tilespmem:s25], [sflag:$0x3], $0x80, s9, s26, $0xb8;
	[tilespmem:$0x1D580] =	vst v63  }
0x372: {  	s0 =	simm.s32 $0x200;
	s8 =	simm.s32 $0x780;
	_ =	swait.ge [sflag:s21], $0x4000  }
0x373: {  	s6 =	simm.s32 $0x100;
	s2 =	rddreg [dreg:$0x6];
	[sflag:s21] =	ssyncset.done $0x0  }
.LBB2_8:
0x374: {  	[sflag:s21] =	ssyncadd.s32 $0xFFFFC000;
	s2 =	sadd.s32 s6, s2  }
0x375: {  	[tilespmem:s5], [sflag:$0x3] =	stream.linear.gather [hbm4b:s2+s5], $0x800, $0x38;
	[tilespmem:$0x1D580] =	vst v63  }
0x376: {  	_ =	swait.ge [sflag:s21], $0x800  }
0x377: {  	[sflag:s21] =	ssyncset.done $0x0  }
0x378: {  	s2 =	sadd.s32 s6, s14;
	[sflag:s21] =	ssyncadd.s32 $0xFFFFF800  }
0x379: {  	[tilespmem:s31], [sflag:$0x3] =	stream.linear.gather [hbm4b:s2+s5], $0x800, $0x38;
	[tilespmem:$0x1D580] =	vst v63  }
0x37a: {  	_ =	swait.ge [sflag:s21], $0x800  }
0x37b: {  	[sflag:s21] =	ssyncset.done $0x0  }
0x37c: {  	[sflag:s21] =	ssyncadd.s32 $0xFFFFF800  }
0x37d: {  	[tilespmem:s20], [sflag:$0x1] =	stream.indirect.gather [hbm4b:s7+s26], $0x80, s5, s26, $0xb8;
	[tilespmem:$0x1D580] =	vst v63  }
0x37e: {  	_ =	swait.ge [sflag:s24], $0x4000  }
0x37f: {  	[sflag:s24] =	ssyncset.done $0x0  }
0x380: {  	[sflag:s24] =	ssyncadd.s32 $0xFFFFC000  }
0x381: {  	[tilespmem:s25], [sflag:$0x2] =	stream.indirect.gather [hbm4b:s7+s26], $0x80, s26, s26, $0xb8;
	[tilespmem:$0x1D580] =	vst v63  }
0x382: {  	_ = 	snop  }
0x383: {  	[spmem:s3] =	stream.indirect.scatter.add.f32 [tilespmem:s20], [sflag:$0x3], $0x80, s31, s26, $0xb8;
	[tilespmem:$0x1D580] =	vst v63  }
0x384: {  	_ =	swait.ge [sflag:s21], $0x4000  }
0x385: {  	[sflag:s21] =	ssyncset.done $0x0  }
0x386: {  	[sflag:s21] =	ssyncadd.s32 $0xFFFFC000  }
0x387: {  	_ =	swait.ge [sflag:s29], $0x4000  }
0x388: {  	[sflag:s29] =	ssyncset.done $0x0  }
0x389: {  	s2 =	rddreg [dreg:$0x7];
	[sflag:s29] =	ssyncadd.s32 $0xFFFFC000  }
0x38a: {  	[tilespmem:s20], [sflag:$0x1] =	stream.indirect.gather [hbm4b:s7+s26], $0x80, s2, s26, $0xb8;
	[tilespmem:$0x1D580] =	vst v63  }
0x38b: {  	_ = 	snop  }
0x38c: {  	[spmem:s3] =	stream.indirect.scatter.add.f32 [tilespmem:s25], [sflag:$0x3], $0x80, s10, s26, $0xb8;
	[tilespmem:$0x1D580] =	vst v63  }
0x38d: {  	_ =	swait.ge [sflag:s21], $0x4000  }
0x38e: {  	[sflag:s21] =	ssyncset.done $0x0  }
0x38f: {  	[sflag:s21] =	ssyncadd.s32 $0xFFFFC000  }
0x390: {  	_ =	swait.ge [sflag:s24], $0x4000  }
0x391: {  	[sflag:s24] =	ssyncset.done $0x0  }
0x392: {  	s2 =	rddreg [dreg:$0x8];
	[sflag:s24] =	ssyncadd.s32 $0xFFFFC000  }
0x393: {  	[tilespmem:s25], [sflag:$0x2] =	stream.indirect.gather [hbm4b:s7+s26], $0x80, s2, s26, $0xb8;
	[tilespmem:$0x1D580] =	vst v63  }
0x394: {  	_ = 	snop  }
0x395: {  	[spmem:s3] =	stream.indirect.scatter.add.f32 [tilespmem:s20], [sflag:$0x3], $0x80, s11, s26, $0xb8;
	[tilespmem:$0x1D580] =	vst v63  }
0x396: {  	_ =	swait.ge [sflag:s21], $0x4000  }
0x397: {  	[sflag:s21] =	ssyncset.done $0x0  }
0x398: {  	[sflag:s21] =	ssyncadd.s32 $0xFFFFC000  }
0x399: {  	_ =	swait.ge [sflag:s29], $0x4000  }
0x39a: {  	[sflag:s29] =	ssyncset.done $0x0  }
0x39b: {  	s2 =	rddreg [dreg:$0x9];
	[sflag:s29] =	ssyncadd.s32 $0xFFFFC000  }
0x39c: {  	[tilespmem:s20], [sflag:$0x1] =	stream.indirect.gather [hbm4b:s7+s26], $0x80, s2, s26, $0xb8;
	[tilespmem:$0x1D580] =	vst v63  }
0x39d: {  	_ = 	snop  }
0x39e: {  	[spmem:s3] =	stream.indirect.scatter.add.f32 [tilespmem:s25], [sflag:$0x3], $0x80, s23, s26, $0xb8;
	[tilespmem:$0x1D580] =	vst v63  }
0x39f: {  	_ =	swait.ge [sflag:s21], $0x4000  }
0x3a0: {  	[sflag:s21] =	ssyncset.done $0x0  }
0x3a1: {  	[sflag:s21] =	ssyncadd.s32 $0xFFFFC000  }
0x3a2: {  	_ =	swait.ge [sflag:s24], $0x4000  }
0x3a3: {  	[sflag:s24] =	ssyncset.done $0x0  }
0x3a4: {  	s2 =	rddreg [dreg:$0xa];
	[sflag:s24] =	ssyncadd.s32 $0xFFFFC000  }
0x3a5: {  	[tilespmem:s25], [sflag:$0x2] =	stream.indirect.gather [hbm4b:s7+s26], $0x80, s2, s26, $0xb8;
	[tilespmem:$0x1D580] =	vst v63  }
0x3a6: {  	_ = 	snop  }
0x3a7: {  	[spmem:s3] =	stream.indirect.scatter.add.f32 [tilespmem:s20], [sflag:$0x3], $0x80, s30, s26, $0xb8;
	[tilespmem:$0x1D580] =	vst v63  }
0x3a8: {  	_ =	swait.ge [sflag:s21], $0x4000  }
0x3a9: {  	[sflag:s21] =	ssyncset.done $0x0  }
0x3aa: {  	[sflag:s21] =	ssyncadd.s32 $0xFFFFC000  }
0x3ab: {  	_ =	swait.ge [sflag:s29], $0x4000  }
0x3ac: {  	[sflag:s29] =	ssyncset.done $0x0  }
0x3ad: {  	s9 =	smov.u32 s0;
	s2 =	rddreg [dreg:$0xb];
	[sflag:s29] =	ssyncadd.s32 $0xFFFFC000  }
0x3ae: {  	[tilespmem:s20], [sflag:$0x1] =	stream.indirect.gather [hbm4b:s7+s26], $0x80, s2, s26, $0xb8;
	[tilespmem:$0x1D580] =	vst v63  }
0x3af: {  	s6 =	smov.u32 s9;
	s9 =	simm.s32 $0xA80  }
0x3b0: {  	[spmem:s3] =	stream.indirect.scatter.add.f32 [tilespmem:s25], [sflag:$0x3], $0x80, s9, s26, $0xb8;
	[tilespmem:$0x1D580] =	vst v63  }
0x3b1: {  	_ =	swait.ge [sflag:s21], $0x4000  }
0x3b2: {  	[sflag:s21] =	ssyncset.done $0x0  }
0x3b3: {  	[sflag:s21] =	ssyncadd.s32 $0xFFFFC000  }
0x3b4: {  	_ =	swait.ge [sflag:s24], $0x4000  }
0x3b5: {  	[sflag:s24] =	ssyncset.done $0x0  }
0x3b6: {  	s2 =	rddreg [dreg:$0xc];
	[sflag:s24] =	ssyncadd.s32 $0xFFFFC000  }
0x3b7: {  	[tilespmem:s25], [sflag:$0x2] =	stream.indirect.gather [hbm4b:s7+s26], $0x80, s2, s26, $0xb8;
	[tilespmem:$0x1D580] =	vst v63  }
0x3b8: {  	_ = 	snop  }
0x3b9: {  	[spmem:s3] =	stream.indirect.scatter.add.f32 [tilespmem:s20], [sflag:$0x3], $0x80, s16, s26, $0xb8;
	[tilespmem:$0x1D580] =	vst v63  }
0x3ba: {  	_ =	swait.ge [sflag:s21], $0x4000  }
0x3bb: {  	[sflag:s21] =	ssyncset.done $0x0  }
0x3bc: {  	[sflag:s21] =	ssyncadd.s32 $0xFFFFC000  }
0x3bd: {  	_ =	swait.ge [sflag:s29], $0x4000  }
0x3be: {  	[sflag:s29] =	ssyncset.done $0x0  }
0x3bf: {  	s2 =	rddreg [dreg:$0xd];
	[sflag:s29] =	ssyncadd.s32 $0xFFFFC000  }
0x3c0: {  	[tilespmem:s20], [sflag:$0x1] =	stream.indirect.gather [hbm4b:s7+s26], $0x80, s2, s26, $0xb8;
	[tilespmem:$0x1D580] =	vst v63  }
0x3c1: {  	_ = 	snop  }
0x3c2: {  	[spmem:s3] =	stream.indirect.scatter.add.f32 [tilespmem:s25], [sflag:$0x3], $0x80, s22, s26, $0xb8;
	[tilespmem:$0x1D580] =	vst v63  }
0x3c3: {  	_ =	swait.ge [sflag:s21], $0x4000  }
0x3c4: {  	[sflag:s21] =	ssyncset.done $0x0  }
0x3c5: {  	[sflag:s21] =	ssyncadd.s32 $0xFFFFC000  }
0x3c6: {  	_ =	swait.ge [sflag:s24], $0x4000  }
0x3c7: {  	[sflag:s24] =	ssyncset.done $0x0  }
0x3c8: {  	s2 =	rddreg [dreg:$0xe];
	[sflag:s24] =	ssyncadd.s32 $0xFFFFC000  }
0x3c9: {  	[tilespmem:s25], [sflag:$0x2] =	stream.indirect.gather [hbm4b:s7+s26], $0x80, s2, s26, $0xb8;
	[tilespmem:$0x1D580] =	vst v63  }
0x3ca: {  	s2 =	simm.s32 $0xC00  }
0x3cb: {  	[spmem:s3] =	stream.indirect.scatter.add.f32 [tilespmem:s20], [sflag:$0x3], $0x80, s2, s26, $0xb8;
	[tilespmem:$0x1D580] =	vst v63  }
0x3cc: {  	_ =	swait.ge [sflag:s21], $0x4000  }
0x3cd: {  	[sflag:s21] =	ssyncset.done $0x0  }
0x3ce: {  	[sflag:s21] =	ssyncadd.s32 $0xFFFFC000  }
0x3cf: {  	_ =	swait.ge [sflag:s29], $0x4000  }
0x3d0: {  	[sflag:s29] =	ssyncset.done $0x0  }
0x3d1: {  	s2 =	rddreg [dreg:$0xf];
	[sflag:s29] =	ssyncadd.s32 $0xFFFFC000  }
0x3d2: {  	[tilespmem:s20], [sflag:$0x1] =	stream.indirect.gather [hbm4b:s7+s26], $0x80, s2, s26, $0xb8;
	[tilespmem:$0x1D580] =	vst v63  }
0x3d3: {  	_ = 	snop  }
0x3d4: {  	[spmem:s3] =	stream.indirect.scatter.add.f32 [tilespmem:s25], [sflag:$0x3], $0x80, s15, s26, $0xb8;
	[tilespmem:$0x1D580] =	vst v63  }
0x3d5: {  	_ =	swait.ge [sflag:s21], $0x4000  }
0x3d6: {  	[sflag:s21] =	ssyncset.done $0x0  }
0x3d7: {  	[sflag:s21] =	ssyncadd.s32 $0xFFFFC000  }
0x3d8: {  	_ =	swait.ge [sflag:s24], $0x4000  }
0x3d9: {  	[sflag:s24] =	ssyncset.done $0x0  }
0x3da: {  	s2 =	rddreg [dreg:$0x10];
	[sflag:s24] =	ssyncadd.s32 $0xFFFFC000  }
0x3db: {  	[tilespmem:s25], [sflag:$0x2] =	stream.indirect.gather [hbm4b:s7+s26], $0x80, s2, s26, $0xb8;
	[tilespmem:$0x1D580] =	vst v63  }
0x3dc: {  	_ = 	snop  }
0x3dd: {  	[spmem:s3] =	stream.indirect.scatter.add.f32 [tilespmem:s20], [sflag:$0x3], $0x80, s18, s26, $0xb8;
	[tilespmem:$0x1D580] =	vst v63  }
0x3de: {  	_ =	swait.ge [sflag:s21], $0x4000  }
0x3df: {  	[sflag:s21] =	ssyncset.done $0x0  }
0x3e0: {  	[sflag:s21] =	ssyncadd.s32 $0xFFFFC000  }
0x3e1: {  	_ =	swait.ge [sflag:s29], $0x4000  }
0x3e2: {  	[sflag:s29] =	ssyncset.done $0x0  }
0x3e3: {  	s2 =	rddreg [dreg:$0x11];
	[sflag:s29] =	ssyncadd.s32 $0xFFFFC000  }
0x3e4: {  	[tilespmem:s20], [sflag:$0x1] =	stream.indirect.gather [hbm4b:s7+s26], $0x80, s2, s26, $0xb8;
	[tilespmem:$0x1D580] =	vst v63  }
0x3e5: {  	_ = 	snop  }
0x3e6: {  	[spmem:s3] =	stream.indirect.scatter.add.f32 [tilespmem:s25], [sflag:$0x3], $0x80, s19, s26, $0xb8;
	[tilespmem:$0x1D580] =	vst v63  }
0x3e7: {  	_ =	swait.ge [sflag:s21], $0x4000  }
0x3e8: {  	[sflag:s21] =	ssyncset.done $0x0  }
0x3e9: {  	[sflag:s21] =	ssyncadd.s32 $0xFFFFC000  }
0x3ea: {  	_ =	swait.ge [sflag:s24], $0x4000  }
0x3eb: {  	[sflag:s24] =	ssyncset.done $0x0  }
0x3ec: {  	s2 =	rddreg [dreg:$0x12];
	[sflag:s24] =	ssyncadd.s32 $0xFFFFC000  }
0x3ed: {  	[tilespmem:s25], [sflag:$0x2] =	stream.indirect.gather [hbm4b:s7+s26], $0x80, s2, s26, $0xb8;
	[tilespmem:$0x1D580] =	vst v63  }
0x3ee: {  	s2 =	simm.s32 $0xE00  }
0x3ef: {  	[spmem:s3] =	stream.indirect.scatter.add.f32 [tilespmem:s20], [sflag:$0x3], $0x80, s2, s26, $0xb8;
	[tilespmem:$0x1D580] =	vst v63  }
0x3f0: {  	_ =	swait.ge [sflag:s21], $0x4000  }
0x3f1: {  	[sflag:s21] =	ssyncset.done $0x0  }
0x3f2: {  	[sflag:s21] =	ssyncadd.s32 $0xFFFFC000  }
0x3f3: {  	_ =	swait.ge [sflag:s29], $0x4000  }
0x3f4: {  	[sflag:s29] =	ssyncset.done $0x0  }
0x3f5: {  	s2 =	rddreg [dreg:$0x13];
	[sflag:s29] =	ssyncadd.s32 $0xFFFFC000  }
0x3f6: {  	[tilespmem:s20], [sflag:$0x1] =	stream.indirect.gather [hbm4b:s7+s26], $0x80, s2, s26, $0xb8;
	[tilespmem:$0x1D580] =	vst v63  }
0x3f7: {  	_ = 	snop  }
0x3f8: {  	[spmem:s3] =	stream.indirect.scatter.add.f32 [tilespmem:s25], [sflag:$0x3], $0x80, s13, s26, $0xb8;
	[tilespmem:$0x1D580] =	vst v63  }
0x3f9: {  	_ =	swait.ge [sflag:s21], $0x4000  }
0x3fa: {  	[sflag:s21] =	ssyncset.done $0x0  }
0x3fb: {  	[sflag:s21] =	ssyncadd.s32 $0xFFFFC000  }
0x3fc: {  	_ =	swait.ge [sflag:s24], $0x4000  }
0x3fd: {  	[sflag:s24] =	ssyncset.done $0x0  }
0x3fe: {  	[sflag:s24] =	ssyncadd.s32 $0xFFFFC000  }
0x3ff: {  	[tilespmem:s25], [sflag:$0x2] =	stream.indirect.gather [hbm4b:s7+s26], $0x80, s8, s26, $0xb8;
	[tilespmem:$0x1D580] =	vst v63  }
0x400: {  	_ = 	snop  }
0x401: {  	[spmem:s3] =	stream.indirect.scatter.add.f32 [tilespmem:s20], [sflag:$0x3], $0x80, s12, s26, $0xb8;
	[tilespmem:$0x1D580] =	vst v63  }
0x402: {  	_ =	swait.ge [sflag:s21], $0x4000  }
0x403: {  	[sflag:s21] =	ssyncset.done $0x0  }
0x404: {  	[sflag:s21] =	ssyncadd.s32 $0xFFFFC000  }
0x405: {  	p1 =	sne.s32 s0, $0x900;
	_ =	swait.ge [sflag:s29], $0x4000  }
.Ltmp6:
0x406: {  	[sflag:s29] =	ssyncset.done $0x0;
	(pc) =	sbr.rel @p1 .LBB2_8-.Ltmp6, $4  }
0x407: {  	s2 =	simm.s32 $0xF80;
	[sflag:s29] =	ssyncadd.s32 $0xFFFFC000  }
0x408: {  	[spmem:s3] =	stream.indirect.scatter.add.f32 [tilespmem:s25], [sflag:$0x3], $0x80, s2, s26, $0xb8;
	[tilespmem:$0x1D580] =	vst v63  }
0x409: {  	_ =	swait.ge [sflag:s21], $0x4000  }
0x40a: {  	s0 =	sadd.s32 $0x100, s0;
	s2 =	rddreg [dreg:$0x6];
	[sflag:s21] =	ssyncset.done $0x0  }
.Ltmp7:
0x40b: {  	_ = 	snop;
	(pc) =	sbr.rel .LBB2_9-.Ltmp7, $1  }
0x40c: {  	_ =	sdelay $0x3  }
.LBB2_11:
0x40d: {  	_ =	sfence.sel $0x180000  }
0x40e: {  	[bflag:$0x0] =	sbarrier.arrive $0xFFFF  }
0x40f: {  	_ =	strace $0x90000047  }
0x410: {  	s0 =	stileid.u32;
	[bflag:$0x2] =	sbarrier.arrive $0xFFFF  }
0x411: {  	p0 =	sne.s32 s0, $0x0;
	s0 =	rddreg [dreg:$0x5]  }
0x412: {  	s0 =	sadd.s32 @!p0 $0x100000, s0  }
0x413: {  	[sflag:s0] =	ssyncadd.tile.s32 @!p0 $0x1;
	_ =	shalt  }
.Lfunc_end2:
_tile_overlayer_lowered:
.L_overlay_start_2:
0x414: {  	(tag) =	ssettag $0x2  }
0x415: {  	s0 =	rddreg [dreg:$0x0];
	s2 =	stileid.u32  }
0x416: {  	s1 =	rddreg [dreg:$0x1];
	p0 =	sne.s32 s2, $0x0  }
0x417: {  	s3 =	rddreg [dreg:$0x2];
	[bflag:$0x3] =	sbarrier.arrive $0xFFFF;
	s2 =	simm.s32 @!p0 $0x1C03  }
0x418: {  	[timem:s3], [sflag:s2] =	dma.local @!p0 [hbm:s0], s1  }
0x419: {  	s0 =	simm.s32 @!p0 $0x3  }
0x41a: {  	_ =	swait.ge @!p0 [sflag:s0], s1  }
0x41b: {  	s1 =	ssub.s32 @!p0 $0x0, s1;
	[sflag:s0] =	ssyncset.done @!p0 $0x0  }
0x41c: {  	[sflag:s0] =	ssyncadd.s32 @!p0 s1  }
0x41d: {  	[bflag:$0x3] =	sbarrier.arrive $0xFFFF  }
0x41e: {  	_ =	shalt  }

// kernel: kernel.9.cloned.1.call-start
scs
__scs_entry_jumppad:
0x0: {  	(pc) =	sbr.rel $0x88, $3  }
0x1: {  	(tag) =	ssettag $0x0;
	lr =	simm.s32 $0x1  }
0x2: {  	[smem:$0x3F98] =	sst lr;
	_ =	strace $0xD0000000  }
0x3: {  	_ = 	snop  }
0x4: {  	_ = 	snop  }
0x5: {  	_ = 	snop  }
0x6: {  	_ = 	snop  }
0x7: {  	_ = 	snop  }
__scs_overlays_trampoline_lowered:
0x8: {  	[smem:$0x3FA7] =	sst s0  }
0x9: {  	[smem:$0x3FA8] =	sst s1  }
0xa: {  	[smem:$0x3FA9] =	sst s2  }
0xb: {  	[smem:$0x3FAA] =	sst s3  }
0xc: {  	[smem:$0x3FAB] =	sst s4  }
0xd: {  	[smem:$0x3FAC] =	sst s5  }
0xe: {  	[smem:$0x3FAD] =	sst s6  }
0xf: {  	[smem:$0x3FAE] =	sst s7  }
0x10: {  	[smem:$0x3FAF] =	sst s8  }
0x11: {  	[smem:$0x3FB0] =	sst s9;
	s0 =	simm.s32 @!p0 $0x0  }
0x12: {  	s1 =	sld [smem:$0x3F96];
	s0 =	simm.s32 @p0 $0x1  }
0x13: {  	[smem:$0x3FB1] =	sst s0;
	s0 =	simm.s32 @!p1 $0x0  }
0x14: {  	s2 =	sld [smem:$0x3F95];
	s0 =	simm.s32 @p1 $0x1  }
0x15: {  	[smem:$0x3FB2] =	sst s0;
	s0 =	simm.s32 @!p2 $0x0  }
0x16: {  	s3 =	sld [smem:$0x3FDB];
	s0 =	simm.s32 @p2 $0x1  }
0x17: {  	s4 =	simm.s32 $0x1BF5;
	[smem:$0x3FB4] =	sst s0  }
0x18: {  	s0 =	sld [smem:$0x3F97];
	_ =	swait.ge [sflag:s4], $0x0  }
0x19: {  	s7 =	sld [smem:$0x3F98]  }
0x1a: {  	s8 =	sadd.s32 $0xFFFFE003, lr  }
0x1b: {  	s9 =	sadd.s32 $0xFFFFFEF7, lr;
	s5 =	simm.s32 $0xFFFFFFFF;
	p2 =	slt.u32 s8, $0xFFFFF086  }
0x1c: {  	p1 =	slt.u32 s9, $0xF7A;
	s5 =	simm.s32 @!p2 $0x0  }
0x1d: {  	s5 =	simm.s32 @p1 $0x1;
	p0 =	seq.s32 s7, s2  }
0x1e: {  	s7 =	smul.u32 @!p0 $0xF7A, s2;
	p2 =	seq.s32 @!p0 s5, $0x0  }
0x1f: {  	s9 =	smul.u32 $0xF7A, s1;
	s8 =	simm.s32 @!p0 $0x1BF5;
	p2 =	por !p2, p0  }
0x20: {  	[sflag:s8] =	ssyncset.s32 @!p0 $0xFFFFF086;
	s6 =	sadd.s32 @!p0 s3, s7;
	s7 =	simm.s32 @!p0 $0x108  }
0x21: {  	s3 =	sadd.s32 s3, s9;
	s6 =	sadd.s32 @!p0 $0x88, s6;
	s7 =	simm.s32 @p2 $0x1082  }
0x22: {  	[simem:s7], [sflag:s8] =	dma.local @!p0 [hbm:s6], $0xF7A  }
0x23: {  	s9 =	sor.u32 $0xD0000000, s2;
	s6 =	simm.s32 $0x108;
	_ =	swait.ge @!p0 [sflag:s8], $0x0  }
0x24: {  	s3 =	sadd.s32 $0x88, s3;
	s6 =	simm.s32 @!p1 $0x1082;
	[sflag:s4] =	ssyncset.s32 $0xFFFFF086  }
0x25: {  	[simem:s6], [sflag:s4] =	dma.local [hbm:s3], $0xF7A  }
0x26: {  	[smem:$0x3F98] =	sst s1;
	(tag) =	ssettag s2;
	_ =	strace s9  }
0x27: {  	s1 =	sld [smem:$0x3FA8]  }
0x28: {  	s2 =	sld [smem:$0x3FA9]  }
0x29: {  	s4 =	sld [smem:$0x3FAB]  }
0x2a: {  	p0 =	seq.s32 s5, $0x0;
	s5 =	sld [smem:$0x3FAC]  }
0x2b: {  	s6 =	sld [smem:$0x3FAD]  }
0x2c: {  	s7 =	sld [smem:$0x3FAE]  }
0x2d: {  	s3 =	simm.s32 $0x108;
	s8 =	sld [smem:$0x3FAF]  }
0x2e: {  	s3 =	simm.s32 @!p0 $0x1082;
	s9 =	sld [smem:$0x3FB0]  }
0x2f: {  	lr =	sadd.s32 s0, s3;
	s0 =	sld [smem:$0x3FA7]  }
0x30: {  	s3 =	sld [smem:$0x3FAA]  }
0x31: {  	[smem:$0x3FB3] =	sst s10  }
0x32: {  	s10 =	sld [smem:$0x3FB1];
	_ =	sdelay $0x3  }
0x33: {  	p0 =	seq.s32 s10, $0x1;
	s10 =	sld [smem:$0x3FB3];
	_ =	sdelay $0x3  }
0x34: {  	[smem:$0x3FB3] =	sst s10  }
0x35: {  	s10 =	sld [smem:$0x3FB2];
	_ =	sdelay $0x3  }
0x36: {  	p1 =	seq.s32 s10, $0x1;
	s10 =	sld [smem:$0x3FB3];
	_ =	sdelay $0x3  }
0x37: {  	[smem:$0x3FB3] =	sst s10  }
0x38: {  	s10 =	sld [smem:$0x3FB4]  }
0x39: {  	_ = 	snop;
	(pc) =	sbr.ind lr, $3  }
0x3a: {  	_ = 	snop  }
0x3b: {  	_ = 	snop  }
0x3c: {  	p2 =	seq.s32 s10, $0x1;
	s10 =	sld [smem:$0x3FB3]  }
0x3d: {  	_ =	shalt  }
0x3e: {  	_ =	shalt  }
0x3f: {  	_ =	shalt  }
0x40: {  	_ =	shalt  }
0x41: {  	_ =	shalt  }
0x42: {  	_ =	shalt  }
0x43: {  	_ =	shalt  }
0x44: {  	_ =	shalt  }
0x45: {  	_ =	shalt  }
0x46: {  	_ =	shalt  }
0x47: {  	_ =	shalt  }
0x48: {  	_ =	shalt  }
0x49: {  	_ =	shalt  }
0x4a: {  	_ =	shalt  }
0x4b: {  	_ =	shalt  }
0x4c: {  	_ =	shalt  }
0x4d: {  	_ =	shalt  }
0x4e: {  	_ =	shalt  }
0x4f: {  	_ =	shalt  }
0x50: {  	_ =	shalt  }
0x51: {  	_ =	shalt  }
0x52: {  	_ =	shalt  }
0x53: {  	_ =	shalt  }
0x54: {  	_ =	shalt  }
0x55: {  	_ =	shalt  }
0x56: {  	_ =	shalt  }
0x57: {  	_ =	shalt  }
0x58: {  	_ =	shalt  }
0x59: {  	_ =	shalt  }
0x5a: {  	_ =	shalt  }
0x5b: {  	_ =	shalt  }
0x5c: {  	_ =	shalt  }
0x5d: {  	_ =	shalt  }
0x5e: {  	_ =	shalt  }
0x5f: {  	_ =	shalt  }
0x60: {  	_ =	shalt  }
0x61: {  	_ =	shalt  }
0x62: {  	_ =	shalt  }
0x63: {  	_ =	shalt  }
0x64: {  	_ =	shalt  }
0x65: {  	_ =	shalt  }
0x66: {  	_ =	shalt  }
0x67: {  	_ =	shalt  }
0x68: {  	_ =	shalt  }
0x69: {  	_ =	shalt  }
0x6a: {  	_ =	shalt  }
0x6b: {  	_ =	shalt  }
0x6c: {  	_ =	shalt  }
0x6d: {  	_ =	shalt  }
0x6e: {  	_ =	shalt  }
0x6f: {  	_ =	shalt  }
0x70: {  	_ =	shalt  }
0x71: {  	_ =	shalt  }
0x72: {  	_ =	shalt  }
0x73: {  	_ =	shalt  }
0x74: {  	_ =	shalt  }
0x75: {  	_ =	shalt  }
0x76: {  	_ =	shalt  }
0x77: {  	_ =	shalt  }
0x78: {  	_ =	shalt  }
0x79: {  	_ =	shalt  }
0x7a: {  	_ =	shalt  }
0x7b: {  	_ =	shalt  }
0x7c: {  	_ =	shalt  }
0x7d: {  	_ =	shalt  }
0x7e: {  	_ =	shalt  }
0x7f: {  	_ =	shalt  }
0x80: {  	_ =	shalt  }
0x81: {  	_ =	shalt  }
0x82: {  	_ =	shalt  }
0x83: {  	_ =	shalt  }
0x84: {  	_ =	shalt  }
0x85: {  	_ =	shalt  }
0x86: {  	_ =	shalt  }
0x87: {  	_ =	shalt  }
.Lfunc_end0:
.L_simem_size_0:
called_computation.1_lowered:
.L_overlay_start_0:
0x88: {  	s2 =	sld [smem:$0x3FD9]  }
0x89: {  	s3 =	sld [smem:$0x3FFE];
	_ =	sdelay $0x1  }
0x8a: {  	s1 =	srdreg.scid  }
0x8b: {  	s0 =	sand.u32 $0x1, s1  }
0x8c: {  	s17 =	sshll.u32 s0, $0xA;
	s2 =	sadd.s32 s3, s2  }
0x8d: {  	s2 =	sadd.s32 s2, s17  }
0x8e: {  	[smem:$0x3FBF] =	sst s2  }
0x8f: {  	_ = 	snop  }
0x90: {  	s2 =	sld [smem:$0x3FD0];
	(tm) =	ssettm $0x1  }
0x91: {  	s18 =	sld [smem:$0x3FFB];
	_ =	sdelay $0x3  }
0x92: {  	_ =	strace s18  }
0x93: {  	s3 =	sld [smem:$0x3FFC];
	_ =	sdelay $0x3  }
0x94: {  	_ =	strace s3  }
0x95: {  	s3 =	sld [smem:$0x3FFD];
	_ =	sdelay $0x3  }
0x96: {  	_ =	strace s3  }
0x97: {  	_ =	strace $0x8FFFFFFF  }
0x98: {  	s19 =	sld [smem:$0x3FDB];
	_ =	sdelay $0x1  }
0x99: {  	s4 =	simm.s32 $_scs_section_size  }
0x9a: {  	s5 =	simm.s32 $_size__tile_overlayer_lowered;
	s6 =	simm.s32 $_tile_overlayer_lowered  }
0x9b: {  	s22 =	simm.s32 $0x1BFF;
	s21 =	sshll.u32 s6, $0x1;
	s3 =	sadd.s32 s4, s19  }
0x9c: {  	s7 =	simm.s32 $0x0;
	s20 =	sshll.u32 s5, $0x1;
	s5 =	sadd.s32 s21, s3  }
0x9d: {  	[timem:s7], [sflag:s22] =	dma.local [hbm:s5], s20  }
0x9e: {  	_ =	swait.ge [sflag:s22], s20  }
0x9f: {  	s4 =	ssub.s32 $0x0, s20;
	[sflag:s22] =	ssyncset.done $0x0  }
0xa0: {  	[sflag:s22] =	ssyncadd.s32 s4;
	_ =	sdelay $0x1  }
0xa1: {  	s23 =	simm.s32 $0x1B8B  }
0xa2: {  	_ =	swait.ge [sflag:s23], $0x1  }
0xa3: {  	[sflag:s23] =	ssyncset.done $0x0  }
0xa4: {  	s25 =	simm.s32 $0x1B8E;
	s24 =	sld [smem:$0x3FFE];
	[sflag:s23] =	ssyncadd.s32 $0xFFFFFFFF  }
0xa5: {  	s26 =	simm.s32 $execute0_lowered;
	[smem:$0x3FD2] =	sst s25  }
0xa6: {  	s5 =	sshll.u32 s26, $0x1;
	_ =	strace $0x80000049;
	[dreg:$0x1] =	wrdreg $0xFFFFFFFF  }
0xa7: {  	s28 =	simm.s32 $_size_execute0_lowered;
	s3 =	sadd.s32 s3, s5;
	[dreg:$0x0] =	wrdreg $0x0  }
0xa8: {  	s5 =	sshll.u32 s28, $0x1;
	[dreg:$0x2] =	wrdreg s3  }
0xa9: {  	[dreg:$0x3] =	wrdreg s5  }
0xaa: {  	[dreg:$0x4] =	wrdreg $0xC0  }
0xab: {  	_ =	task [dreg:s7], $0x5FFFF  }
0xac: {  	[dreg:$0x1] =	wrdreg $0xFFFFFFFF  }
0xad: {  	[dreg:$0x0] =	wrdreg $0x60  }
0xae: {  	[dreg:$0x2] =	wrdreg s24  }
0xaf: {  	[dreg:$0x3] =	wrdreg s2  }
0xb0: {  	[dreg:$0x4] =	wrdreg $0x90000  }
0xb1: {  	[dreg:$0x5] =	wrdreg $0x9  }
0xb2: {  	_ =	task.clear_ibuf [dreg:s7], $0x6FFFF;
	_ =	strace $0x90000049  }
0xb3: {  	s29 =	simm.s32 $0x9;
	_ =	strace $0x8000004B  }
0xb4: {  	_ =	swait.ge [sflag:s29], $0x1  }
0xb5: {  	[sflag:s29] =	ssyncadd.s32 $0xFFFFFFFF  }
0xb6: {  	_ =	strace $0x9000004B  }
0xb7: {  	_ =	sfence  }
0xb8: {  	s30 =	sld [smem:$0x0];
	_ =	sdelay $0x2  }
0xb9: {  	s31 =	sshll.u32 s1, $0xD;
	s1 =	sshrl.u32 s1, $0x2  }
0xba: {  	s3 =	sand.u32 $0x4000, s31;
	s1 =	sadd.s32 s1, s30  }
0xbb: {  	s0 =	sor.u32 s3, s0;
	s1 =	sshll.u32 s1, $0x11  }
0xbc: {  	s0 =	sor.u32 s1, s0  }
0xbd: {  	s0 =	sadd.s32 $0x8F2B, s0  }
0xbe: {  	[sflag:s0] =	ssyncadd.remote.s32 $0x1  }
0xbf: {  	_ =	sfence.sel $0xFFFF  }
0xc0: {  	[dreg:$0x0] =	wrdreg $0xFFFFFFFF;
	(pc) =	sbr.abs _section_cstart, $3  }
0xc1: {  	[dreg:$0x1] =	wrdreg $0xFFFFFFFF  }
0xc2: {  	_ =	task.clear_ibuf [dreg:s7], $0x2FFFF;
	_ =	strace $0x9FFFFFFF  }
0xc3: {  	(tm) =	ssettm $0x7FFFFFFF  }
tec
execute0_lowered:
.L_overlay_start_1:
0x0: {  	(tag) =	ssettag $0x1  }
0x1: {  	s0 =	rddreg [dreg:$0x0]  }
0x2: {  	s1 =	srdreg.scid;
	s5 =	rddreg [dreg:$0x1]  }
0x3: {  	s11 =	stileid.u32;
	s2 =	rddreg [dreg:$0x2];
	s3 =	simm.s32 $0x0  }
0x4: {  	s13 =	simm.s32 $0x100;
	s14 =	simm.s32 $0x880;
	s15 =	simm.s32 $0x180  }
0x5: {  	s16 =	simm.s32 $0x900;
	s18 =	simm.s32 $0x200;
	s19 =	simm.s32 $0x980  }
0x6: {  	s28 =	simm.s32 $0xC80;
	s29 =	simm.s32 $0x580;
	[smem:$0x7FF] =	sst s3  }
0x7: {  	s30 =	simm.s32 $0xD00;
	_ =	strace $0x8000004A;
	[dreg:$0x6] =	wrdreg s13  }
0x8: {  	s31 =	simm.s32 $0x600;
	s6 =	smul.u32 $0x2800, s11;
	[dreg:$0x7] =	wrdreg s14  }
0x9: {  	s1 =	sand.u32 $0x1, s1;
	s8 =	smul.u32 $0x50000, s11;
	[dreg:$0x8] =	wrdreg s15  }
0xa: {  	s17 =	sshll.u32 s11, $0x6;
	s4 =	smul.u32 $0x28000, s1;
	[dreg:$0x9] =	wrdreg s16  }
0xb: {  	s10 =	ssub.s32 $0x2, s1;
	p0 =	seq.s32 s1, $0x0;
	[dreg:$0xa] =	wrdreg s18  }
0xc: {  	[dreg:$0xb] =	wrdreg s19;
	s15 =	simm.s32 $0x3;
	s16 =	simm.s32 $0x800  }
0xd: {  	s18 =	simm.s32 $0x1000;
	s19 =	simm.s32 $0x1;
	s8 =	sshrl.u32 s8, $0x2  }
0xe: {  	s21 =	sshrl.u32 s10, $0x1;
	s4 =	sadd.s32 s6, s4;
	s8 =	sadd.s32 s8, s2  }
0xf: {  	s7 =	sshrl.u32 s4, $0x3;
	s22 =	sadd.s32 $0x4000, s8;
	[dreg:$0x12] =	wrdreg s8  }
0x10: {  	s4 =	sadd.s32 $0xC600, s0;
	s23 =	sadd.s32 $0x8000, s8;
	[dreg:$0x13] =	wrdreg s22  }
0x11: {  	s24 =	sadd.s32 $0xC000, s8;
	s25 =	sadd.s32 $0x10000, s8;
	[dreg:$0x14] =	wrdreg s23  }
0x12: {  	s20 =	sshrl.u32 s8, $0x3;
	s8 =	simm.s32 $0xE80;
	[dreg:$0x15] =	wrdreg s24  }
0x13: {  	s9 =	sadd.s32 s7, s0;
	s0 =	sadd.s32 s6, s0;
	[dreg:$0x16] =	wrdreg s25  }
0x14: {  	s6 =	ssub.s32 s10, s21;
	s5 =	sadd.s32 s7, s5;
	[dreg:$0x1b] =	wrdreg s20  }
0x15: {  	s21 =	simm.s32 $0x280;
	s22 =	simm.s32 $0xA00;
	[dreg:$0x4] =	wrdreg s5  }
0x16: {  	s23 =	simm.s32 $0x300;
	s24 =	simm.s32 $0xA80;
	[dreg:$0xc] =	wrdreg s21  }
0x17: {  	s25 =	simm.s32 $0x380;
	s20 =	simm.s32 $0x5000;
	[dreg:$0xd] =	wrdreg s22  }
0x18: {  	s7 =	simm.s32 $0x700;
	s10 =	simm.s32 $0xF00;
	[dreg:$0xe] =	wrdreg s23  }
0x19: {  	s26 =	sadd.s32 $0x5CC00, s0;
	s6 =	smax.u32 s6, $0x1;
	[dreg:$0xf] =	wrdreg s24  }
0x1a: {  	s12 =	sadd.s32 $0x2600, s9;
	[dreg:$0x10] =	wrdreg s25;
	s21 =	simm.s32 $0x2  }
0x1b: {  	s22 =	simm.s32 $0x400;
	s23 =	simm.s32 $0xB80;
	s24 =	simm.s32 $0x480  }
0x1c: {  	s25 =	simm.s32 $0xC00;
	s9 =	simm.s32 $0x780;
	[dreg:$0x17] =	wrdreg s26  }
0x1d: {  	s5 =	simm.s32 $0xF80;
	[dreg:$0x18] =	wrdreg s6;
	s6 =	simm.s32 $0x34600  }
0x1e: {  	[dreg:$0x5] =	wrdreg s12;
	s26 =	simm.s32 $0xB00;
	s12 =	simm.s32 $0x0  }
0x1f: {  	s6 =	simm.s32 @!p0 $0xD4C00;
	p0 =	sne.s32 s1, $0x0;
	s1 =	sor.u32 $0x1C03, s17  }
0x20: {  	s17 =	simm.s32 $0x80;
	[dreg:$0x11] =	wrdreg s26;
	s26 =	simm.s32 $0x500  }
0x21: {  	s0 =	sadd.s32 s6, s0;
	[dreg:$0x1a] =	wrdreg s1;
	s1 =	simm.s32 $0xD80  }
0x22: {  	v0 =	vimm.f32 $0.0e+00;
	s6 =	simm.s32 $0xE00;
	[dreg:$0x19] =	wrdreg s0;
	s0 =	simm.s32 $0x680  }
.LBB2_1:
.Ltmp0:
0x23: {  	(pc) =	sbr.rel @p0 .LBB2_3-.Ltmp0, $2  }
0x24: {  	_ =	sdelay $0x2  }
0x25: {  	[dreg:$0x1c] =	wrdreg s12  }
0x26: {  	s11 =	rddreg [dreg:$0x17]  }
0x27: {  	s12 =	rddreg [dreg:$0x1a]  }
.Ltmp1:
0x28: {  	s13 =	rddreg [dreg:$0x1b];
	(pc) =	sbr.rel .LBB2_6-.Ltmp1, $4  }
0x29: {  	[spmem:s13], [sflag:s12] =	dma.local [hbm:s11], $0x2800  }
0x2a: {  	_ =	swait.ge [sflag:s15], $0x2800  }
0x2b: {  	[sflag:s15] =	ssyncset.done $0x0  }
0x2c: {  	[sflag:s15] =	ssyncadd.s32 $0xFFFFD800  }
.LBB2_3:
0x2d: {  	s12 =	sshra.s32 s3, $0x2;
	s13 =	sadd.s32 $0x200, s3  }
.LBB2_4:
0x2e: {  	p1 =	sne.s32 s13, $0xFE00;
	[tilespmem:s12+$0x1070] =	vst v0  }
0x2f: {  	[tilespmem:s12+$0x1000] =	vst v0  }
0x30: {  	[tilespmem:s12+$0x1010] =	vst v0  }
.Ltmp2:
0x31: {  	[tilespmem:s12+$0x1020] =	vst v0;
	(pc) =	sbr.rel @p1 .LBB2_4-.Ltmp2, $4  }
0x32: {  	[tilespmem:s12+$0x1030] =	vst v0  }
0x33: {  	[tilespmem:s12+$0x1040] =	vst v0  }
0x34: {  	[tilespmem:s12+$0x1050] =	vst v0  }
0x35: {  	[tilespmem:s12+$0x1060] =	vst v0;
	s12 =	sshra.s32 s13, $0x2;
	s13 =	sadd.s32 $0x200, s13  }
0x36: {  	[tilespmem:s12+$0x1070] =	vst v0  }
0x37: {  	[tilespmem:s12+$0x1000] =	vst v0  }
0x38: {  	[tilespmem:s12+$0x1010] =	vst v0  }
0x39: {  	[tilespmem:s12+$0x1020] =	vst v0  }
0x3a: {  	[tilespmem:s12+$0x1030] =	vst v0  }
0x3b: {  	[tilespmem:s12+$0x1040] =	vst v0  }
0x3c: {  	[tilespmem:s12+$0x1050] =	vst v0  }
0x3d: {  	[tilespmem:s12+$0x1060] =	vst v0;
	s11 =	rddreg [dreg:$0x12]  }
0x3e: {  	[spmem:s11] =	stream.linear.scatter [tilespmem:s18], [sflag:$0x3], $0x4000, $0x38;
	[tilespmem:$0x1D000] =	vst v63  }
0x3f: {  	_ =	swait.ge [sflag:s15], $0x4000  }
0x40: {  	[sflag:s15] =	ssyncset.done $0x0  }
0x41: {  	s14 =	rddreg [dreg:$0x13];
	[sflag:s15] =	ssyncadd.s32 $0xFFFFC000  }
0x42: {  	[spmem:s14] =	stream.linear.scatter [tilespmem:s18], [sflag:$0x3], $0x4000, $0x38;
	[tilespmem:$0x1D000] =	vst v63  }
0x43: {  	_ =	swait.ge [sflag:s15], $0x4000  }
0x44: {  	[sflag:s15] =	ssyncset.done $0x0  }
0x45: {  	s12 =	rddreg [dreg:$0x14];
	[sflag:s15] =	ssyncadd.s32 $0xFFFFC000  }
0x46: {  	[spmem:s12] =	stream.linear.scatter [tilespmem:s18], [sflag:$0x3], $0x4000, $0x38;
	[tilespmem:$0x1D000] =	vst v63  }
0x47: {  	_ =	swait.ge [sflag:s15], $0x4000  }
0x48: {  	[sflag:s15] =	ssyncset.done $0x0  }
0x49: {  	s13 =	rddreg [dreg:$0x15];
	[sflag:s15] =	ssyncadd.s32 $0xFFFFC000  }
0x4a: {  	[spmem:s13] =	stream.linear.scatter [tilespmem:s18], [sflag:$0x3], $0x4000, $0x38;
	[tilespmem:$0x1D000] =	vst v63  }
0x4b: {  	_ =	swait.ge [sflag:s15], $0x4000  }
0x4c: {  	[sflag:s15] =	ssyncset.done $0x0  }
0x4d: {  	s14 =	rddreg [dreg:$0x16];
	[sflag:s15] =	ssyncadd.s32 $0xFFFFC000  }
0x4e: {  	[spmem:s14] =	stream.linear.scatter [tilespmem:s18], [sflag:$0x3], $0x4000, $0x38;
	[tilespmem:$0x1D000] =	vst v63  }
0x4f: {  	_ =	swait.ge [sflag:s15], $0x4000  }
0x50: {  	[sflag:s15] =	ssyncset.done $0x0  }
0x51: {  	[sflag:s15] =	ssyncadd.s32 $0xFFFFC000  }
.LBB2_6:
0x52: {  	[bflag:$0x0] =	sbarrier.arrive $0xFFFF  }
0x53: {  	s12 =	rddreg [dreg:$0x5]  }
0x54: {  	s12 =	sadd.s32 $0x0, s12  }
0x55: {  	[tilespmem:s3], [sflag:$0x3] =	stream.linear.gather [hbm4b:s12+s3], $0x800, $0x38;
	[tilespmem:$0x1D000] =	vst v63  }
0x56: {  	_ =	swait.ge [sflag:s15], $0x800  }
0x57: {  	s14 =	rddreg [dreg:$0x4];
	[sflag:s15] =	ssyncset.done $0x0  }
0x58: {  	[sflag:s15] =	ssyncadd.s32 $0xFFFFF800;
	s12 =	sadd.s32 $0x0, s14  }
0x59: {  	[tilespmem:s16], [sflag:$0x3] =	stream.linear.gather [hbm4b:s12+s3], $0x800, $0x38;
	[tilespmem:$0x1D000] =	vst v63  }
0x5a: {  	_ =	swait.ge [sflag:s15], $0x800  }
0x5b: {  	[sflag:s15] =	ssyncset.done $0x0  }
0x5c: {  	[sflag:s15] =	ssyncadd.s32 $0xFFFFF800  }
0x5d: {  	[tilespmem:s18], [sflag:$0x1] =	stream.indirect.gather [hbm4b:s4+s17], $0x80, s3, s17, $0xb8;
	[tilespmem:$0x1D000] =	vst v63  }
0x5e: {  	_ =	swait.ge [sflag:s19], $0x4000  }
0x5f: {  	[sflag:s19] =	ssyncset.done $0x0  }
0x60: {  	[sflag:s19] =	ssyncadd.s32 $0xFFFFC000  }
0x61: {  	[tilespmem:s20], [sflag:$0x2] =	stream.indirect.gather [hbm4b:s4+s17], $0x80, s17, s17, $0xb8;
	[tilespmem:$0x1D000] =	vst v63  }
0x62: {  	_ = 	snop  }
0x63: {  	[spmem:s2] =	stream.indirect.scatter.add.f32 [tilespmem:s18], [sflag:$0x3], $0x80, s16, s17, $0xb8;
	[tilespmem:$0x1D000] =	vst v63  }
0x64: {  	_ =	swait.ge [sflag:s15], $0x4000  }
0x65: {  	[sflag:s15] =	ssyncset.done $0x0  }
0x66: {  	[sflag:s15] =	ssyncadd.s32 $0xFFFFC000  }
0x67: {  	_ =	swait.ge [sflag:s21], $0x4000  }
0x68: {  	[sflag:s21] =	ssyncset.done $0x0  }
0x69: {  	s11 =	rddreg [dreg:$0x6];
	[sflag:s21] =	ssyncadd.s32 $0xFFFFC000  }
0x6a: {  	[tilespmem:s18], [sflag:$0x1] =	stream.indirect.gather [hbm4b:s4+s17], $0x80, s11, s17, $0xb8;
	[tilespmem:$0x1D000] =	vst v63  }
0x6b: {  	s13 =	rddreg [dreg:$0x7]  }
0x6c: {  	[spmem:s2] =	stream.indirect.scatter.add.f32 [tilespmem:s20], [sflag:$0x3], $0x80, s13, s17, $0xb8;
	[tilespmem:$0x1D000] =	vst v63  }
0x6d: {  	_ =	swait.ge [sflag:s15], $0x4000  }
0x6e: {  	[sflag:s15] =	ssyncset.done $0x0  }
0x6f: {  	[sflag:s15] =	ssyncadd.s32 $0xFFFFC000  }
0x70: {  	_ =	swait.ge [sflag:s19], $0x4000  }
0x71: {  	[sflag:s19] =	ssyncset.done $0x0  }
0x72: {  	s14 =	rddreg [dreg:$0x8];
	[sflag:s19] =	ssyncadd.s32 $0xFFFFC000  }
0x73: {  	[tilespmem:s20], [sflag:$0x2] =	stream.indirect.gather [hbm4b:s4+s17], $0x80, s14, s17, $0xb8;
	[tilespmem:$0x1D000] =	vst v63  }
0x74: {  	s11 =	rddreg [dreg:$0x9]  }
0x75: {  	[spmem:s2] =	stream.indirect.scatter.add.f32 [tilespmem:s18], [sflag:$0x3], $0x80, s11, s17, $0xb8;
	[tilespmem:$0x1D000] =	vst v63  }
0x76: {  	_ =	swait.ge [sflag:s15], $0x4000  }
0x77: {  	[sflag:s15] =	ssyncset.done $0x0  }
0x78: {  	[sflag:s15] =	ssyncadd.s32 $0xFFFFC000  }
0x79: {  	_ =	swait.ge [sflag:s21], $0x4000  }
0x7a: {  	[sflag:s21] =	ssyncset.done $0x0  }
0x7b: {  	s14 =	rddreg [dreg:$0xa];
	[sflag:s21] =	ssyncadd.s32 $0xFFFFC000  }
0x7c: {  	[tilespmem:s18], [sflag:$0x1] =	stream.indirect.gather [hbm4b:s4+s17], $0x80, s14, s17, $0xb8;
	[tilespmem:$0x1D000] =	vst v63  }
0x7d: {  	s11 =	rddreg [dreg:$0xb]  }
0x7e: {  	[spmem:s2] =	stream.indirect.scatter.add.f32 [tilespmem:s20], [sflag:$0x3], $0x80, s11, s17, $0xb8;
	[tilespmem:$0x1D000] =	vst v63  }
0x7f: {  	_ =	swait.ge [sflag:s15], $0x4000  }
0x80: {  	[sflag:s15] =	ssyncset.done $0x0  }
0x81: {  	[sflag:s15] =	ssyncadd.s32 $0xFFFFC000  }
0x82: {  	_ =	swait.ge [sflag:s19], $0x4000  }
0x83: {  	[sflag:s19] =	ssyncset.done $0x0  }
0x84: {  	s14 =	rddreg [dreg:$0xc];
	[sflag:s19] =	ssyncadd.s32 $0xFFFFC000  }
0x85: {  	[tilespmem:s20], [sflag:$0x2] =	stream.indirect.gather [hbm4b:s4+s17], $0x80, s14, s17, $0xb8;
	[tilespmem:$0x1D000] =	vst v63  }
0x86: {  	s11 =	rddreg [dreg:$0xd]  }
0x87: {  	[spmem:s2] =	stream.indirect.scatter.add.f32 [tilespmem:s18], [sflag:$0x3], $0x80, s11, s17, $0xb8;
	[tilespmem:$0x1D000] =	vst v63  }
0x88: {  	_ =	swait.ge [sflag:s15], $0x4000  }
0x89: {  	[sflag:s15] =	ssyncset.done $0x0  }
0x8a: {  	[sflag:s15] =	ssyncadd.s32 $0xFFFFC000  }
0x8b: {  	_ =	swait.ge [sflag:s21], $0x4000  }
0x8c: {  	[sflag:s21] =	ssyncset.done $0x0  }
0x8d: {  	s14 =	rddreg [dreg:$0xe];
	[sflag:s21] =	ssyncadd.s32 $0xFFFFC000  }
0x8e: {  	[tilespmem:s18], [sflag:$0x1] =	stream.indirect.gather [hbm4b:s4+s17], $0x80, s14, s17, $0xb8;
	[tilespmem:$0x1D000] =	vst v63  }
0x8f: {  	s11 =	rddreg [dreg:$0xf]  }
0x90: {  	[spmem:s2] =	stream.indirect.scatter.add.f32 [tilespmem:s20], [sflag:$0x3], $0x80, s11, s17, $0xb8;
	[tilespmem:$0x1D000] =	vst v63  }
0x91: {  	_ =	swait.ge [sflag:s15], $0x4000  }
0x92: {  	[sflag:s15] =	ssyncset.done $0x0  }
0x93: {  	[sflag:s15] =	ssyncadd.s32 $0xFFFFC000  }
0x94: {  	_ =	swait.ge [sflag:s19], $0x4000  }
0x95: {  	[sflag:s19] =	ssyncset.done $0x0  }
0x96: {  	s13 =	rddreg [dreg:$0x10];
	[sflag:s19] =	ssyncadd.s32 $0xFFFFC000  }
0x97: {  	[tilespmem:s20], [sflag:$0x2] =	stream.indirect.gather [hbm4b:s4+s17], $0x80, s13, s17, $0xb8;
	[tilespmem:$0x1D000] =	vst v63  }
0x98: {  	s14 =	rddreg [dreg:$0x11]  }
0x99: {  	[spmem:s2] =	stream.indirect.scatter.add.f32 [tilespmem:s18], [sflag:$0x3], $0x80, s14, s17, $0xb8;
	[tilespmem:$0x1D000] =	vst v63  }
0x9a: {  	_ =	swait.ge [sflag:s15], $0x4000  }
0x9b: {  	[sflag:s15] =	ssyncset.done $0x0  }
0x9c: {  	[sflag:s15] =	ssyncadd.s32 $0xFFFFC000  }
0x9d: {  	_ =	swait.ge [sflag:s21], $0x4000  }
0x9e: {  	[sflag:s21] =	ssyncset.done $0x0  }
0x9f: {  	[sflag:s21] =	ssyncadd.s32 $0xFFFFC000  }
0xa0: {  	[tilespmem:s18], [sflag:$0x1] =	stream.indirect.gather [hbm4b:s4+s17], $0x80, s22, s17, $0xb8;
	[tilespmem:$0x1D000] =	vst v63  }
0xa1: {  	_ = 	snop  }
0xa2: {  	[spmem:s2] =	stream.indirect.scatter.add.f32 [tilespmem:s20], [sflag:$0x3], $0x80, s23, s17, $0xb8;
	[tilespmem:$0x1D000] =	vst v63  }
0xa3: {  	_ =	swait.ge [sflag:s15], $0x4000  }
0xa4: {  	[sflag:s15] =	ssyncset.done $0x0  }
0xa5: {  	[sflag:s15] =	ssyncadd.s32 $0xFFFFC000  }
0xa6: {  	_ =	swait.ge [sflag:s19], $0x4000  }
0xa7: {  	[sflag:s19] =	ssyncset.done $0x0  }
0xa8: {  	[sflag:s19] =	ssyncadd.s32 $0xFFFFC000  }
0xa9: {  	[tilespmem:s20], [sflag:$0x2] =	stream.indirect.gather [hbm4b:s4+s17], $0x80, s24, s17, $0xb8;
	[tilespmem:$0x1D000] =	vst v63  }
0xaa: {  	_ = 	snop  }
0xab: {  	[spmem:s2] =	stream.indirect.scatter.add.f32 [tilespmem:s18], [sflag:$0x3], $0x80, s25, s17, $0xb8;
	[tilespmem:$0x1D000] =	vst v63  }
0xac: {  	_ =	swait.ge [sflag:s15], $0x4000  }
0xad: {  	[sflag:s15] =	ssyncset.done $0x0  }
0xae: {  	[sflag:s15] =	ssyncadd.s32 $0xFFFFC000  }
0xaf: {  	_ =	swait.ge [sflag:s21], $0x4000  }
0xb0: {  	[sflag:s21] =	ssyncset.done $0x0  }
0xb1: {  	[sflag:s21] =	ssyncadd.s32 $0xFFFFC000  }
0xb2: {  	[tilespmem:s18], [sflag:$0x1] =	stream.indirect.gather [hbm4b:s4+s17], $0x80, s26, s17, $0xb8;
	[tilespmem:$0x1D000] =	vst v63  }
0xb3: {  	_ = 	snop  }
0xb4: {  	[spmem:s2] =	stream.indirect.scatter.add.f32 [tilespmem:s20], [sflag:$0x3], $0x80, s28, s17, $0xb8;
	[tilespmem:$0x1D000] =	vst v63  }
0xb5: {  	_ =	swait.ge [sflag:s15], $0x4000  }
0xb6: {  	[sflag:s15] =	ssyncset.done $0x0  }
0xb7: {  	[sflag:s15] =	ssyncadd.s32 $0xFFFFC000  }
0xb8: {  	_ =	swait.ge [sflag:s19], $0x4000  }
0xb9: {  	[sflag:s19] =	ssyncset.done $0x0  }
0xba: {  	[sflag:s19] =	ssyncadd.s32 $0xFFFFC000  }
0xbb: {  	[tilespmem:s20], [sflag:$0x2] =	stream.indirect.gather [hbm4b:s4+s17], $0x80, s29, s17, $0xb8;
	[tilespmem:$0x1D000] =	vst v63  }
0xbc: {  	_ = 	snop  }
0xbd: {  	[spmem:s2] =	stream.indirect.scatter.add.f32 [tilespmem:s18], [sflag:$0x3], $0x80, s30, s17, $0xb8;
	[tilespmem:$0x1D000] =	vst v63  }
0xbe: {  	_ =	swait.ge [sflag:s15], $0x4000  }
0xbf: {  	[sflag:s15] =	ssyncset.done $0x0  }
0xc0: {  	[sflag:s15] =	ssyncadd.s32 $0xFFFFC000  }
0xc1: {  	_ =	swait.ge [sflag:s21], $0x4000  }
0xc2: {  	[sflag:s21] =	ssyncset.done $0x0  }
0xc3: {  	[sflag:s21] =	ssyncadd.s32 $0xFFFFC000  }
0xc4: {  	[tilespmem:s18], [sflag:$0x1] =	stream.indirect.gather [hbm4b:s4+s17], $0x80, s31, s17, $0xb8;
	[tilespmem:$0x1D000] =	vst v63  }
0xc5: {  	_ = 	snop  }
0xc6: {  	[spmem:s2] =	stream.indirect.scatter.add.f32 [tilespmem:s20], [sflag:$0x3], $0x80, s1, s17, $0xb8;
	[tilespmem:$0x1D000] =	vst v63  }
0xc7: {  	_ =	swait.ge [sflag:s15], $0x4000  }
0xc8: {  	[sflag:s15] =	ssyncset.done $0x0  }
0xc9: {  	[sflag:s15] =	ssyncadd.s32 $0xFFFFC000  }
0xca: {  	_ =	swait.ge [sflag:s19], $0x4000  }
0xcb: {  	[sflag:s19] =	ssyncset.done $0x0  }
0xcc: {  	[sflag:s19] =	ssyncadd.s32 $0xFFFFC000  }
0xcd: {  	[tilespmem:s20], [sflag:$0x2] =	stream.indirect.gather [hbm4b:s4+s17], $0x80, s0, s17, $0xb8;
	[tilespmem:$0x1D000] =	vst v63  }
0xce: {  	_ = 	snop  }
0xcf: {  	[spmem:s2] =	stream.indirect.scatter.add.f32 [tilespmem:s18], [sflag:$0x3], $0x80, s6, s17, $0xb8;
	[tilespmem:$0x1D000] =	vst v63  }
0xd0: {  	_ =	swait.ge [sflag:s15], $0x4000  }
0xd1: {  	[sflag:s15] =	ssyncset.done $0x0  }
0xd2: {  	[sflag:s15] =	ssyncadd.s32 $0xFFFFC000  }
0xd3: {  	_ =	swait.ge [sflag:s21], $0x4000  }
0xd4: {  	[sflag:s21] =	ssyncset.done $0x0  }
0xd5: {  	[sflag:s21] =	ssyncadd.s32 $0xFFFFC000  }
0xd6: {  	[tilespmem:s18], [sflag:$0x1] =	stream.indirect.gather [hbm4b:s4+s17], $0x80, s7, s17, $0xb8;
	[tilespmem:$0x1D000] =	vst v63  }
0xd7: {  	_ = 	snop  }
0xd8: {  	[spmem:s2] =	stream.indirect.scatter.add.f32 [tilespmem:s20], [sflag:$0x3], $0x80, s8, s17, $0xb8;
	[tilespmem:$0x1D000] =	vst v63  }
0xd9: {  	_ =	swait.ge [sflag:s15], $0x4000  }
0xda: {  	[sflag:s15] =	ssyncset.done $0x0  }
0xdb: {  	[sflag:s15] =	ssyncadd.s32 $0xFFFFC000  }
0xdc: {  	_ =	swait.ge [sflag:s19], $0x4000  }
0xdd: {  	[sflag:s19] =	ssyncset.done $0x0  }
0xde: {  	[sflag:s19] =	ssyncadd.s32 $0xFFFFC000  }
0xdf: {  	[tilespmem:s20], [sflag:$0x2] =	stream.indirect.gather [hbm4b:s4+s17], $0x80, s9, s17, $0xb8;
	[tilespmem:$0x1D000] =	vst v63  }
0xe0: {  	_ = 	snop  }
0xe1: {  	[spmem:s2] =	stream.indirect.scatter.add.f32 [tilespmem:s18], [sflag:$0x3], $0x80, s10, s17, $0xb8;
	[tilespmem:$0x1D000] =	vst v63  }
0xe2: {  	_ =	swait.ge [sflag:s15], $0x4000  }
0xe3: {  	[sflag:s15] =	ssyncset.done $0x0  }
0xe4: {  	[sflag:s15] =	ssyncadd.s32 $0xFFFFC000  }
0xe5: {  	_ =	swait.ge [sflag:s21], $0x4000  }
0xe6: {  	[sflag:s21] =	ssyncset.done $0x0  }
0xe7: {  	[sflag:s21] =	ssyncadd.s32 $0xFFFFC000  }
0xe8: {  	[spmem:s2] =	stream.indirect.scatter.add.f32 [tilespmem:s20], [sflag:$0x3], $0x80, s5, s17, $0xb8;
	[tilespmem:$0x1D000] =	vst v63  }
0xe9: {  	s12 =	simm.s32 $0x100;
	_ =	swait.ge [sflag:s15], $0x4000  }
0xea: {  	s13 =	simm.s32 $0x200;
	s14 =	rddreg [dreg:$0x5];
	[sflag:s15] =	ssyncset.done $0x0  }
.LBB2_7:
0xeb: {  	[sflag:s15] =	ssyncadd.s32 $0xFFFFC000;
	s14 =	sadd.s32 s12, s14  }
0xec: {  	[tilespmem:s3], [sflag:$0x3] =	stream.linear.gather [hbm4b:s14+s3], $0x800, $0x38;
	[tilespmem:$0x1D000] =	vst v63  }
0xed: {  	_ =	swait.ge [sflag:s15], $0x800  }
0xee: {  	s14 =	rddreg [dreg:$0x4];
	[sflag:s15] =	ssyncset.done $0x0  }
0xef: {  	[sflag:s15] =	ssyncadd.s32 $0xFFFFF800;
	s14 =	sadd.s32 s12, s14  }
0xf0: {  	[tilespmem:s16], [sflag:$0x3] =	stream.linear.gather [hbm4b:s14+s3], $0x800, $0x38;
	[tilespmem:$0x1D000] =	vst v63  }
0xf1: {  	_ =	swait.ge [sflag:s15], $0x800  }
0xf2: {  	[sflag:s15] =	ssyncset.done $0x0  }
0xf3: {  	[sflag:s15] =	ssyncadd.s32 $0xFFFFF800  }
0xf4: {  	[tilespmem:s18], [sflag:$0x1] =	stream.indirect.gather [hbm4b:s4+s17], $0x80, s3, s17, $0xb8;
	[tilespmem:$0x1D000] =	vst v63  }
0xf5: {  	_ =	swait.ge [sflag:s19], $0x4000  }
0xf6: {  	[sflag:s19] =	ssyncset.done $0x0  }
0xf7: {  	[sflag:s19] =	ssyncadd.s32 $0xFFFFC000  }
0xf8: {  	[tilespmem:s20], [sflag:$0x2] =	stream.indirect.gather [hbm4b:s4+s17], $0x80, s17, s17, $0xb8;
	[tilespmem:$0x1D000] =	vst v63  }
0xf9: {  	_ = 	snop  }
0xfa: {  	[spmem:s2] =	stream.indirect.scatter.add.f32 [tilespmem:s18], [sflag:$0x3], $0x80, s16, s17, $0xb8;
	[tilespmem:$0x1D000] =	vst v63  }
0xfb: {  	_ =	swait.ge [sflag:s15], $0x4000  }
0xfc: {  	[sflag:s15] =	ssyncset.done $0x0  }
0xfd: {  	[sflag:s15] =	ssyncadd.s32 $0xFFFFC000  }
0xfe: {  	_ =	swait.ge [sflag:s21], $0x4000  }
0xff: {  	s11 =	smov.u32 s13;
	[sflag:s21] =	ssyncset.done $0x0  }
0x100: {  	s12 =	smov.u32 s11;
	s11 =	rddreg [dreg:$0x6];
	[sflag:s21] =	ssyncadd.s32 $0xFFFFC000  }
0x101: {  	[tilespmem:s18], [sflag:$0x1] =	stream.indirect.gather [hbm4b:s4+s17], $0x80, s11, s17, $0xb8;
	[tilespmem:$0x1D000] =	vst v63  }
0x102: {  	s14 =	rddreg [dreg:$0x7]  }
0x103: {  	[spmem:s2] =	stream.indirect.scatter.add.f32 [tilespmem:s20], [sflag:$0x3], $0x80, s14, s17, $0xb8;
	[tilespmem:$0x1D000] =	vst v63  }
0x104: {  	_ =	swait.ge [sflag:s15], $0x4000  }
0x105: {  	[sflag:s15] =	ssyncset.done $0x0  }
0x106: {  	[sflag:s15] =	ssyncadd.s32 $0xFFFFC000  }
0x107: {  	_ =	swait.ge [sflag:s19], $0x4000  }
0x108: {  	[sflag:s19] =	ssyncset.done $0x0  }
0x109: {  	s11 =	rddreg [dreg:$0x8];
	[sflag:s19] =	ssyncadd.s32 $0xFFFFC000  }
0x10a: {  	[tilespmem:s20], [sflag:$0x2] =	stream.indirect.gather [hbm4b:s4+s17], $0x80, s11, s17, $0xb8;
	[tilespmem:$0x1D000] =	vst v63  }
0x10b: {  	s14 =	rddreg [dreg:$0x9]  }
0x10c: {  	[spmem:s2] =	stream.indirect.scatter.add.f32 [tilespmem:s18], [sflag:$0x3], $0x80, s14, s17, $0xb8;
	[tilespmem:$0x1D000] =	vst v63  }
0x10d: {  	_ =	swait.ge [sflag:s15], $0x4000  }
0x10e: {  	[sflag:s15] =	ssyncset.done $0x0  }
0x10f: {  	[sflag:s15] =	ssyncadd.s32 $0xFFFFC000  }
0x110: {  	_ =	swait.ge [sflag:s21], $0x4000  }
0x111: {  	[sflag:s21] =	ssyncset.done $0x0  }
0x112: {  	s11 =	rddreg [dreg:$0xa];
	[sflag:s21] =	ssyncadd.s32 $0xFFFFC000  }
0x113: {  	[tilespmem:s18], [sflag:$0x1] =	stream.indirect.gather [hbm4b:s4+s17], $0x80, s11, s17, $0xb8;
	[tilespmem:$0x1D000] =	vst v63  }
0x114: {  	s14 =	rddreg [dreg:$0xb]  }
0x115: {  	[spmem:s2] =	stream.indirect.scatter.add.f32 [tilespmem:s20], [sflag:$0x3], $0x80, s14, s17, $0xb8;
	[tilespmem:$0x1D000] =	vst v63  }
0x116: {  	_ =	swait.ge [sflag:s15], $0x4000  }
0x117: {  	[sflag:s15] =	ssyncset.done $0x0  }
0x118: {  	[sflag:s15] =	ssyncadd.s32 $0xFFFFC000  }
0x119: {  	_ =	swait.ge [sflag:s19], $0x4000  }
0x11a: {  	[sflag:s19] =	ssyncset.done $0x0  }
0x11b: {  	s11 =	rddreg [dreg:$0xc];
	[sflag:s19] =	ssyncadd.s32 $0xFFFFC000  }
0x11c: {  	[tilespmem:s20], [sflag:$0x2] =	stream.indirect.gather [hbm4b:s4+s17], $0x80, s11, s17, $0xb8;
	[tilespmem:$0x1D000] =	vst v63  }
0x11d: {  	s14 =	rddreg [dreg:$0xd]  }
0x11e: {  	[spmem:s2] =	stream.indirect.scatter.add.f32 [tilespmem:s18], [sflag:$0x3], $0x80, s14, s17, $0xb8;
	[tilespmem:$0x1D000] =	vst v63  }
0x11f: {  	_ =	swait.ge [sflag:s15], $0x4000  }
0x120: {  	[sflag:s15] =	ssyncset.done $0x0  }
0x121: {  	[sflag:s15] =	ssyncadd.s32 $0xFFFFC000  }
0x122: {  	_ =	swait.ge [sflag:s21], $0x4000  }
0x123: {  	[sflag:s21] =	ssyncset.done $0x0  }
0x124: {  	s11 =	rddreg [dreg:$0xe];
	[sflag:s21] =	ssyncadd.s32 $0xFFFFC000  }
0x125: {  	[tilespmem:s18], [sflag:$0x1] =	stream.indirect.gather [hbm4b:s4+s17], $0x80, s11, s17, $0xb8;
	[tilespmem:$0x1D000] =	vst v63  }
0x126: {  	s14 =	rddreg [dreg:$0xf]  }
0x127: {  	[spmem:s2] =	stream.indirect.scatter.add.f32 [tilespmem:s20], [sflag:$0x3], $0x80, s14, s17, $0xb8;
	[tilespmem:$0x1D000] =	vst v63  }
0x128: {  	_ =	swait.ge [sflag:s15], $0x4000  }
0x129: {  	[sflag:s15] =	ssyncset.done $0x0  }
0x12a: {  	[sflag:s15] =	ssyncadd.s32 $0xFFFFC000  }
0x12b: {  	_ =	swait.ge [sflag:s19], $0x4000  }
0x12c: {  	[sflag:s19] =	ssyncset.done $0x0  }
0x12d: {  	s11 =	rddreg [dreg:$0x10];
	[sflag:s19] =	ssyncadd.s32 $0xFFFFC000  }
0x12e: {  	[tilespmem:s20], [sflag:$0x2] =	stream.indirect.gather [hbm4b:s4+s17], $0x80, s11, s17, $0xb8;
	[tilespmem:$0x1D000] =	vst v63  }
0x12f: {  	s14 =	rddreg [dreg:$0x11]  }
0x130: {  	[spmem:s2] =	stream.indirect.scatter.add.f32 [tilespmem:s18], [sflag:$0x3], $0x80, s14, s17, $0xb8;
	[tilespmem:$0x1D000] =	vst v63  }
0x131: {  	_ =	swait.ge [sflag:s15], $0x4000  }
0x132: {  	[sflag:s15] =	ssyncset.done $0x0  }
0x133: {  	[sflag:s15] =	ssyncadd.s32 $0xFFFFC000  }
0x134: {  	_ =	swait.ge [sflag:s21], $0x4000  }
0x135: {  	[sflag:s21] =	ssyncset.done $0x0  }
0x136: {  	[sflag:s21] =	ssyncadd.s32 $0xFFFFC000  }
0x137: {  	[tilespmem:s18], [sflag:$0x1] =	stream.indirect.gather [hbm4b:s4+s17], $0x80, s22, s17, $0xb8;
	[tilespmem:$0x1D000] =	vst v63  }
0x138: {  	_ = 	snop  }
0x139: {  	[spmem:s2] =	stream.indirect.scatter.add.f32 [tilespmem:s20], [sflag:$0x3], $0x80, s23, s17, $0xb8;
	[tilespmem:$0x1D000] =	vst v63  }
0x13a: {  	_ =	swait.ge [sflag:s15], $0x4000  }
0x13b: {  	[sflag:s15] =	ssyncset.done $0x0  }
0x13c: {  	[sflag:s15] =	ssyncadd.s32 $0xFFFFC000  }
0x13d: {  	_ =	swait.ge [sflag:s19], $0x4000  }
0x13e: {  	[sflag:s19] =	ssyncset.done $0x0  }
0x13f: {  	[sflag:s19] =	ssyncadd.s32 $0xFFFFC000  }
0x140: {  	[tilespmem:s20], [sflag:$0x2] =	stream.indirect.gather [hbm4b:s4+s17], $0x80, s24, s17, $0xb8;
	[tilespmem:$0x1D000] =	vst v63  }
0x141: {  	_ = 	snop  }
0x142: {  	[spmem:s2] =	stream.indirect.scatter.add.f32 [tilespmem:s18], [sflag:$0x3], $0x80, s25, s17, $0xb8;
	[tilespmem:$0x1D000] =	vst v63  }
0x143: {  	_ =	swait.ge [sflag:s15], $0x4000  }
0x144: {  	[sflag:s15] =	ssyncset.done $0x0  }
0x145: {  	[sflag:s15] =	ssyncadd.s32 $0xFFFFC000  }
0x146: {  	_ =	swait.ge [sflag:s21], $0x4000  }
0x147: {  	[sflag:s21] =	ssyncset.done $0x0  }
0x148: {  	[sflag:s21] =	ssyncadd.s32 $0xFFFFC000  }
0x149: {  	[tilespmem:s18], [sflag:$0x1] =	stream.indirect.gather [hbm4b:s4+s17], $0x80, s26, s17, $0xb8;
	[tilespmem:$0x1D000] =	vst v63  }
0x14a: {  	_ = 	snop  }
0x14b: {  	[spmem:s2] =	stream.indirect.scatter.add.f32 [tilespmem:s20], [sflag:$0x3], $0x80, s28, s17, $0xb8;
	[tilespmem:$0x1D000] =	vst v63  }
0x14c: {  	_ =	swait.ge [sflag:s15], $0x4000  }
0x14d: {  	[sflag:s15] =	ssyncset.done $0x0  }
0x14e: {  	[sflag:s15] =	ssyncadd.s32 $0xFFFFC000  }
0x14f: {  	_ =	swait.ge [sflag:s19], $0x4000  }
0x150: {  	[sflag:s19] =	ssyncset.done $0x0  }
0x151: {  	[sflag:s19] =	ssyncadd.s32 $0xFFFFC000  }
0x152: {  	[tilespmem:s20], [sflag:$0x2] =	stream.indirect.gather [hbm4b:s4+s17], $0x80, s29, s17, $0xb8;
	[tilespmem:$0x1D000] =	vst v63  }
0x153: {  	_ = 	snop  }
0x154: {  	[spmem:s2] =	stream.indirect.scatter.add.f32 [tilespmem:s18], [sflag:$0x3], $0x80, s30, s17, $0xb8;
	[tilespmem:$0x1D000] =	vst v63  }
0x155: {  	_ =	swait.ge [sflag:s15], $0x4000  }
0x156: {  	[sflag:s15] =	ssyncset.done $0x0  }
0x157: {  	[sflag:s15] =	ssyncadd.s32 $0xFFFFC000  }
0x158: {  	_ =	swait.ge [sflag:s21], $0x4000  }
0x159: {  	[sflag:s21] =	ssyncset.done $0x0  }
0x15a: {  	[sflag:s21] =	ssyncadd.s32 $0xFFFFC000  }
0x15b: {  	[tilespmem:s18], [sflag:$0x1] =	stream.indirect.gather [hbm4b:s4+s17], $0x80, s31, s17, $0xb8;
	[tilespmem:$0x1D000] =	vst v63  }
0x15c: {  	_ = 	snop  }
0x15d: {  	[spmem:s2] =	stream.indirect.scatter.add.f32 [tilespmem:s20], [sflag:$0x3], $0x80, s1, s17, $0xb8;
	[tilespmem:$0x1D000] =	vst v63  }
0x15e: {  	_ =	swait.ge [sflag:s15], $0x4000  }
0x15f: {  	[sflag:s15] =	ssyncset.done $0x0  }
0x160: {  	[sflag:s15] =	ssyncadd.s32 $0xFFFFC000  }
0x161: {  	_ =	swait.ge [sflag:s19], $0x4000  }
0x162: {  	[sflag:s19] =	ssyncset.done $0x0  }
0x163: {  	[sflag:s19] =	ssyncadd.s32 $0xFFFFC000  }
0x164: {  	[tilespmem:s20], [sflag:$0x2] =	stream.indirect.gather [hbm4b:s4+s17], $0x80, s0, s17, $0xb8;
	[tilespmem:$0x1D000] =	vst v63  }
0x165: {  	_ = 	snop  }
0x166: {  	[spmem:s2] =	stream.indirect.scatter.add.f32 [tilespmem:s18], [sflag:$0x3], $0x80, s6, s17, $0xb8;
	[tilespmem:$0x1D000] =	vst v63  }
0x167: {  	_ =	swait.ge [sflag:s15], $0x4000  }
0x168: {  	[sflag:s15] =	ssyncset.done $0x0  }
0x169: {  	[sflag:s15] =	ssyncadd.s32 $0xFFFFC000  }
0x16a: {  	_ =	swait.ge [sflag:s21], $0x4000  }
0x16b: {  	[sflag:s21] =	ssyncset.done $0x0  }
0x16c: {  	[sflag:s21] =	ssyncadd.s32 $0xFFFFC000  }
0x16d: {  	[tilespmem:s18], [sflag:$0x1] =	stream.indirect.gather [hbm4b:s4+s17], $0x80, s7, s17, $0xb8;
	[tilespmem:$0x1D000] =	vst v63  }
0x16e: {  	_ = 	snop  }
0x16f: {  	[spmem:s2] =	stream.indirect.scatter.add.f32 [tilespmem:s20], [sflag:$0x3], $0x80, s8, s17, $0xb8;
	[tilespmem:$0x1D000] =	vst v63  }
0x170: {  	_ =	swait.ge [sflag:s15], $0x4000  }
0x171: {  	[sflag:s15] =	ssyncset.done $0x0  }
0x172: {  	[sflag:s15] =	ssyncadd.s32 $0xFFFFC000  }
0x173: {  	_ =	swait.ge [sflag:s19], $0x4000  }
0x174: {  	[sflag:s19] =	ssyncset.done $0x0  }
0x175: {  	[sflag:s19] =	ssyncadd.s32 $0xFFFFC000  }
0x176: {  	[tilespmem:s20], [sflag:$0x2] =	stream.indirect.gather [hbm4b:s4+s17], $0x80, s9, s17, $0xb8;
	[tilespmem:$0x1D000] =	vst v63  }
0x177: {  	_ = 	snop  }
0x178: {  	[spmem:s2] =	stream.indirect.scatter.add.f32 [tilespmem:s18], [sflag:$0x3], $0x80, s10, s17, $0xb8;
	[tilespmem:$0x1D000] =	vst v63  }
0x179: {  	_ =	swait.ge [sflag:s15], $0x4000  }
0x17a: {  	[sflag:s15] =	ssyncset.done $0x0  }
0x17b: {  	[sflag:s15] =	ssyncadd.s32 $0xFFFFC000  }
0x17c: {  	p1 =	sne.s32 s13, $0x400;
	_ =	swait.ge [sflag:s21], $0x4000  }
.Ltmp3:
0x17d: {  	[sflag:s21] =	ssyncset.done $0x0;
	(pc) =	sbr.rel @p1 .LBB2_7-.Ltmp3, $4  }
0x17e: {  	[sflag:s21] =	ssyncadd.s32 $0xFFFFC000  }
0x17f: {  	[spmem:s2] =	stream.indirect.scatter.add.f32 [tilespmem:s20], [sflag:$0x3], $0x80, s5, s17, $0xb8;
	[tilespmem:$0x1D000] =	vst v63  }
0x180: {  	_ =	swait.ge [sflag:s15], $0x4000  }
0x181: {  	s13 =	sadd.s32 $0x100, s13;
	s14 =	rddreg [dreg:$0x5];
	[sflag:s15] =	ssyncset.done $0x0  }
0x182: {  	[sflag:s15] =	ssyncadd.s32 $0xFFFFC000;
	s11 =	sadd.s32 s12, s14  }
0x183: {  	[tilespmem:s3], [sflag:$0x3] =	stream.linear.gather [hbm4b:s11+s3], $0x800, $0x38;
	[tilespmem:$0x1D000] =	vst v63  }
0x184: {  	_ =	swait.ge [sflag:s15], $0x800  }
0x185: {  	s14 =	rddreg [dreg:$0x4];
	[sflag:s15] =	ssyncset.done $0x0  }
0x186: {  	[sflag:s15] =	ssyncadd.s32 $0xFFFFF800;
	s11 =	sadd.s32 s12, s14  }
0x187: {  	[tilespmem:s16], [sflag:$0x3] =	stream.linear.gather [hbm4b:s11+s3], $0x800, $0x38;
	[tilespmem:$0x1D000] =	vst v63  }
0x188: {  	_ =	swait.ge [sflag:s15], $0x800  }
0x189: {  	[sflag:s15] =	ssyncset.done $0x0  }
0x18a: {  	[sflag:s15] =	ssyncadd.s32 $0xFFFFF800  }
0x18b: {  	[tilespmem:s18], [sflag:$0x1] =	stream.indirect.gather [hbm4b:s4+s17], $0x80, s3, s17, $0xb8;
	[tilespmem:$0x1D000] =	vst v63  }
0x18c: {  	_ =	swait.ge [sflag:s19], $0x4000  }
0x18d: {  	[sflag:s19] =	ssyncset.done $0x0  }
0x18e: {  	[sflag:s19] =	ssyncadd.s32 $0xFFFFC000  }
0x18f: {  	[tilespmem:s20], [sflag:$0x2] =	stream.indirect.gather [hbm4b:s4+s17], $0x80, s17, s17, $0xb8;
	[tilespmem:$0x1D000] =	vst v63  }
0x190: {  	_ = 	snop  }
0x191: {  	[spmem:s2] =	stream.indirect.scatter.add.f32 [tilespmem:s18], [sflag:$0x3], $0x80, s16, s17, $0xb8;
	[tilespmem:$0x1D000] =	vst v63  }
0x192: {  	_ =	swait.ge [sflag:s15], $0x4000  }
0x193: {  	[sflag:s15] =	ssyncset.done $0x0  }
0x194: {  	[sflag:s15] =	ssyncadd.s32 $0xFFFFC000  }
0x195: {  	_ =	swait.ge [sflag:s21], $0x4000  }
0x196: {  	[sflag:s21] =	ssyncset.done $0x0  }
0x197: {  	s13 =	rddreg [dreg:$0x6];
	[sflag:s21] =	ssyncadd.s32 $0xFFFFC000  }
0x198: {  	[tilespmem:s18], [sflag:$0x1] =	stream.indirect.gather [hbm4b:s4+s17], $0x80, s13, s17, $0xb8;
	[tilespmem:$0x1D000] =	vst v63  }
0x199: {  	s14 =	rddreg [dreg:$0x7]  }
0x19a: {  	[spmem:s2] =	stream.indirect.scatter.add.f32 [tilespmem:s20], [sflag:$0x3], $0x80, s14, s17, $0xb8;
	[tilespmem:$0x1D000] =	vst v63  }
0x19b: {  	_ =	swait.ge [sflag:s15], $0x4000  }
0x19c: {  	[sflag:s15] =	ssyncset.done $0x0  }
0x19d: {  	[sflag:s15] =	ssyncadd.s32 $0xFFFFC000  }
0x19e: {  	_ =	swait.ge [sflag:s19], $0x4000  }
0x19f: {  	[sflag:s19] =	ssyncset.done $0x0  }
0x1a0: {  	s13 =	rddreg [dreg:$0x8];
	[sflag:s19] =	ssyncadd.s32 $0xFFFFC000  }
0x1a1: {  	[tilespmem:s20], [sflag:$0x2] =	stream.indirect.gather [hbm4b:s4+s17], $0x80, s13, s17, $0xb8;
	[tilespmem:$0x1D000] =	vst v63  }
0x1a2: {  	s14 =	rddreg [dreg:$0x9]  }
0x1a3: {  	[spmem:s2] =	stream.indirect.scatter.add.f32 [tilespmem:s18], [sflag:$0x3], $0x80, s14, s17, $0xb8;
	[tilespmem:$0x1D000] =	vst v63  }
0x1a4: {  	_ =	swait.ge [sflag:s15], $0x4000  }
0x1a5: {  	[sflag:s15] =	ssyncset.done $0x0  }
0x1a6: {  	[sflag:s15] =	ssyncadd.s32 $0xFFFFC000  }
0x1a7: {  	_ =	swait.ge [sflag:s21], $0x4000  }
0x1a8: {  	[sflag:s21] =	ssyncset.done $0x0  }
0x1a9: {  	s13 =	rddreg [dreg:$0xa];
	[sflag:s21] =	ssyncadd.s32 $0xFFFFC000  }
0x1aa: {  	[tilespmem:s18], [sflag:$0x1] =	stream.indirect.gather [hbm4b:s4+s17], $0x80, s13, s17, $0xb8;
	[tilespmem:$0x1D000] =	vst v63  }
0x1ab: {  	s14 =	rddreg [dreg:$0xb]  }
0x1ac: {  	[spmem:s2] =	stream.indirect.scatter.add.f32 [tilespmem:s20], [sflag:$0x3], $0x80, s14, s17, $0xb8;
	[tilespmem:$0x1D000] =	vst v63  }
0x1ad: {  	_ =	swait.ge [sflag:s15], $0x4000  }
0x1ae: {  	[sflag:s15] =	ssyncset.done $0x0  }
0x1af: {  	[sflag:s15] =	ssyncadd.s32 $0xFFFFC000  }
0x1b0: {  	_ =	swait.ge [sflag:s19], $0x4000  }
0x1b1: {  	[sflag:s19] =	ssyncset.done $0x0  }
0x1b2: {  	s13 =	rddreg [dreg:$0xc];
	[sflag:s19] =	ssyncadd.s32 $0xFFFFC000  }
0x1b3: {  	[tilespmem:s20], [sflag:$0x2] =	stream.indirect.gather [hbm4b:s4+s17], $0x80, s13, s17, $0xb8;
	[tilespmem:$0x1D000] =	vst v63  }
0x1b4: {  	s14 =	rddreg [dreg:$0xd]  }
0x1b5: {  	[spmem:s2] =	stream.indirect.scatter.add.f32 [tilespmem:s18], [sflag:$0x3], $0x80, s14, s17, $0xb8;
	[tilespmem:$0x1D000] =	vst v63  }
0x1b6: {  	_ =	swait.ge [sflag:s15], $0x4000  }
0x1b7: {  	[sflag:s15] =	ssyncset.done $0x0  }
0x1b8: {  	[sflag:s15] =	ssyncadd.s32 $0xFFFFC000  }
0x1b9: {  	_ =	swait.ge [sflag:s21], $0x4000  }
0x1ba: {  	[sflag:s21] =	ssyncset.done $0x0  }
0x1bb: {  	s13 =	rddreg [dreg:$0xe];
	[sflag:s21] =	ssyncadd.s32 $0xFFFFC000  }
0x1bc: {  	[tilespmem:s18], [sflag:$0x1] =	stream.indirect.gather [hbm4b:s4+s17], $0x80, s13, s17, $0xb8;
	[tilespmem:$0x1D000] =	vst v63  }
0x1bd: {  	s14 =	rddreg [dreg:$0xf]  }
0x1be: {  	[spmem:s2] =	stream.indirect.scatter.add.f32 [tilespmem:s20], [sflag:$0x3], $0x80, s14, s17, $0xb8;
	[tilespmem:$0x1D000] =	vst v63  }
0x1bf: {  	_ =	swait.ge [sflag:s15], $0x4000  }
0x1c0: {  	[sflag:s15] =	ssyncset.done $0x0  }
0x1c1: {  	[sflag:s15] =	ssyncadd.s32 $0xFFFFC000  }
0x1c2: {  	_ =	swait.ge [sflag:s19], $0x4000  }
0x1c3: {  	[sflag:s19] =	ssyncset.done $0x0  }
0x1c4: {  	s13 =	rddreg [dreg:$0x10];
	[sflag:s19] =	ssyncadd.s32 $0xFFFFC000  }
0x1c5: {  	[tilespmem:s20], [sflag:$0x2] =	stream.indirect.gather [hbm4b:s4+s17], $0x80, s13, s17, $0xb8;
	[tilespmem:$0x1D000] =	vst v63  }
0x1c6: {  	s14 =	rddreg [dreg:$0x11]  }
0x1c7: {  	[spmem:s2] =	stream.indirect.scatter.add.f32 [tilespmem:s18], [sflag:$0x3], $0x80, s14, s17, $0xb8;
	[tilespmem:$0x1D000] =	vst v63  }
0x1c8: {  	_ =	swait.ge [sflag:s15], $0x4000  }
0x1c9: {  	[sflag:s15] =	ssyncset.done $0x0  }
0x1ca: {  	[sflag:s15] =	ssyncadd.s32 $0xFFFFC000  }
0x1cb: {  	_ =	swait.ge [sflag:s21], $0x4000  }
0x1cc: {  	[sflag:s21] =	ssyncset.done $0x0  }
0x1cd: {  	[sflag:s21] =	ssyncadd.s32 $0xFFFFC000  }
0x1ce: {  	[tilespmem:s18], [sflag:$0x1] =	stream.indirect.gather [hbm4b:s4+s17], $0x80, s22, s17, $0xb8;
	[tilespmem:$0x1D000] =	vst v63  }
0x1cf: {  	_ = 	snop  }
0x1d0: {  	[spmem:s2] =	stream.indirect.scatter.add.f32 [tilespmem:s20], [sflag:$0x3], $0x80, s23, s17, $0xb8;
	[tilespmem:$0x1D000] =	vst v63  }
0x1d1: {  	_ =	swait.ge [sflag:s15], $0x4000  }
0x1d2: {  	[sflag:s15] =	ssyncset.done $0x0  }
0x1d3: {  	[sflag:s15] =	ssyncadd.s32 $0xFFFFC000  }
0x1d4: {  	_ =	swait.ge [sflag:s19], $0x4000  }
0x1d5: {  	[sflag:s19] =	ssyncset.done $0x0  }
0x1d6: {  	[sflag:s19] =	ssyncadd.s32 $0xFFFFC000  }
0x1d7: {  	[tilespmem:s20], [sflag:$0x2] =	stream.indirect.gather [hbm4b:s4+s17], $0x80, s24, s17, $0xb8;
	[tilespmem:$0x1D000] =	vst v63  }
0x1d8: {  	_ = 	snop  }
0x1d9: {  	[spmem:s2] =	stream.indirect.scatter.add.f32 [tilespmem:s18], [sflag:$0x3], $0x80, s25, s17, $0xb8;
	[tilespmem:$0x1D000] =	vst v63  }
0x1da: {  	_ =	swait.ge [sflag:s15], $0x4000  }
0x1db: {  	[sflag:s15] =	ssyncset.done $0x0  }
0x1dc: {  	[sflag:s15] =	ssyncadd.s32 $0xFFFFC000  }
0x1dd: {  	_ =	swait.ge [sflag:s21], $0x4000  }
0x1de: {  	[sflag:s21] =	ssyncset.done $0x0  }
0x1df: {  	[sflag:s21] =	ssyncadd.s32 $0xFFFFC000  }
0x1e0: {  	[tilespmem:s18], [sflag:$0x1] =	stream.indirect.gather [hbm4b:s4+s17], $0x80, s26, s17, $0xb8;
	[tilespmem:$0x1D000] =	vst v63  }
0x1e1: {  	_ = 	snop  }
0x1e2: {  	[spmem:s2] =	stream.indirect.scatter.add.f32 [tilespmem:s20], [sflag:$0x3], $0x80, s28, s17, $0xb8;
	[tilespmem:$0x1D000] =	vst v63  }
0x1e3: {  	_ =	swait.ge [sflag:s15], $0x4000  }
0x1e4: {  	[sflag:s15] =	ssyncset.done $0x0  }
0x1e5: {  	[sflag:s15] =	ssyncadd.s32 $0xFFFFC000  }
0x1e6: {  	_ =	swait.ge [sflag:s19], $0x4000  }
0x1e7: {  	[sflag:s19] =	ssyncset.done $0x0  }
0x1e8: {  	[sflag:s19] =	ssyncadd.s32 $0xFFFFC000  }
0x1e9: {  	[tilespmem:s20], [sflag:$0x2] =	stream.indirect.gather [hbm4b:s4+s17], $0x80, s29, s17, $0xb8;
	[tilespmem:$0x1D000] =	vst v63  }
0x1ea: {  	_ = 	snop  }
0x1eb: {  	[spmem:s2] =	stream.indirect.scatter.add.f32 [tilespmem:s18], [sflag:$0x3], $0x80, s30, s17, $0xb8;
	[tilespmem:$0x1D000] =	vst v63  }
0x1ec: {  	_ =	swait.ge [sflag:s15], $0x4000  }
0x1ed: {  	[sflag:s15] =	ssyncset.done $0x0  }
0x1ee: {  	[sflag:s15] =	ssyncadd.s32 $0xFFFFC000  }
0x1ef: {  	_ =	swait.ge [sflag:s21], $0x4000  }
0x1f0: {  	[sflag:s21] =	ssyncset.done $0x0  }
0x1f1: {  	[sflag:s21] =	ssyncadd.s32 $0xFFFFC000  }
0x1f2: {  	[tilespmem:s18], [sflag:$0x1] =	stream.indirect.gather [hbm4b:s4+s17], $0x80, s31, s17, $0xb8;
	[tilespmem:$0x1D000] =	vst v63  }
0x1f3: {  	_ = 	snop  }
0x1f4: {  	[spmem:s2] =	stream.indirect.scatter.add.f32 [tilespmem:s20], [sflag:$0x3], $0x80, s1, s17, $0xb8;
	[tilespmem:$0x1D000] =	vst v63  }
0x1f5: {  	_ =	swait.ge [sflag:s15], $0x4000  }
0x1f6: {  	[sflag:s15] =	ssyncset.done $0x0  }
0x1f7: {  	[sflag:s15] =	ssyncadd.s32 $0xFFFFC000  }
0x1f8: {  	_ =	swait.ge [sflag:s19], $0x4000  }
0x1f9: {  	[sflag:s19] =	ssyncset.done $0x0  }
0x1fa: {  	[sflag:s19] =	ssyncadd.s32 $0xFFFFC000  }
0x1fb: {  	[tilespmem:s20], [sflag:$0x2] =	stream.indirect.gather [hbm4b:s4+s17], $0x80, s0, s17, $0xb8;
	[tilespmem:$0x1D000] =	vst v63  }
0x1fc: {  	_ = 	snop  }
0x1fd: {  	[spmem:s2] =	stream.indirect.scatter.add.f32 [tilespmem:s18], [sflag:$0x3], $0x80, s6, s17, $0xb8;
	[tilespmem:$0x1D000] =	vst v63  }
0x1fe: {  	_ =	swait.ge [sflag:s15], $0x4000  }
0x1ff: {  	[sflag:s15] =	ssyncset.done $0x0  }
0x200: {  	[sflag:s15] =	ssyncadd.s32 $0xFFFFC000  }
0x201: {  	_ =	swait.ge [sflag:s21], $0x4000  }
0x202: {  	[sflag:s21] =	ssyncset.done $0x0  }
0x203: {  	[sflag:s21] =	ssyncadd.s32 $0xFFFFC000  }
0x204: {  	[tilespmem:s18], [sflag:$0x1] =	stream.indirect.gather [hbm4b:s4+s17], $0x80, s7, s17, $0xb8;
	[tilespmem:$0x1D000] =	vst v63  }
0x205: {  	_ = 	snop  }
0x206: {  	[spmem:s2] =	stream.indirect.scatter.add.f32 [tilespmem:s20], [sflag:$0x3], $0x80, s8, s17, $0xb8;
	[tilespmem:$0x1D000] =	vst v63  }
0x207: {  	_ =	swait.ge [sflag:s15], $0x4000  }
0x208: {  	[sflag:s15] =	ssyncset.done $0x0  }
0x209: {  	[sflag:s15] =	ssyncadd.s32 $0xFFFFC000  }
0x20a: {  	_ =	swait.ge [sflag:s19], $0x4000  }
0x20b: {  	[sflag:s19] =	ssyncset.done $0x0  }
0x20c: {  	[sflag:s19] =	ssyncadd.s32 $0xFFFFC000  }
0x20d: {  	[tilespmem:s20], [sflag:$0x2] =	stream.indirect.gather [hbm4b:s4+s17], $0x80, s9, s17, $0xb8;
	[tilespmem:$0x1D000] =	vst v63  }
0x20e: {  	_ = 	snop  }
0x20f: {  	[spmem:s2] =	stream.indirect.scatter.add.f32 [tilespmem:s18], [sflag:$0x3], $0x80, s10, s17, $0xb8;
	[tilespmem:$0x1D000] =	vst v63  }
0x210: {  	_ =	swait.ge [sflag:s15], $0x4000  }
0x211: {  	[sflag:s15] =	ssyncset.done $0x0  }
0x212: {  	[sflag:s15] =	ssyncadd.s32 $0xFFFFC000  }
0x213: {  	_ =	swait.ge [sflag:s21], $0x4000  }
0x214: {  	[sflag:s21] =	ssyncset.done $0x0  }
0x215: {  	[sflag:s21] =	ssyncadd.s32 $0xFFFFC000  }
0x216: {  	[spmem:s2] =	stream.indirect.scatter.add.f32 [tilespmem:s20], [sflag:$0x3], $0x80, s5, s17, $0xb8;
	[tilespmem:$0x1D000] =	vst v63  }
0x217: {  	_ =	swait.ge [sflag:s15], $0x4000  }
0x218: {  	[sflag:s15] =	ssyncset.done $0x0  }
0x219: {  	[sflag:s15] =	ssyncadd.s32 $0xFFFFC000  }
0x21a: {  	[bflag:$0x0] =	sbarrier.arrive $0xFFFF  }
0x21b: {  	s12 =	rddreg [dreg:$0x19]  }
0x21c: {  	s14 =	rddreg [dreg:$0x1a]  }
0x21d: {  	s13 =	rddreg [dreg:$0x1b]  }
0x21e: {  	[hbm:s12], [sflag:s14] =	dma.local [spmem:s13], $0x2800  }
0x21f: {  	_ =	swait.ge [sflag:s15], $0x2800  }
0x220: {  	s13 =	rddreg [dreg:$0x1c]  }
0x221: {  	s14 =	rddreg [dreg:$0x18];
	s12 =	sadd.s32 $0x1, s13  }
0x222: {  	p1 =	sne.s32 s12, s14  }
.Ltmp4:
0x223: {  	_ = 	snop;
	(pc) =	sbr.rel @p1 .LBB2_1-.Ltmp4, $3  }
0x224: {  	_ =	sdelay $0x1  }
0x225: {  	[sflag:s15] =	ssyncset.done $0x0  }
0x226: {  	[sflag:s15] =	ssyncadd.s32 $0xFFFFD800  }
0x227: {  	_ =	sfence.sel $0x180000  }
0x228: {  	[bflag:$0x0] =	sbarrier.arrive $0xFFFF  }
0x229: {  	_ =	strace $0x9000004A  }
0x22a: {  	s0 =	stileid.u32;
	[bflag:$0x2] =	sbarrier.arrive $0xFFFF  }
0x22b: {  	p0 =	sne.s32 s0, $0x0;
	s0 =	rddreg [dreg:$0x3]  }
0x22c: {  	s0 =	sadd.s32 @!p0 $0x100000, s0  }
0x22d: {  	[sflag:s0] =	ssyncadd.tile.s32 @!p0 $0x1;
	_ =	shalt  }
.Lfunc_end2:
_tile_overlayer_lowered:
.L_overlay_start_2:
0x22e: {  	(tag) =	ssettag $0x2  }
0x22f: {  	s0 =	rddreg [dreg:$0x0];
	s2 =	stileid.u32  }
0x230: {  	s1 =	rddreg [dreg:$0x1];
	p0 =	sne.s32 s2, $0x0  }
0x231: {  	s3 =	rddreg [dreg:$0x2];
	[bflag:$0x3] =	sbarrier.arrive $0xFFFF;
	s2 =	simm.s32 @!p0 $0x1C03  }
0x232: {  	[timem:s3], [sflag:s2] =	dma.local @!p0 [hbm:s0], s1  }
0x233: {  	s0 =	simm.s32 @!p0 $0x3  }
0x234: {  	_ =	swait.ge @!p0 [sflag:s0], s1  }
0x235: {  	s1 =	ssub.s32 @!p0 $0x0, s1;
	[sflag:s0] =	ssyncset.done @!p0 $0x0  }
0x236: {  	[sflag:s0] =	ssyncadd.s32 @!p0 s1  }
0x237: {  	[bflag:$0x3] =	sbarrier.arrive $0xFFFF  }
0x238: {  	_ =	shalt  }

</sc_bundles>
